<compile_context>
chip_gen: v7x
topology: tpu7x:2x2x1
jax: 0.10.2.dev20260603
libtpu: 0.0.44.dev20260713+nightly
codegen_flags: <defaults>
</compile_context>

<pallas_src>
import functools

import jax
import jax.numpy as jnp
from jax import lax
from jax.experimental import pallas as pl
from jax.experimental.pallas import tpu as pltpu
from jax.experimental.pallas import tpu_sc as plsc

_N = 10000
_E = 320000
_D = 128
_C = 64

_NC = 2
_NS = 16
_L = 16
_NW = _NC * _NS

_K = 128
_CPT = 80
_NQ = 2
_CPQ = _CPT // _NQ
_EPAD = _NW * _CPT * _K
_STRIPE = 632
_NPAD = _NS * _STRIPE
_DUMMY = _N

_f32 = jnp.float32


def _mesh():
    return plsc.VectorSubcoreMesh(
        core_axis_name="c", subcore_axis_name="s",
        num_cores=_NC, num_subcores=_NS)


def _seg_body(with_cnt, *refs):
    if with_cnt:
        (y_hbm, rc_hbm, out_hbm, cnt_hbm, rcbuf, g0, g1, acc, sem0, sem1,
         zb, ones_v, acc1) = refs
    else:
        y_hbm, rc_hbm, out_hbm, rcbuf, g0, g1, acc, sem0, sem1 = refs
    cid = lax.axis_index("c")
    sid = lax.axis_index("s")
    w = cid * _NS + sid

    def stage_and_mask(q):
        pltpu.sync_copy(rc_hbm.at[w * _NQ + q], rcbuf)

        def mrow(j, carry):
            for t in range(_K // _L):
                r = rcbuf[j, pl.ds(t * _L, _L)]
                c = rcbuf[_CPQ + j, pl.ds(t * _L, _L)]
                rcbuf[_CPQ + j, pl.ds(t * _L, _L)] = jnp.where(
                    r == c, jnp.full((_L,), _DUMMY, jnp.int32), c)
            return carry
        lax.fori_loop(0, _CPQ, mrow, 0)

    stage_and_mask(0)
    pltpu.async_copy(y_hbm.at[rcbuf.at[0]], g0, sem0)

    def zrow(i, carry):
        for t in range(_D // _L):
            g1[i, pl.ds(t * _L, _L)] = jnp.zeros((_L,), _f32)
        return carry
    lax.fori_loop(0, _K, zrow, 0)
    for z in range(_STRIPE // _K):
        pltpu.sync_copy(g1, acc.at[pl.ds(sid * _STRIPE + z * _K, _K)])
    _REM = _STRIPE % _K
    pltpu.sync_copy(g1.at[pl.ds(0, _REM)],
                    acc.at[pl.ds(sid * _STRIPE + (_STRIPE // _K) * _K, _REM)])

    if with_cnt:
        def zrow1(i, carry):
            zb[pl.ds(i * _L, _L)] = jnp.zeros((_L,), _f32)
            return carry
        lax.fori_loop(0, 640 // _L, zrow1, 0)

        @pl.when(sid < _NS - 1)
        def _():
            pltpu.sync_copy(zb, acc1.at[pl.ds(sid * 640, 640)])

        @pl.when(sid == _NS - 1)
        def _():
            pltpu.sync_copy(zb.at[pl.ds(0, 512)],
                            acc1.at[pl.ds((_NS - 1) * 640, 512)])

        def orow(i, carry):
            ones_v[pl.ds(i * _L, _L)] = jnp.ones((_L,), _f32)
            return carry
        lax.fori_loop(0, _K // _L, orow, 0)

    plsc.subcore_barrier()

    for q in range(_NQ):
        if q > 0:
            stage_and_mask(q)
            pltpu.async_copy(y_hbm.at[rcbuf.at[0]], g0, sem0)

        def step(jj, carry):
            j0 = 2 * jj
            pltpu.async_copy(y_hbm.at[rcbuf.at[j0 + 1]], g1, sem1)
            pltpu.make_async_copy(y_hbm.at[rcbuf.at[j0]], g0, sem0).wait()
            pltpu.sync_copy(g0, acc.at[rcbuf.at[_CPQ + j0]], add=True)
            if with_cnt:
                pltpu.sync_copy(ones_v, acc1.at[rcbuf.at[_CPQ + j0]],
                                add=True)

            @pl.when(jj + 1 < _CPQ // 2)
            def _():
                pltpu.async_copy(y_hbm.at[rcbuf.at[j0 + 2]], g0, sem0)
            pltpu.make_async_copy(y_hbm.at[rcbuf.at[j0 + 1]], g1, sem1).wait()
            pltpu.sync_copy(g1, acc.at[rcbuf.at[_CPQ + j0 + 1]], add=True)
            if with_cnt:
                pltpu.sync_copy(ones_v, acc1.at[rcbuf.at[_CPQ + j0 + 1]],
                                add=True)
            return carry
        lax.fori_loop(0, _CPQ // 2, step, 0)

    plsc.subcore_barrier()
    pltpu.sync_copy(acc.at[pl.ds(sid * _STRIPE, _STRIPE)],
                    out_hbm.at[pl.ds(cid * _NPAD + sid * _STRIPE, _STRIPE)])
    if with_cnt:
        @pl.when(sid < _NS - 1)
        def _():
            pltpu.sync_copy(acc1.at[pl.ds(sid * 640, 640)],
                            cnt_hbm.at[pl.ds(cid * _NPAD + sid * 640, 640)])

        @pl.when(sid == _NS - 1)
        def _():
            pltpu.sync_copy(
                acc1.at[pl.ds((_NS - 1) * 640, 512)],
                cnt_hbm.at[pl.ds(cid * _NPAD + (_NS - 1) * 640, 512)])


def _make_seg(with_cnt=False):
    out_type = [pltpu.HBM((_NC * _NPAD, _D), _f32)]
    scratch = [
        pltpu.VMEM((2 * _CPQ, _K), jnp.int32),
        pltpu.VMEM((_K, _D), _f32),
        pltpu.VMEM((_K, _D), _f32),
        pltpu.VMEM_SHARED((_NPAD, _D), _f32),
        pltpu.SemaphoreType.DMA,
        pltpu.SemaphoreType.DMA,
    ]
    if with_cnt:
        out_type.append(pltpu.HBM((_NC * _NPAD,), _f32))
        scratch += [
            pltpu.VMEM((640,), _f32),
            pltpu.VMEM((_K,), _f32),
            pltpu.VMEM_SHARED((_NPAD,), _f32),
        ]
    return pl.kernel(
        functools.partial(_seg_body, with_cnt),
        out_type=tuple(out_type) if with_cnt else out_type[0],
        mesh=_mesh(),
        scratch_types=scratch,
    )


def _cnt_body(row_hbm, col_hbm, out_hbm, rows_v, cols_v, zb, ones_v, acc):
    cid = lax.axis_index("c")
    sid = lax.axis_index("s")
    w = cid * _NS + sid

    pltpu.sync_copy(row_hbm.at[pl.ds(w * _CPT, _CPT)], rows_v)
    pltpu.sync_copy(col_hbm.at[pl.ds(w * _CPT, _CPT)], cols_v)

    def zrow(i, carry):
        zb[pl.ds(i * _L, _L)] = jnp.zeros((_L,), _f32)
        return carry
    lax.fori_loop(0, 640 // _L, zrow, 0)
    @pl.when(sid < _NS - 1)
    def _():
        pltpu.sync_copy(zb, acc.at[pl.ds(sid * 640, 640)])

    @pl.when(sid == _NS - 1)
    def _():
        pltpu.sync_copy(zb.at[pl.ds(0, 512)],
                        acc.at[pl.ds((_NS - 1) * 640, 512)])

    def orow(i, carry):
        ones_v[pl.ds(i * _L, _L)] = jnp.ones((_L,), _f32)
        return carry
    lax.fori_loop(0, _K // _L, orow, 0)

    def mrow(j, carry):
        for t in range(_K // _L):
            r = rows_v[j, pl.ds(t * _L, _L)]
            c = cols_v[j, pl.ds(t * _L, _L)]
            cols_v[j, pl.ds(t * _L, _L)] = jnp.where(
                r == c, jnp.full((_L,), _DUMMY, jnp.int32), c)
        return carry
    lax.fori_loop(0, _CPT, mrow, 0)

    plsc.subcore_barrier()

    def step(j, carry):
        pltpu.sync_copy(ones_v, acc.at[cols_v.at[j]], add=True)
        return carry
    lax.fori_loop(0, _CPT, step, 0)

    plsc.subcore_barrier()

    @pl.when(sid < _NS - 1)
    def _():
        pltpu.sync_copy(acc.at[pl.ds(sid * 640, 640)],
                        out_hbm.at[pl.ds(cid * _NPAD + sid * 640, 640)])

    @pl.when(sid == _NS - 1)
    def _():
        pltpu.sync_copy(
            acc.at[pl.ds((_NS - 1) * 640, 512)],
            out_hbm.at[pl.ds(cid * _NPAD + (_NS - 1) * 640, 512)])


def _make_cnt():
    return pl.kernel(
        _cnt_body,
        out_type=pltpu.HBM((_NC * _NPAD,), _f32),
        mesh=_mesh(),
        scratch_types=[
            pltpu.VMEM((_CPT, _K), jnp.int32),
            pltpu.VMEM((_CPT, _K), jnp.int32),
            pltpu.VMEM((640,), _f32),
            pltpu.VMEM((_K,), _f32),
            pltpu.VMEM_SHARED((_NPAD,), _f32),
        ],
    )


_DN = (((1,), (1,)), ((), ()))


def _pre_body(x_ref, w_ref, b_ref, xl_ref, y_ref):
    xb = x_ref[...]
    w = w_ref[...]
    b = b_ref[...].reshape(1, _D)
    xl = lax.dot_general(xb, w, _DN, preferred_element_type=_f32) + b
    xl_ref[...] = xl
    y_ref[...] = jnp.maximum(
        lax.dot_general(xl, w, _DN, preferred_element_type=_f32) + b, 0.0)


_BN_ROWS = 1000


def _pre_call(x, w, b):
    return pl.pallas_call(
        _pre_body,
        grid=(_N // _BN_ROWS,),
        in_specs=[
            pl.BlockSpec((_BN_ROWS, _D), lambda i: (i, 0)),
            pl.BlockSpec((_D, _D), lambda i: (0, 0)),
            pl.BlockSpec((_D,), lambda i: (0,)),
        ],
        out_specs=[
            pl.BlockSpec((_BN_ROWS, _D), lambda i: (i, 0)),
            pl.BlockSpec((_BN_ROWS, _D), lambda i: (i, 0)),
        ],
        out_shape=[jax.ShapeDtypeStruct((_N, _D), _f32)] * 2,
    )(x, w, b)


def _mid_body(s_ref, cnt_ref, y_ref, xl_ref, u_ref, g_ref, be_ref,
              w_ref, b_ref, xl2_ref, y2_ref):
    s = s_ref[:_N, :] + s_ref[_NPAD:_NPAD + _N, :] + y_ref[...]
    aggr = s / cnt_ref[...]
    u = u_ref[...]
    t = jnp.maximum(
        lax.dot_general(aggr, u[:, :_D], _DN, preferred_element_type=_f32)
        + lax.dot_general(xl_ref[...], u[:, _D:], _DN,
                          preferred_element_type=_f32), 0.0)
    m = jnp.mean(t, axis=0, keepdims=True)
    v = jnp.mean((t - m) ** 2, axis=0, keepdims=True)
    h = jnp.maximum(
        g_ref[...].reshape(1, _D) * (t - m) / jnp.sqrt(v + 1e-5)
        + be_ref[...].reshape(1, _D), 0.0)
    b = b_ref[...].reshape(1, _D)
    w = w_ref[...]
    xl2 = lax.dot_general(h, w, _DN, preferred_element_type=_f32) + b
    xl2_ref[...] = xl2
    y2_ref[...] = jnp.maximum(
        lax.dot_general(xl2, w, _DN, preferred_element_type=_f32) + b, 0.0)


def _mid_call(s, cnt, y, xl, u, g, be, w, b):
    return pl.pallas_call(
        _mid_body,
        out_shape=[jax.ShapeDtypeStruct((_N, _D), _f32)] * 2,
    )(s, cnt, y, xl, u, g, be, w, b)


def _fin_body(s_ref, cnt_ref, y_ref, xl_ref, u_ref, wl_ref, bl_ref,
              out_ref):
    s = s_ref[:_N, :] + s_ref[_NPAD:_NPAD + _N, :] + y_ref[...]
    aggr = s / cnt_ref[...]
    u = u_ref[...]
    t = jnp.maximum(
        lax.dot_general(aggr, u[:, :_D], _DN, preferred_element_type=_f32)
        + lax.dot_general(xl_ref[...], u[:, _D:], _DN,
                          preferred_element_type=_f32), 0.0)
    out_ref[...] = lax.dot_general(t, wl_ref[...], _DN,
                                   preferred_element_type=_f32) \
        + bl_ref[...].reshape(1, _C)


def _fin_call(s, cnt, y, xl, u, wl, bl):
    return pl.pallas_call(
        _fin_body,
        out_shape=jax.ShapeDtypeStruct((_N, _C), _f32),
    )(s, cnt, y, xl, u, wl, bl)


def kernel(x, edge_index, W1, b1, U1, W2, b2, U2, W3, b3, U3, gamma, beta,
           Wl, bl):
    row = edge_index[0]
    col = edge_index[1]
    pad = (jnp.arange(_EPAD - _E, dtype=jnp.int32) * 37) % _N
    row2d = jnp.concatenate([row, pad]).reshape(_NW * _CPT, _K)
    col2d = jnp.concatenate([col, pad]).reshape(_NW * _CPT, _K)
    rc = jnp.concatenate(
        [row2d.reshape(_NW, _NQ, _CPQ, _K), col2d.reshape(_NW, _NQ, _CPQ, _K)],
        axis=2).reshape(_NW * _NQ, 2 * _CPQ, _K)

    cnt_parts = _make_cnt()(row2d, col2d)
    cnt = (cnt_parts[:_N] + cnt_parts[_NPAD:_NPAD + _N]
           + 1.0).reshape(_N, 1)

    seg = _make_seg()

    xl1, y1 = _pre_call(x, W1, b1)
    s1 = seg(y1, rc)
    xl2, y2 = _mid_call(s1, cnt, y1, xl1, U1, gamma, beta, W2, b2)
    s2 = seg(y2, rc)
    xl3, y3 = _mid_call(s2, cnt, y2, xl2, U2, gamma, beta, W3, b3)
    s3 = seg(y3, rc)
    return _fin_call(s3, cnt, y3, xl3, U3, Wl, bl)

# --- scband reference (transcript-rebuilt; emitter-appended) ---
"""Pipeline reference for scband-node-classifier-4200478015582 (READ-ONLY COPY).

The authoritative reference and input builder live on the scoring server;
editing this copy changes nothing except your own understanding.
"""

import jax, jax.numpy as jnp
import numpy as np

N = 10000
E = 320000
D = 128
C = 64


def setup_inputs(seed: int = 0) -> dict:
    key = jax.random.key(seed)
    ks = jax.random.split(key, 16)
    inp = {}
    inp["x"] = jax.random.normal(ks[0], (N, D), dtype=jnp.float32)
    inp["edge_index"] = jax.random.randint(ks[1], (2, E), 0, N, dtype=jnp.int32)
    # SAGEConv 1 params (in==out==D because the original code requires it)
    inp["W1"] = jax.random.normal(ks[2], (D, D), dtype=jnp.float32) * 0.05
    inp["b1"] = jnp.zeros((D,), dtype=jnp.float32)
    inp["U1"] = jax.random.normal(ks[3], (D, 2 * D), dtype=jnp.float32) * 0.05
    # SAGEConv 2
    inp["W2"] = jax.random.normal(ks[4], (D, D), dtype=jnp.float32) * 0.05
    inp["b2"] = jnp.zeros((D,), dtype=jnp.float32)
    inp["U2"] = jax.random.normal(ks[5], (D, 2 * D), dtype=jnp.float32) * 0.05
    # SAGEConv 3
    inp["W3"] = jax.random.normal(ks[6], (D, D), dtype=jnp.float32) * 0.05
    inp["b3"] = jnp.zeros((D,), dtype=jnp.float32)
    inp["U3"] = jax.random.normal(ks[7], (D, 2 * D), dtype=jnp.float32) * 0.05
    # shared BatchNorm (bn1 reused twice, training-mode batch stats)
    inp["gamma"] = jnp.ones((D,), dtype=jnp.float32)
    inp["beta"] = jnp.zeros((D,), dtype=jnp.float32)
    # final classifier
    inp["Wl"] = jax.random.normal(ks[8], (C, D), dtype=jnp.float32) * 0.05
    inp["bl"] = jnp.zeros((C,), dtype=jnp.float32)
    return inp


def _sage(x, row, col, valid, W, b, U):
    n = x.shape[0]
    # x = self.lin(x)
    xl = x @ W.T + b
    # degree / norm (computed in the original forward but unused by message)
    vf = valid.astype(x.dtype)
    deg = jax.ops.segment_sum(vf, col, num_segments=n)
    deg_inv_sqrt = deg ** -0.5
    norm = deg_inv_sqrt[row] * deg_inv_sqrt[col]  # dead value, kept for faithfulness
    # message: relu(lin(x_j))  -- lin applied a second time
    msg = jax.nn.relu(xl[row] @ W.T + b)
    msg = msg * vf[:, None]
    # aggr='mean'
    s = jax.ops.segment_sum(msg, col, num_segments=n)
    cnt = jax.ops.segment_sum(vf, col, num_segments=n)
    aggr = s / jnp.maximum(cnt, 1.0)[:, None]
    # update: relu(update_lin(cat([aggr_out, x])))
    return jax.nn.relu(jnp.concatenate([aggr, xl], axis=1) @ U.T)


def _bn(x, gamma, beta, eps=1e-5):
    m = jnp.mean(x, axis=0)
    v = jnp.var(x, axis=0)
    return gamma * (x - m) / jnp.sqrt(v + eps) + beta


def reference(x, edge_index, W1, b1, U1, W2, b2, U2, W3, b3, U3, gamma, beta, Wl, bl):
    row, col = edge_index[0], edge_index[1]
    n = x.shape[0]
    # remove_self_loops (mask) then add_self_loops
    valid = row != col
    loop = jnp.arange(n, dtype=row.dtype)
    row = jnp.concatenate([row, loop])
    col = jnp.concatenate([col, loop])
    valid = jnp.concatenate([valid, jnp.ones((n,), dtype=bool)])
    h = _sage(x, row, col, valid, W1, b1, U1)
    h = jax.nn.relu(_bn(h, gamma, beta))
    h = _sage(h, row, col, valid, W2, b2, U2)
    h = jax.nn.relu(_bn(h, gamma, beta))
    h = _sage(h, row, col, valid, W3, b3, U3)
    return h @ Wl.T + bl

if __name__ == "__main__":
    import jax
    _d = setup_inputs()
    print(jax.jit(kernel)(*tuple(_d.values())))

</pallas_src>

<mosaic_0001>
#map = affine_map<(d0, d1) -> (0, 0)>
#map1 = affine_map<(d0, d1) -> (0, 0, 0)>
module attributes {stable_mosaic.version = 14 : i64} {
  func.func @_seg_body(%arg0: i32, %arg1: i32, %arg2: memref<10000x128xf32, #tpu.memory_space<hbm>>, %arg3: memref<64x80x128xi32, #tpu.memory_space<hbm>>, %arg4: memref<20224x128xf32, #tpu.memory_space<hbm>>, %arg5: memref<80x128xi32, #tpu.memory_space<vmem>>, %arg6: memref<128x128xf32, #tpu.memory_space<vmem>>, %arg7: memref<128x128xf32, #tpu.memory_space<vmem>>, %arg8: memref<10112x128xf32, #tpu.memory_space<vmem_shared>>, %arg9: memref<!tpu.dma_semaphore, #tpu.memory_space<semaphore_mem>>, %arg10: memref<!tpu.dma_semaphore, #tpu.memory_space<semaphore_mem>>) attributes {dimension_semantics = [#tpu.dimension_semantics<core_parallel>, #tpu.dimension_semantics<subcore_parallel>], iteration_bounds = array<i64: 2, 16>, scalar_prefetch = 0 : i64, scratch_operands = 6 : i64, tpu.core_type = #tpu.core_type<sc_vector_subcore>, window_params = [{transform_indices = #map}, {transform_indices = #map1}, {transform_indices = #map}]} {
    %mul3A = arith.constant 16 : i32
    %mul3A_0 = arith.muli %arg0, %mul3A : i32
    %add3A = arith.addi %mul3A_0, %arg1 : i32
    %mul3A_1 = arith.constant 2 : i32
    %mul3A_2 = arith.muli %add3A, %mul3A_1 : i32
    %add3A_3 = arith.constant 0 : i32
    %add3A_4 = arith.addi %mul3A_2, %add3A_3 : i32
    "tpu.region"() ({
      %run_scoped3A = tpu.sem_alloc : memref<!tpu.dma_semaphore, #tpu.memory_space<semaphore_mem>>
      %dma_start3A_79 = arith.constant 0 : i32
      %dma_start3A_80 = arith.constant 0 : i32
      %dma_start3A_81 = tpu.memref_slice %arg3[%add3A_4, %dma_start3A_79, %dma_start3A_80] : memref<64x80x128xi32, #tpu.memory_space<hbm>> -> memref<1x80x128xi32, #tpu.memory_space<hbm>>
      %dma_start3A_82 = tpu.memref_squeeze %dma_start3A_81 : memref<1x80x128xi32, #tpu.memory_space<hbm>> -> memref<80x128xi32, #tpu.memory_space<hbm>>
      %dma_start3A_83 = arith.constant 0 : i32
      %dma_start3A_84 = arith.constant 0 : i32
      %dma_start3A_85 = tpu.memref_slice %arg3[%add3A_4, %dma_start3A_83, %dma_start3A_84] : memref<64x80x128xi32, #tpu.memory_space<hbm>> -> memref<1x80x128xi32, #tpu.memory_space<hbm>>
      %dma_start3A_86 = tpu.memref_squeeze %dma_start3A_85 : memref<1x80x128xi32, #tpu.memory_space<hbm>> -> memref<80x128xi32, #tpu.memory_space<hbm>>
      tpu.enqueue_dma source(%dma_start3A_86 : memref<80x128xi32, #tpu.memory_space<hbm>>) target(%arg5 : memref<80x128xi32, #tpu.memory_space<vmem>>) target_semaphore(%run_scoped3A : memref<!tpu.dma_semaphore, #tpu.memory_space<semaphore_mem>>)
      %dma_wait3A = arith.constant 0 : i32
      %dma_wait3A_87 = arith.constant 0 : i32
      %dma_wait3A_88 = tpu.memref_slice %arg3[%add3A_4, %dma_wait3A, %dma_wait3A_87] : memref<64x80x128xi32, #tpu.memory_space<hbm>> -> memref<1x80x128xi32, #tpu.memory_space<hbm>>
      %dma_wait3A_89 = tpu.memref_squeeze %dma_wait3A_88 : memref<1x80x128xi32, #tpu.memory_space<hbm>> -> memref<80x128xi32, #tpu.memory_space<hbm>>
      %dma_wait3A_90 = arith.constant 0 : i32
      %dma_wait3A_91 = arith.constant 0 : i32
      %dma_wait3A_92 = tpu.memref_slice %arg3[%add3A_4, %dma_wait3A_90, %dma_wait3A_91] : memref<64x80x128xi32, #tpu.memory_space<hbm>> -> memref<1x80x128xi32, #tpu.memory_space<hbm>>
      %dma_wait3A_93 = tpu.memref_squeeze %dma_wait3A_92 : memref<1x80x128xi32, #tpu.memory_space<hbm>> -> memref<80x128xi32, #tpu.memory_space<hbm>>
      tpu.wait_dma2 semaphore(%run_scoped3A : memref<!tpu.dma_semaphore, #tpu.memory_space<semaphore_mem>>) src(%dma_wait3A_93 : memref<80x128xi32, #tpu.memory_space<hbm>>) dst(%arg5 : memref<80x128xi32, #tpu.memory_space<vmem>>)
      tpu.yield
    }) : () -> ()
    %scan3A = arith.constant 0 : i32
    %scan3A_5 = arith.constant 0 : i32
    %scan3A_6 = arith.constant 40 : i32
    %scan3A_7 = arith.addi %scan3A_5, %scan3A_6 : i32
    %scan3A_8 = arith.constant 1 : i32
    scf.for %scan3A_79 = %scan3A_5 to %scan3A_7 step %scan3A_8  : i32 {
      %get3A = arith.index_cast %scan3A_79 : i32 to index
      %get3A_80 = arith.constant 0 : index
      %get3A_81 = tpu.vector_load %arg5[%get3A, %get3A_80] {strides = array<i32>} : memref<80x128xi32, #tpu.memory_space<vmem>>, vector<1x16xi32>,
      %get3A_82 = vector.shape_cast %get3A_81 : vector<1x16xi32> to vector<16xi32>
      %add3A_83 = arith.constant 40 : i32
      %add3A_84 = arith.addi %add3A_83, %scan3A_79 : i32
      %get3A_85 = arith.index_cast %add3A_84 : i32 to index
      %get3A_86 = arith.constant 0 : index
      %get3A_87 = tpu.vector_load %arg5[%get3A_85, %get3A_86] {strides = array<i32>} : memref<80x128xi32, #tpu.memory_space<vmem>>, vector<1x16xi32>,
      %get3A_88 = vector.shape_cast %get3A_87 : vector<1x16xi32> to vector<16xi32>
      %eq3A = arith.cmpi eq, %get3A_82, %get3A_88 : vector<16xi32>
      %broadcast_in_dim3A = arith.constant 10000 : i32
      %broadcast_in_dim3A_89 = vector.broadcast %broadcast_in_dim3A : i32 to vector<16xi32>
      %select_n3A = arith.select %eq3A, %broadcast_in_dim3A_89, %get3A_88 : vector<16xi1>, vector<16xi32>
      %add3A_90 = arith.constant 40 : i32
      %add3A_91 = arith.addi %add3A_90, %scan3A_79 : i32
      %swap3A = arith.index_cast %add3A_91 : i32 to index
      %swap3A_92 = arith.constant 0 : index
      %swap3A_93 = tpu.vector_load %arg5[%swap3A, %swap3A_92] {strides = array<i32>} : memref<80x128xi32, #tpu.memory_space<vmem>>, vector<1x16xi32>,
      %swap3A_94 = vector.shape_cast %swap3A_93 : vector<1x16xi32> to vector<16xi32>
      %swap3A_95 = vector.shape_cast %select_n3A : vector<16xi32> to vector<1x16xi32>
      tpu.vector_store %arg5[%swap3A, %swap3A_92], %swap3A_95 {strides = array<i32>} : memref<80x128xi32, #tpu.memory_space<vmem>>, vector<1x16xi32>,
      %get3A_96 = arith.index_cast %scan3A_79 : i32 to index
      %get3A_97 = arith.constant 16 : index
      %get3A_98 = tpu.vector_load %arg5[%get3A_96, %get3A_97] {strides = array<i32>} : memref<80x128xi32, #tpu.memory_space<vmem>>, vector<1x16xi32>,
      %get3A_99 = vector.shape_cast %get3A_98 : vector<1x16xi32> to vector<16xi32>
      %add3A_100 = arith.constant 40 : i32
      %add3A_101 = arith.addi %add3A_100, %scan3A_79 : i32
      %get3A_102 = arith.index_cast %add3A_101 : i32 to index
      %get3A_103 = arith.constant 16 : index
      %get3A_104 = tpu.vector_load %arg5[%get3A_102, %get3A_103] {strides = array<i32>} : memref<80x128xi32, #tpu.memory_space<vmem>>, vector<1x16xi32>,
      %get3A_105 = vector.shape_cast %get3A_104 : vector<1x16xi32> to vector<16xi32>
      %eq3A_106 = arith.cmpi eq, %get3A_99, %get3A_105 : vector<16xi32>
      %broadcast_in_dim3A_107 = arith.constant 10000 : i32
      %broadcast_in_dim3A_108 = vector.broadcast %broadcast_in_dim3A_107 : i32 to vector<16xi32>
      %select_n3A_109 = arith.select %eq3A_106, %broadcast_in_dim3A_108, %get3A_105 : vector<16xi1>, vector<16xi32>
      %add3A_110 = arith.constant 40 : i32
      %add3A_111 = arith.addi %add3A_110, %scan3A_79 : i32
      %swap3A_112 = arith.index_cast %add3A_111 : i32 to index
      %swap3A_113 = arith.constant 16 : index
      %swap3A_114 = tpu.vector_load %arg5[%swap3A_112, %swap3A_113] {strides = array<i32>} : memref<80x128xi32, #tpu.memory_space<vmem>>, vector<1x16xi32>,
      %swap3A_115 = vector.shape_cast %swap3A_114 : vector<1x16xi32> to vector<16xi32>
      %swap3A_116 = vector.shape_cast %select_n3A_109 : vector<16xi32> to vector<1x16xi32>
      tpu.vector_store %arg5[%swap3A_112, %swap3A_113], %swap3A_116 {strides = array<i32>} : memref<80x128xi32, #tpu.memory_space<vmem>>, vector<1x16xi32>,
      %get3A_117 = arith.index_cast %scan3A_79 : i32 to index
      %get3A_118 = arith.constant 32 : index
      %get3A_119 = tpu.vector_load %arg5[%get3A_117, %get3A_118] {strides = array<i32>} : memref<80x128xi32, #tpu.memory_space<vmem>>, vector<1x16xi32>,
      %get3A_120 = vector.shape_cast %get3A_119 : vector<1x16xi32> to vector<16xi32>
      %add3A_121 = arith.constant 40 : i32
      %add3A_122 = arith.addi %add3A_121, %scan3A_79 : i32
      %get3A_123 = arith.index_cast %add3A_122 : i32 to index
      %get3A_124 = arith.constant 32 : index
      %get3A_125 = tpu.vector_load %arg5[%get3A_123, %get3A_124] {strides = array<i32>} : memref<80x128xi32, #tpu.memory_space<vmem>>, vector<1x16xi32>,
      %get3A_126 = vector.shape_cast %get3A_125 : vector<1x16xi32> to vector<16xi32>
      %eq3A_127 = arith.cmpi eq, %get3A_120, %get3A_126 : vector<16xi32>
      %broadcast_in_dim3A_128 = arith.constant 10000 : i32
      %broadcast_in_dim3A_129 = vector.broadcast %broadcast_in_dim3A_128 : i32 to vector<16xi32>
      %select_n3A_130 = arith.select %eq3A_127, %broadcast_in_dim3A_129, %get3A_126 : vector<16xi1>, vector<16xi32>
      %add3A_131 = arith.constant 40 : i32
      %add3A_132 = arith.addi %add3A_131, %scan3A_79 : i32
      %swap3A_133 = arith.index_cast %add3A_132 : i32 to index
      %swap3A_134 = arith.constant 32 : index
      %swap3A_135 = tpu.vector_load %arg5[%swap3A_133, %swap3A_134] {strides = array<i32>} : memref<80x128xi32, #tpu.memory_space<vmem>>, vector<1x16xi32>,
      %swap3A_136 = vector.shape_cast %swap3A_135 : vector<1x16xi32> to vector<16xi32>
      %swap3A_137 = vector.shape_cast %select_n3A_130 : vector<16xi32> to vector<1x16xi32>
      tpu.vector_store %arg5[%swap3A_133, %swap3A_134], %swap3A_137 {strides = array<i32>} : memref<80x128xi32, #tpu.memory_space<vmem>>, vector<1x16xi32>,
      %get3A_138 = arith.index_cast %scan3A_79 : i32 to index
      %get3A_139 = arith.constant 48 : index
      %get3A_140 = tpu.vector_load %arg5[%get3A_138, %get3A_139] {strides = array<i32>} : memref<80x128xi32, #tpu.memory_space<vmem>>, vector<1x16xi32>,
      %get3A_141 = vector.shape_cast %get3A_140 : vector<1x16xi32> to vector<16xi32>
      %add3A_142 = arith.constant 40 : i32
      %add3A_143 = arith.addi %add3A_142, %scan3A_79 : i32
      %get3A_144 = arith.index_cast %add3A_143 : i32 to index
      %get3A_145 = arith.constant 48 : index
      %get3A_146 = tpu.vector_load %arg5[%get3A_144, %get3A_145] {strides = array<i32>} : memref<80x128xi32, #tpu.memory_space<vmem>>, vector<1x16xi32>,
      %get3A_147 = vector.shape_cast %get3A_146 : vector<1x16xi32> to vector<16xi32>
      %eq3A_148 = arith.cmpi eq, %get3A_141, %get3A_147 : vector<16xi32>
      %broadcast_in_dim3A_149 = arith.constant 10000 : i32
      %broadcast_in_dim3A_150 = vector.broadcast %broadcast_in_dim3A_149 : i32 to vector<16xi32>
      %select_n3A_151 = arith.select %eq3A_148, %broadcast_in_dim3A_150, %get3A_147 : vector<16xi1>, vector<16xi32>
      %add3A_152 = arith.constant 40 : i32
      %add3A_153 = arith.addi %add3A_152, %scan3A_79 : i32
      %swap3A_154 = arith.index_cast %add3A_153 : i32 to index
      %swap3A_155 = arith.constant 48 : index
      %swap3A_156 = tpu.vector_load %arg5[%swap3A_154, %swap3A_155] {strides = array<i32>} : memref<80x128xi32, #tpu.memory_space<vmem>>, vector<1x16xi32>,
      %swap3A_157 = vector.shape_cast %swap3A_156 : vector<1x16xi32> to vector<16xi32>
      %swap3A_158 = vector.shape_cast %select_n3A_151 : vector<16xi32> to vector<1x16xi32>
      tpu.vector_store %arg5[%swap3A_154, %swap3A_155], %swap3A_158 {strides = array<i32>} : memref<80x128xi32, #tpu.memory_space<vmem>>, vector<1x16xi32>,
      %get3A_159 = arith.index_cast %scan3A_79 : i32 to index
      %get3A_160 = arith.constant 64 : index
      %get3A_161 = tpu.vector_load %arg5[%get3A_159, %get3A_160] {strides = array<i32>} : memref<80x128xi32, #tpu.memory_space<vmem>>, vector<1x16xi32>,
      %get3A_162 = vector.shape_cast %get3A_161 : vector<1x16xi32> to vector<16xi32>
      %add3A_163 = arith.constant 40 : i32
      %add3A_164 = arith.addi %add3A_163, %scan3A_79 : i32
      %get3A_165 = arith.index_cast %add3A_164 : i32 to index
      %get3A_166 = arith.constant 64 : index
      %get3A_167 = tpu.vector_load %arg5[%get3A_165, %get3A_166] {strides = array<i32>} : memref<80x128xi32, #tpu.memory_space<vmem>>, vector<1x16xi32>,
      %get3A_168 = vector.shape_cast %get3A_167 : vector<1x16xi32> to vector<16xi32>
      %eq3A_169 = arith.cmpi eq, %get3A_162, %get3A_168 : vector<16xi32>
      %broadcast_in_dim3A_170 = arith.constant 10000 : i32
      %broadcast_in_dim3A_171 = vector.broadcast %broadcast_in_dim3A_170 : i32 to vector<16xi32>
      %select_n3A_172 = arith.select %eq3A_169, %broadcast_in_dim3A_171, %get3A_168 : vector<16xi1>, vector<16xi32>
      %add3A_173 = arith.constant 40 : i32
      %add3A_174 = arith.addi %add3A_173, %scan3A_79 : i32
      %swap3A_175 = arith.index_cast %add3A_174 : i32 to index
      %swap3A_176 = arith.constant 64 : index
      %swap3A_177 = tpu.vector_load %arg5[%swap3A_175, %swap3A_176] {strides = array<i32>} : memref<80x128xi32, #tpu.memory_space<vmem>>, vector<1x16xi32>,
      %swap3A_178 = vector.shape_cast %swap3A_177 : vector<1x16xi32> to vector<16xi32>
      %swap3A_179 = vector.shape_cast %select_n3A_172 : vector<16xi32> to vector<1x16xi32>
      tpu.vector_store %arg5[%swap3A_175, %swap3A_176], %swap3A_179 {strides = array<i32>} : memref<80x128xi32, #tpu.memory_space<vmem>>, vector<1x16xi32>,
      %get3A_180 = arith.index_cast %scan3A_79 : i32 to index
      %get3A_181 = arith.constant 80 : index
      %get3A_182 = tpu.vector_load %arg5[%get3A_180, %get3A_181] {strides = array<i32>} : memref<80x128xi32, #tpu.memory_space<vmem>>, vector<1x16xi32>,
      %get3A_183 = vector.shape_cast %get3A_182 : vector<1x16xi32> to vector<16xi32>
      %add3A_184 = arith.constant 40 : i32
      %add3A_185 = arith.addi %add3A_184, %scan3A_79 : i32
      %get3A_186 = arith.index_cast %add3A_185 : i32 to index
      %get3A_187 = arith.constant 80 : index
      %get3A_188 = tpu.vector_load %arg5[%get3A_186, %get3A_187] {strides = array<i32>} : memref<80x128xi32, #tpu.memory_space<vmem>>, vector<1x16xi32>,
      %get3A_189 = vector.shape_cast %get3A_188 : vector<1x16xi32> to vector<16xi32>
      %eq3A_190 = arith.cmpi eq, %get3A_183, %get3A_189 : vector<16xi32>
      %broadcast_in_dim3A_191 = arith.constant 10000 : i32
      %broadcast_in_dim3A_192 = vector.broadcast %broadcast_in_dim3A_191 : i32 to vector<16xi32>
      %select_n3A_193 = arith.select %eq3A_190, %broadcast_in_dim3A_192, %get3A_189 : vector<16xi1>, vector<16xi32>
      %add3A_194 = arith.constant 40 : i32
      %add3A_195 = arith.addi %add3A_194, %scan3A_79 : i32
      %swap3A_196 = arith.index_cast %add3A_195 : i32 to index
      %swap3A_197 = arith.constant 80 : index
      %swap3A_198 = tpu.vector_load %arg5[%swap3A_196, %swap3A_197] {strides = array<i32>} : memref<80x128xi32, #tpu.memory_space<vmem>>, vector<1x16xi32>,
      %swap3A_199 = vector.shape_cast %swap3A_198 : vector<1x16xi32> to vector<16xi32>
      %swap3A_200 = vector.shape_cast %select_n3A_193 : vector<16xi32> to vector<1x16xi32>
      tpu.vector_store %arg5[%swap3A_196, %swap3A_197], %swap3A_200 {strides = array<i32>} : memref<80x128xi32, #tpu.memory_space<vmem>>, vector<1x16xi32>,
      %get3A_201 = arith.index_cast %scan3A_79 : i32 to index
      %get3A_202 = arith.constant 96 : index
      %get3A_203 = tpu.vector_load %arg5[%get3A_201, %get3A_202] {strides = array<i32>} : memref<80x128xi32, #tpu.memory_space<vmem>>, vector<1x16xi32>,
      %get3A_204 = vector.shape_cast %get3A_203 : vector<1x16xi32> to vector<16xi32>
      %add3A_205 = arith.constant 40 : i32
      %add3A_206 = arith.addi %add3A_205, %scan3A_79 : i32
      %get3A_207 = arith.index_cast %add3A_206 : i32 to index
      %get3A_208 = arith.constant 96 : index
      %get3A_209 = tpu.vector_load %arg5[%get3A_207, %get3A_208] {strides = array<i32>} : memref<80x128xi32, #tpu.memory_space<vmem>>, vector<1x16xi32>,
      %get3A_210 = vector.shape_cast %get3A_209 : vector<1x16xi32> to vector<16xi32>
      %eq3A_211 = arith.cmpi eq, %get3A_204, %get3A_210 : vector<16xi32>
      %broadcast_in_dim3A_212 = arith.constant 10000 : i32
      %broadcast_in_dim3A_213 = vector.broadcast %broadcast_in_dim3A_212 : i32 to vector<16xi32>
      %select_n3A_214 = arith.select %eq3A_211, %broadcast_in_dim3A_213, %get3A_210 : vector<16xi1>, vector<16xi32>
      %add3A_215 = arith.constant 40 : i32
      %add3A_216 = arith.addi %add3A_215, %scan3A_79 : i32
      %swap3A_217 = arith.index_cast %add3A_216 : i32 to index
      %swap3A_218 = arith.constant 96 : index
      %swap3A_219 = tpu.vector_load %arg5[%swap3A_217, %swap3A_218] {strides = array<i32>} : memref<80x128xi32, #tpu.memory_space<vmem>>, vector<1x16xi32>,
      %swap3A_220 = vector.shape_cast %swap3A_219 : vector<1x16xi32> to vector<16xi32>
      %swap3A_221 = vector.shape_cast %select_n3A_214 : vector<16xi32> to vector<1x16xi32>
      tpu.vector_store %arg5[%swap3A_217, %swap3A_218], %swap3A_221 {strides = array<i32>} : memref<80x128xi32, #tpu.memory_space<vmem>>, vector<1x16xi32>,
      %get3A_222 = arith.index_cast %scan3A_79 : i32 to index
      %get3A_223 = arith.constant 112 : index
      %get3A_224 = tpu.vector_load %arg5[%get3A_222, %get3A_223] {strides = array<i32>} : memref<80x128xi32, #tpu.memory_space<vmem>>, vector<1x16xi32>,
      %get3A_225 = vector.shape_cast %get3A_224 : vector<1x16xi32> to vector<16xi32>
      %add3A_226 = arith.constant 40 : i32
      %add3A_227 = arith.addi %add3A_226, %scan3A_79 : i32
      %get3A_228 = arith.index_cast %add3A_227 : i32 to index
      %get3A_229 = arith.constant 112 : index
      %get3A_230 = tpu.vector_load %arg5[%get3A_228, %get3A_229] {strides = array<i32>} : memref<80x128xi32, #tpu.memory_space<vmem>>, vector<1x16xi32>,
      %get3A_231 = vector.shape_cast %get3A_230 : vector<1x16xi32> to vector<16xi32>
      %eq3A_232 = arith.cmpi eq, %get3A_225, %get3A_231 : vector<16xi32>
      %broadcast_in_dim3A_233 = arith.constant 10000 : i32
      %broadcast_in_dim3A_234 = vector.broadcast %broadcast_in_dim3A_233 : i32 to vector<16xi32>
      %select_n3A_235 = arith.select %eq3A_232, %broadcast_in_dim3A_234, %get3A_231 : vector<16xi1>, vector<16xi32>
      %add3A_236 = arith.constant 40 : i32
      %add3A_237 = arith.addi %add3A_236, %scan3A_79 : i32
      %swap3A_238 = arith.index_cast %add3A_237 : i32 to index
      %swap3A_239 = arith.constant 112 : index
      %swap3A_240 = tpu.vector_load %arg5[%swap3A_238, %swap3A_239] {strides = array<i32>} : memref<80x128xi32, #tpu.memory_space<vmem>>, vector<1x16xi32>,
      %swap3A_241 = vector.shape_cast %swap3A_240 : vector<1x16xi32> to vector<16xi32>
      %swap3A_242 = vector.shape_cast %select_n3A_235 : vector<16xi32> to vector<1x16xi32>
      tpu.vector_store %arg5[%swap3A_238, %swap3A_239], %swap3A_242 {strides = array<i32>} : memref<80x128xi32, #tpu.memory_space<vmem>>, vector<1x16xi32>,
    }
    %scan3A_9 = arith.constant 40 : i32
    %dma_start3A = arith.constant 0 : i32
    %dma_start3A_10 = arith.constant 0 : i32
    %dma_start3A_11 = tpu.memref_slice %arg5[%dma_start3A, %dma_start3A_10] : memref<80x128xi32, #tpu.memory_space<vmem>> -> memref<1x128xi32, #tpu.memory_space<vmem>>
    %dma_start3A_12 = tpu.memref_squeeze %dma_start3A_11 : memref<1x128xi32, #tpu.memory_space<vmem>> -> memref<128xi32, #tpu.memory_space<vmem>>
    %dma_start3A_13 = arith.constant 0 : i32
    %dma_start3A_14 = arith.constant 0 : i32
    %dma_start3A_15 = tpu.memref_slice %arg2[%dma_start3A_13, %dma_start3A_14] : memref<10000x128xf32, #tpu.memory_space<hbm>> -> memref<10000x128xf32, #tpu.memory_space<hbm>>
    tpu.enqueue_indirect_dma source(%dma_start3A_15 : memref<10000x128xf32, #tpu.memory_space<hbm>>) target(%arg6 : memref<128x128xf32, #tpu.memory_space<vmem>>) offsets(%dma_start3A_12 : memref<128xi32, #tpu.memory_space<vmem>>) semaphore(%arg9 : memref<!tpu.dma_semaphore, #tpu.memory_space<semaphore_mem>>)
    %scan3A_16 = arith.constant 0 : i32
    %scan3A_17 = arith.constant 0 : i32
    %scan3A_18 = arith.constant 128 : i32
    %scan3A_19 = arith.addi %scan3A_17, %scan3A_18 : i32
    %scan3A_20 = arith.constant 1 : i32
    scf.for %scan3A_79 = %scan3A_17 to %scan3A_19 step %scan3A_20  : i32 {
      %broadcast_in_dim3A = arith.constant 0.000000e+00 : f32
      %broadcast_in_dim3A_80 = vector.broadcast %broadcast_in_dim3A : f32 to vector<16xf32>
      %swap3A = arith.index_cast %scan3A_79 : i32 to index
      %swap3A_81 = arith.constant 0 : index
      %swap3A_82 = tpu.vector_load %arg7[%swap3A, %swap3A_81] {strides = array<i32>} : memref<128x128xf32, #tpu.memory_space<vmem>>, vector<1x16xf32>,
      %swap3A_83 = vector.shape_cast %swap3A_82 : vector<1x16xf32> to vector<16xf32>
      %swap3A_84 = vector.shape_cast %broadcast_in_dim3A_80 : vector<16xf32> to vector<1x16xf32>
      tpu.vector_store %arg7[%swap3A, %swap3A_81], %swap3A_84 {strides = array<i32>} : memref<128x128xf32, #tpu.memory_space<vmem>>, vector<1x16xf32>,
      %broadcast_in_dim3A_85 = arith.constant 0.000000e+00 : f32
      %broadcast_in_dim3A_86 = vector.broadcast %broadcast_in_dim3A_85 : f32 to vector<16xf32>
      %swap3A_87 = arith.index_cast %scan3A_79 : i32 to index
      %swap3A_88 = arith.constant 16 : index
      %swap3A_89 = tpu.vector_load %arg7[%swap3A_87, %swap3A_88] {strides = array<i32>} : memref<128x128xf32, #tpu.memory_space<vmem>>, vector<1x16xf32>,
      %swap3A_90 = vector.shape_cast %swap3A_89 : vector<1x16xf32> to vector<16xf32>
      %swap3A_91 = vector.shape_cast %broadcast_in_dim3A_86 : vector<16xf32> to vector<1x16xf32>
      tpu.vector_store %arg7[%swap3A_87, %swap3A_88], %swap3A_91 {strides = array<i32>} : memref<128x128xf32, #tpu.memory_space<vmem>>, vector<1x16xf32>,
      %broadcast_in_dim3A_92 = arith.constant 0.000000e+00 : f32
      %broadcast_in_dim3A_93 = vector.broadcast %broadcast_in_dim3A_92 : f32 to vector<16xf32>
      %swap3A_94 = arith.index_cast %scan3A_79 : i32 to index
      %swap3A_95 = arith.constant 32 : index
      %swap3A_96 = tpu.vector_load %arg7[%swap3A_94, %swap3A_95] {strides = array<i32>} : memref<128x128xf32, #tpu.memory_space<vmem>>, vector<1x16xf32>,
      %swap3A_97 = vector.shape_cast %swap3A_96 : vector<1x16xf32> to vector<16xf32>
      %swap3A_98 = vector.shape_cast %broadcast_in_dim3A_93 : vector<16xf32> to vector<1x16xf32>
      tpu.vector_store %arg7[%swap3A_94, %swap3A_95], %swap3A_98 {strides = array<i32>} : memref<128x128xf32, #tpu.memory_space<vmem>>, vector<1x16xf32>,
      %broadcast_in_dim3A_99 = arith.constant 0.000000e+00 : f32
      %broadcast_in_dim3A_100 = vector.broadcast %broadcast_in_dim3A_99 : f32 to vector<16xf32>
      %swap3A_101 = arith.index_cast %scan3A_79 : i32 to index
      %swap3A_102 = arith.constant 48 : index
      %swap3A_103 = tpu.vector_load %arg7[%swap3A_101, %swap3A_102] {strides = array<i32>} : memref<128x128xf32, #tpu.memory_space<vmem>>, vector<1x16xf32>,
      %swap3A_104 = vector.shape_cast %swap3A_103 : vector<1x16xf32> to vector<16xf32>
      %swap3A_105 = vector.shape_cast %broadcast_in_dim3A_100 : vector<16xf32> to vector<1x16xf32>
      tpu.vector_store %arg7[%swap3A_101, %swap3A_102], %swap3A_105 {strides = array<i32>} : memref<128x128xf32, #tpu.memory_space<vmem>>, vector<1x16xf32>,
      %broadcast_in_dim3A_106 = arith.constant 0.000000e+00 : f32
      %broadcast_in_dim3A_107 = vector.broadcast %broadcast_in_dim3A_106 : f32 to vector<16xf32>
      %swap3A_108 = arith.index_cast %scan3A_79 : i32 to index
      %swap3A_109 = arith.constant 64 : index
      %swap3A_110 = tpu.vector_load %arg7[%swap3A_108, %swap3A_109] {strides = array<i32>} : memref<128x128xf32, #tpu.memory_space<vmem>>, vector<1x16xf32>,
      %swap3A_111 = vector.shape_cast %swap3A_110 : vector<1x16xf32> to vector<16xf32>
      %swap3A_112 = vector.shape_cast %broadcast_in_dim3A_107 : vector<16xf32> to vector<1x16xf32>
      tpu.vector_store %arg7[%swap3A_108, %swap3A_109], %swap3A_112 {strides = array<i32>} : memref<128x128xf32, #tpu.memory_space<vmem>>, vector<1x16xf32>,
      %broadcast_in_dim3A_113 = arith.constant 0.000000e+00 : f32
      %broadcast_in_dim3A_114 = vector.broadcast %broadcast_in_dim3A_113 : f32 to vector<16xf32>
      %swap3A_115 = arith.index_cast %scan3A_79 : i32 to index
      %swap3A_116 = arith.constant 80 : index
      %swap3A_117 = tpu.vector_load %arg7[%swap3A_115, %swap3A_116] {strides = array<i32>} : memref<128x128xf32, #tpu.memory_space<vmem>>, vector<1x16xf32>,
      %swap3A_118 = vector.shape_cast %swap3A_117 : vector<1x16xf32> to vector<16xf32>
      %swap3A_119 = vector.shape_cast %broadcast_in_dim3A_114 : vector<16xf32> to vector<1x16xf32>
      tpu.vector_store %arg7[%swap3A_115, %swap3A_116], %swap3A_119 {strides = array<i32>} : memref<128x128xf32, #tpu.memory_space<vmem>>, vector<1x16xf32>,
      %broadcast_in_dim3A_120 = arith.constant 0.000000e+00 : f32
      %broadcast_in_dim3A_121 = vector.broadcast %broadcast_in_dim3A_120 : f32 to vector<16xf32>
      %swap3A_122 = arith.index_cast %scan3A_79 : i32 to index
      %swap3A_123 = arith.constant 96 : index
      %swap3A_124 = tpu.vector_load %arg7[%swap3A_122, %swap3A_123] {strides = array<i32>} : memref<128x128xf32, #tpu.memory_space<vmem>>, vector<1x16xf32>,
      %swap3A_125 = vector.shape_cast %swap3A_124 : vector<1x16xf32> to vector<16xf32>
      %swap3A_126 = vector.shape_cast %broadcast_in_dim3A_121 : vector<16xf32> to vector<1x16xf32>
      tpu.vector_store %arg7[%swap3A_122, %swap3A_123], %swap3A_126 {strides = array<i32>} : memref<128x128xf32, #tpu.memory_space<vmem>>, vector<1x16xf32>,
      %broadcast_in_dim3A_127 = arith.constant 0.000000e+00 : f32
      %broadcast_in_dim3A_128 = vector.broadcast %broadcast_in_dim3A_127 : f32 to vector<16xf32>
      %swap3A_129 = arith.index_cast %scan3A_79 : i32 to index
      %swap3A_130 = arith.constant 112 : index
      %swap3A_131 = tpu.vector_load %arg7[%swap3A_129, %swap3A_130] {strides = array<i32>} : memref<128x128xf32, #tpu.memory_space<vmem>>, vector<1x16xf32>,
      %swap3A_132 = vector.shape_cast %swap3A_131 : vector<1x16xf32> to vector<16xf32>
      %swap3A_133 = vector.shape_cast %broadcast_in_dim3A_128 : vector<16xf32> to vector<1x16xf32>
      tpu.vector_store %arg7[%swap3A_129, %swap3A_130], %swap3A_133 {strides = array<i32>} : memref<128x128xf32, #tpu.memory_space<vmem>>, vector<1x16xf32>,
    }
    %scan3A_21 = arith.constant 128 : i32
    %mul3A_22 = arith.constant 632 : i32
    %mul3A_23 = arith.muli %arg1, %mul3A_22 : i32
    %add3A_24 = arith.constant 0 : i32
    %add3A_25 = arith.addi %mul3A_23, %add3A_24 : i32
    "tpu.region"() ({
      %run_scoped3A = tpu.sem_alloc : memref<!tpu.dma_semaphore, #tpu.memory_space<semaphore_mem>>
      %dma_start3A_79 = arith.constant 0 : i32
      %dma_start3A_80 = tpu.memref_slice %arg8[%add3A_25, %dma_start3A_79] : memref<10112x128xf32, #tpu.memory_space<vmem_shared>> -> memref<128x128xf32, #tpu.memory_space<vmem_shared>>
      %dma_start3A_81 = arith.constant 0 : i32
      %dma_start3A_82 = tpu.memref_slice %arg8[%add3A_25, %dma_start3A_81] : memref<10112x128xf32, #tpu.memory_space<vmem_shared>> -> memref<128x128xf32, #tpu.memory_space<vmem_shared>>
      tpu.enqueue_dma source(%arg7 : memref<128x128xf32, #tpu.memory_space<vmem>>) target(%dma_start3A_82 : memref<128x128xf32, #tpu.memory_space<vmem_shared>>) target_semaphore(%run_scoped3A : memref<!tpu.dma_semaphore, #tpu.memory_space<semaphore_mem>>)
      %dma_wait3A = arith.constant 0 : i32
      %dma_wait3A_83 = tpu.memref_slice %arg8[%add3A_25, %dma_wait3A] : memref<10112x128xf32, #tpu.memory_space<vmem_shared>> -> memref<128x128xf32, #tpu.memory_space<vmem_shared>>
      %dma_wait3A_84 = arith.constant 0 : i32
      %dma_wait3A_85 = tpu.memref_slice %arg8[%add3A_25, %dma_wait3A_84] : memref<10112x128xf32, #tpu.memory_space<vmem_shared>> -> memref<128x128xf32, #tpu.memory_space<vmem_shared>>
      tpu.wait_dma2 semaphore(%run_scoped3A : memref<!tpu.dma_semaphore, #tpu.memory_space<semaphore_mem>>) src(%arg7 : memref<128x128xf32, #tpu.memory_space<vmem>>) dst(%dma_wait3A_85 : memref<128x128xf32, #tpu.memory_space<vmem_shared>>)
      tpu.yield
    }) : () -> ()
    %mul3A_26 = arith.constant 632 : i32
    %mul3A_27 = arith.muli %arg1, %mul3A_26 : i32
    %add3A_28 = arith.constant 128 : i32
    %add3A_29 = arith.addi %mul3A_27, %add3A_28 : i32
    "tpu.region"() ({
      %run_scoped3A = tpu.sem_alloc : memref<!tpu.dma_semaphore, #tpu.memory_space<semaphore_mem>>
      %dma_start3A_79 = arith.constant 0 : i32
      %dma_start3A_80 = tpu.memref_slice %arg8[%add3A_29, %dma_start3A_79] : memref<10112x128xf32, #tpu.memory_space<vmem_shared>> -> memref<128x128xf32, #tpu.memory_space<vmem_shared>>
      %dma_start3A_81 = arith.constant 0 : i32
      %dma_start3A_82 = tpu.memref_slice %arg8[%add3A_29, %dma_start3A_81] : memref<10112x128xf32, #tpu.memory_space<vmem_shared>> -> memref<128x128xf32, #tpu.memory_space<vmem_shared>>
      tpu.enqueue_dma source(%arg7 : memref<128x128xf32, #tpu.memory_space<vmem>>) target(%dma_start3A_82 : memref<128x128xf32, #tpu.memory_space<vmem_shared>>) target_semaphore(%run_scoped3A : memref<!tpu.dma_semaphore, #tpu.memory_space<semaphore_mem>>)
      %dma_wait3A = arith.constant 0 : i32
      %dma_wait3A_83 = tpu.memref_slice %arg8[%add3A_29, %dma_wait3A] : memref<10112x128xf32, #tpu.memory_space<vmem_shared>> -> memref<128x128xf32, #tpu.memory_space<vmem_shared>>
      %dma_wait3A_84 = arith.constant 0 : i32
      %dma_wait3A_85 = tpu.memref_slice %arg8[%add3A_29, %dma_wait3A_84] : memref<10112x128xf32, #tpu.memory_space<vmem_shared>> -> memref<128x128xf32, #tpu.memory_space<vmem_shared>>
      tpu.wait_dma2 semaphore(%run_scoped3A : memref<!tpu.dma_semaphore, #tpu.memory_space<semaphore_mem>>) src(%arg7 : memref<128x128xf32, #tpu.memory_space<vmem>>) dst(%dma_wait3A_85 : memref<128x128xf32, #tpu.memory_space<vmem_shared>>)
      tpu.yield
    }) : () -> ()
    %mul3A_30 = arith.constant 632 : i32
    %mul3A_31 = arith.muli %arg1, %mul3A_30 : i32
    %add3A_32 = arith.constant 256 : i32
    %add3A_33 = arith.addi %mul3A_31, %add3A_32 : i32
    "tpu.region"() ({
      %run_scoped3A = tpu.sem_alloc : memref<!tpu.dma_semaphore, #tpu.memory_space<semaphore_mem>>
      %dma_start3A_79 = arith.constant 0 : i32
      %dma_start3A_80 = tpu.memref_slice %arg8[%add3A_33, %dma_start3A_79] : memref<10112x128xf32, #tpu.memory_space<vmem_shared>> -> memref<128x128xf32, #tpu.memory_space<vmem_shared>>
      %dma_start3A_81 = arith.constant 0 : i32
      %dma_start3A_82 = tpu.memref_slice %arg8[%add3A_33, %dma_start3A_81] : memref<10112x128xf32, #tpu.memory_space<vmem_shared>> -> memref<128x128xf32, #tpu.memory_space<vmem_shared>>
      tpu.enqueue_dma source(%arg7 : memref<128x128xf32, #tpu.memory_space<vmem>>) target(%dma_start3A_82 : memref<128x128xf32, #tpu.memory_space<vmem_shared>>) target_semaphore(%run_scoped3A : memref<!tpu.dma_semaphore, #tpu.memory_space<semaphore_mem>>)
      %dma_wait3A = arith.constant 0 : i32
      %dma_wait3A_83 = tpu.memref_slice %arg8[%add3A_33, %dma_wait3A] : memref<10112x128xf32, #tpu.memory_space<vmem_shared>> -> memref<128x128xf32, #tpu.memory_space<vmem_shared>>
      %dma_wait3A_84 = arith.constant 0 : i32
      %dma_wait3A_85 = tpu.memref_slice %arg8[%add3A_33, %dma_wait3A_84] : memref<10112x128xf32, #tpu.memory_space<vmem_shared>> -> memref<128x128xf32, #tpu.memory_space<vmem_shared>>
      tpu.wait_dma2 semaphore(%run_scoped3A : memref<!tpu.dma_semaphore, #tpu.memory_space<semaphore_mem>>) src(%arg7 : memref<128x128xf32, #tpu.memory_space<vmem>>) dst(%dma_wait3A_85 : memref<128x128xf32, #tpu.memory_space<vmem_shared>>)
      tpu.yield
    }) : () -> ()
    %mul3A_34 = arith.constant 632 : i32
    %mul3A_35 = arith.muli %arg1, %mul3A_34 : i32
    %add3A_36 = arith.constant 384 : i32
    %add3A_37 = arith.addi %mul3A_35, %add3A_36 : i32
    "tpu.region"() ({
      %run_scoped3A = tpu.sem_alloc : memref<!tpu.dma_semaphore, #tpu.memory_space<semaphore_mem>>
      %dma_start3A_79 = arith.constant 0 : i32
      %dma_start3A_80 = tpu.memref_slice %arg8[%add3A_37, %dma_start3A_79] : memref<10112x128xf32, #tpu.memory_space<vmem_shared>> -> memref<128x128xf32, #tpu.memory_space<vmem_shared>>
      %dma_start3A_81 = arith.constant 0 : i32
      %dma_start3A_82 = tpu.memref_slice %arg8[%add3A_37, %dma_start3A_81] : memref<10112x128xf32, #tpu.memory_space<vmem_shared>> -> memref<128x128xf32, #tpu.memory_space<vmem_shared>>
      tpu.enqueue_dma source(%arg7 : memref<128x128xf32, #tpu.memory_space<vmem>>) target(%dma_start3A_82 : memref<128x128xf32, #tpu.memory_space<vmem_shared>>) target_semaphore(%run_scoped3A : memref<!tpu.dma_semaphore, #tpu.memory_space<semaphore_mem>>)
      %dma_wait3A = arith.constant 0 : i32
      %dma_wait3A_83 = tpu.memref_slice %arg8[%add3A_37, %dma_wait3A] : memref<10112x128xf32, #tpu.memory_space<vmem_shared>> -> memref<128x128xf32, #tpu.memory_space<vmem_shared>>
      %dma_wait3A_84 = arith.constant 0 : i32
      %dma_wait3A_85 = tpu.memref_slice %arg8[%add3A_37, %dma_wait3A_84] : memref<10112x128xf32, #tpu.memory_space<vmem_shared>> -> memref<128x128xf32, #tpu.memory_space<vmem_shared>>
      tpu.wait_dma2 semaphore(%run_scoped3A : memref<!tpu.dma_semaphore, #tpu.memory_space<semaphore_mem>>) src(%arg7 : memref<128x128xf32, #tpu.memory_space<vmem>>) dst(%dma_wait3A_85 : memref<128x128xf32, #tpu.memory_space<vmem_shared>>)
      tpu.yield
    }) : () -> ()
    %mul3A_38 = arith.constant 632 : i32
    %mul3A_39 = arith.muli %arg1, %mul3A_38 : i32
    %add3A_40 = arith.constant 512 : i32
    %add3A_41 = arith.addi %mul3A_39, %add3A_40 : i32
    "tpu.region"() ({
      %run_scoped3A = tpu.sem_alloc : memref<!tpu.dma_semaphore, #tpu.memory_space<semaphore_mem>>
      %dma_start3A_79 = arith.constant 0 : i32
      %dma_start3A_80 = arith.constant 0 : i32
      %dma_start3A_81 = tpu.memref_slice %arg7[%dma_start3A_79, %dma_start3A_80] : memref<128x128xf32, #tpu.memory_space<vmem>> -> memref<120x128xf32, #tpu.memory_space<vmem>>
      %dma_start3A_82 = arith.constant 0 : i32
      %dma_start3A_83 = tpu.memref_slice %arg8[%add3A_41, %dma_start3A_82] : memref<10112x128xf32, #tpu.memory_space<vmem_shared>> -> memref<120x128xf32, #tpu.memory_space<vmem_shared>>
      %dma_start3A_84 = arith.constant 0 : i32
      %dma_start3A_85 = tpu.memref_slice %arg8[%add3A_41, %dma_start3A_84] : memref<10112x128xf32, #tpu.memory_space<vmem_shared>> -> memref<120x128xf32, #tpu.memory_space<vmem_shared>>
      %dma_start3A_86 = arith.constant 0 : i32
      %dma_start3A_87 = arith.constant 0 : i32
      %dma_start3A_88 = tpu.memref_slice %arg7[%dma_start3A_86, %dma_start3A_87] : memref<128x128xf32, #tpu.memory_space<vmem>> -> memref<120x128xf32, #tpu.memory_space<vmem>>
      tpu.enqueue_dma source(%dma_start3A_88 : memref<120x128xf32, #tpu.memory_space<vmem>>) target(%dma_start3A_85 : memref<120x128xf32, #tpu.memory_space<vmem_shared>>) target_semaphore(%run_scoped3A : memref<!tpu.dma_semaphore, #tpu.memory_space<semaphore_mem>>)
      %dma_wait3A = arith.constant 0 : i32
      %dma_wait3A_89 = arith.constant 0 : i32
      %dma_wait3A_90 = tpu.memref_slice %arg7[%dma_wait3A, %dma_wait3A_89] : memref<128x128xf32, #tpu.memory_space<vmem>> -> memref<120x128xf32, #tpu.memory_space<vmem>>
      %dma_wait3A_91 = arith.constant 0 : i32
      %dma_wait3A_92 = tpu.memref_slice %arg8[%add3A_41, %dma_wait3A_91] : memref<10112x128xf32, #tpu.memory_space<vmem_shared>> -> memref<120x128xf32, #tpu.memory_space<vmem_shared>>
      %dma_wait3A_93 = arith.constant 0 : i32
      %dma_wait3A_94 = tpu.memref_slice %arg8[%add3A_41, %dma_wait3A_93] : memref<10112x128xf32, #tpu.memory_space<vmem_shared>> -> memref<120x128xf32, #tpu.memory_space<vmem_shared>>
      %dma_wait3A_95 = arith.constant 0 : i32
      %dma_wait3A_96 = arith.constant 0 : i32
      %dma_wait3A_97 = tpu.memref_slice %arg7[%dma_wait3A_95, %dma_wait3A_96] : memref<128x128xf32, #tpu.memory_space<vmem>> -> memref<120x128xf32, #tpu.memory_space<vmem>>
      tpu.wait_dma2 semaphore(%run_scoped3A : memref<!tpu.dma_semaphore, #tpu.memory_space<semaphore_mem>>) src(%dma_wait3A_97 : memref<120x128xf32, #tpu.memory_space<vmem>>) dst(%dma_wait3A_94 : memref<120x128xf32, #tpu.memory_space<vmem_shared>>)
      tpu.yield
    }) : () -> ()
    %barrier3A = arith.constant 0 : index
    tpu.barrier barrier_id(%barrier3A)
    %scan3A_42 = arith.constant 0 : i32
    %scan3A_43 = arith.constant 0 : i32
    %scan3A_44 = arith.constant 20 : i32
    %scan3A_45 = arith.addi %scan3A_43, %scan3A_44 : i32
    %scan3A_46 = arith.constant 1 : i32
    scf.for %scan3A_79 = %scan3A_43 to %scan3A_45 step %scan3A_46  : i32 {
      %mul3A_80 = arith.constant 2 : i32
      %mul3A_81 = arith.muli %mul3A_80, %scan3A_79 : i32
      %add3A_82 = arith.constant 1 : i32
      %add3A_83 = arith.addi %mul3A_81, %add3A_82 : i32
      %dma_start3A_84 = arith.constant 0 : i32
      %dma_start3A_85 = tpu.memref_slice %arg5[%add3A_83, %dma_start3A_84] : memref<80x128xi32, #tpu.memory_space<vmem>> -> memref<1x128xi32, #tpu.memory_space<vmem>>
      %dma_start3A_86 = tpu.memref_squeeze %dma_start3A_85 : memref<1x128xi32, #tpu.memory_space<vmem>> -> memref<128xi32, #tpu.memory_space<vmem>>
      %dma_start3A_87 = arith.constant 0 : i32
      %dma_start3A_88 = arith.constant 0 : i32
      %dma_start3A_89 = tpu.memref_slice %arg2[%dma_start3A_87, %dma_start3A_88] : memref<10000x128xf32, #tpu.memory_space<hbm>> -> memref<10000x128xf32, #tpu.memory_space<hbm>>
      tpu.enqueue_indirect_dma source(%dma_start3A_89 : memref<10000x128xf32, #tpu.memory_space<hbm>>) target(%arg7 : memref<128x128xf32, #tpu.memory_space<vmem>>) offsets(%dma_start3A_86 : memref<128xi32, #tpu.memory_space<vmem>>) semaphore(%arg10 : memref<!tpu.dma_semaphore, #tpu.memory_space<semaphore_mem>>)
      %dma_wait3A = arith.constant 0 : i32
      %dma_wait3A_90 = tpu.memref_slice %arg5[%mul3A_81, %dma_wait3A] : memref<80x128xi32, #tpu.memory_space<vmem>> -> memref<1x128xi32, #tpu.memory_space<vmem>>
      %dma_wait3A_91 = tpu.memref_squeeze %dma_wait3A_90 : memref<1x128xi32, #tpu.memory_space<vmem>> -> memref<128xi32, #tpu.memory_space<vmem>>
      %dma_wait3A_92 = arith.constant 0 : i32
      %dma_wait3A_93 = arith.constant 0 : i32
      %dma_wait3A_94 = tpu.memref_slice %arg2[%dma_wait3A_92, %dma_wait3A_93] : memref<10000x128xf32, #tpu.memory_space<hbm>> -> memref<10000x128xf32, #tpu.memory_space<hbm>>
      tpu.wait_indirect_dma semaphore(%arg9 : memref<!tpu.dma_semaphore, #tpu.memory_space<semaphore_mem>>) src(%dma_wait3A_94 : memref<10000x128xf32, #tpu.memory_space<hbm>>) dst(%arg6 : memref<128x128xf32, #tpu.memory_space<vmem>>)
      %add3A_95 = arith.constant 40 : i32
      %add3A_96 = arith.addi %add3A_95, %mul3A_81 : i32
      "tpu.region"() ({
        %run_scoped3A = tpu.sem_alloc : memref<!tpu.dma_semaphore, #tpu.memory_space<semaphore_mem>>
        %dma_start3A_113 = arith.constant 0 : i32
        %dma_start3A_114 = tpu.memref_slice %arg5[%add3A_96, %dma_start3A_113] : memref<80x128xi32, #tpu.memory_space<vmem>> -> memref<1x128xi32, #tpu.memory_space<vmem>>
        %dma_start3A_115 = tpu.memref_squeeze %dma_start3A_114 : memref<1x128xi32, #tpu.memory_space<vmem>> -> memref<128xi32, #tpu.memory_space<vmem>>
        %dma_start3A_116 = arith.constant 0 : i32
        %dma_start3A_117 = arith.constant 0 : i32
        %dma_start3A_118 = tpu.memref_slice %arg8[%dma_start3A_116, %dma_start3A_117] : memref<10112x128xf32, #tpu.memory_space<vmem_shared>> -> memref<10112x128xf32, #tpu.memory_space<vmem_shared>>
        tpu.enqueue_indirect_dma source(%arg6 : memref<128x128xf32, #tpu.memory_space<vmem>>) target(%dma_start3A_118 : memref<10112x128xf32, #tpu.memory_space<vmem_shared>>) offsets(%dma_start3A_115 : memref<128xi32, #tpu.memory_space<vmem>>) semaphore(%run_scoped3A : memref<!tpu.dma_semaphore, #tpu.memory_space<semaphore_mem>>) {add = true}
        %dma_wait3A_119 = arith.constant 0 : i32
        %dma_wait3A_120 = tpu.memref_slice %arg5[%add3A_96, %dma_wait3A_119] : memref<80x128xi32, #tpu.memory_space<vmem>> -> memref<1x128xi32, #tpu.memory_space<vmem>>
        %dma_wait3A_121 = tpu.memref_squeeze %dma_wait3A_120 : memref<1x128xi32, #tpu.memory_space<vmem>> -> memref<128xi32, #tpu.memory_space<vmem>>
        %dma_wait3A_122 = arith.constant 0 : i32
        %dma_wait3A_123 = arith.constant 0 : i32
        %dma_wait3A_124 = tpu.memref_slice %arg8[%dma_wait3A_122, %dma_wait3A_123] : memref<10112x128xf32, #tpu.memory_space<vmem_shared>> -> memref<10112x128xf32, #tpu.memory_space<vmem_shared>>
        tpu.wait_indirect_dma semaphore(%run_scoped3A : memref<!tpu.dma_semaphore, #tpu.memory_space<semaphore_mem>>) src(%arg6 : memref<128x128xf32, #tpu.memory_space<vmem>>) dst(%dma_wait3A_124 : memref<10112x128xf32, #tpu.memory_space<vmem_shared>>)
        tpu.yield
      }) : () -> ()
      %add3A_97 = arith.constant 1 : i32
      %add3A_98 = arith.addi %scan3A_79, %add3A_97 : i32
      %lt3A = arith.constant 20 : i32
      %lt3A_99 = arith.cmpi slt, %add3A_98, %lt3A : i32
      %convert_element_type3A = arith.extui %lt3A_99 : i1 to i32
      %cond3A = arith.constant 0 : i32
      %cond3A_100 = arith.cmpi ne, %convert_element_type3A, %cond3A : i32
      scf.if %cond3A_100 {
        %add3A_113 = arith.constant 2 : i32
        %add3A_114 = arith.addi %mul3A_81, %add3A_113 : i32
        %dma_start3A_115 = arith.constant 0 : i32
        %dma_start3A_116 = tpu.memref_slice %arg5[%add3A_114, %dma_start3A_115] : memref<80x128xi32, #tpu.memory_space<vmem>> -> memref<1x128xi32, #tpu.memory_space<vmem>>
        %dma_start3A_117 = tpu.memref_squeeze %dma_start3A_116 : memref<1x128xi32, #tpu.memory_space<vmem>> -> memref<128xi32, #tpu.memory_space<vmem>>
        %dma_start3A_118 = arith.constant 0 : i32
        %dma_start3A_119 = arith.constant 0 : i32
        %dma_start3A_120 = tpu.memref_slice %arg2[%dma_start3A_118, %dma_start3A_119] : memref<10000x128xf32, #tpu.memory_space<hbm>> -> memref<10000x128xf32, #tpu.memory_space<hbm>>
        tpu.enqueue_indirect_dma source(%dma_start3A_120 : memref<10000x128xf32, #tpu.memory_space<hbm>>) target(%arg6 : memref<128x128xf32, #tpu.memory_space<vmem>>) offsets(%dma_start3A_117 : memref<128xi32, #tpu.memory_space<vmem>>) semaphore(%arg9 : memref<!tpu.dma_semaphore, #tpu.memory_space<semaphore_mem>>)
      } else {
      }
      %add3A_101 = arith.constant 1 : i32
      %add3A_102 = arith.addi %mul3A_81, %add3A_101 : i32
      %dma_wait3A_103 = arith.constant 0 : i32
      %dma_wait3A_104 = tpu.memref_slice %arg5[%add3A_102, %dma_wait3A_103] : memref<80x128xi32, #tpu.memory_space<vmem>> -> memref<1x128xi32, #tpu.memory_space<vmem>>
      %dma_wait3A_105 = tpu.memref_squeeze %dma_wait3A_104 : memref<1x128xi32, #tpu.memory_space<vmem>> -> memref<128xi32, #tpu.memory_space<vmem>>
      %dma_wait3A_106 = arith.constant 0 : i32
      %dma_wait3A_107 = arith.constant 0 : i32
      %dma_wait3A_108 = tpu.memref_slice %arg2[%dma_wait3A_106, %dma_wait3A_107] : memref<10000x128xf32, #tpu.memory_space<hbm>> -> memref<10000x128xf32, #tpu.memory_space<hbm>>
      tpu.wait_indirect_dma semaphore(%arg10 : memref<!tpu.dma_semaphore, #tpu.memory_space<semaphore_mem>>) src(%dma_wait3A_108 : memref<10000x128xf32, #tpu.memory_space<hbm>>) dst(%arg7 : memref<128x128xf32, #tpu.memory_space<vmem>>)
      %add3A_109 = arith.constant 40 : i32
      %add3A_110 = arith.addi %add3A_109, %mul3A_81 : i32
      %add3A_111 = arith.constant 1 : i32
      %add3A_112 = arith.addi %add3A_110, %add3A_111 : i32
      "tpu.region"() ({
        %run_scoped3A = tpu.sem_alloc : memref<!tpu.dma_semaphore, #tpu.memory_space<semaphore_mem>>
        %dma_start3A_113 = arith.constant 0 : i32
        %dma_start3A_114 = tpu.memref_slice %arg5[%add3A_112, %dma_start3A_113] : memref<80x128xi32, #tpu.memory_space<vmem>> -> memref<1x128xi32, #tpu.memory_space<vmem>>
        %dma_start3A_115 = tpu.memref_squeeze %dma_start3A_114 : memref<1x128xi32, #tpu.memory_space<vmem>> -> memref<128xi32, #tpu.memory_space<vmem>>
        %dma_start3A_116 = arith.constant 0 : i32
        %dma_start3A_117 = arith.constant 0 : i32
        %dma_start3A_118 = tpu.memref_slice %arg8[%dma_start3A_116, %dma_start3A_117] : memref<10112x128xf32, #tpu.memory_space<vmem_shared>> -> memref<10112x128xf32, #tpu.memory_space<vmem_shared>>
        tpu.enqueue_indirect_dma source(%arg7 : memref<128x128xf32, #tpu.memory_space<vmem>>) target(%dma_start3A_118 : memref<10112x128xf32, #tpu.memory_space<vmem_shared>>) offsets(%dma_start3A_115 : memref<128xi32, #tpu.memory_space<vmem>>) semaphore(%run_scoped3A : memref<!tpu.dma_semaphore, #tpu.memory_space<semaphore_mem>>) {add = true}
        %dma_wait3A_119 = arith.constant 0 : i32
        %dma_wait3A_120 = tpu.memref_slice %arg5[%add3A_112, %dma_wait3A_119] : memref<80x128xi32, #tpu.memory_space<vmem>> -> memref<1x128xi32, #tpu.memory_space<vmem>>
        %dma_wait3A_121 = tpu.memref_squeeze %dma_wait3A_120 : memref<1x128xi32, #tpu.memory_space<vmem>> -> memref<128xi32, #tpu.memory_space<vmem>>
        %dma_wait3A_122 = arith.constant 0 : i32
        %dma_wait3A_123 = arith.constant 0 : i32
        %dma_wait3A_124 = tpu.memref_slice %arg8[%dma_wait3A_122, %dma_wait3A_123] : memref<10112x128xf32, #tpu.memory_space<vmem_shared>> -> memref<10112x128xf32, #tpu.memory_space<vmem_shared>>
        tpu.wait_indirect_dma semaphore(%run_scoped3A : memref<!tpu.dma_semaphore, #tpu.memory_space<semaphore_mem>>) src(%arg7 : memref<128x128xf32, #tpu.memory_space<vmem>>) dst(%dma_wait3A_124 : memref<10112x128xf32, #tpu.memory_space<vmem_shared>>)
        tpu.yield
      }) : () -> ()
    }
    %scan3A_47 = arith.constant 20 : i32
    %mul3A_48 = arith.constant 2 : i32
    %mul3A_49 = arith.muli %add3A, %mul3A_48 : i32
    %add3A_50 = arith.constant 1 : i32
    %add3A_51 = arith.addi %mul3A_49, %add3A_50 : i32
    "tpu.region"() ({
      %run_scoped3A = tpu.sem_alloc : memref<!tpu.dma_semaphore, #tpu.memory_space<semaphore_mem>>
      %dma_start3A_79 = arith.constant 0 : i32
      %dma_start3A_80 = arith.constant 0 : i32
      %dma_start3A_81 = tpu.memref_slice %arg3[%add3A_51, %dma_start3A_79, %dma_start3A_80] : memref<64x80x128xi32, #tpu.memory_space<hbm>> -> memref<1x80x128xi32, #tpu.memory_space<hbm>>
      %dma_start3A_82 = tpu.memref_squeeze %dma_start3A_81 : memref<1x80x128xi32, #tpu.memory_space<hbm>> -> memref<80x128xi32, #tpu.memory_space<hbm>>
      %dma_start3A_83 = arith.constant 0 : i32
      %dma_start3A_84 = arith.constant 0 : i32
      %dma_start3A_85 = tpu.memref_slice %arg3[%add3A_51, %dma_start3A_83, %dma_start3A_84] : memref<64x80x128xi32, #tpu.memory_space<hbm>> -> memref<1x80x128xi32, #tpu.memory_space<hbm>>
      %dma_start3A_86 = tpu.memref_squeeze %dma_start3A_85 : memref<1x80x128xi32, #tpu.memory_space<hbm>> -> memref<80x128xi32, #tpu.memory_space<hbm>>
      tpu.enqueue_dma source(%dma_start3A_86 : memref<80x128xi32, #tpu.memory_space<hbm>>) target(%arg5 : memref<80x128xi32, #tpu.memory_space<vmem>>) target_semaphore(%run_scoped3A : memref<!tpu.dma_semaphore, #tpu.memory_space<semaphore_mem>>)
      %dma_wait3A = arith.constant 0 : i32
      %dma_wait3A_87 = arith.constant 0 : i32
      %dma_wait3A_88 = tpu.memref_slice %arg3[%add3A_51, %dma_wait3A, %dma_wait3A_87] : memref<64x80x128xi32, #tpu.memory_space<hbm>> -> memref<1x80x128xi32, #tpu.memory_space<hbm>>
      %dma_wait3A_89 = tpu.memref_squeeze %dma_wait3A_88 : memref<1x80x128xi32, #tpu.memory_space<hbm>> -> memref<80x128xi32, #tpu.memory_space<hbm>>
      %dma_wait3A_90 = arith.constant 0 : i32
      %dma_wait3A_91 = arith.constant 0 : i32
      %dma_wait3A_92 = tpu.memref_slice %arg3[%add3A_51, %dma_wait3A_90, %dma_wait3A_91] : memref<64x80x128xi32, #tpu.memory_space<hbm>> -> memref<1x80x128xi32, #tpu.memory_space<hbm>>
      %dma_wait3A_93 = tpu.memref_squeeze %dma_wait3A_92 : memref<1x80x128xi32, #tpu.memory_space<hbm>> -> memref<80x128xi32, #tpu.memory_space<hbm>>
      tpu.wait_dma2 semaphore(%run_scoped3A : memref<!tpu.dma_semaphore, #tpu.memory_space<semaphore_mem>>) src(%dma_wait3A_93 : memref<80x128xi32, #tpu.memory_space<hbm>>) dst(%arg5 : memref<80x128xi32, #tpu.memory_space<vmem>>)
      tpu.yield
    }) : () -> ()
    %scan3A_52 = arith.constant 0 : i32
    %scan3A_53 = arith.constant 0 : i32
    %scan3A_54 = arith.constant 40 : i32
    %scan3A_55 = arith.addi %scan3A_53, %scan3A_54 : i32
    %scan3A_56 = arith.constant 1 : i32
    scf.for %scan3A_79 = %scan3A_53 to %scan3A_55 step %scan3A_56  : i32 {
      %get3A = arith.index_cast %scan3A_79 : i32 to index
      %get3A_80 = arith.constant 0 : index
      %get3A_81 = tpu.vector_load %arg5[%get3A, %get3A_80] {strides = array<i32>} : memref<80x128xi32, #tpu.memory_space<vmem>>, vector<1x16xi32>,
      %get3A_82 = vector.shape_cast %get3A_81 : vector<1x16xi32> to vector<16xi32>
      %add3A_83 = arith.constant 40 : i32
      %add3A_84 = arith.addi %add3A_83, %scan3A_79 : i32
      %get3A_85 = arith.index_cast %add3A_84 : i32 to index
      %get3A_86 = arith.constant 0 : index
      %get3A_87 = tpu.vector_load %arg5[%get3A_85, %get3A_86] {strides = array<i32>} : memref<80x128xi32, #tpu.memory_space<vmem>>, vector<1x16xi32>,
      %get3A_88 = vector.shape_cast %get3A_87 : vector<1x16xi32> to vector<16xi32>
      %eq3A = arith.cmpi eq, %get3A_82, %get3A_88 : vector<16xi32>
      %broadcast_in_dim3A = arith.constant 10000 : i32
      %broadcast_in_dim3A_89 = vector.broadcast %broadcast_in_dim3A : i32 to vector<16xi32>
      %select_n3A = arith.select %eq3A, %broadcast_in_dim3A_89, %get3A_88 : vector<16xi1>, vector<16xi32>
      %add3A_90 = arith.constant 40 : i32
      %add3A_91 = arith.addi %add3A_90, %scan3A_79 : i32
      %swap3A = arith.index_cast %add3A_91 : i32 to index
      %swap3A_92 = arith.constant 0 : index
      %swap3A_93 = tpu.vector_load %arg5[%swap3A, %swap3A_92] {strides = array<i32>} : memref<80x128xi32, #tpu.memory_space<vmem>>, vector<1x16xi32>,
      %swap3A_94 = vector.shape_cast %swap3A_93 : vector<1x16xi32> to vector<16xi32>
      %swap3A_95 = vector.shape_cast %select_n3A : vector<16xi32> to vector<1x16xi32>
      tpu.vector_store %arg5[%swap3A, %swap3A_92], %swap3A_95 {strides = array<i32>} : memref<80x128xi32, #tpu.memory_space<vmem>>, vector<1x16xi32>,
      %get3A_96 = arith.index_cast %scan3A_79 : i32 to index
      %get3A_97 = arith.constant 16 : index
      %get3A_98 = tpu.vector_load %arg5[%get3A_96, %get3A_97] {strides = array<i32>} : memref<80x128xi32, #tpu.memory_space<vmem>>, vector<1x16xi32>,
      %get3A_99 = vector.shape_cast %get3A_98 : vector<1x16xi32> to vector<16xi32>
      %add3A_100 = arith.constant 40 : i32
      %add3A_101 = arith.addi %add3A_100, %scan3A_79 : i32
      %get3A_102 = arith.index_cast %add3A_101 : i32 to index
      %get3A_103 = arith.constant 16 : index
      %get3A_104 = tpu.vector_load %arg5[%get3A_102, %get3A_103] {strides = array<i32>} : memref<80x128xi32, #tpu.memory_space<vmem>>, vector<1x16xi32>,
      %get3A_105 = vector.shape_cast %get3A_104 : vector<1x16xi32> to vector<16xi32>
      %eq3A_106 = arith.cmpi eq, %get3A_99, %get3A_105 : vector<16xi32>
      %broadcast_in_dim3A_107 = arith.constant 10000 : i32
      %broadcast_in_dim3A_108 = vector.broadcast %broadcast_in_dim3A_107 : i32 to vector<16xi32>
      %select_n3A_109 = arith.select %eq3A_106, %broadcast_in_dim3A_108, %get3A_105 : vector<16xi1>, vector<16xi32>
      %add3A_110 = arith.constant 40 : i32
      %add3A_111 = arith.addi %add3A_110, %scan3A_79 : i32
      %swap3A_112 = arith.index_cast %add3A_111 : i32 to index
      %swap3A_113 = arith.constant 16 : index
      %swap3A_114 = tpu.vector_load %arg5[%swap3A_112, %swap3A_113] {strides = array<i32>} : memref<80x128xi32, #tpu.memory_space<vmem>>, vector<1x16xi32>,
      %swap3A_115 = vector.shape_cast %swap3A_114 : vector<1x16xi32> to vector<16xi32>
      %swap3A_116 = vector.shape_cast %select_n3A_109 : vector<16xi32> to vector<1x16xi32>
      tpu.vector_store %arg5[%swap3A_112, %swap3A_113], %swap3A_116 {strides = array<i32>} : memref<80x128xi32, #tpu.memory_space<vmem>>, vector<1x16xi32>,
      %get3A_117 = arith.index_cast %scan3A_79 : i32 to index
      %get3A_118 = arith.constant 32 : index
      %get3A_119 = tpu.vector_load %arg5[%get3A_117, %get3A_118] {strides = array<i32>} : memref<80x128xi32, #tpu.memory_space<vmem>>, vector<1x16xi32>,
      %get3A_120 = vector.shape_cast %get3A_119 : vector<1x16xi32> to vector<16xi32>
      %add3A_121 = arith.constant 40 : i32
      %add3A_122 = arith.addi %add3A_121, %scan3A_79 : i32
      %get3A_123 = arith.index_cast %add3A_122 : i32 to index
      %get3A_124 = arith.constant 32 : index
      %get3A_125 = tpu.vector_load %arg5[%get3A_123, %get3A_124] {strides = array<i32>} : memref<80x128xi32, #tpu.memory_space<vmem>>, vector<1x16xi32>,
      %get3A_126 = vector.shape_cast %get3A_125 : vector<1x16xi32> to vector<16xi32>
      %eq3A_127 = arith.cmpi eq, %get3A_120, %get3A_126 : vector<16xi32>
      %broadcast_in_dim3A_128 = arith.constant 10000 : i32
      %broadcast_in_dim3A_129 = vector.broadcast %broadcast_in_dim3A_128 : i32 to vector<16xi32>
      %select_n3A_130 = arith.select %eq3A_127, %broadcast_in_dim3A_129, %get3A_126 : vector<16xi1>, vector<16xi32>
      %add3A_131 = arith.constant 40 : i32
      %add3A_132 = arith.addi %add3A_131, %scan3A_79 : i32
      %swap3A_133 = arith.index_cast %add3A_132 : i32 to index
      %swap3A_134 = arith.constant 32 : index
      %swap3A_135 = tpu.vector_load %arg5[%swap3A_133, %swap3A_134] {strides = array<i32>} : memref<80x128xi32, #tpu.memory_space<vmem>>, vector<1x16xi32>,
      %swap3A_136 = vector.shape_cast %swap3A_135 : vector<1x16xi32> to vector<16xi32>
      %swap3A_137 = vector.shape_cast %select_n3A_130 : vector<16xi32> to vector<1x16xi32>
      tpu.vector_store %arg5[%swap3A_133, %swap3A_134], %swap3A_137 {strides = array<i32>} : memref<80x128xi32, #tpu.memory_space<vmem>>, vector<1x16xi32>,
      %get3A_138 = arith.index_cast %scan3A_79 : i32 to index
      %get3A_139 = arith.constant 48 : index
      %get3A_140 = tpu.vector_load %arg5[%get3A_138, %get3A_139] {strides = array<i32>} : memref<80x128xi32, #tpu.memory_space<vmem>>, vector<1x16xi32>,
      %get3A_141 = vector.shape_cast %get3A_140 : vector<1x16xi32> to vector<16xi32>
      %add3A_142 = arith.constant 40 : i32
      %add3A_143 = arith.addi %add3A_142, %scan3A_79 : i32
      %get3A_144 = arith.index_cast %add3A_143 : i32 to index
      %get3A_145 = arith.constant 48 : index
      %get3A_146 = tpu.vector_load %arg5[%get3A_144, %get3A_145] {strides = array<i32>} : memref<80x128xi32, #tpu.memory_space<vmem>>, vector<1x16xi32>,
      %get3A_147 = vector.shape_cast %get3A_146 : vector<1x16xi32> to vector<16xi32>
      %eq3A_148 = arith.cmpi eq, %get3A_141, %get3A_147 : vector<16xi32>
      %broadcast_in_dim3A_149 = arith.constant 10000 : i32
      %broadcast_in_dim3A_150 = vector.broadcast %broadcast_in_dim3A_149 : i32 to vector<16xi32>
      %select_n3A_151 = arith.select %eq3A_148, %broadcast_in_dim3A_150, %get3A_147 : vector<16xi1>, vector<16xi32>
      %add3A_152 = arith.constant 40 : i32
      %add3A_153 = arith.addi %add3A_152, %scan3A_79 : i32
      %swap3A_154 = arith.index_cast %add3A_153 : i32 to index
      %swap3A_155 = arith.constant 48 : index
      %swap3A_156 = tpu.vector_load %arg5[%swap3A_154, %swap3A_155] {strides = array<i32>} : memref<80x128xi32, #tpu.memory_space<vmem>>, vector<1x16xi32>,
      %swap3A_157 = vector.shape_cast %swap3A_156 : vector<1x16xi32> to vector<16xi32>
      %swap3A_158 = vector.shape_cast %select_n3A_151 : vector<16xi32> to vector<1x16xi32>
      tpu.vector_store %arg5[%swap3A_154, %swap3A_155], %swap3A_158 {strides = array<i32>} : memref<80x128xi32, #tpu.memory_space<vmem>>, vector<1x16xi32>,
      %get3A_159 = arith.index_cast %scan3A_79 : i32 to index
      %get3A_160 = arith.constant 64 : index
      %get3A_161 = tpu.vector_load %arg5[%get3A_159, %get3A_160] {strides = array<i32>} : memref<80x128xi32, #tpu.memory_space<vmem>>, vector<1x16xi32>,
      %get3A_162 = vector.shape_cast %get3A_161 : vector<1x16xi32> to vector<16xi32>
      %add3A_163 = arith.constant 40 : i32
      %add3A_164 = arith.addi %add3A_163, %scan3A_79 : i32
      %get3A_165 = arith.index_cast %add3A_164 : i32 to index
      %get3A_166 = arith.constant 64 : index
      %get3A_167 = tpu.vector_load %arg5[%get3A_165, %get3A_166] {strides = array<i32>} : memref<80x128xi32, #tpu.memory_space<vmem>>, vector<1x16xi32>,
      %get3A_168 = vector.shape_cast %get3A_167 : vector<1x16xi32> to vector<16xi32>
      %eq3A_169 = arith.cmpi eq, %get3A_162, %get3A_168 : vector<16xi32>
      %broadcast_in_dim3A_170 = arith.constant 10000 : i32
      %broadcast_in_dim3A_171 = vector.broadcast %broadcast_in_dim3A_170 : i32 to vector<16xi32>
      %select_n3A_172 = arith.select %eq3A_169, %broadcast_in_dim3A_171, %get3A_168 : vector<16xi1>, vector<16xi32>
      %add3A_173 = arith.constant 40 : i32
      %add3A_174 = arith.addi %add3A_173, %scan3A_79 : i32
      %swap3A_175 = arith.index_cast %add3A_174 : i32 to index
      %swap3A_176 = arith.constant 64 : index
      %swap3A_177 = tpu.vector_load %arg5[%swap3A_175, %swap3A_176] {strides = array<i32>} : memref<80x128xi32, #tpu.memory_space<vmem>>, vector<1x16xi32>,
      %swap3A_178 = vector.shape_cast %swap3A_177 : vector<1x16xi32> to vector<16xi32>
      %swap3A_179 = vector.shape_cast %select_n3A_172 : vector<16xi32> to vector<1x16xi32>
      tpu.vector_store %arg5[%swap3A_175, %swap3A_176], %swap3A_179 {strides = array<i32>} : memref<80x128xi32, #tpu.memory_space<vmem>>, vector<1x16xi32>,
      %get3A_180 = arith.index_cast %scan3A_79 : i32 to index
      %get3A_181 = arith.constant 80 : index
      %get3A_182 = tpu.vector_load %arg5[%get3A_180, %get3A_181] {strides = array<i32>} : memref<80x128xi32, #tpu.memory_space<vmem>>, vector<1x16xi32>,
      %get3A_183 = vector.shape_cast %get3A_182 : vector<1x16xi32> to vector<16xi32>
      %add3A_184 = arith.constant 40 : i32
      %add3A_185 = arith.addi %add3A_184, %scan3A_79 : i32
      %get3A_186 = arith.index_cast %add3A_185 : i32 to index
      %get3A_187 = arith.constant 80 : index
      %get3A_188 = tpu.vector_load %arg5[%get3A_186, %get3A_187] {strides = array<i32>} : memref<80x128xi32, #tpu.memory_space<vmem>>, vector<1x16xi32>,
      %get3A_189 = vector.shape_cast %get3A_188 : vector<1x16xi32> to vector<16xi32>
      %eq3A_190 = arith.cmpi eq, %get3A_183, %get3A_189 : vector<16xi32>
      %broadcast_in_dim3A_191 = arith.constant 10000 : i32
      %broadcast_in_dim3A_192 = vector.broadcast %broadcast_in_dim3A_191 : i32 to vector<16xi32>
      %select_n3A_193 = arith.select %eq3A_190, %broadcast_in_dim3A_192, %get3A_189 : vector<16xi1>, vector<16xi32>
      %add3A_194 = arith.constant 40 : i32
      %add3A_195 = arith.addi %add3A_194, %scan3A_79 : i32
      %swap3A_196 = arith.index_cast %add3A_195 : i32 to index
      %swap3A_197 = arith.constant 80 : index
      %swap3A_198 = tpu.vector_load %arg5[%swap3A_196, %swap3A_197] {strides = array<i32>} : memref<80x128xi32, #tpu.memory_space<vmem>>, vector<1x16xi32>,
      %swap3A_199 = vector.shape_cast %swap3A_198 : vector<1x16xi32> to vector<16xi32>
      %swap3A_200 = vector.shape_cast %select_n3A_193 : vector<16xi32> to vector<1x16xi32>
      tpu.vector_store %arg5[%swap3A_196, %swap3A_197], %swap3A_200 {strides = array<i32>} : memref<80x128xi32, #tpu.memory_space<vmem>>, vector<1x16xi32>,
      %get3A_201 = arith.index_cast %scan3A_79 : i32 to index
      %get3A_202 = arith.constant 96 : index
      %get3A_203 = tpu.vector_load %arg5[%get3A_201, %get3A_202] {strides = array<i32>} : memref<80x128xi32, #tpu.memory_space<vmem>>, vector<1x16xi32>,
      %get3A_204 = vector.shape_cast %get3A_203 : vector<1x16xi32> to vector<16xi32>
      %add3A_205 = arith.constant 40 : i32
      %add3A_206 = arith.addi %add3A_205, %scan3A_79 : i32
      %get3A_207 = arith.index_cast %add3A_206 : i32 to index
      %get3A_208 = arith.constant 96 : index
      %get3A_209 = tpu.vector_load %arg5[%get3A_207, %get3A_208] {strides = array<i32>} : memref<80x128xi32, #tpu.memory_space<vmem>>, vector<1x16xi32>,
      %get3A_210 = vector.shape_cast %get3A_209 : vector<1x16xi32> to vector<16xi32>
      %eq3A_211 = arith.cmpi eq, %get3A_204, %get3A_210 : vector<16xi32>
      %broadcast_in_dim3A_212 = arith.constant 10000 : i32
      %broadcast_in_dim3A_213 = vector.broadcast %broadcast_in_dim3A_212 : i32 to vector<16xi32>
      %select_n3A_214 = arith.select %eq3A_211, %broadcast_in_dim3A_213, %get3A_210 : vector<16xi1>, vector<16xi32>
      %add3A_215 = arith.constant 40 : i32
      %add3A_216 = arith.addi %add3A_215, %scan3A_79 : i32
      %swap3A_217 = arith.index_cast %add3A_216 : i32 to index
      %swap3A_218 = arith.constant 96 : index
      %swap3A_219 = tpu.vector_load %arg5[%swap3A_217, %swap3A_218] {strides = array<i32>} : memref<80x128xi32, #tpu.memory_space<vmem>>, vector<1x16xi32>,
      %swap3A_220 = vector.shape_cast %swap3A_219 : vector<1x16xi32> to vector<16xi32>
      %swap3A_221 = vector.shape_cast %select_n3A_214 : vector<16xi32> to vector<1x16xi32>
      tpu.vector_store %arg5[%swap3A_217, %swap3A_218], %swap3A_221 {strides = array<i32>} : memref<80x128xi32, #tpu.memory_space<vmem>>, vector<1x16xi32>,
      %get3A_222 = arith.index_cast %scan3A_79 : i32 to index
      %get3A_223 = arith.constant 112 : index
      %get3A_224 = tpu.vector_load %arg5[%get3A_222, %get3A_223] {strides = array<i32>} : memref<80x128xi32, #tpu.memory_space<vmem>>, vector<1x16xi32>,
      %get3A_225 = vector.shape_cast %get3A_224 : vector<1x16xi32> to vector<16xi32>
      %add3A_226 = arith.constant 40 : i32
      %add3A_227 = arith.addi %add3A_226, %scan3A_79 : i32
      %get3A_228 = arith.index_cast %add3A_227 : i32 to index
      %get3A_229 = arith.constant 112 : index
      %get3A_230 = tpu.vector_load %arg5[%get3A_228, %get3A_229] {strides = array<i32>} : memref<80x128xi32, #tpu.memory_space<vmem>>, vector<1x16xi32>,
      %get3A_231 = vector.shape_cast %get3A_230 : vector<1x16xi32> to vector<16xi32>
      %eq3A_232 = arith.cmpi eq, %get3A_225, %get3A_231 : vector<16xi32>
      %broadcast_in_dim3A_233 = arith.constant 10000 : i32
      %broadcast_in_dim3A_234 = vector.broadcast %broadcast_in_dim3A_233 : i32 to vector<16xi32>
      %select_n3A_235 = arith.select %eq3A_232, %broadcast_in_dim3A_234, %get3A_231 : vector<16xi1>, vector<16xi32>
      %add3A_236 = arith.constant 40 : i32
      %add3A_237 = arith.addi %add3A_236, %scan3A_79 : i32
      %swap3A_238 = arith.index_cast %add3A_237 : i32 to index
      %swap3A_239 = arith.constant 112 : index
      %swap3A_240 = tpu.vector_load %arg5[%swap3A_238, %swap3A_239] {strides = array<i32>} : memref<80x128xi32, #tpu.memory_space<vmem>>, vector<1x16xi32>,
      %swap3A_241 = vector.shape_cast %swap3A_240 : vector<1x16xi32> to vector<16xi32>
      %swap3A_242 = vector.shape_cast %select_n3A_235 : vector<16xi32> to vector<1x16xi32>
      tpu.vector_store %arg5[%swap3A_238, %swap3A_239], %swap3A_242 {strides = array<i32>} : memref<80x128xi32, #tpu.memory_space<vmem>>, vector<1x16xi32>,
    }
    %scan3A_57 = arith.constant 40 : i32
    %dma_start3A_58 = arith.constant 0 : i32
    %dma_start3A_59 = arith.constant 0 : i32
    %dma_start3A_60 = tpu.memref_slice %arg5[%dma_start3A_58, %dma_start3A_59] : memref<80x128xi32, #tpu.memory_space<vmem>> -> memref<1x128xi32, #tpu.memory_space<vmem>>
    %dma_start3A_61 = tpu.memref_squeeze %dma_start3A_60 : memref<1x128xi32, #tpu.memory_space<vmem>> -> memref<128xi32, #tpu.memory_space<vmem>>
    %dma_start3A_62 = arith.constant 0 : i32
    %dma_start3A_63 = arith.constant 0 : i32
    %dma_start3A_64 = tpu.memref_slice %arg2[%dma_start3A_62, %dma_start3A_63] : memref<10000x128xf32, #tpu.memory_space<hbm>> -> memref<10000x128xf32, #tpu.memory_space<hbm>>
    tpu.enqueue_indirect_dma source(%dma_start3A_64 : memref<10000x128xf32, #tpu.memory_space<hbm>>) target(%arg6 : memref<128x128xf32, #tpu.memory_space<vmem>>) offsets(%dma_start3A_61 : memref<128xi32, #tpu.memory_space<vmem>>) semaphore(%arg9 : memref<!tpu.dma_semaphore, #tpu.memory_space<semaphore_mem>>)
    %scan3A_65 = arith.constant 0 : i32
    %scan3A_66 = arith.constant 0 : i32
    %scan3A_67 = arith.constant 20 : i32
    %scan3A_68 = arith.addi %scan3A_66, %scan3A_67 : i32
    %scan3A_69 = arith.constant 1 : i32
    scf.for %scan3A_79 = %scan3A_66 to %scan3A_68 step %scan3A_69  : i32 {
      %mul3A_80 = arith.constant 2 : i32
      %mul3A_81 = arith.muli %mul3A_80, %scan3A_79 : i32
      %add3A_82 = arith.constant 1 : i32
      %add3A_83 = arith.addi %mul3A_81, %add3A_82 : i32
      %dma_start3A_84 = arith.constant 0 : i32
      %dma_start3A_85 = tpu.memref_slice %arg5[%add3A_83, %dma_start3A_84] : memref<80x128xi32, #tpu.memory_space<vmem>> -> memref<1x128xi32, #tpu.memory_space<vmem>>
      %dma_start3A_86 = tpu.memref_squeeze %dma_start3A_85 : memref<1x128xi32, #tpu.memory_space<vmem>> -> memref<128xi32, #tpu.memory_space<vmem>>
      %dma_start3A_87 = arith.constant 0 : i32
      %dma_start3A_88 = arith.constant 0 : i32
      %dma_start3A_89 = tpu.memref_slice %arg2[%dma_start3A_87, %dma_start3A_88] : memref<10000x128xf32, #tpu.memory_space<hbm>> -> memref<10000x128xf32, #tpu.memory_space<hbm>>
      tpu.enqueue_indirect_dma source(%dma_start3A_89 : memref<10000x128xf32, #tpu.memory_space<hbm>>) target(%arg7 : memref<128x128xf32, #tpu.memory_space<vmem>>) offsets(%dma_start3A_86 : memref<128xi32, #tpu.memory_space<vmem>>) semaphore(%arg10 : memref<!tpu.dma_semaphore, #tpu.memory_space<semaphore_mem>>)
      %dma_wait3A = arith.constant 0 : i32
      %dma_wait3A_90 = tpu.memref_slice %arg5[%mul3A_81, %dma_wait3A] : memref<80x128xi32, #tpu.memory_space<vmem>> -> memref<1x128xi32, #tpu.memory_space<vmem>>
      %dma_wait3A_91 = tpu.memref_squeeze %dma_wait3A_90 : memref<1x128xi32, #tpu.memory_space<vmem>> -> memref<128xi32, #tpu.memory_space<vmem>>
      %dma_wait3A_92 = arith.constant 0 : i32
      %dma_wait3A_93 = arith.constant 0 : i32
      %dma_wait3A_94 = tpu.memref_slice %arg2[%dma_wait3A_92, %dma_wait3A_93] : memref<10000x128xf32, #tpu.memory_space<hbm>> -> memref<10000x128xf32, #tpu.memory_space<hbm>>
      tpu.wait_indirect_dma semaphore(%arg9 : memref<!tpu.dma_semaphore, #tpu.memory_space<semaphore_mem>>) src(%dma_wait3A_94 : memref<10000x128xf32, #tpu.memory_space<hbm>>) dst(%arg6 : memref<128x128xf32, #tpu.memory_space<vmem>>)
      %add3A_95 = arith.constant 40 : i32
      %add3A_96 = arith.addi %add3A_95, %mul3A_81 : i32
      "tpu.region"() ({
        %run_scoped3A = tpu.sem_alloc : memref<!tpu.dma_semaphore, #tpu.memory_space<semaphore_mem>>
        %dma_start3A_113 = arith.constant 0 : i32
        %dma_start3A_114 = tpu.memref_slice %arg5[%add3A_96, %dma_start3A_113] : memref<80x128xi32, #tpu.memory_space<vmem>> -> memref<1x128xi32, #tpu.memory_space<vmem>>
        %dma_start3A_115 = tpu.memref_squeeze %dma_start3A_114 : memref<1x128xi32, #tpu.memory_space<vmem>> -> memref<128xi32, #tpu.memory_space<vmem>>
        %dma_start3A_116 = arith.constant 0 : i32
        %dma_start3A_117 = arith.constant 0 : i32
        %dma_start3A_118 = tpu.memref_slice %arg8[%dma_start3A_116, %dma_start3A_117] : memref<10112x128xf32, #tpu.memory_space<vmem_shared>> -> memref<10112x128xf32, #tpu.memory_space<vmem_shared>>
        tpu.enqueue_indirect_dma source(%arg6 : memref<128x128xf32, #tpu.memory_space<vmem>>) target(%dma_start3A_118 : memref<10112x128xf32, #tpu.memory_space<vmem_shared>>) offsets(%dma_start3A_115 : memref<128xi32, #tpu.memory_space<vmem>>) semaphore(%run_scoped3A : memref<!tpu.dma_semaphore, #tpu.memory_space<semaphore_mem>>) {add = true}
        %dma_wait3A_119 = arith.constant 0 : i32
        %dma_wait3A_120 = tpu.memref_slice %arg5[%add3A_96, %dma_wait3A_119] : memref<80x128xi32, #tpu.memory_space<vmem>> -> memref<1x128xi32, #tpu.memory_space<vmem>>
        %dma_wait3A_121 = tpu.memref_squeeze %dma_wait3A_120 : memref<1x128xi32, #tpu.memory_space<vmem>> -> memref<128xi32, #tpu.memory_space<vmem>>
        %dma_wait3A_122 = arith.constant 0 : i32
        %dma_wait3A_123 = arith.constant 0 : i32
        %dma_wait3A_124 = tpu.memref_slice %arg8[%dma_wait3A_122, %dma_wait3A_123] : memref<10112x128xf32, #tpu.memory_space<vmem_shared>> -> memref<10112x128xf32, #tpu.memory_space<vmem_shared>>
        tpu.wait_indirect_dma semaphore(%run_scoped3A : memref<!tpu.dma_semaphore, #tpu.memory_space<semaphore_mem>>) src(%arg6 : memref<128x128xf32, #tpu.memory_space<vmem>>) dst(%dma_wait3A_124 : memref<10112x128xf32, #tpu.memory_space<vmem_shared>>)
        tpu.yield
      }) : () -> ()
      %add3A_97 = arith.constant 1 : i32
      %add3A_98 = arith.addi %scan3A_79, %add3A_97 : i32
      %lt3A = arith.constant 20 : i32
      %lt3A_99 = arith.cmpi slt, %add3A_98, %lt3A : i32
      %convert_element_type3A = arith.extui %lt3A_99 : i1 to i32
      %cond3A = arith.constant 0 : i32
      %cond3A_100 = arith.cmpi ne, %convert_element_type3A, %cond3A : i32
      scf.if %cond3A_100 {
        %add3A_113 = arith.constant 2 : i32
        %add3A_114 = arith.addi %mul3A_81, %add3A_113 : i32
        %dma_start3A_115 = arith.constant 0 : i32
        %dma_start3A_116 = tpu.memref_slice %arg5[%add3A_114, %dma_start3A_115] : memref<80x128xi32, #tpu.memory_space<vmem>> -> memref<1x128xi32, #tpu.memory_space<vmem>>
        %dma_start3A_117 = tpu.memref_squeeze %dma_start3A_116 : memref<1x128xi32, #tpu.memory_space<vmem>> -> memref<128xi32, #tpu.memory_space<vmem>>
        %dma_start3A_118 = arith.constant 0 : i32
        %dma_start3A_119 = arith.constant 0 : i32
        %dma_start3A_120 = tpu.memref_slice %arg2[%dma_start3A_118, %dma_start3A_119] : memref<10000x128xf32, #tpu.memory_space<hbm>> -> memref<10000x128xf32, #tpu.memory_space<hbm>>
        tpu.enqueue_indirect_dma source(%dma_start3A_120 : memref<10000x128xf32, #tpu.memory_space<hbm>>) target(%arg6 : memref<128x128xf32, #tpu.memory_space<vmem>>) offsets(%dma_start3A_117 : memref<128xi32, #tpu.memory_space<vmem>>) semaphore(%arg9 : memref<!tpu.dma_semaphore, #tpu.memory_space<semaphore_mem>>)
      } else {
      }
      %add3A_101 = arith.constant 1 : i32
      %add3A_102 = arith.addi %mul3A_81, %add3A_101 : i32
      %dma_wait3A_103 = arith.constant 0 : i32
      %dma_wait3A_104 = tpu.memref_slice %arg5[%add3A_102, %dma_wait3A_103] : memref<80x128xi32, #tpu.memory_space<vmem>> -> memref<1x128xi32, #tpu.memory_space<vmem>>
      %dma_wait3A_105 = tpu.memref_squeeze %dma_wait3A_104 : memref<1x128xi32, #tpu.memory_space<vmem>> -> memref<128xi32, #tpu.memory_space<vmem>>
      %dma_wait3A_106 = arith.constant 0 : i32
      %dma_wait3A_107 = arith.constant 0 : i32
      %dma_wait3A_108 = tpu.memref_slice %arg2[%dma_wait3A_106, %dma_wait3A_107] : memref<10000x128xf32, #tpu.memory_space<hbm>> -> memref<10000x128xf32, #tpu.memory_space<hbm>>
      tpu.wait_indirect_dma semaphore(%arg10 : memref<!tpu.dma_semaphore, #tpu.memory_space<semaphore_mem>>) src(%dma_wait3A_108 : memref<10000x128xf32, #tpu.memory_space<hbm>>) dst(%arg7 : memref<128x128xf32, #tpu.memory_space<vmem>>)
      %add3A_109 = arith.constant 40 : i32
      %add3A_110 = arith.addi %add3A_109, %mul3A_81 : i32
      %add3A_111 = arith.constant 1 : i32
      %add3A_112 = arith.addi %add3A_110, %add3A_111 : i32
      "tpu.region"() ({
        %run_scoped3A = tpu.sem_alloc : memref<!tpu.dma_semaphore, #tpu.memory_space<semaphore_mem>>
        %dma_start3A_113 = arith.constant 0 : i32
        %dma_start3A_114 = tpu.memref_slice %arg5[%add3A_112, %dma_start3A_113] : memref<80x128xi32, #tpu.memory_space<vmem>> -> memref<1x128xi32, #tpu.memory_space<vmem>>
        %dma_start3A_115 = tpu.memref_squeeze %dma_start3A_114 : memref<1x128xi32, #tpu.memory_space<vmem>> -> memref<128xi32, #tpu.memory_space<vmem>>
        %dma_start3A_116 = arith.constant 0 : i32
        %dma_start3A_117 = arith.constant 0 : i32
        %dma_start3A_118 = tpu.memref_slice %arg8[%dma_start3A_116, %dma_start3A_117] : memref<10112x128xf32, #tpu.memory_space<vmem_shared>> -> memref<10112x128xf32, #tpu.memory_space<vmem_shared>>
        tpu.enqueue_indirect_dma source(%arg7 : memref<128x128xf32, #tpu.memory_space<vmem>>) target(%dma_start3A_118 : memref<10112x128xf32, #tpu.memory_space<vmem_shared>>) offsets(%dma_start3A_115 : memref<128xi32, #tpu.memory_space<vmem>>) semaphore(%run_scoped3A : memref<!tpu.dma_semaphore, #tpu.memory_space<semaphore_mem>>) {add = true}
        %dma_wait3A_119 = arith.constant 0 : i32
        %dma_wait3A_120 = tpu.memref_slice %arg5[%add3A_112, %dma_wait3A_119] : memref<80x128xi32, #tpu.memory_space<vmem>> -> memref<1x128xi32, #tpu.memory_space<vmem>>
        %dma_wait3A_121 = tpu.memref_squeeze %dma_wait3A_120 : memref<1x128xi32, #tpu.memory_space<vmem>> -> memref<128xi32, #tpu.memory_space<vmem>>
        %dma_wait3A_122 = arith.constant 0 : i32
        %dma_wait3A_123 = arith.constant 0 : i32
        %dma_wait3A_124 = tpu.memref_slice %arg8[%dma_wait3A_122, %dma_wait3A_123] : memref<10112x128xf32, #tpu.memory_space<vmem_shared>> -> memref<10112x128xf32, #tpu.memory_space<vmem_shared>>
        tpu.wait_indirect_dma semaphore(%run_scoped3A : memref<!tpu.dma_semaphore, #tpu.memory_space<semaphore_mem>>) src(%arg7 : memref<128x128xf32, #tpu.memory_space<vmem>>) dst(%dma_wait3A_124 : memref<10112x128xf32, #tpu.memory_space<vmem_shared>>)
        tpu.yield
      }) : () -> ()
    }
    %scan3A_70 = arith.constant 20 : i32
    %barrier3A_71 = arith.constant 0 : index
    tpu.barrier barrier_id(%barrier3A_71)
    %mul3A_72 = arith.constant 632 : i32
    %mul3A_73 = arith.muli %arg1, %mul3A_72 : i32
    %mul3A_74 = arith.constant 10112 : i32
    %mul3A_75 = arith.muli %arg0, %mul3A_74 : i32
    %mul3A_76 = arith.constant 632 : i32
    %mul3A_77 = arith.muli %arg1, %mul3A_76 : i32
    %add3A_78 = arith.addi %mul3A_75, %mul3A_77 : i32
    "tpu.region"() ({
      %run_scoped3A = tpu.sem_alloc : memref<!tpu.dma_semaphore, #tpu.memory_space<semaphore_mem>>
      %dma_start3A_79 = arith.constant 0 : i32
      %dma_start3A_80 = tpu.memref_slice %arg4[%add3A_78, %dma_start3A_79] : memref<20224x128xf32, #tpu.memory_space<hbm>> -> memref<632x128xf32, #tpu.memory_space<hbm>>
      %dma_start3A_81 = arith.constant 0 : i32
      %dma_start3A_82 = tpu.memref_slice %arg8[%mul3A_73, %dma_start3A_81] : memref<10112x128xf32, #tpu.memory_space<vmem_shared>> -> memref<632x128xf32, #tpu.memory_space<vmem_shared>>
      tpu.enqueue_dma source(%dma_start3A_82 : memref<632x128xf32, #tpu.memory_space<vmem_shared>>) target(%dma_start3A_80 : memref<632x128xf32, #tpu.memory_space<hbm>>) target_semaphore(%run_scoped3A : memref<!tpu.dma_semaphore, #tpu.memory_space<semaphore_mem>>)
      %dma_wait3A = arith.constant 0 : i32
      %dma_wait3A_83 = tpu.memref_slice %arg4[%add3A_78, %dma_wait3A] : memref<20224x128xf32, #tpu.memory_space<hbm>> -> memref<632x128xf32, #tpu.memory_space<hbm>>
      %dma_wait3A_84 = arith.constant 0 : i32
      %dma_wait3A_85 = tpu.memref_slice %arg8[%mul3A_73, %dma_wait3A_84] : memref<10112x128xf32, #tpu.memory_space<vmem_shared>> -> memref<632x128xf32, #tpu.memory_space<vmem_shared>>
      tpu.wait_dma2 semaphore(%run_scoped3A : memref<!tpu.dma_semaphore, #tpu.memory_space<semaphore_mem>>) src(%dma_wait3A_85 : memref<632x128xf32, #tpu.memory_space<vmem_shared>>) dst(%dma_wait3A_83 : memref<632x128xf32, #tpu.memory_space<hbm>>)
      tpu.yield
    }) : () -> ()
    return
  }
}

#map = affine_map<(d0, d1) -> (0, 0)>
#map1 = affine_map<(d0, d1) -> (0)>
module attributes {stable_mosaic.version = 14 : i64} {
  func.func @_cnt_body(%arg0: i32, %arg1: i32, %arg2: memref<2560x128xi32, #tpu.memory_space<hbm>>, %arg3: memref<2560x128xi32, #tpu.memory_space<hbm>>, %arg4: memref<20224xf32, #tpu.memory_space<hbm>>, %arg5: memref<80x128xi32, #tpu.memory_space<vmem>>, %arg6: memref<80x128xi32, #tpu.memory_space<vmem>>, %arg7: memref<640xf32, #tpu.memory_space<vmem>>, %arg8: memref<128xf32, #tpu.memory_space<vmem>>, %arg9: memref<10112xf32, #tpu.memory_space<vmem_shared>>) attributes {dimension_semantics = [#tpu.dimension_semantics<core_parallel>, #tpu.dimension_semantics<subcore_parallel>], iteration_bounds = array<i64: 2, 16>, scalar_prefetch = 0 : i64, scratch_operands = 5 : i64, tpu.core_type = #tpu.core_type<sc_vector_subcore>, window_params = [{transform_indices = #map}, {transform_indices = #map}, {transform_indices = #map1}]} {
    %mul3A = arith.constant 16 : i32
    %mul3A_0 = arith.muli %arg0, %mul3A : i32
    %add3A = arith.addi %mul3A_0, %arg1 : i32
    %mul3A_1 = arith.constant 80 : i32
    %mul3A_2 = arith.muli %add3A, %mul3A_1 : i32
    "tpu.region"() ({
      %run_scoped3A = tpu.sem_alloc : memref<!tpu.dma_semaphore, #tpu.memory_space<semaphore_mem>>
      %dma_start3A = arith.constant 0 : i32
      %dma_start3A_45 = tpu.memref_slice %arg2[%mul3A_2, %dma_start3A] : memref<2560x128xi32, #tpu.memory_space<hbm>> -> memref<80x128xi32, #tpu.memory_space<hbm>>
      %dma_start3A_46 = arith.constant 0 : i32
      %dma_start3A_47 = tpu.memref_slice %arg2[%mul3A_2, %dma_start3A_46] : memref<2560x128xi32, #tpu.memory_space<hbm>> -> memref<80x128xi32, #tpu.memory_space<hbm>>
      tpu.enqueue_dma source(%dma_start3A_47 : memref<80x128xi32, #tpu.memory_space<hbm>>) target(%arg5 : memref<80x128xi32, #tpu.memory_space<vmem>>) target_semaphore(%run_scoped3A : memref<!tpu.dma_semaphore, #tpu.memory_space<semaphore_mem>>)
      %dma_wait3A = arith.constant 0 : i32
      %dma_wait3A_48 = tpu.memref_slice %arg2[%mul3A_2, %dma_wait3A] : memref<2560x128xi32, #tpu.memory_space<hbm>> -> memref<80x128xi32, #tpu.memory_space<hbm>>
      %dma_wait3A_49 = arith.constant 0 : i32
      %dma_wait3A_50 = tpu.memref_slice %arg2[%mul3A_2, %dma_wait3A_49] : memref<2560x128xi32, #tpu.memory_space<hbm>> -> memref<80x128xi32, #tpu.memory_space<hbm>>
      tpu.wait_dma2 semaphore(%run_scoped3A : memref<!tpu.dma_semaphore, #tpu.memory_space<semaphore_mem>>) src(%dma_wait3A_50 : memref<80x128xi32, #tpu.memory_space<hbm>>) dst(%arg5 : memref<80x128xi32, #tpu.memory_space<vmem>>)
      tpu.yield
    }) : () -> ()
    %mul3A_3 = arith.constant 80 : i32
    %mul3A_4 = arith.muli %add3A, %mul3A_3 : i32
    "tpu.region"() ({
      %run_scoped3A = tpu.sem_alloc : memref<!tpu.dma_semaphore, #tpu.memory_space<semaphore_mem>>
      %dma_start3A = arith.constant 0 : i32
      %dma_start3A_45 = tpu.memref_slice %arg3[%mul3A_4, %dma_start3A] : memref<2560x128xi32, #tpu.memory_space<hbm>> -> memref<80x128xi32, #tpu.memory_space<hbm>>
      %dma_start3A_46 = arith.constant 0 : i32
      %dma_start3A_47 = tpu.memref_slice %arg3[%mul3A_4, %dma_start3A_46] : memref<2560x128xi32, #tpu.memory_space<hbm>> -> memref<80x128xi32, #tpu.memory_space<hbm>>
      tpu.enqueue_dma source(%dma_start3A_47 : memref<80x128xi32, #tpu.memory_space<hbm>>) target(%arg6 : memref<80x128xi32, #tpu.memory_space<vmem>>) target_semaphore(%run_scoped3A : memref<!tpu.dma_semaphore, #tpu.memory_space<semaphore_mem>>)
      %dma_wait3A = arith.constant 0 : i32
      %dma_wait3A_48 = tpu.memref_slice %arg3[%mul3A_4, %dma_wait3A] : memref<2560x128xi32, #tpu.memory_space<hbm>> -> memref<80x128xi32, #tpu.memory_space<hbm>>
      %dma_wait3A_49 = arith.constant 0 : i32
      %dma_wait3A_50 = tpu.memref_slice %arg3[%mul3A_4, %dma_wait3A_49] : memref<2560x128xi32, #tpu.memory_space<hbm>> -> memref<80x128xi32, #tpu.memory_space<hbm>>
      tpu.wait_dma2 semaphore(%run_scoped3A : memref<!tpu.dma_semaphore, #tpu.memory_space<semaphore_mem>>) src(%dma_wait3A_50 : memref<80x128xi32, #tpu.memory_space<hbm>>) dst(%arg6 : memref<80x128xi32, #tpu.memory_space<vmem>>)
      tpu.yield
    }) : () -> ()
    %scan3A = arith.constant 0 : i32
    %scan3A_5 = arith.constant 0 : i32
    %scan3A_6 = arith.constant 40 : i32
    %scan3A_7 = arith.addi %scan3A_5, %scan3A_6 : i32
    %scan3A_8 = arith.constant 1 : i32
    scf.for %scan3A_45 = %scan3A_5 to %scan3A_7 step %scan3A_8  : i32 {
      %broadcast_in_dim3A = arith.constant 0.000000e+00 : f32
      %broadcast_in_dim3A_46 = vector.broadcast %broadcast_in_dim3A : f32 to vector<16xf32>
      %mul3A_47 = arith.constant 16 : i32
      %mul3A_48 = arith.muli %scan3A_45, %mul3A_47 : i32
      %swap3A = arith.index_cast %mul3A_48 : i32 to index
      %swap3A_49 = tpu.vector_load %arg7[%swap3A] {strides = array<i32>} : memref<640xf32, #tpu.memory_space<vmem>>, vector<16xf32>,
      %swap3A_50 = vector.shape_cast %swap3A_49 : vector<16xf32> to vector<16xf32>
      %swap3A_51 = vector.shape_cast %broadcast_in_dim3A_46 : vector<16xf32> to vector<16xf32>
      tpu.vector_store %arg7[%swap3A], %swap3A_51 {strides = array<i32>} : memref<640xf32, #tpu.memory_space<vmem>>, vector<16xf32>,
    }
    %scan3A_9 = arith.constant 40 : i32
    %lt3A = arith.constant 15 : i32
    %lt3A_10 = arith.cmpi slt, %arg1, %lt3A : i32
    %convert_element_type3A = arith.extui %lt3A_10 : i1 to i32
    %cond3A = arith.constant 0 : i32
    %cond3A_11 = arith.cmpi ne, %convert_element_type3A, %cond3A : i32
    scf.if %cond3A_11 {
      %mul3A_45 = arith.constant 640 : i32
      %mul3A_46 = arith.muli %arg1, %mul3A_45 : i32
      "tpu.region"() ({
        %run_scoped3A = tpu.sem_alloc : memref<!tpu.dma_semaphore, #tpu.memory_space<semaphore_mem>>
        %dma_start3A = tpu.memref_slice %arg9[%mul3A_46] : memref<10112xf32, #tpu.memory_space<vmem_shared>> -> memref<640xf32, #tpu.memory_space<vmem_shared>>
        %dma_start3A_47 = tpu.memref_slice %arg9[%mul3A_46] : memref<10112xf32, #tpu.memory_space<vmem_shared>> -> memref<640xf32, #tpu.memory_space<vmem_shared>>
        tpu.enqueue_dma source(%arg7 : memref<640xf32, #tpu.memory_space<vmem>>) target(%dma_start3A_47 : memref<640xf32, #tpu.memory_space<vmem_shared>>) target_semaphore(%run_scoped3A : memref<!tpu.dma_semaphore, #tpu.memory_space<semaphore_mem>>)
        %dma_wait3A = tpu.memref_slice %arg9[%mul3A_46] : memref<10112xf32, #tpu.memory_space<vmem_shared>> -> memref<640xf32, #tpu.memory_space<vmem_shared>>
        %dma_wait3A_48 = tpu.memref_slice %arg9[%mul3A_46] : memref<10112xf32, #tpu.memory_space<vmem_shared>> -> memref<640xf32, #tpu.memory_space<vmem_shared>>
        tpu.wait_dma2 semaphore(%run_scoped3A : memref<!tpu.dma_semaphore, #tpu.memory_space<semaphore_mem>>) src(%arg7 : memref<640xf32, #tpu.memory_space<vmem>>) dst(%dma_wait3A_48 : memref<640xf32, #tpu.memory_space<vmem_shared>>)
        tpu.yield
      }) : () -> ()
    } else {
    }
    %eq3A = arith.constant 15 : i32
    %eq3A_12 = arith.cmpi eq, %arg1, %eq3A : i32
    %convert_element_type3A_13 = arith.extui %eq3A_12 : i1 to i32
    %cond3A_14 = arith.constant 0 : i32
    %cond3A_15 = arith.cmpi ne, %convert_element_type3A_13, %cond3A_14 : i32
    scf.if %cond3A_15 {
      "tpu.region"() ({
        %run_scoped3A = tpu.sem_alloc : memref<!tpu.dma_semaphore, #tpu.memory_space<semaphore_mem>>
        %dma_start3A = arith.constant 0 : i32
        %dma_start3A_45 = tpu.memref_slice %arg7[%dma_start3A] : memref<640xf32, #tpu.memory_space<vmem>> -> memref<512xf32, #tpu.memory_space<vmem>>
        %dma_start3A_46 = arith.constant 9600 : i32
        %dma_start3A_47 = tpu.memref_slice %arg9[%dma_start3A_46] : memref<10112xf32, #tpu.memory_space<vmem_shared>> -> memref<512xf32, #tpu.memory_space<vmem_shared>>
        %dma_start3A_48 = arith.constant 9600 : i32
        %dma_start3A_49 = tpu.memref_slice %arg9[%dma_start3A_48] : memref<10112xf32, #tpu.memory_space<vmem_shared>> -> memref<512xf32, #tpu.memory_space<vmem_shared>>
        %dma_start3A_50 = arith.constant 0 : i32
        %dma_start3A_51 = tpu.memref_slice %arg7[%dma_start3A_50] : memref<640xf32, #tpu.memory_space<vmem>> -> memref<512xf32, #tpu.memory_space<vmem>>
        tpu.enqueue_dma source(%dma_start3A_51 : memref<512xf32, #tpu.memory_space<vmem>>) target(%dma_start3A_49 : memref<512xf32, #tpu.memory_space<vmem_shared>>) target_semaphore(%run_scoped3A : memref<!tpu.dma_semaphore, #tpu.memory_space<semaphore_mem>>)
        %dma_wait3A = arith.constant 0 : i32
        %dma_wait3A_52 = tpu.memref_slice %arg7[%dma_wait3A] : memref<640xf32, #tpu.memory_space<vmem>> -> memref<512xf32, #tpu.memory_space<vmem>>
        %dma_wait3A_53 = arith.constant 9600 : i32
        %dma_wait3A_54 = tpu.memref_slice %arg9[%dma_wait3A_53] : memref<10112xf32, #tpu.memory_space<vmem_shared>> -> memref<512xf32, #tpu.memory_space<vmem_shared>>
        %dma_wait3A_55 = arith.constant 9600 : i32
        %dma_wait3A_56 = tpu.memref_slice %arg9[%dma_wait3A_55] : memref<10112xf32, #tpu.memory_space<vmem_shared>> -> memref<512xf32, #tpu.memory_space<vmem_shared>>
        %dma_wait3A_57 = arith.constant 0 : i32
        %dma_wait3A_58 = tpu.memref_slice %arg7[%dma_wait3A_57] : memref<640xf32, #tpu.memory_space<vmem>> -> memref<512xf32, #tpu.memory_space<vmem>>
        tpu.wait_dma2 semaphore(%run_scoped3A : memref<!tpu.dma_semaphore, #tpu.memory_space<semaphore_mem>>) src(%dma_wait3A_58 : memref<512xf32, #tpu.memory_space<vmem>>) dst(%dma_wait3A_56 : memref<512xf32, #tpu.memory_space<vmem_shared>>)
        tpu.yield
      }) : () -> ()
    } else {
    }
    %scan3A_16 = arith.constant 0 : i32
    %scan3A_17 = arith.constant 0 : i32
    %scan3A_18 = arith.constant 8 : i32
    %scan3A_19 = arith.addi %scan3A_17, %scan3A_18 : i32
    %scan3A_20 = arith.constant 1 : i32
    scf.for %scan3A_45 = %scan3A_17 to %scan3A_19 step %scan3A_20  : i32 {
      %broadcast_in_dim3A = arith.constant 1.000000e+00 : f32
      %broadcast_in_dim3A_46 = vector.broadcast %broadcast_in_dim3A : f32 to vector<16xf32>
      %mul3A_47 = arith.constant 16 : i32
      %mul3A_48 = arith.muli %scan3A_45, %mul3A_47 : i32
      %swap3A = arith.index_cast %mul3A_48 : i32 to index
      %swap3A_49 = tpu.vector_load %arg8[%swap3A] {strides = array<i32>} : memref<128xf32, #tpu.memory_space<vmem>>, vector<16xf32>,
      %swap3A_50 = vector.shape_cast %swap3A_49 : vector<16xf32> to vector<16xf32>
      %swap3A_51 = vector.shape_cast %broadcast_in_dim3A_46 : vector<16xf32> to vector<16xf32>
      tpu.vector_store %arg8[%swap3A], %swap3A_51 {strides = array<i32>} : memref<128xf32, #tpu.memory_space<vmem>>, vector<16xf32>,
    }
    %scan3A_21 = arith.constant 8 : i32
    %scan3A_22 = arith.constant 0 : i32
    %scan3A_23 = arith.constant 0 : i32
    %scan3A_24 = arith.constant 80 : i32
    %scan3A_25 = arith.addi %scan3A_23, %scan3A_24 : i32
    %scan3A_26 = arith.constant 1 : i32
    scf.for %scan3A_45 = %scan3A_23 to %scan3A_25 step %scan3A_26  : i32 {
      %get3A = arith.index_cast %scan3A_45 : i32 to index
      %get3A_46 = arith.constant 0 : index
      %get3A_47 = tpu.vector_load %arg5[%get3A, %get3A_46] {strides = array<i32>} : memref<80x128xi32, #tpu.memory_space<vmem>>, vector<1x16xi32>,
      %get3A_48 = vector.shape_cast %get3A_47 : vector<1x16xi32> to vector<16xi32>
      %get3A_49 = arith.index_cast %scan3A_45 : i32 to index
      %get3A_50 = arith.constant 0 : index
      %get3A_51 = tpu.vector_load %arg6[%get3A_49, %get3A_50] {strides = array<i32>} : memref<80x128xi32, #tpu.memory_space<vmem>>, vector<1x16xi32>,
      %get3A_52 = vector.shape_cast %get3A_51 : vector<1x16xi32> to vector<16xi32>
      %eq3A_53 = arith.cmpi eq, %get3A_48, %get3A_52 : vector<16xi32>
      %broadcast_in_dim3A = arith.constant 10000 : i32
      %broadcast_in_dim3A_54 = vector.broadcast %broadcast_in_dim3A : i32 to vector<16xi32>
      %select_n3A = arith.select %eq3A_53, %broadcast_in_dim3A_54, %get3A_52 : vector<16xi1>, vector<16xi32>
      %swap3A = arith.index_cast %scan3A_45 : i32 to index
      %swap3A_55 = arith.constant 0 : index
      %swap3A_56 = tpu.vector_load %arg6[%swap3A, %swap3A_55] {strides = array<i32>} : memref<80x128xi32, #tpu.memory_space<vmem>>, vector<1x16xi32>,
      %swap3A_57 = vector.shape_cast %swap3A_56 : vector<1x16xi32> to vector<16xi32>
      %swap3A_58 = vector.shape_cast %select_n3A : vector<16xi32> to vector<1x16xi32>
      tpu.vector_store %arg6[%swap3A, %swap3A_55], %swap3A_58 {strides = array<i32>} : memref<80x128xi32, #tpu.memory_space<vmem>>, vector<1x16xi32>,
      %get3A_59 = arith.index_cast %scan3A_45 : i32 to index
      %get3A_60 = arith.constant 16 : index
      %get3A_61 = tpu.vector_load %arg5[%get3A_59, %get3A_60] {strides = array<i32>} : memref<80x128xi32, #tpu.memory_space<vmem>>, vector<1x16xi32>,
      %get3A_62 = vector.shape_cast %get3A_61 : vector<1x16xi32> to vector<16xi32>
      %get3A_63 = arith.index_cast %scan3A_45 : i32 to index
      %get3A_64 = arith.constant 16 : index
      %get3A_65 = tpu.vector_load %arg6[%get3A_63, %get3A_64] {strides = array<i32>} : memref<80x128xi32, #tpu.memory_space<vmem>>, vector<1x16xi32>,
      %get3A_66 = vector.shape_cast %get3A_65 : vector<1x16xi32> to vector<16xi32>
      %eq3A_67 = arith.cmpi eq, %get3A_62, %get3A_66 : vector<16xi32>
      %broadcast_in_dim3A_68 = arith.constant 10000 : i32
      %broadcast_in_dim3A_69 = vector.broadcast %broadcast_in_dim3A_68 : i32 to vector<16xi32>
      %select_n3A_70 = arith.select %eq3A_67, %broadcast_in_dim3A_69, %get3A_66 : vector<16xi1>, vector<16xi32>
      %swap3A_71 = arith.index_cast %scan3A_45 : i32 to index
      %swap3A_72 = arith.constant 16 : index
      %swap3A_73 = tpu.vector_load %arg6[%swap3A_71, %swap3A_72] {strides = array<i32>} : memref<80x128xi32, #tpu.memory_space<vmem>>, vector<1x16xi32>,
      %swap3A_74 = vector.shape_cast %swap3A_73 : vector<1x16xi32> to vector<16xi32>
      %swap3A_75 = vector.shape_cast %select_n3A_70 : vector<16xi32> to vector<1x16xi32>
      tpu.vector_store %arg6[%swap3A_71, %swap3A_72], %swap3A_75 {strides = array<i32>} : memref<80x128xi32, #tpu.memory_space<vmem>>, vector<1x16xi32>,
      %get3A_76 = arith.index_cast %scan3A_45 : i32 to index
      %get3A_77 = arith.constant 32 : index
      %get3A_78 = tpu.vector_load %arg5[%get3A_76, %get3A_77] {strides = array<i32>} : memref<80x128xi32, #tpu.memory_space<vmem>>, vector<1x16xi32>,
      %get3A_79 = vector.shape_cast %get3A_78 : vector<1x16xi32> to vector<16xi32>
      %get3A_80 = arith.index_cast %scan3A_45 : i32 to index
      %get3A_81 = arith.constant 32 : index
      %get3A_82 = tpu.vector_load %arg6[%get3A_80, %get3A_81] {strides = array<i32>} : memref<80x128xi32, #tpu.memory_space<vmem>>, vector<1x16xi32>,
      %get3A_83 = vector.shape_cast %get3A_82 : vector<1x16xi32> to vector<16xi32>
      %eq3A_84 = arith.cmpi eq, %get3A_79, %get3A_83 : vector<16xi32>
      %broadcast_in_dim3A_85 = arith.constant 10000 : i32
      %broadcast_in_dim3A_86 = vector.broadcast %broadcast_in_dim3A_85 : i32 to vector<16xi32>
      %select_n3A_87 = arith.select %eq3A_84, %broadcast_in_dim3A_86, %get3A_83 : vector<16xi1>, vector<16xi32>
      %swap3A_88 = arith.index_cast %scan3A_45 : i32 to index
      %swap3A_89 = arith.constant 32 : index
      %swap3A_90 = tpu.vector_load %arg6[%swap3A_88, %swap3A_89] {strides = array<i32>} : memref<80x128xi32, #tpu.memory_space<vmem>>, vector<1x16xi32>,
      %swap3A_91 = vector.shape_cast %swap3A_90 : vector<1x16xi32> to vector<16xi32>
      %swap3A_92 = vector.shape_cast %select_n3A_87 : vector<16xi32> to vector<1x16xi32>
      tpu.vector_store %arg6[%swap3A_88, %swap3A_89], %swap3A_92 {strides = array<i32>} : memref<80x128xi32, #tpu.memory_space<vmem>>, vector<1x16xi32>,
      %get3A_93 = arith.index_cast %scan3A_45 : i32 to index
      %get3A_94 = arith.constant 48 : index
      %get3A_95 = tpu.vector_load %arg5[%get3A_93, %get3A_94] {strides = array<i32>} : memref<80x128xi32, #tpu.memory_space<vmem>>, vector<1x16xi32>,
      %get3A_96 = vector.shape_cast %get3A_95 : vector<1x16xi32> to vector<16xi32>
      %get3A_97 = arith.index_cast %scan3A_45 : i32 to index
      %get3A_98 = arith.constant 48 : index
      %get3A_99 = tpu.vector_load %arg6[%get3A_97, %get3A_98] {strides = array<i32>} : memref<80x128xi32, #tpu.memory_space<vmem>>, vector<1x16xi32>,
      %get3A_100 = vector.shape_cast %get3A_99 : vector<1x16xi32> to vector<16xi32>
      %eq3A_101 = arith.cmpi eq, %get3A_96, %get3A_100 : vector<16xi32>
      %broadcast_in_dim3A_102 = arith.constant 10000 : i32
      %broadcast_in_dim3A_103 = vector.broadcast %broadcast_in_dim3A_102 : i32 to vector<16xi32>
      %select_n3A_104 = arith.select %eq3A_101, %broadcast_in_dim3A_103, %get3A_100 : vector<16xi1>, vector<16xi32>
      %swap3A_105 = arith.index_cast %scan3A_45 : i32 to index
      %swap3A_106 = arith.constant 48 : index
      %swap3A_107 = tpu.vector_load %arg6[%swap3A_105, %swap3A_106] {strides = array<i32>} : memref<80x128xi32, #tpu.memory_space<vmem>>, vector<1x16xi32>,
      %swap3A_108 = vector.shape_cast %swap3A_107 : vector<1x16xi32> to vector<16xi32>
      %swap3A_109 = vector.shape_cast %select_n3A_104 : vector<16xi32> to vector<1x16xi32>
      tpu.vector_store %arg6[%swap3A_105, %swap3A_106], %swap3A_109 {strides = array<i32>} : memref<80x128xi32, #tpu.memory_space<vmem>>, vector<1x16xi32>,
      %get3A_110 = arith.index_cast %scan3A_45 : i32 to index
      %get3A_111 = arith.constant 64 : index
      %get3A_112 = tpu.vector_load %arg5[%get3A_110, %get3A_111] {strides = array<i32>} : memref<80x128xi32, #tpu.memory_space<vmem>>, vector<1x16xi32>,
      %get3A_113 = vector.shape_cast %get3A_112 : vector<1x16xi32> to vector<16xi32>
      %get3A_114 = arith.index_cast %scan3A_45 : i32 to index
      %get3A_115 = arith.constant 64 : index
      %get3A_116 = tpu.vector_load %arg6[%get3A_114, %get3A_115] {strides = array<i32>} : memref<80x128xi32, #tpu.memory_space<vmem>>, vector<1x16xi32>,
      %get3A_117 = vector.shape_cast %get3A_116 : vector<1x16xi32> to vector<16xi32>
      %eq3A_118 = arith.cmpi eq, %get3A_113, %get3A_117 : vector<16xi32>
      %broadcast_in_dim3A_119 = arith.constant 10000 : i32
      %broadcast_in_dim3A_120 = vector.broadcast %broadcast_in_dim3A_119 : i32 to vector<16xi32>
      %select_n3A_121 = arith.select %eq3A_118, %broadcast_in_dim3A_120, %get3A_117 : vector<16xi1>, vector<16xi32>
      %swap3A_122 = arith.index_cast %scan3A_45 : i32 to index
      %swap3A_123 = arith.constant 64 : index
      %swap3A_124 = tpu.vector_load %arg6[%swap3A_122, %swap3A_123] {strides = array<i32>} : memref<80x128xi32, #tpu.memory_space<vmem>>, vector<1x16xi32>,
      %swap3A_125 = vector.shape_cast %swap3A_124 : vector<1x16xi32> to vector<16xi32>
      %swap3A_126 = vector.shape_cast %select_n3A_121 : vector<16xi32> to vector<1x16xi32>
      tpu.vector_store %arg6[%swap3A_122, %swap3A_123], %swap3A_126 {strides = array<i32>} : memref<80x128xi32, #tpu.memory_space<vmem>>, vector<1x16xi32>,
      %get3A_127 = arith.index_cast %scan3A_45 : i32 to index
      %get3A_128 = arith.constant 80 : index
      %get3A_129 = tpu.vector_load %arg5[%get3A_127, %get3A_128] {strides = array<i32>} : memref<80x128xi32, #tpu.memory_space<vmem>>, vector<1x16xi32>,
      %get3A_130 = vector.shape_cast %get3A_129 : vector<1x16xi32> to vector<16xi32>
      %get3A_131 = arith.index_cast %scan3A_45 : i32 to index
      %get3A_132 = arith.constant 80 : index
      %get3A_133 = tpu.vector_load %arg6[%get3A_131, %get3A_132] {strides = array<i32>} : memref<80x128xi32, #tpu.memory_space<vmem>>, vector<1x16xi32>,
      %get3A_134 = vector.shape_cast %get3A_133 : vector<1x16xi32> to vector<16xi32>
      %eq3A_135 = arith.cmpi eq, %get3A_130, %get3A_134 : vector<16xi32>
      %broadcast_in_dim3A_136 = arith.constant 10000 : i32
      %broadcast_in_dim3A_137 = vector.broadcast %broadcast_in_dim3A_136 : i32 to vector<16xi32>
      %select_n3A_138 = arith.select %eq3A_135, %broadcast_in_dim3A_137, %get3A_134 : vector<16xi1>, vector<16xi32>
      %swap3A_139 = arith.index_cast %scan3A_45 : i32 to index
      %swap3A_140 = arith.constant 80 : index
      %swap3A_141 = tpu.vector_load %arg6[%swap3A_139, %swap3A_140] {strides = array<i32>} : memref<80x128xi32, #tpu.memory_space<vmem>>, vector<1x16xi32>,
      %swap3A_142 = vector.shape_cast %swap3A_141 : vector<1x16xi32> to vector<16xi32>
      %swap3A_143 = vector.shape_cast %select_n3A_138 : vector<16xi32> to vector<1x16xi32>
      tpu.vector_store %arg6[%swap3A_139, %swap3A_140], %swap3A_143 {strides = array<i32>} : memref<80x128xi32, #tpu.memory_space<vmem>>, vector<1x16xi32>,
      %get3A_144 = arith.index_cast %scan3A_45 : i32 to index
      %get3A_145 = arith.constant 96 : index
      %get3A_146 = tpu.vector_load %arg5[%get3A_144, %get3A_145] {strides = array<i32>} : memref<80x128xi32, #tpu.memory_space<vmem>>, vector<1x16xi32>,
      %get3A_147 = vector.shape_cast %get3A_146 : vector<1x16xi32> to vector<16xi32>
      %get3A_148 = arith.index_cast %scan3A_45 : i32 to index
      %get3A_149 = arith.constant 96 : index
      %get3A_150 = tpu.vector_load %arg6[%get3A_148, %get3A_149] {strides = array<i32>} : memref<80x128xi32, #tpu.memory_space<vmem>>, vector<1x16xi32>,
      %get3A_151 = vector.shape_cast %get3A_150 : vector<1x16xi32> to vector<16xi32>
      %eq3A_152 = arith.cmpi eq, %get3A_147, %get3A_151 : vector<16xi32>
      %broadcast_in_dim3A_153 = arith.constant 10000 : i32
      %broadcast_in_dim3A_154 = vector.broadcast %broadcast_in_dim3A_153 : i32 to vector<16xi32>
      %select_n3A_155 = arith.select %eq3A_152, %broadcast_in_dim3A_154, %get3A_151 : vector<16xi1>, vector<16xi32>
      %swap3A_156 = arith.index_cast %scan3A_45 : i32 to index
      %swap3A_157 = arith.constant 96 : index
      %swap3A_158 = tpu.vector_load %arg6[%swap3A_156, %swap3A_157] {strides = array<i32>} : memref<80x128xi32, #tpu.memory_space<vmem>>, vector<1x16xi32>,
      %swap3A_159 = vector.shape_cast %swap3A_158 : vector<1x16xi32> to vector<16xi32>
      %swap3A_160 = vector.shape_cast %select_n3A_155 : vector<16xi32> to vector<1x16xi32>
      tpu.vector_store %arg6[%swap3A_156, %swap3A_157], %swap3A_160 {strides = array<i32>} : memref<80x128xi32, #tpu.memory_space<vmem>>, vector<1x16xi32>,
      %get3A_161 = arith.index_cast %scan3A_45 : i32 to index
      %get3A_162 = arith.constant 112 : index
      %get3A_163 = tpu.vector_load %arg5[%get3A_161, %get3A_162] {strides = array<i32>} : memref<80x128xi32, #tpu.memory_space<vmem>>, vector<1x16xi32>,
      %get3A_164 = vector.shape_cast %get3A_163 : vector<1x16xi32> to vector<16xi32>
      %get3A_165 = arith.index_cast %scan3A_45 : i32 to index
      %get3A_166 = arith.constant 112 : index
      %get3A_167 = tpu.vector_load %arg6[%get3A_165, %get3A_166] {strides = array<i32>} : memref<80x128xi32, #tpu.memory_space<vmem>>, vector<1x16xi32>,
      %get3A_168 = vector.shape_cast %get3A_167 : vector<1x16xi32> to vector<16xi32>
      %eq3A_169 = arith.cmpi eq, %get3A_164, %get3A_168 : vector<16xi32>
      %broadcast_in_dim3A_170 = arith.constant 10000 : i32
      %broadcast_in_dim3A_171 = vector.broadcast %broadcast_in_dim3A_170 : i32 to vector<16xi32>
      %select_n3A_172 = arith.select %eq3A_169, %broadcast_in_dim3A_171, %get3A_168 : vector<16xi1>, vector<16xi32>
      %swap3A_173 = arith.index_cast %scan3A_45 : i32 to index
      %swap3A_174 = arith.constant 112 : index
      %swap3A_175 = tpu.vector_load %arg6[%swap3A_173, %swap3A_174] {strides = array<i32>} : memref<80x128xi32, #tpu.memory_space<vmem>>, vector<1x16xi32>,
      %swap3A_176 = vector.shape_cast %swap3A_175 : vector<1x16xi32> to vector<16xi32>
      %swap3A_177 = vector.shape_cast %select_n3A_172 : vector<16xi32> to vector<1x16xi32>
      tpu.vector_store %arg6[%swap3A_173, %swap3A_174], %swap3A_177 {strides = array<i32>} : memref<80x128xi32, #tpu.memory_space<vmem>>, vector<1x16xi32>,
    }
    %scan3A_27 = arith.constant 80 : i32
    %barrier3A = arith.constant 0 : index
    tpu.barrier barrier_id(%barrier3A)
    %scan3A_28 = arith.constant 0 : i32
    %scan3A_29 = arith.constant 0 : i32
    %scan3A_30 = arith.constant 80 : i32
    %scan3A_31 = arith.addi %scan3A_29, %scan3A_30 : i32
    %scan3A_32 = arith.constant 1 : i32
    scf.for %scan3A_45 = %scan3A_29 to %scan3A_31 step %scan3A_32  : i32 {
      "tpu.region"() ({
        %run_scoped3A = tpu.sem_alloc : memref<!tpu.dma_semaphore, #tpu.memory_space<semaphore_mem>>
        %dma_start3A = arith.constant 0 : i32
        %dma_start3A_46 = tpu.memref_slice %arg6[%scan3A_45, %dma_start3A] : memref<80x128xi32, #tpu.memory_space<vmem>> -> memref<1x128xi32, #tpu.memory_space<vmem>>
        %dma_start3A_47 = tpu.memref_squeeze %dma_start3A_46 : memref<1x128xi32, #tpu.memory_space<vmem>> -> memref<128xi32, #tpu.memory_space<vmem>>
        %dma_start3A_48 = arith.constant 0 : i32
        %dma_start3A_49 = tpu.memref_slice %arg9[%dma_start3A_48] : memref<10112xf32, #tpu.memory_space<vmem_shared>> -> memref<10112xf32, #tpu.memory_space<vmem_shared>>
        tpu.enqueue_indirect_dma source(%arg8 : memref<128xf32, #tpu.memory_space<vmem>>) target(%dma_start3A_49 : memref<10112xf32, #tpu.memory_space<vmem_shared>>) offsets(%dma_start3A_47 : memref<128xi32, #tpu.memory_space<vmem>>) semaphore(%run_scoped3A : memref<!tpu.dma_semaphore, #tpu.memory_space<semaphore_mem>>) {add = true}
        %dma_wait3A = arith.constant 0 : i32
        %dma_wait3A_50 = tpu.memref_slice %arg6[%scan3A_45, %dma_wait3A] : memref<80x128xi32, #tpu.memory_space<vmem>> -> memref<1x128xi32, #tpu.memory_space<vmem>>
        %dma_wait3A_51 = tpu.memref_squeeze %dma_wait3A_50 : memref<1x128xi32, #tpu.memory_space<vmem>> -> memref<128xi32, #tpu.memory_space<vmem>>
        %dma_wait3A_52 = arith.constant 0 : i32
        %dma_wait3A_53 = tpu.memref_slice %arg9[%dma_wait3A_52] : memref<10112xf32, #tpu.memory_space<vmem_shared>> -> memref<10112xf32, #tpu.memory_space<vmem_shared>>
        tpu.wait_indirect_dma semaphore(%run_scoped3A : memref<!tpu.dma_semaphore, #tpu.memory_space<semaphore_mem>>) src(%arg8 : memref<128xf32, #tpu.memory_space<vmem>>) dst(%dma_wait3A_53 : memref<10112xf32, #tpu.memory_space<vmem_shared>>)
        tpu.yield
      }) : () -> ()
    }
    %scan3A_33 = arith.constant 80 : i32
    %barrier3A_34 = arith.constant 0 : index
    tpu.barrier barrier_id(%barrier3A_34)
    %lt3A_35 = arith.constant 15 : i32
    %lt3A_36 = arith.cmpi slt, %arg1, %lt3A_35 : i32
    %convert_element_type3A_37 = arith.extui %lt3A_36 : i1 to i32
    %cond3A_38 = arith.constant 0 : i32
    %cond3A_39 = arith.cmpi ne, %convert_element_type3A_37, %cond3A_38 : i32
    scf.if %cond3A_39 {
      %mul3A_45 = arith.constant 640 : i32
      %mul3A_46 = arith.muli %arg1, %mul3A_45 : i32
      %mul3A_47 = arith.constant 10112 : i32
      %mul3A_48 = arith.muli %arg0, %mul3A_47 : i32
      %mul3A_49 = arith.constant 640 : i32
      %mul3A_50 = arith.muli %arg1, %mul3A_49 : i32
      %add3A_51 = arith.addi %mul3A_48, %mul3A_50 : i32
      "tpu.region"() ({
        %run_scoped3A = tpu.sem_alloc : memref<!tpu.dma_semaphore, #tpu.memory_space<semaphore_mem>>
        %dma_start3A = tpu.memref_slice %arg4[%add3A_51] : memref<20224xf32, #tpu.memory_space<hbm>> -> memref<640xf32, #tpu.memory_space<hbm>>
        %dma_start3A_52 = tpu.memref_slice %arg9[%mul3A_46] : memref<10112xf32, #tpu.memory_space<vmem_shared>> -> memref<640xf32, #tpu.memory_space<vmem_shared>>
        tpu.enqueue_dma source(%dma_start3A_52 : memref<640xf32, #tpu.memory_space<vmem_shared>>) target(%dma_start3A : memref<640xf32, #tpu.memory_space<hbm>>) target_semaphore(%run_scoped3A : memref<!tpu.dma_semaphore, #tpu.memory_space<semaphore_mem>>)
        %dma_wait3A = tpu.memref_slice %arg4[%add3A_51] : memref<20224xf32, #tpu.memory_space<hbm>> -> memref<640xf32, #tpu.memory_space<hbm>>
        %dma_wait3A_53 = tpu.memref_slice %arg9[%mul3A_46] : memref<10112xf32, #tpu.memory_space<vmem_shared>> -> memref<640xf32, #tpu.memory_space<vmem_shared>>
        tpu.wait_dma2 semaphore(%run_scoped3A : memref<!tpu.dma_semaphore, #tpu.memory_space<semaphore_mem>>) src(%dma_wait3A_53 : memref<640xf32, #tpu.memory_space<vmem_shared>>) dst(%dma_wait3A : memref<640xf32, #tpu.memory_space<hbm>>)
        tpu.yield
      }) : () -> ()
    } else {
    }
    %eq3A_40 = arith.constant 15 : i32
    %eq3A_41 = arith.cmpi eq, %arg1, %eq3A_40 : i32
    %convert_element_type3A_42 = arith.extui %eq3A_41 : i1 to i32
    %cond3A_43 = arith.constant 0 : i32
    %cond3A_44 = arith.cmpi ne, %convert_element_type3A_42, %cond3A_43 : i32
    scf.if %cond3A_44 {
      %mul3A_45 = arith.constant 10112 : i32
      %mul3A_46 = arith.muli %arg0, %mul3A_45 : i32
      %add3A_47 = arith.constant 9600 : i32
      %add3A_48 = arith.addi %mul3A_46, %add3A_47 : i32
      "tpu.region"() ({
        %run_scoped3A = tpu.sem_alloc : memref<!tpu.dma_semaphore, #tpu.memory_space<semaphore_mem>>
        %dma_start3A = tpu.memref_slice %arg4[%add3A_48] : memref<20224xf32, #tpu.memory_space<hbm>> -> memref<512xf32, #tpu.memory_space<hbm>>
        %dma_start3A_49 = arith.constant 9600 : i32
        %dma_start3A_50 = tpu.memref_slice %arg9[%dma_start3A_49] : memref<10112xf32, #tpu.memory_space<vmem_shared>> -> memref<512xf32, #tpu.memory_space<vmem_shared>>
        tpu.enqueue_dma source(%dma_start3A_50 : memref<512xf32, #tpu.memory_space<vmem_shared>>) target(%dma_start3A : memref<512xf32, #tpu.memory_space<hbm>>) target_semaphore(%run_scoped3A : memref<!tpu.dma_semaphore, #tpu.memory_space<semaphore_mem>>)
        %dma_wait3A = tpu.memref_slice %arg4[%add3A_48] : memref<20224xf32, #tpu.memory_space<hbm>> -> memref<512xf32, #tpu.memory_space<hbm>>
        %dma_wait3A_51 = arith.constant 9600 : i32
        %dma_wait3A_52 = tpu.memref_slice %arg9[%dma_wait3A_51] : memref<10112xf32, #tpu.memory_space<vmem_shared>> -> memref<512xf32, #tpu.memory_space<vmem_shared>>
        tpu.wait_dma2 semaphore(%run_scoped3A : memref<!tpu.dma_semaphore, #tpu.memory_space<semaphore_mem>>) src(%dma_wait3A_52 : memref<512xf32, #tpu.memory_space<vmem_shared>>) dst(%dma_wait3A : memref<512xf32, #tpu.memory_space<hbm>>)
        tpu.yield
      }) : () -> ()
    } else {
    }
    return
  }
}

#map = affine_map<(d0, d1) -> (0, 0)>
#map1 = affine_map<(d0, d1) -> (0, 0, 0)>
module attributes {stable_mosaic.version = 14 : i64} {
  func.func @_seg_body(%arg0: i32, %arg1: i32, %arg2: memref<10000x128xf32, #tpu.memory_space<hbm>>, %arg3: memref<64x80x128xi32, #tpu.memory_space<hbm>>, %arg4: memref<20224x128xf32, #tpu.memory_space<hbm>>, %arg5: memref<80x128xi32, #tpu.memory_space<vmem>>, %arg6: memref<128x128xf32, #tpu.memory_space<vmem>>, %arg7: memref<128x128xf32, #tpu.memory_space<vmem>>, %arg8: memref<10112x128xf32, #tpu.memory_space<vmem_shared>>, %arg9: memref<!tpu.dma_semaphore, #tpu.memory_space<semaphore_mem>>, %arg10: memref<!tpu.dma_semaphore, #tpu.memory_space<semaphore_mem>>) attributes {dimension_semantics = [#tpu.dimension_semantics<core_parallel>, #tpu.dimension_semantics<subcore_parallel>], iteration_bounds = array<i64: 2, 16>, scalar_prefetch = 0 : i64, scratch_operands = 6 : i64, tpu.core_type = #tpu.core_type<sc_vector_subcore>, window_params = [{transform_indices = #map}, {transform_indices = #map1}, {transform_indices = #map}]} {
    %mul3A = arith.constant 16 : i32
    %mul3A_0 = arith.muli %arg0, %mul3A : i32
    %add3A = arith.addi %mul3A_0, %arg1 : i32
    %mul3A_1 = arith.constant 2 : i32
    %mul3A_2 = arith.muli %add3A, %mul3A_1 : i32
    %add3A_3 = arith.constant 0 : i32
    %add3A_4 = arith.addi %mul3A_2, %add3A_3 : i32
    "tpu.region"() ({
      %run_scoped3A = tpu.sem_alloc : memref<!tpu.dma_semaphore, #tpu.memory_space<semaphore_mem>>
      %dma_start3A_79 = arith.constant 0 : i32
      %dma_start3A_80 = arith.constant 0 : i32
      %dma_start3A_81 = tpu.memref_slice %arg3[%add3A_4, %dma_start3A_79, %dma_start3A_80] : memref<64x80x128xi32, #tpu.memory_space<hbm>> -> memref<1x80x128xi32, #tpu.memory_space<hbm>>
      %dma_start3A_82 = tpu.memref_squeeze %dma_start3A_81 : memref<1x80x128xi32, #tpu.memory_space<hbm>> -> memref<80x128xi32, #tpu.memory_space<hbm>>
      %dma_start3A_83 = arith.constant 0 : i32
      %dma_start3A_84 = arith.constant 0 : i32
      %dma_start3A_85 = tpu.memref_slice %arg3[%add3A_4, %dma_start3A_83, %dma_start3A_84] : memref<64x80x128xi32, #tpu.memory_space<hbm>> -> memref<1x80x128xi32, #tpu.memory_space<hbm>>
      %dma_start3A_86 = tpu.memref_squeeze %dma_start3A_85 : memref<1x80x128xi32, #tpu.memory_space<hbm>> -> memref<80x128xi32, #tpu.memory_space<hbm>>
      tpu.enqueue_dma source(%dma_start3A_86 : memref<80x128xi32, #tpu.memory_space<hbm>>) target(%arg5 : memref<80x128xi32, #tpu.memory_space<vmem>>) target_semaphore(%run_scoped3A : memref<!tpu.dma_semaphore, #tpu.memory_space<semaphore_mem>>)
      %dma_wait3A = arith.constant 0 : i32
      %dma_wait3A_87 = arith.constant 0 : i32
      %dma_wait3A_88 = tpu.memref_slice %arg3[%add3A_4, %dma_wait3A, %dma_wait3A_87] : memref<64x80x128xi32, #tpu.memory_space<hbm>> -> memref<1x80x128xi32, #tpu.memory_space<hbm>>
      %dma_wait3A_89 = tpu.memref_squeeze %dma_wait3A_88 : memref<1x80x128xi32, #tpu.memory_space<hbm>> -> memref<80x128xi32, #tpu.memory_space<hbm>>
      %dma_wait3A_90 = arith.constant 0 : i32
      %dma_wait3A_91 = arith.constant 0 : i32
      %dma_wait3A_92 = tpu.memref_slice %arg3[%add3A_4, %dma_wait3A_90, %dma_wait3A_91] : memref<64x80x128xi32, #tpu.memory_space<hbm>> -> memref<1x80x128xi32, #tpu.memory_space<hbm>>
      %dma_wait3A_93 = tpu.memref_squeeze %dma_wait3A_92 : memref<1x80x128xi32, #tpu.memory_space<hbm>> -> memref<80x128xi32, #tpu.memory_space<hbm>>
      tpu.wait_dma2 semaphore(%run_scoped3A : memref<!tpu.dma_semaphore, #tpu.memory_space<semaphore_mem>>) src(%dma_wait3A_93 : memref<80x128xi32, #tpu.memory_space<hbm>>) dst(%arg5 : memref<80x128xi32, #tpu.memory_space<vmem>>)
      tpu.yield
    }) : () -> ()
    %scan3A = arith.constant 0 : i32
    %scan3A_5 = arith.constant 0 : i32
    %scan3A_6 = arith.constant 40 : i32
    %scan3A_7 = arith.addi %scan3A_5, %scan3A_6 : i32
    %scan3A_8 = arith.constant 1 : i32
    scf.for %scan3A_79 = %scan3A_5 to %scan3A_7 step %scan3A_8  : i32 {
      %get3A = arith.index_cast %scan3A_79 : i32 to index
      %get3A_80 = arith.constant 0 : index
      %get3A_81 = tpu.vector_load %arg5[%get3A, %get3A_80] {strides = array<i32>} : memref<80x128xi32, #tpu.memory_space<vmem>>, vector<1x16xi32>,
      %get3A_82 = vector.shape_cast %get3A_81 : vector<1x16xi32> to vector<16xi32>
      %add3A_83 = arith.constant 40 : i32
      %add3A_84 = arith.addi %add3A_83, %scan3A_79 : i32
      %get3A_85 = arith.index_cast %add3A_84 : i32 to index
      %get3A_86 = arith.constant 0 : index
      %get3A_87 = tpu.vector_load %arg5[%get3A_85, %get3A_86] {strides = array<i32>} : memref<80x128xi32, #tpu.memory_space<vmem>>, vector<1x16xi32>,
      %get3A_88 = vector.shape_cast %get3A_87 : vector<1x16xi32> to vector<16xi32>
      %eq3A = arith.cmpi eq, %get3A_82, %get3A_88 : vector<16xi32>
      %broadcast_in_dim3A = arith.constant 10000 : i32
      %broadcast_in_dim3A_89 = vector.broadcast %broadcast_in_dim3A : i32 to vector<16xi32>
      %select_n3A = arith.select %eq3A, %broadcast_in_dim3A_89, %get3A_88 : vector<16xi1>, vector<16xi32>
      %add3A_90 = arith.constant 40 : i32
      %add3A_91 = arith.addi %add3A_90, %scan3A_79 : i32
      %swap3A = arith.index_cast %add3A_91 : i32 to index
      %swap3A_92 = arith.constant 0 : index
      %swap3A_93 = tpu.vector_load %arg5[%swap3A, %swap3A_92] {strides = array<i32>} : memref<80x128xi32, #tpu.memory_space<vmem>>, vector<1x16xi32>,
      %swap3A_94 = vector.shape_cast %swap3A_93 : vector<1x16xi32> to vector<16xi32>
      %swap3A_95 = vector.shape_cast %select_n3A : vector<16xi32> to vector<1x16xi32>
      tpu.vector_store %arg5[%swap3A, %swap3A_92], %swap3A_95 {strides = array<i32>} : memref<80x128xi32, #tpu.memory_space<vmem>>, vector<1x16xi32>,
      %get3A_96 = arith.index_cast %scan3A_79 : i32 to index
      %get3A_97 = arith.constant 16 : index
      %get3A_98 = tpu.vector_load %arg5[%get3A_96, %get3A_97] {strides = array<i32>} : memref<80x128xi32, #tpu.memory_space<vmem>>, vector<1x16xi32>,
      %get3A_99 = vector.shape_cast %get3A_98 : vector<1x16xi32> to vector<16xi32>
      %add3A_100 = arith.constant 40 : i32
      %add3A_101 = arith.addi %add3A_100, %scan3A_79 : i32
      %get3A_102 = arith.index_cast %add3A_101 : i32 to index
      %get3A_103 = arith.constant 16 : index
      %get3A_104 = tpu.vector_load %arg5[%get3A_102, %get3A_103] {strides = array<i32>} : memref<80x128xi32, #tpu.memory_space<vmem>>, vector<1x16xi32>,
      %get3A_105 = vector.shape_cast %get3A_104 : vector<1x16xi32> to vector<16xi32>
      %eq3A_106 = arith.cmpi eq, %get3A_99, %get3A_105 : vector<16xi32>
      %broadcast_in_dim3A_107 = arith.constant 10000 : i32
      %broadcast_in_dim3A_108 = vector.broadcast %broadcast_in_dim3A_107 : i32 to vector<16xi32>
      %select_n3A_109 = arith.select %eq3A_106, %broadcast_in_dim3A_108, %get3A_105 : vector<16xi1>, vector<16xi32>
      %add3A_110 = arith.constant 40 : i32
      %add3A_111 = arith.addi %add3A_110, %scan3A_79 : i32
      %swap3A_112 = arith.index_cast %add3A_111 : i32 to index
      %swap3A_113 = arith.constant 16 : index
      %swap3A_114 = tpu.vector_load %arg5[%swap3A_112, %swap3A_113] {strides = array<i32>} : memref<80x128xi32, #tpu.memory_space<vmem>>, vector<1x16xi32>,
      %swap3A_115 = vector.shape_cast %swap3A_114 : vector<1x16xi32> to vector<16xi32>
      %swap3A_116 = vector.shape_cast %select_n3A_109 : vector<16xi32> to vector<1x16xi32>
      tpu.vector_store %arg5[%swap3A_112, %swap3A_113], %swap3A_116 {strides = array<i32>} : memref<80x128xi32, #tpu.memory_space<vmem>>, vector<1x16xi32>,
      %get3A_117 = arith.index_cast %scan3A_79 : i32 to index
      %get3A_118 = arith.constant 32 : index
      %get3A_119 = tpu.vector_load %arg5[%get3A_117, %get3A_118] {strides = array<i32>} : memref<80x128xi32, #tpu.memory_space<vmem>>, vector<1x16xi32>,
      %get3A_120 = vector.shape_cast %get3A_119 : vector<1x16xi32> to vector<16xi32>
      %add3A_121 = arith.constant 40 : i32
      %add3A_122 = arith.addi %add3A_121, %scan3A_79 : i32
      %get3A_123 = arith.index_cast %add3A_122 : i32 to index
      %get3A_124 = arith.constant 32 : index
      %get3A_125 = tpu.vector_load %arg5[%get3A_123, %get3A_124] {strides = array<i32>} : memref<80x128xi32, #tpu.memory_space<vmem>>, vector<1x16xi32>,
      %get3A_126 = vector.shape_cast %get3A_125 : vector<1x16xi32> to vector<16xi32>
      %eq3A_127 = arith.cmpi eq, %get3A_120, %get3A_126 : vector<16xi32>
      %broadcast_in_dim3A_128 = arith.constant 10000 : i32
      %broadcast_in_dim3A_129 = vector.broadcast %broadcast_in_dim3A_128 : i32 to vector<16xi32>
      %select_n3A_130 = arith.select %eq3A_127, %broadcast_in_dim3A_129, %get3A_126 : vector<16xi1>, vector<16xi32>
      %add3A_131 = arith.constant 40 : i32
      %add3A_132 = arith.addi %add3A_131, %scan3A_79 : i32
      %swap3A_133 = arith.index_cast %add3A_132 : i32 to index
      %swap3A_134 = arith.constant 32 : index
      %swap3A_135 = tpu.vector_load %arg5[%swap3A_133, %swap3A_134] {strides = array<i32>} : memref<80x128xi32, #tpu.memory_space<vmem>>, vector<1x16xi32>,
      %swap3A_136 = vector.shape_cast %swap3A_135 : vector<1x16xi32> to vector<16xi32>
      %swap3A_137 = vector.shape_cast %select_n3A_130 : vector<16xi32> to vector<1x16xi32>
      tpu.vector_store %arg5[%swap3A_133, %swap3A_134], %swap3A_137 {strides = array<i32>} : memref<80x128xi32, #tpu.memory_space<vmem>>, vector<1x16xi32>,
      %get3A_138 = arith.index_cast %scan3A_79 : i32 to index
      %get3A_139 = arith.constant 48 : index
      %get3A_140 = tpu.vector_load %arg5[%get3A_138, %get3A_139] {strides = array<i32>} : memref<80x128xi32, #tpu.memory_space<vmem>>, vector<1x16xi32>,
      %get3A_141 = vector.shape_cast %get3A_140 : vector<1x16xi32> to vector<16xi32>
      %add3A_142 = arith.constant 40 : i32
      %add3A_143 = arith.addi %add3A_142, %scan3A_79 : i32
      %get3A_144 = arith.index_cast %add3A_143 : i32 to index
      %get3A_145 = arith.constant 48 : index
      %get3A_146 = tpu.vector_load %arg5[%get3A_144, %get3A_145] {strides = array<i32>} : memref<80x128xi32, #tpu.memory_space<vmem>>, vector<1x16xi32>,
      %get3A_147 = vector.shape_cast %get3A_146 : vector<1x16xi32> to vector<16xi32>
      %eq3A_148 = arith.cmpi eq, %get3A_141, %get3A_147 : vector<16xi32>
      %broadcast_in_dim3A_149 = arith.constant 10000 : i32
      %broadcast_in_dim3A_150 = vector.broadcast %broadcast_in_dim3A_149 : i32 to vector<16xi32>
      %select_n3A_151 = arith.select %eq3A_148, %broadcast_in_dim3A_150, %get3A_147 : vector<16xi1>, vector<16xi32>
      %add3A_152 = arith.constant 40 : i32
      %add3A_153 = arith.addi %add3A_152, %scan3A_79 : i32
      %swap3A_154 = arith.index_cast %add3A_153 : i32 to index
      %swap3A_155 = arith.constant 48 : index
      %swap3A_156 = tpu.vector_load %arg5[%swap3A_154, %swap3A_155] {strides = array<i32>} : memref<80x128xi32, #tpu.memory_space<vmem>>, vector<1x16xi32>,
      %swap3A_157 = vector.shape_cast %swap3A_156 : vector<1x16xi32> to vector<16xi32>
      %swap3A_158 = vector.shape_cast %select_n3A_151 : vector<16xi32> to vector<1x16xi32>
      tpu.vector_store %arg5[%swap3A_154, %swap3A_155], %swap3A_158 {strides = array<i32>} : memref<80x128xi32, #tpu.memory_space<vmem>>, vector<1x16xi32>,
      %get3A_159 = arith.index_cast %scan3A_79 : i32 to index
      %get3A_160 = arith.constant 64 : index
      %get3A_161 = tpu.vector_load %arg5[%get3A_159, %get3A_160] {strides = array<i32>} : memref<80x128xi32, #tpu.memory_space<vmem>>, vector<1x16xi32>,
      %get3A_162 = vector.shape_cast %get3A_161 : vector<1x16xi32> to vector<16xi32>
      %add3A_163 = arith.constant 40 : i32
      %add3A_164 = arith.addi %add3A_163, %scan3A_79 : i32
      %get3A_165 = arith.index_cast %add3A_164 : i32 to index
      %get3A_166 = arith.constant 64 : index
      %get3A_167 = tpu.vector_load %arg5[%get3A_165, %get3A_166] {strides = array<i32>} : memref<80x128xi32, #tpu.memory_space<vmem>>, vector<1x16xi32>,
      %get3A_168 = vector.shape_cast %get3A_167 : vector<1x16xi32> to vector<16xi32>
      %eq3A_169 = arith.cmpi eq, %get3A_162, %get3A_168 : vector<16xi32>
      %broadcast_in_dim3A_170 = arith.constant 10000 : i32
      %broadcast_in_dim3A_171 = vector.broadcast %broadcast_in_dim3A_170 : i32 to vector<16xi32>
      %select_n3A_172 = arith.select %eq3A_169, %broadcast_in_dim3A_171, %get3A_168 : vector<16xi1>, vector<16xi32>
      %add3A_173 = arith.constant 40 : i32
      %add3A_174 = arith.addi %add3A_173, %scan3A_79 : i32
      %swap3A_175 = arith.index_cast %add3A_174 : i32 to index
      %swap3A_176 = arith.constant 64 : index
      %swap3A_177 = tpu.vector_load %arg5[%swap3A_175, %swap3A_176] {strides = array<i32>} : memref<80x128xi32, #tpu.memory_space<vmem>>, vector<1x16xi32>,
      %swap3A_178 = vector.shape_cast %swap3A_177 : vector<1x16xi32> to vector<16xi32>
      %swap3A_179 = vector.shape_cast %select_n3A_172 : vector<16xi32> to vector<1x16xi32>
      tpu.vector_store %arg5[%swap3A_175, %swap3A_176], %swap3A_179 {strides = array<i32>} : memref<80x128xi32, #tpu.memory_space<vmem>>, vector<1x16xi32>,
      %get3A_180 = arith.index_cast %scan3A_79 : i32 to index
      %get3A_181 = arith.constant 80 : index
      %get3A_182 = tpu.vector_load %arg5[%get3A_180, %get3A_181] {strides = array<i32>} : memref<80x128xi32, #tpu.memory_space<vmem>>, vector<1x16xi32>,
      %get3A_183 = vector.shape_cast %get3A_182 : vector<1x16xi32> to vector<16xi32>
      %add3A_184 = arith.constant 40 : i32
      %add3A_185 = arith.addi %add3A_184, %scan3A_79 : i32
      %get3A_186 = arith.index_cast %add3A_185 : i32 to index
      %get3A_187 = arith.constant 80 : index
      %get3A_188 = tpu.vector_load %arg5[%get3A_186, %get3A_187] {strides = array<i32>} : memref<80x128xi32, #tpu.memory_space<vmem>>, vector<1x16xi32>,
      %get3A_189 = vector.shape_cast %get3A_188 : vector<1x16xi32> to vector<16xi32>
      %eq3A_190 = arith.cmpi eq, %get3A_183, %get3A_189 : vector<16xi32>
      %broadcast_in_dim3A_191 = arith.constant 10000 : i32
      %broadcast_in_dim3A_192 = vector.broadcast %broadcast_in_dim3A_191 : i32 to vector<16xi32>
      %select_n3A_193 = arith.select %eq3A_190, %broadcast_in_dim3A_192, %get3A_189 : vector<16xi1>, vector<16xi32>
      %add3A_194 = arith.constant 40 : i32
      %add3A_195 = arith.addi %add3A_194, %scan3A_79 : i32
      %swap3A_196 = arith.index_cast %add3A_195 : i32 to index
      %swap3A_197 = arith.constant 80 : index
      %swap3A_198 = tpu.vector_load %arg5[%swap3A_196, %swap3A_197] {strides = array<i32>} : memref<80x128xi32, #tpu.memory_space<vmem>>, vector<1x16xi32>,
      %swap3A_199 = vector.shape_cast %swap3A_198 : vector<1x16xi32> to vector<16xi32>
      %swap3A_200 = vector.shape_cast %select_n3A_193 : vector<16xi32> to vector<1x16xi32>
      tpu.vector_store %arg5[%swap3A_196, %swap3A_197], %swap3A_200 {strides = array<i32>} : memref<80x128xi32, #tpu.memory_space<vmem>>, vector<1x16xi32>,
      %get3A_201 = arith.index_cast %scan3A_79 : i32 to index
      %get3A_202 = arith.constant 96 : index
      %get3A_203 = tpu.vector_load %arg5[%get3A_201, %get3A_202] {strides = array<i32>} : memref<80x128xi32, #tpu.memory_space<vmem>>, vector<1x16xi32>,
      %get3A_204 = vector.shape_cast %get3A_203 : vector<1x16xi32> to vector<16xi32>
      %add3A_205 = arith.constant 40 : i32
      %add3A_206 = arith.addi %add3A_205, %scan3A_79 : i32
      %get3A_207 = arith.index_cast %add3A_206 : i32 to index
      %get3A_208 = arith.constant 96 : index
      %get3A_209 = tpu.vector_load %arg5[%get3A_207, %get3A_208] {strides = array<i32>} : memref<80x128xi32, #tpu.memory_space<vmem>>, vector<1x16xi32>,
      %get3A_210 = vector.shape_cast %get3A_209 : vector<1x16xi32> to vector<16xi32>
      %eq3A_211 = arith.cmpi eq, %get3A_204, %get3A_210 : vector<16xi32>
      %broadcast_in_dim3A_212 = arith.constant 10000 : i32
      %broadcast_in_dim3A_213 = vector.broadcast %broadcast_in_dim3A_212 : i32 to vector<16xi32>
      %select_n3A_214 = arith.select %eq3A_211, %broadcast_in_dim3A_213, %get3A_210 : vector<16xi1>, vector<16xi32>
      %add3A_215 = arith.constant 40 : i32
      %add3A_216 = arith.addi %add3A_215, %scan3A_79 : i32
      %swap3A_217 = arith.index_cast %add3A_216 : i32 to index
      %swap3A_218 = arith.constant 96 : index
      %swap3A_219 = tpu.vector_load %arg5[%swap3A_217, %swap3A_218] {strides = array<i32>} : memref<80x128xi32, #tpu.memory_space<vmem>>, vector<1x16xi32>,
      %swap3A_220 = vector.shape_cast %swap3A_219 : vector<1x16xi32> to vector<16xi32>
      %swap3A_221 = vector.shape_cast %select_n3A_214 : vector<16xi32> to vector<1x16xi32>
      tpu.vector_store %arg5[%swap3A_217, %swap3A_218], %swap3A_221 {strides = array<i32>} : memref<80x128xi32, #tpu.memory_space<vmem>>, vector<1x16xi32>,
      %get3A_222 = arith.index_cast %scan3A_79 : i32 to index
      %get3A_223 = arith.constant 112 : index
      %get3A_224 = tpu.vector_load %arg5[%get3A_222, %get3A_223] {strides = array<i32>} : memref<80x128xi32, #tpu.memory_space<vmem>>, vector<1x16xi32>,
      %get3A_225 = vector.shape_cast %get3A_224 : vector<1x16xi32> to vector<16xi32>
      %add3A_226 = arith.constant 40 : i32
      %add3A_227 = arith.addi %add3A_226, %scan3A_79 : i32
      %get3A_228 = arith.index_cast %add3A_227 : i32 to index
      %get3A_229 = arith.constant 112 : index
      %get3A_230 = tpu.vector_load %arg5[%get3A_228, %get3A_229] {strides = array<i32>} : memref<80x128xi32, #tpu.memory_space<vmem>>, vector<1x16xi32>,
      %get3A_231 = vector.shape_cast %get3A_230 : vector<1x16xi32> to vector<16xi32>
      %eq3A_232 = arith.cmpi eq, %get3A_225, %get3A_231 : vector<16xi32>
      %broadcast_in_dim3A_233 = arith.constant 10000 : i32
      %broadcast_in_dim3A_234 = vector.broadcast %broadcast_in_dim3A_233 : i32 to vector<16xi32>
      %select_n3A_235 = arith.select %eq3A_232, %broadcast_in_dim3A_234, %get3A_231 : vector<16xi1>, vector<16xi32>
      %add3A_236 = arith.constant 40 : i32
      %add3A_237 = arith.addi %add3A_236, %scan3A_79 : i32
      %swap3A_238 = arith.index_cast %add3A_237 : i32 to index
      %swap3A_239 = arith.constant 112 : index
      %swap3A_240 = tpu.vector_load %arg5[%swap3A_238, %swap3A_239] {strides = array<i32>} : memref<80x128xi32, #tpu.memory_space<vmem>>, vector<1x16xi32>,
      %swap3A_241 = vector.shape_cast %swap3A_240 : vector<1x16xi32> to vector<16xi32>
      %swap3A_242 = vector.shape_cast %select_n3A_235 : vector<16xi32> to vector<1x16xi32>
      tpu.vector_store %arg5[%swap3A_238, %swap3A_239], %swap3A_242 {strides = array<i32>} : memref<80x128xi32, #tpu.memory_space<vmem>>, vector<1x16xi32>,
    }
    %scan3A_9 = arith.constant 40 : i32
    %dma_start3A = arith.constant 0 : i32
    %dma_start3A_10 = arith.constant 0 : i32
    %dma_start3A_11 = tpu.memref_slice %arg5[%dma_start3A, %dma_start3A_10] : memref<80x128xi32, #tpu.memory_space<vmem>> -> memref<1x128xi32, #tpu.memory_space<vmem>>
    %dma_start3A_12 = tpu.memref_squeeze %dma_start3A_11 : memref<1x128xi32, #tpu.memory_space<vmem>> -> memref<128xi32, #tpu.memory_space<vmem>>
    %dma_start3A_13 = arith.constant 0 : i32
    %dma_start3A_14 = arith.constant 0 : i32
    %dma_start3A_15 = tpu.memref_slice %arg2[%dma_start3A_13, %dma_start3A_14] : memref<10000x128xf32, #tpu.memory_space<hbm>> -> memref<10000x128xf32, #tpu.memory_space<hbm>>
    tpu.enqueue_indirect_dma source(%dma_start3A_15 : memref<10000x128xf32, #tpu.memory_space<hbm>>) target(%arg6 : memref<128x128xf32, #tpu.memory_space<vmem>>) offsets(%dma_start3A_12 : memref<128xi32, #tpu.memory_space<vmem>>) semaphore(%arg9 : memref<!tpu.dma_semaphore, #tpu.memory_space<semaphore_mem>>)
    %scan3A_16 = arith.constant 0 : i32
    %scan3A_17 = arith.constant 0 : i32
    %scan3A_18 = arith.constant 128 : i32
    %scan3A_19 = arith.addi %scan3A_17, %scan3A_18 : i32
    %scan3A_20 = arith.constant 1 : i32
    scf.for %scan3A_79 = %scan3A_17 to %scan3A_19 step %scan3A_20  : i32 {
      %broadcast_in_dim3A = arith.constant 0.000000e+00 : f32
      %broadcast_in_dim3A_80 = vector.broadcast %broadcast_in_dim3A : f32 to vector<16xf32>
      %swap3A = arith.index_cast %scan3A_79 : i32 to index
      %swap3A_81 = arith.constant 0 : index
      %swap3A_82 = tpu.vector_load %arg7[%swap3A, %swap3A_81] {strides = array<i32>} : memref<128x128xf32, #tpu.memory_space<vmem>>, vector<1x16xf32>,
      %swap3A_83 = vector.shape_cast %swap3A_82 : vector<1x16xf32> to vector<16xf32>
      %swap3A_84 = vector.shape_cast %broadcast_in_dim3A_80 : vector<16xf32> to vector<1x16xf32>
      tpu.vector_store %arg7[%swap3A, %swap3A_81], %swap3A_84 {strides = array<i32>} : memref<128x128xf32, #tpu.memory_space<vmem>>, vector<1x16xf32>,
      %broadcast_in_dim3A_85 = arith.constant 0.000000e+00 : f32
      %broadcast_in_dim3A_86 = vector.broadcast %broadcast_in_dim3A_85 : f32 to vector<16xf32>
      %swap3A_87 = arith.index_cast %scan3A_79 : i32 to index
      %swap3A_88 = arith.constant 16 : index
      %swap3A_89 = tpu.vector_load %arg7[%swap3A_87, %swap3A_88] {strides = array<i32>} : memref<128x128xf32, #tpu.memory_space<vmem>>, vector<1x16xf32>,
      %swap3A_90 = vector.shape_cast %swap3A_89 : vector<1x16xf32> to vector<16xf32>
      %swap3A_91 = vector.shape_cast %broadcast_in_dim3A_86 : vector<16xf32> to vector<1x16xf32>
      tpu.vector_store %arg7[%swap3A_87, %swap3A_88], %swap3A_91 {strides = array<i32>} : memref<128x128xf32, #tpu.memory_space<vmem>>, vector<1x16xf32>,
      %broadcast_in_dim3A_92 = arith.constant 0.000000e+00 : f32
      %broadcast_in_dim3A_93 = vector.broadcast %broadcast_in_dim3A_92 : f32 to vector<16xf32>
      %swap3A_94 = arith.index_cast %scan3A_79 : i32 to index
      %swap3A_95 = arith.constant 32 : index
      %swap3A_96 = tpu.vector_load %arg7[%swap3A_94, %swap3A_95] {strides = array<i32>} : memref<128x128xf32, #tpu.memory_space<vmem>>, vector<1x16xf32>,
      %swap3A_97 = vector.shape_cast %swap3A_96 : vector<1x16xf32> to vector<16xf32>
      %swap3A_98 = vector.shape_cast %broadcast_in_dim3A_93 : vector<16xf32> to vector<1x16xf32>
      tpu.vector_store %arg7[%swap3A_94, %swap3A_95], %swap3A_98 {strides = array<i32>} : memref<128x128xf32, #tpu.memory_space<vmem>>, vector<1x16xf32>,
      %broadcast_in_dim3A_99 = arith.constant 0.000000e+00 : f32
      %broadcast_in_dim3A_100 = vector.broadcast %broadcast_in_dim3A_99 : f32 to vector<16xf32>
      %swap3A_101 = arith.index_cast %scan3A_79 : i32 to index
      %swap3A_102 = arith.constant 48 : index
      %swap3A_103 = tpu.vector_load %arg7[%swap3A_101, %swap3A_102] {strides = array<i32>} : memref<128x128xf32, #tpu.memory_space<vmem>>, vector<1x16xf32>,
      %swap3A_104 = vector.shape_cast %swap3A_103 : vector<1x16xf32> to vector<16xf32>
      %swap3A_105 = vector.shape_cast %broadcast_in_dim3A_100 : vector<16xf32> to vector<1x16xf32>
      tpu.vector_store %arg7[%swap3A_101, %swap3A_102], %swap3A_105 {strides = array<i32>} : memref<128x128xf32, #tpu.memory_space<vmem>>, vector<1x16xf32>,
      %broadcast_in_dim3A_106 = arith.constant 0.000000e+00 : f32
      %broadcast_in_dim3A_107 = vector.broadcast %broadcast_in_dim3A_106 : f32 to vector<16xf32>
      %swap3A_108 = arith.index_cast %scan3A_79 : i32 to index
      %swap3A_109 = arith.constant 64 : index
      %swap3A_110 = tpu.vector_load %arg7[%swap3A_108, %swap3A_109] {strides = array<i32>} : memref<128x128xf32, #tpu.memory_space<vmem>>, vector<1x16xf32>,
      %swap3A_111 = vector.shape_cast %swap3A_110 : vector<1x16xf32> to vector<16xf32>
      %swap3A_112 = vector.shape_cast %broadcast_in_dim3A_107 : vector<16xf32> to vector<1x16xf32>
      tpu.vector_store %arg7[%swap3A_108, %swap3A_109], %swap3A_112 {strides = array<i32>} : memref<128x128xf32, #tpu.memory_space<vmem>>, vector<1x16xf32>,
      %broadcast_in_dim3A_113 = arith.constant 0.000000e+00 : f32
      %broadcast_in_dim3A_114 = vector.broadcast %broadcast_in_dim3A_113 : f32 to vector<16xf32>
      %swap3A_115 = arith.index_cast %scan3A_79 : i32 to index
      %swap3A_116 = arith.constant 80 : index
      %swap3A_117 = tpu.vector_load %arg7[%swap3A_115, %swap3A_116] {strides = array<i32>} : memref<128x128xf32, #tpu.memory_space<vmem>>, vector<1x16xf32>,
      %swap3A_118 = vector.shape_cast %swap3A_117 : vector<1x16xf32> to vector<16xf32>
      %swap3A_119 = vector.shape_cast %broadcast_in_dim3A_114 : vector<16xf32> to vector<1x16xf32>
      tpu.vector_store %arg7[%swap3A_115, %swap3A_116], %swap3A_119 {strides = array<i32>} : memref<128x128xf32, #tpu.memory_space<vmem>>, vector<1x16xf32>,
      %broadcast_in_dim3A_120 = arith.constant 0.000000e+00 : f32
      %broadcast_in_dim3A_121 = vector.broadcast %broadcast_in_dim3A_120 : f32 to vector<16xf32>
      %swap3A_122 = arith.index_cast %scan3A_79 : i32 to index
      %swap3A_123 = arith.constant 96 : index
      %swap3A_124 = tpu.vector_load %arg7[%swap3A_122, %swap3A_123] {strides = array<i32>} : memref<128x128xf32, #tpu.memory_space<vmem>>, vector<1x16xf32>,
      %swap3A_125 = vector.shape_cast %swap3A_124 : vector<1x16xf32> to vector<16xf32>
      %swap3A_126 = vector.shape_cast %broadcast_in_dim3A_121 : vector<16xf32> to vector<1x16xf32>
      tpu.vector_store %arg7[%swap3A_122, %swap3A_123], %swap3A_126 {strides = array<i32>} : memref<128x128xf32, #tpu.memory_space<vmem>>, vector<1x16xf32>,
      %broadcast_in_dim3A_127 = arith.constant 0.000000e+00 : f32
      %broadcast_in_dim3A_128 = vector.broadcast %broadcast_in_dim3A_127 : f32 to vector<16xf32>
      %swap3A_129 = arith.index_cast %scan3A_79 : i32 to index
      %swap3A_130 = arith.constant 112 : index
      %swap3A_131 = tpu.vector_load %arg7[%swap3A_129, %swap3A_130] {strides = array<i32>} : memref<128x128xf32, #tpu.memory_space<vmem>>, vector<1x16xf32>,
      %swap3A_132 = vector.shape_cast %swap3A_131 : vector<1x16xf32> to vector<16xf32>
      %swap3A_133 = vector.shape_cast %broadcast_in_dim3A_128 : vector<16xf32> to vector<1x16xf32>
      tpu.vector_store %arg7[%swap3A_129, %swap3A_130], %swap3A_133 {strides = array<i32>} : memref<128x128xf32, #tpu.memory_space<vmem>>, vector<1x16xf32>,
    }
    %scan3A_21 = arith.constant 128 : i32
    %mul3A_22 = arith.constant 632 : i32
    %mul3A_23 = arith.muli %arg1, %mul3A_22 : i32
    %add3A_24 = arith.constant 0 : i32
    %add3A_25 = arith.addi %mul3A_23, %add3A_24 : i32
    "tpu.region"() ({
      %run_scoped3A = tpu.sem_alloc : memref<!tpu.dma_semaphore, #tpu.memory_space<semaphore_mem>>
      %dma_start3A_79 = arith.constant 0 : i32
      %dma_start3A_80 = tpu.memref_slice %arg8[%add3A_25, %dma_start3A_79] : memref<10112x128xf32, #tpu.memory_space<vmem_shared>> -> memref<128x128xf32, #tpu.memory_space<vmem_shared>>
      %dma_start3A_81 = arith.constant 0 : i32
      %dma_start3A_82 = tpu.memref_slice %arg8[%add3A_25, %dma_start3A_81] : memref<10112x128xf32, #tpu.memory_space<vmem_shared>> -> memref<128x128xf32, #tpu.memory_space<vmem_shared>>
      tpu.enqueue_dma source(%arg7 : memref<128x128xf32, #tpu.memory_space<vmem>>) target(%dma_start3A_82 : memref<128x128xf32, #tpu.memory_space<vmem_shared>>) target_semaphore(%run_scoped3A : memref<!tpu.dma_semaphore, #tpu.memory_space<semaphore_mem>>)
      %dma_wait3A = arith.constant 0 : i32
      %dma_wait3A_83 = tpu.memref_slice %arg8[%add3A_25, %dma_wait3A] : memref<10112x128xf32, #tpu.memory_space<vmem_shared>> -> memref<128x128xf32, #tpu.memory_space<vmem_shared>>
      %dma_wait3A_84 = arith.constant 0 : i32
      %dma_wait3A_85 = tpu.memref_slice %arg8[%add3A_25, %dma_wait3A_84] : memref<10112x128xf32, #tpu.memory_space<vmem_shared>> -> memref<128x128xf32, #tpu.memory_space<vmem_shared>>
      tpu.wait_dma2 semaphore(%run_scoped3A : memref<!tpu.dma_semaphore, #tpu.memory_space<semaphore_mem>>) src(%arg7 : memref<128x128xf32, #tpu.memory_space<vmem>>) dst(%dma_wait3A_85 : memref<128x128xf32, #tpu.memory_space<vmem_shared>>)
      tpu.yield
    }) : () -> ()
    %mul3A_26 = arith.constant 632 : i32
    %mul3A_27 = arith.muli %arg1, %mul3A_26 : i32
    %add3A_28 = arith.constant 128 : i32
    %add3A_29 = arith.addi %mul3A_27, %add3A_28 : i32
    "tpu.region"() ({
      %run_scoped3A = tpu.sem_alloc : memref<!tpu.dma_semaphore, #tpu.memory_space<semaphore_mem>>
      %dma_start3A_79 = arith.constant 0 : i32
      %dma_start3A_80 = tpu.memref_slice %arg8[%add3A_29, %dma_start3A_79] : memref<10112x128xf32, #tpu.memory_space<vmem_shared>> -> memref<128x128xf32, #tpu.memory_space<vmem_shared>>
      %dma_start3A_81 = arith.constant 0 : i32
      %dma_start3A_82 = tpu.memref_slice %arg8[%add3A_29, %dma_start3A_81] : memref<10112x128xf32, #tpu.memory_space<vmem_shared>> -> memref<128x128xf32, #tpu.memory_space<vmem_shared>>
      tpu.enqueue_dma source(%arg7 : memref<128x128xf32, #tpu.memory_space<vmem>>) target(%dma_start3A_82 : memref<128x128xf32, #tpu.memory_space<vmem_shared>>) target_semaphore(%run_scoped3A : memref<!tpu.dma_semaphore, #tpu.memory_space<semaphore_mem>>)
      %dma_wait3A = arith.constant 0 : i32
      %dma_wait3A_83 = tpu.memref_slice %arg8[%add3A_29, %dma_wait3A] : memref<10112x128xf32, #tpu.memory_space<vmem_shared>> -> memref<128x128xf32, #tpu.memory_space<vmem_shared>>
      %dma_wait3A_84 = arith.constant 0 : i32
      %dma_wait3A_85 = tpu.memref_slice %arg8[%add3A_29, %dma_wait3A_84] : memref<10112x128xf32, #tpu.memory_space<vmem_shared>> -> memref<128x128xf32, #tpu.memory_space<vmem_shared>>
      tpu.wait_dma2 semaphore(%run_scoped3A : memref<!tpu.dma_semaphore, #tpu.memory_space<semaphore_mem>>) src(%arg7 : memref<128x128xf32, #tpu.memory_space<vmem>>) dst(%dma_wait3A_85 : memref<128x128xf32, #tpu.memory_space<vmem_shared>>)
      tpu.yield
    }) : () -> ()
    %mul3A_30 = arith.constant 632 : i32
    %mul3A_31 = arith.muli %arg1, %mul3A_30 : i32
    %add3A_32 = arith.constant 256 : i32
    %add3A_33 = arith.addi %mul3A_31, %add3A_32 : i32
    "tpu.region"() ({
      %run_scoped3A = tpu.sem_alloc : memref<!tpu.dma_semaphore, #tpu.memory_space<semaphore_mem>>
      %dma_start3A_79 = arith.constant 0 : i32
      %dma_start3A_80 = tpu.memref_slice %arg8[%add3A_33, %dma_start3A_79] : memref<10112x128xf32, #tpu.memory_space<vmem_shared>> -> memref<128x128xf32, #tpu.memory_space<vmem_shared>>
      %dma_start3A_81 = arith.constant 0 : i32
      %dma_start3A_82 = tpu.memref_slice %arg8[%add3A_33, %dma_start3A_81] : memref<10112x128xf32, #tpu.memory_space<vmem_shared>> -> memref<128x128xf32, #tpu.memory_space<vmem_shared>>
      tpu.enqueue_dma source(%arg7 : memref<128x128xf32, #tpu.memory_space<vmem>>) target(%dma_start3A_82 : memref<128x128xf32, #tpu.memory_space<vmem_shared>>) target_semaphore(%run_scoped3A : memref<!tpu.dma_semaphore, #tpu.memory_space<semaphore_mem>>)
      %dma_wait3A = arith.constant 0 : i32
      %dma_wait3A_83 = tpu.memref_slice %arg8[%add3A_33, %dma_wait3A] : memref<10112x128xf32, #tpu.memory_space<vmem_shared>> -> memref<128x128xf32, #tpu.memory_space<vmem_shared>>
      %dma_wait3A_84 = arith.constant 0 : i32
      %dma_wait3A_85 = tpu.memref_slice %arg8[%add3A_33, %dma_wait3A_84] : memref<10112x128xf32, #tpu.memory_space<vmem_shared>> -> memref<128x128xf32, #tpu.memory_space<vmem_shared>>
      tpu.wait_dma2 semaphore(%run_scoped3A : memref<!tpu.dma_semaphore, #tpu.memory_space<semaphore_mem>>) src(%arg7 : memref<128x128xf32, #tpu.memory_space<vmem>>) dst(%dma_wait3A_85 : memref<128x128xf32, #tpu.memory_space<vmem_shared>>)
      tpu.yield
    }) : () -> ()
    %mul3A_34 = arith.constant 632 : i32
    %mul3A_35 = arith.muli %arg1, %mul3A_34 : i32
    %add3A_36 = arith.constant 384 : i32
    %add3A_37 = arith.addi %mul3A_35, %add3A_36 : i32
    "tpu.region"() ({
      %run_scoped3A = tpu.sem_alloc : memref<!tpu.dma_semaphore, #tpu.memory_space<semaphore_mem>>
      %dma_start3A_79 = arith.constant 0 : i32
      %dma_start3A_80 = tpu.memref_slice %arg8[%add3A_37, %dma_start3A_79] : memref<10112x128xf32, #tpu.memory_space<vmem_shared>> -> memref<128x128xf32, #tpu.memory_space<vmem_shared>>
      %dma_start3A_81 = arith.constant 0 : i32
      %dma_start3A_82 = tpu.memref_slice %arg8[%add3A_37, %dma_start3A_81] : memref<10112x128xf32, #tpu.memory_space<vmem_shared>> -> memref<128x128xf32, #tpu.memory_space<vmem_shared>>
      tpu.enqueue_dma source(%arg7 : memref<128x128xf32, #tpu.memory_space<vmem>>) target(%dma_start3A_82 : memref<128x128xf32, #tpu.memory_space<vmem_shared>>) target_semaphore(%run_scoped3A : memref<!tpu.dma_semaphore, #tpu.memory_space<semaphore_mem>>)
      %dma_wait3A = arith.constant 0 : i32
      %dma_wait3A_83 = tpu.memref_slice %arg8[%add3A_37, %dma_wait3A] : memref<10112x128xf32, #tpu.memory_space<vmem_shared>> -> memref<128x128xf32, #tpu.memory_space<vmem_shared>>
      %dma_wait3A_84 = arith.constant 0 : i32
      %dma_wait3A_85 = tpu.memref_slice %arg8[%add3A_37, %dma_wait3A_84] : memref<10112x128xf32, #tpu.memory_space<vmem_shared>> -> memref<128x128xf32, #tpu.memory_space<vmem_shared>>
      tpu.wait_dma2 semaphore(%run_scoped3A : memref<!tpu.dma_semaphore, #tpu.memory_space<semaphore_mem>>) src(%arg7 : memref<128x128xf32, #tpu.memory_space<vmem>>) dst(%dma_wait3A_85 : memref<128x128xf32, #tpu.memory_space<vmem_shared>>)
      tpu.yield
    }) : () -> ()
    %mul3A_38 = arith.constant 632 : i32
    %mul3A_39 = arith.muli %arg1, %mul3A_38 : i32
    %add3A_40 = arith.constant 512 : i32
    %add3A_41 = arith.addi %mul3A_39, %add3A_40 : i32
    "tpu.region"() ({
      %run_scoped3A = tpu.sem_alloc : memref<!tpu.dma_semaphore, #tpu.memory_space<semaphore_mem>>
      %dma_start3A_79 = arith.constant 0 : i32
      %dma_start3A_80 = arith.constant 0 : i32
      %dma_start3A_81 = tpu.memref_slice %arg7[%dma_start3A_79, %dma_start3A_80] : memref<128x128xf32, #tpu.memory_space<vmem>> -> memref<120x128xf32, #tpu.memory_space<vmem>>
      %dma_start3A_82 = arith.constant 0 : i32
      %dma_start3A_83 = tpu.memref_slice %arg8[%add3A_41, %dma_start3A_82] : memref<10112x128xf32, #tpu.memory_space<vmem_shared>> -> memref<120x128xf32, #tpu.memory_space<vmem_shared>>
      %dma_start3A_84 = arith.constant 0 : i32
      %dma_start3A_85 = tpu.memref_slice %arg8[%add3A_41, %dma_start3A_84] : memref<10112x128xf32, #tpu.memory_space<vmem_shared>> -> memref<120x128xf32, #tpu.memory_space<vmem_shared>>
      %dma_start3A_86 = arith.constant 0 : i32
      %dma_start3A_87 = arith.constant 0 : i32
      %dma_start3A_88 = tpu.memref_slice %arg7[%dma_start3A_86, %dma_start3A_87] : memref<128x128xf32, #tpu.memory_space<vmem>> -> memref<120x128xf32, #tpu.memory_space<vmem>>
      tpu.enqueue_dma source(%dma_start3A_88 : memref<120x128xf32, #tpu.memory_space<vmem>>) target(%dma_start3A_85 : memref<120x128xf32, #tpu.memory_space<vmem_shared>>) target_semaphore(%run_scoped3A : memref<!tpu.dma_semaphore, #tpu.memory_space<semaphore_mem>>)
      %dma_wait3A = arith.constant 0 : i32
      %dma_wait3A_89 = arith.constant 0 : i32
      %dma_wait3A_90 = tpu.memref_slice %arg7[%dma_wait3A, %dma_wait3A_89] : memref<128x128xf32, #tpu.memory_space<vmem>> -> memref<120x128xf32, #tpu.memory_space<vmem>>
      %dma_wait3A_91 = arith.constant 0 : i32
      %dma_wait3A_92 = tpu.memref_slice %arg8[%add3A_41, %dma_wait3A_91] : memref<10112x128xf32, #tpu.memory_space<vmem_shared>> -> memref<120x128xf32, #tpu.memory_space<vmem_shared>>
      %dma_wait3A_93 = arith.constant 0 : i32
      %dma_wait3A_94 = tpu.memref_slice %arg8[%add3A_41, %dma_wait3A_93] : memref<10112x128xf32, #tpu.memory_space<vmem_shared>> -> memref<120x128xf32, #tpu.memory_space<vmem_shared>>
      %dma_wait3A_95 = arith.constant 0 : i32
      %dma_wait3A_96 = arith.constant 0 : i32
      %dma_wait3A_97 = tpu.memref_slice %arg7[%dma_wait3A_95, %dma_wait3A_96] : memref<128x128xf32, #tpu.memory_space<vmem>> -> memref<120x128xf32, #tpu.memory_space<vmem>>
      tpu.wait_dma2 semaphore(%run_scoped3A : memref<!tpu.dma_semaphore, #tpu.memory_space<semaphore_mem>>) src(%dma_wait3A_97 : memref<120x128xf32, #tpu.memory_space<vmem>>) dst(%dma_wait3A_94 : memref<120x128xf32, #tpu.memory_space<vmem_shared>>)
      tpu.yield
    }) : () -> ()
    %barrier3A = arith.constant 0 : index
    tpu.barrier barrier_id(%barrier3A)
    %scan3A_42 = arith.constant 0 : i32
    %scan3A_43 = arith.constant 0 : i32
    %scan3A_44 = arith.constant 20 : i32
    %scan3A_45 = arith.addi %scan3A_43, %scan3A_44 : i32
    %scan3A_46 = arith.constant 1 : i32
    scf.for %scan3A_79 = %scan3A_43 to %scan3A_45 step %scan3A_46  : i32 {
      %mul3A_80 = arith.constant 2 : i32
      %mul3A_81 = arith.muli %mul3A_80, %scan3A_79 : i32
      %add3A_82 = arith.constant 1 : i32
      %add3A_83 = arith.addi %mul3A_81, %add3A_82 : i32
      %dma_start3A_84 = arith.constant 0 : i32
      %dma_start3A_85 = tpu.memref_slice %arg5[%add3A_83, %dma_start3A_84] : memref<80x128xi32, #tpu.memory_space<vmem>> -> memref<1x128xi32, #tpu.memory_space<vmem>>
      %dma_start3A_86 = tpu.memref_squeeze %dma_start3A_85 : memref<1x128xi32, #tpu.memory_space<vmem>> -> memref<128xi32, #tpu.memory_space<vmem>>
      %dma_start3A_87 = arith.constant 0 : i32
      %dma_start3A_88 = arith.constant 0 : i32
      %dma_start3A_89 = tpu.memref_slice %arg2[%dma_start3A_87, %dma_start3A_88] : memref<10000x128xf32, #tpu.memory_space<hbm>> -> memref<10000x128xf32, #tpu.memory_space<hbm>>
      tpu.enqueue_indirect_dma source(%dma_start3A_89 : memref<10000x128xf32, #tpu.memory_space<hbm>>) target(%arg7 : memref<128x128xf32, #tpu.memory_space<vmem>>) offsets(%dma_start3A_86 : memref<128xi32, #tpu.memory_space<vmem>>) semaphore(%arg10 : memref<!tpu.dma_semaphore, #tpu.memory_space<semaphore_mem>>)
      %dma_wait3A = arith.constant 0 : i32
      %dma_wait3A_90 = tpu.memref_slice %arg5[%mul3A_81, %dma_wait3A] : memref<80x128xi32, #tpu.memory_space<vmem>> -> memref<1x128xi32, #tpu.memory_space<vmem>>
      %dma_wait3A_91 = tpu.memref_squeeze %dma_wait3A_90 : memref<1x128xi32, #tpu.memory_space<vmem>> -> memref<128xi32, #tpu.memory_space<vmem>>
      %dma_wait3A_92 = arith.constant 0 : i32
      %dma_wait3A_93 = arith.constant 0 : i32
      %dma_wait3A_94 = tpu.memref_slice %arg2[%dma_wait3A_92, %dma_wait3A_93] : memref<10000x128xf32, #tpu.memory_space<hbm>> -> memref<10000x128xf32, #tpu.memory_space<hbm>>
      tpu.wait_indirect_dma semaphore(%arg9 : memref<!tpu.dma_semaphore, #tpu.memory_space<semaphore_mem>>) src(%dma_wait3A_94 : memref<10000x128xf32, #tpu.memory_space<hbm>>) dst(%arg6 : memref<128x128xf32, #tpu.memory_space<vmem>>)
      %add3A_95 = arith.constant 40 : i32
      %add3A_96 = arith.addi %add3A_95, %mul3A_81 : i32
      "tpu.region"() ({
        %run_scoped3A = tpu.sem_alloc : memref<!tpu.dma_semaphore, #tpu.memory_space<semaphore_mem>>
        %dma_start3A_113 = arith.constant 0 : i32
        %dma_start3A_114 = tpu.memref_slice %arg5[%add3A_96, %dma_start3A_113] : memref<80x128xi32, #tpu.memory_space<vmem>> -> memref<1x128xi32, #tpu.memory_space<vmem>>
        %dma_start3A_115 = tpu.memref_squeeze %dma_start3A_114 : memref<1x128xi32, #tpu.memory_space<vmem>> -> memref<128xi32, #tpu.memory_space<vmem>>
        %dma_start3A_116 = arith.constant 0 : i32
        %dma_start3A_117 = arith.constant 0 : i32
        %dma_start3A_118 = tpu.memref_slice %arg8[%dma_start3A_116, %dma_start3A_117] : memref<10112x128xf32, #tpu.memory_space<vmem_shared>> -> memref<10112x128xf32, #tpu.memory_space<vmem_shared>>
        tpu.enqueue_indirect_dma source(%arg6 : memref<128x128xf32, #tpu.memory_space<vmem>>) target(%dma_start3A_118 : memref<10112x128xf32, #tpu.memory_space<vmem_shared>>) offsets(%dma_start3A_115 : memref<128xi32, #tpu.memory_space<vmem>>) semaphore(%run_scoped3A : memref<!tpu.dma_semaphore, #tpu.memory_space<semaphore_mem>>) {add = true}
        %dma_wait3A_119 = arith.constant 0 : i32
        %dma_wait3A_120 = tpu.memref_slice %arg5[%add3A_96, %dma_wait3A_119] : memref<80x128xi32, #tpu.memory_space<vmem>> -> memref<1x128xi32, #tpu.memory_space<vmem>>
        %dma_wait3A_121 = tpu.memref_squeeze %dma_wait3A_120 : memref<1x128xi32, #tpu.memory_space<vmem>> -> memref<128xi32, #tpu.memory_space<vmem>>
        %dma_wait3A_122 = arith.constant 0 : i32
        %dma_wait3A_123 = arith.constant 0 : i32
        %dma_wait3A_124 = tpu.memref_slice %arg8[%dma_wait3A_122, %dma_wait3A_123] : memref<10112x128xf32, #tpu.memory_space<vmem_shared>> -> memref<10112x128xf32, #tpu.memory_space<vmem_shared>>
        tpu.wait_indirect_dma semaphore(%run_scoped3A : memref<!tpu.dma_semaphore, #tpu.memory_space<semaphore_mem>>) src(%arg6 : memref<128x128xf32, #tpu.memory_space<vmem>>) dst(%dma_wait3A_124 : memref<10112x128xf32, #tpu.memory_space<vmem_shared>>)
        tpu.yield
      }) : () -> ()
      %add3A_97 = arith.constant 1 : i32
      %add3A_98 = arith.addi %scan3A_79, %add3A_97 : i32
      %lt3A = arith.constant 20 : i32
      %lt3A_99 = arith.cmpi slt, %add3A_98, %lt3A : i32
      %convert_element_type3A = arith.extui %lt3A_99 : i1 to i32
      %cond3A = arith.constant 0 : i32
      %cond3A_100 = arith.cmpi ne, %convert_element_type3A, %cond3A : i32
      scf.if %cond3A_100 {
        %add3A_113 = arith.constant 2 : i32
        %add3A_114 = arith.addi %mul3A_81, %add3A_113 : i32
        %dma_start3A_115 = arith.constant 0 : i32
        %dma_start3A_116 = tpu.memref_slice %arg5[%add3A_114, %dma_start3A_115] : memref<80x128xi32, #tpu.memory_space<vmem>> -> memref<1x128xi32, #tpu.memory_space<vmem>>
        %dma_start3A_117 = tpu.memref_squeeze %dma_start3A_116 : memref<1x128xi32, #tpu.memory_space<vmem>> -> memref<128xi32, #tpu.memory_space<vmem>>
        %dma_start3A_118 = arith.constant 0 : i32
        %dma_start3A_119 = arith.constant 0 : i32
        %dma_start3A_120 = tpu.memref_slice %arg2[%dma_start3A_118, %dma_start3A_119] : memref<10000x128xf32, #tpu.memory_space<hbm>> -> memref<10000x128xf32, #tpu.memory_space<hbm>>
        tpu.enqueue_indirect_dma source(%dma_start3A_120 : memref<10000x128xf32, #tpu.memory_space<hbm>>) target(%arg6 : memref<128x128xf32, #tpu.memory_space<vmem>>) offsets(%dma_start3A_117 : memref<128xi32, #tpu.memory_space<vmem>>) semaphore(%arg9 : memref<!tpu.dma_semaphore, #tpu.memory_space<semaphore_mem>>)
      } else {
      }
      %add3A_101 = arith.constant 1 : i32
      %add3A_102 = arith.addi %mul3A_81, %add3A_101 : i32
      %dma_wait3A_103 = arith.constant 0 : i32
      %dma_wait3A_104 = tpu.memref_slice %arg5[%add3A_102, %dma_wait3A_103] : memref<80x128xi32, #tpu.memory_space<vmem>> -> memref<1x128xi32, #tpu.memory_space<vmem>>
      %dma_wait3A_105 = tpu.memref_squeeze %dma_wait3A_104 : memref<1x128xi32, #tpu.memory_space<vmem>> -> memref<128xi32, #tpu.memory_space<vmem>>
      %dma_wait3A_106 = arith.constant 0 : i32
      %dma_wait3A_107 = arith.constant 0 : i32
      %dma_wait3A_108 = tpu.memref_slice %arg2[%dma_wait3A_106, %dma_wait3A_107] : memref<10000x128xf32, #tpu.memory_space<hbm>> -> memref<10000x128xf32, #tpu.memory_space<hbm>>
      tpu.wait_indirect_dma semaphore(%arg10 : memref<!tpu.dma_semaphore, #tpu.memory_space<semaphore_mem>>) src(%dma_wait3A_108 : memref<10000x128xf32, #tpu.memory_space<hbm>>) dst(%arg7 : memref<128x128xf32, #tpu.memory_space<vmem>>)
      %add3A_109 = arith.constant 40 : i32
      %add3A_110 = arith.addi %add3A_109, %mul3A_81 : i32
      %add3A_111 = arith.constant 1 : i32
      %add3A_112 = arith.addi %add3A_110, %add3A_111 : i32
      "tpu.region"() ({
        %run_scoped3A = tpu.sem_alloc : memref<!tpu.dma_semaphore, #tpu.memory_space<semaphore_mem>>
        %dma_start3A_113 = arith.constant 0 : i32
        %dma_start3A_114 = tpu.memref_slice %arg5[%add3A_112, %dma_start3A_113] : memref<80x128xi32, #tpu.memory_space<vmem>> -> memref<1x128xi32, #tpu.memory_space<vmem>>
        %dma_start3A_115 = tpu.memref_squeeze %dma_start3A_114 : memref<1x128xi32, #tpu.memory_space<vmem>> -> memref<128xi32, #tpu.memory_space<vmem>>
        %dma_start3A_116 = arith.constant 0 : i32
        %dma_start3A_117 = arith.constant 0 : i32
        %dma_start3A_118 = tpu.memref_slice %arg8[%dma_start3A_116, %dma_start3A_117] : memref<10112x128xf32, #tpu.memory_space<vmem_shared>> -> memref<10112x128xf32, #tpu.memory_space<vmem_shared>>
        tpu.enqueue_indirect_dma source(%arg7 : memref<128x128xf32, #tpu.memory_space<vmem>>) target(%dma_start3A_118 : memref<10112x128xf32, #tpu.memory_space<vmem_shared>>) offsets(%dma_start3A_115 : memref<128xi32, #tpu.memory_space<vmem>>) semaphore(%run_scoped3A : memref<!tpu.dma_semaphore, #tpu.memory_space<semaphore_mem>>) {add = true}
        %dma_wait3A_119 = arith.constant 0 : i32
        %dma_wait3A_120 = tpu.memref_slice %arg5[%add3A_112, %dma_wait3A_119] : memref<80x128xi32, #tpu.memory_space<vmem>> -> memref<1x128xi32, #tpu.memory_space<vmem>>
        %dma_wait3A_121 = tpu.memref_squeeze %dma_wait3A_120 : memref<1x128xi32, #tpu.memory_space<vmem>> -> memref<128xi32, #tpu.memory_space<vmem>>
        %dma_wait3A_122 = arith.constant 0 : i32
        %dma_wait3A_123 = arith.constant 0 : i32
        %dma_wait3A_124 = tpu.memref_slice %arg8[%dma_wait3A_122, %dma_wait3A_123] : memref<10112x128xf32, #tpu.memory_space<vmem_shared>> -> memref<10112x128xf32, #tpu.memory_space<vmem_shared>>
        tpu.wait_indirect_dma semaphore(%run_scoped3A : memref<!tpu.dma_semaphore, #tpu.memory_space<semaphore_mem>>) src(%arg7 : memref<128x128xf32, #tpu.memory_space<vmem>>) dst(%dma_wait3A_124 : memref<10112x128xf32, #tpu.memory_space<vmem_shared>>)
        tpu.yield
      }) : () -> ()
    }
    %scan3A_47 = arith.constant 20 : i32
    %mul3A_48 = arith.constant 2 : i32
    %mul3A_49 = arith.muli %add3A, %mul3A_48 : i32
    %add3A_50 = arith.constant 1 : i32
    %add3A_51 = arith.addi %mul3A_49, %add3A_50 : i32
    "tpu.region"() ({
      %run_scoped3A = tpu.sem_alloc : memref<!tpu.dma_semaphore, #tpu.memory_space<semaphore_mem>>
      %dma_start3A_79 = arith.constant 0 : i32
      %dma_start3A_80 = arith.constant 0 : i32
      %dma_start3A_81 = tpu.memref_slice %arg3[%add3A_51, %dma_start3A_79, %dma_start3A_80] : memref<64x80x128xi32, #tpu.memory_space<hbm>> -> memref<1x80x128xi32, #tpu.memory_space<hbm>>
      %dma_start3A_82 = tpu.memref_squeeze %dma_start3A_81 : memref<1x80x128xi32, #tpu.memory_space<hbm>> -> memref<80x128xi32, #tpu.memory_space<hbm>>
      %dma_start3A_83 = arith.constant 0 : i32
      %dma_start3A_84 = arith.constant 0 : i32
      %dma_start3A_85 = tpu.memref_slice %arg3[%add3A_51, %dma_start3A_83, %dma_start3A_84] : memref<64x80x128xi32, #tpu.memory_space<hbm>> -> memref<1x80x128xi32, #tpu.memory_space<hbm>>
      %dma_start3A_86 = tpu.memref_squeeze %dma_start3A_85 : memref<1x80x128xi32, #tpu.memory_space<hbm>> -> memref<80x128xi32, #tpu.memory_space<hbm>>
      tpu.enqueue_dma source(%dma_start3A_86 : memref<80x128xi32, #tpu.memory_space<hbm>>) target(%arg5 : memref<80x128xi32, #tpu.memory_space<vmem>>) target_semaphore(%run_scoped3A : memref<!tpu.dma_semaphore, #tpu.memory_space<semaphore_mem>>)
      %dma_wait3A = arith.constant 0 : i32
      %dma_wait3A_87 = arith.constant 0 : i32
      %dma_wait3A_88 = tpu.memref_slice %arg3[%add3A_51, %dma_wait3A, %dma_wait3A_87] : memref<64x80x128xi32, #tpu.memory_space<hbm>> -> memref<1x80x128xi32, #tpu.memory_space<hbm>>
      %dma_wait3A_89 = tpu.memref_squeeze %dma_wait3A_88 : memref<1x80x128xi32, #tpu.memory_space<hbm>> -> memref<80x128xi32, #tpu.memory_space<hbm>>
      %dma_wait3A_90 = arith.constant 0 : i32
      %dma_wait3A_91 = arith.constant 0 : i32
      %dma_wait3A_92 = tpu.memref_slice %arg3[%add3A_51, %dma_wait3A_90, %dma_wait3A_91] : memref<64x80x128xi32, #tpu.memory_space<hbm>> -> memref<1x80x128xi32, #tpu.memory_space<hbm>>
      %dma_wait3A_93 = tpu.memref_squeeze %dma_wait3A_92 : memref<1x80x128xi32, #tpu.memory_space<hbm>> -> memref<80x128xi32, #tpu.memory_space<hbm>>
      tpu.wait_dma2 semaphore(%run_scoped3A : memref<!tpu.dma_semaphore, #tpu.memory_space<semaphore_mem>>) src(%dma_wait3A_93 : memref<80x128xi32, #tpu.memory_space<hbm>>) dst(%arg5 : memref<80x128xi32, #tpu.memory_space<vmem>>)
      tpu.yield
    }) : () -> ()
    %scan3A_52 = arith.constant 0 : i32
    %scan3A_53 = arith.constant 0 : i32
    %scan3A_54 = arith.constant 40 : i32
    %scan3A_55 = arith.addi %scan3A_53, %scan3A_54 : i32
    %scan3A_56 = arith.constant 1 : i32
    scf.for %scan3A_79 = %scan3A_53 to %scan3A_55 step %scan3A_56  : i32 {
      %get3A = arith.index_cast %scan3A_79 : i32 to index
      %get3A_80 = arith.constant 0 : index
      %get3A_81 = tpu.vector_load %arg5[%get3A, %get3A_80] {strides = array<i32>} : memref<80x128xi32, #tpu.memory_space<vmem>>, vector<1x16xi32>,
      %get3A_82 = vector.shape_cast %get3A_81 : vector<1x16xi32> to vector<16xi32>
      %add3A_83 = arith.constant 40 : i32
      %add3A_84 = arith.addi %add3A_83, %scan3A_79 : i32
      %get3A_85 = arith.index_cast %add3A_84 : i32 to index
      %get3A_86 = arith.constant 0 : index
      %get3A_87 = tpu.vector_load %arg5[%get3A_85, %get3A_86] {strides = array<i32>} : memref<80x128xi32, #tpu.memory_space<vmem>>, vector<1x16xi32>,
      %get3A_88 = vector.shape_cast %get3A_87 : vector<1x16xi32> to vector<16xi32>
      %eq3A = arith.cmpi eq, %get3A_82, %get3A_88 : vector<16xi32>
      %broadcast_in_dim3A = arith.constant 10000 : i32
      %broadcast_in_dim3A_89 = vector.broadcast %broadcast_in_dim3A : i32 to vector<16xi32>
      %select_n3A = arith.select %eq3A, %broadcast_in_dim3A_89, %get3A_88 : vector<16xi1>, vector<16xi32>
      %add3A_90 = arith.constant 40 : i32
      %add3A_91 = arith.addi %add3A_90, %scan3A_79 : i32
      %swap3A = arith.index_cast %add3A_91 : i32 to index
      %swap3A_92 = arith.constant 0 : index
      %swap3A_93 = tpu.vector_load %arg5[%swap3A, %swap3A_92] {strides = array<i32>} : memref<80x128xi32, #tpu.memory_space<vmem>>, vector<1x16xi32>,
      %swap3A_94 = vector.shape_cast %swap3A_93 : vector<1x16xi32> to vector<16xi32>
      %swap3A_95 = vector.shape_cast %select_n3A : vector<16xi32> to vector<1x16xi32>
      tpu.vector_store %arg5[%swap3A, %swap3A_92], %swap3A_95 {strides = array<i32>} : memref<80x128xi32, #tpu.memory_space<vmem>>, vector<1x16xi32>,
      %get3A_96 = arith.index_cast %scan3A_79 : i32 to index
      %get3A_97 = arith.constant 16 : index
      %get3A_98 = tpu.vector_load %arg5[%get3A_96, %get3A_97] {strides = array<i32>} : memref<80x128xi32, #tpu.memory_space<vmem>>, vector<1x16xi32>,
      %get3A_99 = vector.shape_cast %get3A_98 : vector<1x16xi32> to vector<16xi32>
      %add3A_100 = arith.constant 40 : i32
      %add3A_101 = arith.addi %add3A_100, %scan3A_79 : i32
      %get3A_102 = arith.index_cast %add3A_101 : i32 to index
      %get3A_103 = arith.constant 16 : index
      %get3A_104 = tpu.vector_load %arg5[%get3A_102, %get3A_103] {strides = array<i32>} : memref<80x128xi32, #tpu.memory_space<vmem>>, vector<1x16xi32>,
      %get3A_105 = vector.shape_cast %get3A_104 : vector<1x16xi32> to vector<16xi32>
      %eq3A_106 = arith.cmpi eq, %get3A_99, %get3A_105 : vector<16xi32>
      %broadcast_in_dim3A_107 = arith.constant 10000 : i32
      %broadcast_in_dim3A_108 = vector.broadcast %broadcast_in_dim3A_107 : i32 to vector<16xi32>
      %select_n3A_109 = arith.select %eq3A_106, %broadcast_in_dim3A_108, %get3A_105 : vector<16xi1>, vector<16xi32>
      %add3A_110 = arith.constant 40 : i32
      %add3A_111 = arith.addi %add3A_110, %scan3A_79 : i32
      %swap3A_112 = arith.index_cast %add3A_111 : i32 to index
      %swap3A_113 = arith.constant 16 : index
      %swap3A_114 = tpu.vector_load %arg5[%swap3A_112, %swap3A_113] {strides = array<i32>} : memref<80x128xi32, #tpu.memory_space<vmem>>, vector<1x16xi32>,
      %swap3A_115 = vector.shape_cast %swap3A_114 : vector<1x16xi32> to vector<16xi32>
      %swap3A_116 = vector.shape_cast %select_n3A_109 : vector<16xi32> to vector<1x16xi32>
      tpu.vector_store %arg5[%swap3A_112, %swap3A_113], %swap3A_116 {strides = array<i32>} : memref<80x128xi32, #tpu.memory_space<vmem>>, vector<1x16xi32>,
      %get3A_117 = arith.index_cast %scan3A_79 : i32 to index
      %get3A_118 = arith.constant 32 : index
      %get3A_119 = tpu.vector_load %arg5[%get3A_117, %get3A_118] {strides = array<i32>} : memref<80x128xi32, #tpu.memory_space<vmem>>, vector<1x16xi32>,
      %get3A_120 = vector.shape_cast %get3A_119 : vector<1x16xi32> to vector<16xi32>
      %add3A_121 = arith.constant 40 : i32
      %add3A_122 = arith.addi %add3A_121, %scan3A_79 : i32
      %get3A_123 = arith.index_cast %add3A_122 : i32 to index
      %get3A_124 = arith.constant 32 : index
      %get3A_125 = tpu.vector_load %arg5[%get3A_123, %get3A_124] {strides = array<i32>} : memref<80x128xi32, #tpu.memory_space<vmem>>, vector<1x16xi32>,
      %get3A_126 = vector.shape_cast %get3A_125 : vector<1x16xi32> to vector<16xi32>
      %eq3A_127 = arith.cmpi eq, %get3A_120, %get3A_126 : vector<16xi32>
      %broadcast_in_dim3A_128 = arith.constant 10000 : i32
      %broadcast_in_dim3A_129 = vector.broadcast %broadcast_in_dim3A_128 : i32 to vector<16xi32>
      %select_n3A_130 = arith.select %eq3A_127, %broadcast_in_dim3A_129, %get3A_126 : vector<16xi1>, vector<16xi32>
      %add3A_131 = arith.constant 40 : i32
      %add3A_132 = arith.addi %add3A_131, %scan3A_79 : i32
      %swap3A_133 = arith.index_cast %add3A_132 : i32 to index
      %swap3A_134 = arith.constant 32 : index
      %swap3A_135 = tpu.vector_load %arg5[%swap3A_133, %swap3A_134] {strides = array<i32>} : memref<80x128xi32, #tpu.memory_space<vmem>>, vector<1x16xi32>,
      %swap3A_136 = vector.shape_cast %swap3A_135 : vector<1x16xi32> to vector<16xi32>
      %swap3A_137 = vector.shape_cast %select_n3A_130 : vector<16xi32> to vector<1x16xi32>
      tpu.vector_store %arg5[%swap3A_133, %swap3A_134], %swap3A_137 {strides = array<i32>} : memref<80x128xi32, #tpu.memory_space<vmem>>, vector<1x16xi32>,
      %get3A_138 = arith.index_cast %scan3A_79 : i32 to index
      %get3A_139 = arith.constant 48 : index
      %get3A_140 = tpu.vector_load %arg5[%get3A_138, %get3A_139] {strides = array<i32>} : memref<80x128xi32, #tpu.memory_space<vmem>>, vector<1x16xi32>,
      %get3A_141 = vector.shape_cast %get3A_140 : vector<1x16xi32> to vector<16xi32>
      %add3A_142 = arith.constant 40 : i32
      %add3A_143 = arith.addi %add3A_142, %scan3A_79 : i32
      %get3A_144 = arith.index_cast %add3A_143 : i32 to index
      %get3A_145 = arith.constant 48 : index
      %get3A_146 = tpu.vector_load %arg5[%get3A_144, %get3A_145] {strides = array<i32>} : memref<80x128xi32, #tpu.memory_space<vmem>>, vector<1x16xi32>,
      %get3A_147 = vector.shape_cast %get3A_146 : vector<1x16xi32> to vector<16xi32>
      %eq3A_148 = arith.cmpi eq, %get3A_141, %get3A_147 : vector<16xi32>
      %broadcast_in_dim3A_149 = arith.constant 10000 : i32
      %broadcast_in_dim3A_150 = vector.broadcast %broadcast_in_dim3A_149 : i32 to vector<16xi32>
      %select_n3A_151 = arith.select %eq3A_148, %broadcast_in_dim3A_150, %get3A_147 : vector<16xi1>, vector<16xi32>
      %add3A_152 = arith.constant 40 : i32
      %add3A_153 = arith.addi %add3A_152, %scan3A_79 : i32
      %swap3A_154 = arith.index_cast %add3A_153 : i32 to index
      %swap3A_155 = arith.constant 48 : index
      %swap3A_156 = tpu.vector_load %arg5[%swap3A_154, %swap3A_155] {strides = array<i32>} : memref<80x128xi32, #tpu.memory_space<vmem>>, vector<1x16xi32>,
      %swap3A_157 = vector.shape_cast %swap3A_156 : vector<1x16xi32> to vector<16xi32>
      %swap3A_158 = vector.shape_cast %select_n3A_151 : vector<16xi32> to vector<1x16xi32>
      tpu.vector_store %arg5[%swap3A_154, %swap3A_155], %swap3A_158 {strides = array<i32>} : memref<80x128xi32, #tpu.memory_space<vmem>>, vector<1x16xi32>,
      %get3A_159 = arith.index_cast %scan3A_79 : i32 to index
      %get3A_160 = arith.constant 64 : index
      %get3A_161 = tpu.vector_load %arg5[%get3A_159, %get3A_160] {strides = array<i32>} : memref<80x128xi32, #tpu.memory_space<vmem>>, vector<1x16xi32>,
      %get3A_162 = vector.shape_cast %get3A_161 : vector<1x16xi32> to vector<16xi32>
      %add3A_163 = arith.constant 40 : i32
      %add3A_164 = arith.addi %add3A_163, %scan3A_79 : i32
      %get3A_165 = arith.index_cast %add3A_164 : i32 to index
      %get3A_166 = arith.constant 64 : index
      %get3A_167 = tpu.vector_load %arg5[%get3A_165, %get3A_166] {strides = array<i32>} : memref<80x128xi32, #tpu.memory_space<vmem>>, vector<1x16xi32>,
      %get3A_168 = vector.shape_cast %get3A_167 : vector<1x16xi32> to vector<16xi32>
      %eq3A_169 = arith.cmpi eq, %get3A_162, %get3A_168 : vector<16xi32>
      %broadcast_in_dim3A_170 = arith.constant 10000 : i32
      %broadcast_in_dim3A_171 = vector.broadcast %broadcast_in_dim3A_170 : i32 to vector<16xi32>
      %select_n3A_172 = arith.select %eq3A_169, %broadcast_in_dim3A_171, %get3A_168 : vector<16xi1>, vector<16xi32>
      %add3A_173 = arith.constant 40 : i32
      %add3A_174 = arith.addi %add3A_173, %scan3A_79 : i32
      %swap3A_175 = arith.index_cast %add3A_174 : i32 to index
      %swap3A_176 = arith.constant 64 : index
      %swap3A_177 = tpu.vector_load %arg5[%swap3A_175, %swap3A_176] {strides = array<i32>} : memref<80x128xi32, #tpu.memory_space<vmem>>, vector<1x16xi32>,
      %swap3A_178 = vector.shape_cast %swap3A_177 : vector<1x16xi32> to vector<16xi32>
      %swap3A_179 = vector.shape_cast %select_n3A_172 : vector<16xi32> to vector<1x16xi32>
      tpu.vector_store %arg5[%swap3A_175, %swap3A_176], %swap3A_179 {strides = array<i32>} : memref<80x128xi32, #tpu.memory_space<vmem>>, vector<1x16xi32>,
      %get3A_180 = arith.index_cast %scan3A_79 : i32 to index
      %get3A_181 = arith.constant 80 : index
      %get3A_182 = tpu.vector_load %arg5[%get3A_180, %get3A_181] {strides = array<i32>} : memref<80x128xi32, #tpu.memory_space<vmem>>, vector<1x16xi32>,
      %get3A_183 = vector.shape_cast %get3A_182 : vector<1x16xi32> to vector<16xi32>
      %add3A_184 = arith.constant 40 : i32
      %add3A_185 = arith.addi %add3A_184, %scan3A_79 : i32
      %get3A_186 = arith.index_cast %add3A_185 : i32 to index
      %get3A_187 = arith.constant 80 : index
      %get3A_188 = tpu.vector_load %arg5[%get3A_186, %get3A_187] {strides = array<i32>} : memref<80x128xi32, #tpu.memory_space<vmem>>, vector<1x16xi32>,
      %get3A_189 = vector.shape_cast %get3A_188 : vector<1x16xi32> to vector<16xi32>
      %eq3A_190 = arith.cmpi eq, %get3A_183, %get3A_189 : vector<16xi32>
      %broadcast_in_dim3A_191 = arith.constant 10000 : i32
      %broadcast_in_dim3A_192 = vector.broadcast %broadcast_in_dim3A_191 : i32 to vector<16xi32>
      %select_n3A_193 = arith.select %eq3A_190, %broadcast_in_dim3A_192, %get3A_189 : vector<16xi1>, vector<16xi32>
      %add3A_194 = arith.constant 40 : i32
      %add3A_195 = arith.addi %add3A_194, %scan3A_79 : i32
      %swap3A_196 = arith.index_cast %add3A_195 : i32 to index
      %swap3A_197 = arith.constant 80 : index
      %swap3A_198 = tpu.vector_load %arg5[%swap3A_196, %swap3A_197] {strides = array<i32>} : memref<80x128xi32, #tpu.memory_space<vmem>>, vector<1x16xi32>,
      %swap3A_199 = vector.shape_cast %swap3A_198 : vector<1x16xi32> to vector<16xi32>
      %swap3A_200 = vector.shape_cast %select_n3A_193 : vector<16xi32> to vector<1x16xi32>
      tpu.vector_store %arg5[%swap3A_196, %swap3A_197], %swap3A_200 {strides = array<i32>} : memref<80x128xi32, #tpu.memory_space<vmem>>, vector<1x16xi32>,
      %get3A_201 = arith.index_cast %scan3A_79 : i32 to index
      %get3A_202 = arith.constant 96 : index
      %get3A_203 = tpu.vector_load %arg5[%get3A_201, %get3A_202] {strides = array<i32>} : memref<80x128xi32, #tpu.memory_space<vmem>>, vector<1x16xi32>,
      %get3A_204 = vector.shape_cast %get3A_203 : vector<1x16xi32> to vector<16xi32>
      %add3A_205 = arith.constant 40 : i32
      %add3A_206 = arith.addi %add3A_205, %scan3A_79 : i32
      %get3A_207 = arith.index_cast %add3A_206 : i32 to index
      %get3A_208 = arith.constant 96 : index
      %get3A_209 = tpu.vector_load %arg5[%get3A_207, %get3A_208] {strides = array<i32>} : memref<80x128xi32, #tpu.memory_space<vmem>>, vector<1x16xi32>,
      %get3A_210 = vector.shape_cast %get3A_209 : vector<1x16xi32> to vector<16xi32>
      %eq3A_211 = arith.cmpi eq, %get3A_204, %get3A_210 : vector<16xi32>
      %broadcast_in_dim3A_212 = arith.constant 10000 : i32
      %broadcast_in_dim3A_213 = vector.broadcast %broadcast_in_dim3A_212 : i32 to vector<16xi32>
      %select_n3A_214 = arith.select %eq3A_211, %broadcast_in_dim3A_213, %get3A_210 : vector<16xi1>, vector<16xi32>
      %add3A_215 = arith.constant 40 : i32
      %add3A_216 = arith.addi %add3A_215, %scan3A_79 : i32
      %swap3A_217 = arith.index_cast %add3A_216 : i32 to index
      %swap3A_218 = arith.constant 96 : index
      %swap3A_219 = tpu.vector_load %arg5[%swap3A_217, %swap3A_218] {strides = array<i32>} : memref<80x128xi32, #tpu.memory_space<vmem>>, vector<1x16xi32>,
      %swap3A_220 = vector.shape_cast %swap3A_219 : vector<1x16xi32> to vector<16xi32>
      %swap3A_221 = vector.shape_cast %select_n3A_214 : vector<16xi32> to vector<1x16xi32>
      tpu.vector_store %arg5[%swap3A_217, %swap3A_218], %swap3A_221 {strides = array<i32>} : memref<80x128xi32, #tpu.memory_space<vmem>>, vector<1x16xi32>,
      %get3A_222 = arith.index_cast %scan3A_79 : i32 to index
      %get3A_223 = arith.constant 112 : index
      %get3A_224 = tpu.vector_load %arg5[%get3A_222, %get3A_223] {strides = array<i32>} : memref<80x128xi32, #tpu.memory_space<vmem>>, vector<1x16xi32>,
      %get3A_225 = vector.shape_cast %get3A_224 : vector<1x16xi32> to vector<16xi32>
      %add3A_226 = arith.constant 40 : i32
      %add3A_227 = arith.addi %add3A_226, %scan3A_79 : i32
      %get3A_228 = arith.index_cast %add3A_227 : i32 to index
      %get3A_229 = arith.constant 112 : index
      %get3A_230 = tpu.vector_load %arg5[%get3A_228, %get3A_229] {strides = array<i32>} : memref<80x128xi32, #tpu.memory_space<vmem>>, vector<1x16xi32>,
      %get3A_231 = vector.shape_cast %get3A_230 : vector<1x16xi32> to vector<16xi32>
      %eq3A_232 = arith.cmpi eq, %get3A_225, %get3A_231 : vector<16xi32>
      %broadcast_in_dim3A_233 = arith.constant 10000 : i32
      %broadcast_in_dim3A_234 = vector.broadcast %broadcast_in_dim3A_233 : i32 to vector<16xi32>
      %select_n3A_235 = arith.select %eq3A_232, %broadcast_in_dim3A_234, %get3A_231 : vector<16xi1>, vector<16xi32>
      %add3A_236 = arith.constant 40 : i32
      %add3A_237 = arith.addi %add3A_236, %scan3A_79 : i32
      %swap3A_238 = arith.index_cast %add3A_237 : i32 to index
      %swap3A_239 = arith.constant 112 : index
      %swap3A_240 = tpu.vector_load %arg5[%swap3A_238, %swap3A_239] {strides = array<i32>} : memref<80x128xi32, #tpu.memory_space<vmem>>, vector<1x16xi32>,
      %swap3A_241 = vector.shape_cast %swap3A_240 : vector<1x16xi32> to vector<16xi32>
      %swap3A_242 = vector.shape_cast %select_n3A_235 : vector<16xi32> to vector<1x16xi32>
      tpu.vector_store %arg5[%swap3A_238, %swap3A_239], %swap3A_242 {strides = array<i32>} : memref<80x128xi32, #tpu.memory_space<vmem>>, vector<1x16xi32>,
    }
    %scan3A_57 = arith.constant 40 : i32
    %dma_start3A_58 = arith.constant 0 : i32
    %dma_start3A_59 = arith.constant 0 : i32
    %dma_start3A_60 = tpu.memref_slice %arg5[%dma_start3A_58, %dma_start3A_59] : memref<80x128xi32, #tpu.memory_space<vmem>> -> memref<1x128xi32, #tpu.memory_space<vmem>>
    %dma_start3A_61 = tpu.memref_squeeze %dma_start3A_60 : memref<1x128xi32, #tpu.memory_space<vmem>> -> memref<128xi32, #tpu.memory_space<vmem>>
    %dma_start3A_62 = arith.constant 0 : i32
    %dma_start3A_63 = arith.constant 0 : i32
    %dma_start3A_64 = tpu.memref_slice %arg2[%dma_start3A_62, %dma_start3A_63] : memref<10000x128xf32, #tpu.memory_space<hbm>> -> memref<10000x128xf32, #tpu.memory_space<hbm>>
    tpu.enqueue_indirect_dma source(%dma_start3A_64 : memref<10000x128xf32, #tpu.memory_space<hbm>>) target(%arg6 : memref<128x128xf32, #tpu.memory_space<vmem>>) offsets(%dma_start3A_61 : memref<128xi32, #tpu.memory_space<vmem>>) semaphore(%arg9 : memref<!tpu.dma_semaphore, #tpu.memory_space<semaphore_mem>>)
    %scan3A_65 = arith.constant 0 : i32
    %scan3A_66 = arith.constant 0 : i32
    %scan3A_67 = arith.constant 20 : i32
    %scan3A_68 = arith.addi %scan3A_66, %scan3A_67 : i32
    %scan3A_69 = arith.constant 1 : i32
    scf.for %scan3A_79 = %scan3A_66 to %scan3A_68 step %scan3A_69  : i32 {
      %mul3A_80 = arith.constant 2 : i32
      %mul3A_81 = arith.muli %mul3A_80, %scan3A_79 : i32
      %add3A_82 = arith.constant 1 : i32
      %add3A_83 = arith.addi %mul3A_81, %add3A_82 : i32
      %dma_start3A_84 = arith.constant 0 : i32
      %dma_start3A_85 = tpu.memref_slice %arg5[%add3A_83, %dma_start3A_84] : memref<80x128xi32, #tpu.memory_space<vmem>> -> memref<1x128xi32, #tpu.memory_space<vmem>>
      %dma_start3A_86 = tpu.memref_squeeze %dma_start3A_85 : memref<1x128xi32, #tpu.memory_space<vmem>> -> memref<128xi32, #tpu.memory_space<vmem>>
      %dma_start3A_87 = arith.constant 0 : i32
      %dma_start3A_88 = arith.constant 0 : i32
      %dma_start3A_89 = tpu.memref_slice %arg2[%dma_start3A_87, %dma_start3A_88] : memref<10000x128xf32, #tpu.memory_space<hbm>> -> memref<10000x128xf32, #tpu.memory_space<hbm>>
      tpu.enqueue_indirect_dma source(%dma_start3A_89 : memref<10000x128xf32, #tpu.memory_space<hbm>>) target(%arg7 : memref<128x128xf32, #tpu.memory_space<vmem>>) offsets(%dma_start3A_86 : memref<128xi32, #tpu.memory_space<vmem>>) semaphore(%arg10 : memref<!tpu.dma_semaphore, #tpu.memory_space<semaphore_mem>>)
      %dma_wait3A = arith.constant 0 : i32
      %dma_wait3A_90 = tpu.memref_slice %arg5[%mul3A_81, %dma_wait3A] : memref<80x128xi32, #tpu.memory_space<vmem>> -> memref<1x128xi32, #tpu.memory_space<vmem>>
      %dma_wait3A_91 = tpu.memref_squeeze %dma_wait3A_90 : memref<1x128xi32, #tpu.memory_space<vmem>> -> memref<128xi32, #tpu.memory_space<vmem>>
      %dma_wait3A_92 = arith.constant 0 : i32
      %dma_wait3A_93 = arith.constant 0 : i32
      %dma_wait3A_94 = tpu.memref_slice %arg2[%dma_wait3A_92, %dma_wait3A_93] : memref<10000x128xf32, #tpu.memory_space<hbm>> -> memref<10000x128xf32, #tpu.memory_space<hbm>>
      tpu.wait_indirect_dma semaphore(%arg9 : memref<!tpu.dma_semaphore, #tpu.memory_space<semaphore_mem>>) src(%dma_wait3A_94 : memref<10000x128xf32, #tpu.memory_space<hbm>>) dst(%arg6 : memref<128x128xf32, #tpu.memory_space<vmem>>)
      %add3A_95 = arith.constant 40 : i32
      %add3A_96 = arith.addi %add3A_95, %mul3A_81 : i32
      "tpu.region"() ({
        %run_scoped3A = tpu.sem_alloc : memref<!tpu.dma_semaphore, #tpu.memory_space<semaphore_mem>>
        %dma_start3A_113 = arith.constant 0 : i32
        %dma_start3A_114 = tpu.memref_slice %arg5[%add3A_96, %dma_start3A_113] : memref<80x128xi32, #tpu.memory_space<vmem>> -> memref<1x128xi32, #tpu.memory_space<vmem>>
        %dma_start3A_115 = tpu.memref_squeeze %dma_start3A_114 : memref<1x128xi32, #tpu.memory_space<vmem>> -> memref<128xi32, #tpu.memory_space<vmem>>
        %dma_start3A_116 = arith.constant 0 : i32
        %dma_start3A_117 = arith.constant 0 : i32
        %dma_start3A_118 = tpu.memref_slice %arg8[%dma_start3A_116, %dma_start3A_117] : memref<10112x128xf32, #tpu.memory_space<vmem_shared>> -> memref<10112x128xf32, #tpu.memory_space<vmem_shared>>
        tpu.enqueue_indirect_dma source(%arg6 : memref<128x128xf32, #tpu.memory_space<vmem>>) target(%dma_start3A_118 : memref<10112x128xf32, #tpu.memory_space<vmem_shared>>) offsets(%dma_start3A_115 : memref<128xi32, #tpu.memory_space<vmem>>) semaphore(%run_scoped3A : memref<!tpu.dma_semaphore, #tpu.memory_space<semaphore_mem>>) {add = true}
        %dma_wait3A_119 = arith.constant 0 : i32
        %dma_wait3A_120 = tpu.memref_slice %arg5[%add3A_96, %dma_wait3A_119] : memref<80x128xi32, #tpu.memory_space<vmem>> -> memref<1x128xi32, #tpu.memory_space<vmem>>
        %dma_wait3A_121 = tpu.memref_squeeze %dma_wait3A_120 : memref<1x128xi32, #tpu.memory_space<vmem>> -> memref<128xi32, #tpu.memory_space<vmem>>
        %dma_wait3A_122 = arith.constant 0 : i32
        %dma_wait3A_123 = arith.constant 0 : i32
        %dma_wait3A_124 = tpu.memref_slice %arg8[%dma_wait3A_122, %dma_wait3A_123] : memref<10112x128xf32, #tpu.memory_space<vmem_shared>> -> memref<10112x128xf32, #tpu.memory_space<vmem_shared>>
        tpu.wait_indirect_dma semaphore(%run_scoped3A : memref<!tpu.dma_semaphore, #tpu.memory_space<semaphore_mem>>) src(%arg6 : memref<128x128xf32, #tpu.memory_space<vmem>>) dst(%dma_wait3A_124 : memref<10112x128xf32, #tpu.memory_space<vmem_shared>>)
        tpu.yield
      }) : () -> ()
      %add3A_97 = arith.constant 1 : i32
      %add3A_98 = arith.addi %scan3A_79, %add3A_97 : i32
      %lt3A = arith.constant 20 : i32
      %lt3A_99 = arith.cmpi slt, %add3A_98, %lt3A : i32
      %convert_element_type3A = arith.extui %lt3A_99 : i1 to i32
      %cond3A = arith.constant 0 : i32
      %cond3A_100 = arith.cmpi ne, %convert_element_type3A, %cond3A : i32
      scf.if %cond3A_100 {
        %add3A_113 = arith.constant 2 : i32
        %add3A_114 = arith.addi %mul3A_81, %add3A_113 : i32
        %dma_start3A_115 = arith.constant 0 : i32
        %dma_start3A_116 = tpu.memref_slice %arg5[%add3A_114, %dma_start3A_115] : memref<80x128xi32, #tpu.memory_space<vmem>> -> memref<1x128xi32, #tpu.memory_space<vmem>>
        %dma_start3A_117 = tpu.memref_squeeze %dma_start3A_116 : memref<1x128xi32, #tpu.memory_space<vmem>> -> memref<128xi32, #tpu.memory_space<vmem>>
        %dma_start3A_118 = arith.constant 0 : i32
        %dma_start3A_119 = arith.constant 0 : i32
        %dma_start3A_120 = tpu.memref_slice %arg2[%dma_start3A_118, %dma_start3A_119] : memref<10000x128xf32, #tpu.memory_space<hbm>> -> memref<10000x128xf32, #tpu.memory_space<hbm>>
        tpu.enqueue_indirect_dma source(%dma_start3A_120 : memref<10000x128xf32, #tpu.memory_space<hbm>>) target(%arg6 : memref<128x128xf32, #tpu.memory_space<vmem>>) offsets(%dma_start3A_117 : memref<128xi32, #tpu.memory_space<vmem>>) semaphore(%arg9 : memref<!tpu.dma_semaphore, #tpu.memory_space<semaphore_mem>>)
      } else {
      }
      %add3A_101 = arith.constant 1 : i32
      %add3A_102 = arith.addi %mul3A_81, %add3A_101 : i32
      %dma_wait3A_103 = arith.constant 0 : i32
      %dma_wait3A_104 = tpu.memref_slice %arg5[%add3A_102, %dma_wait3A_103] : memref<80x128xi32, #tpu.memory_space<vmem>> -> memref<1x128xi32, #tpu.memory_space<vmem>>
      %dma_wait3A_105 = tpu.memref_squeeze %dma_wait3A_104 : memref<1x128xi32, #tpu.memory_space<vmem>> -> memref<128xi32, #tpu.memory_space<vmem>>
      %dma_wait3A_106 = arith.constant 0 : i32
      %dma_wait3A_107 = arith.constant 0 : i32
      %dma_wait3A_108 = tpu.memref_slice %arg2[%dma_wait3A_106, %dma_wait3A_107] : memref<10000x128xf32, #tpu.memory_space<hbm>> -> memref<10000x128xf32, #tpu.memory_space<hbm>>
      tpu.wait_indirect_dma semaphore(%arg10 : memref<!tpu.dma_semaphore, #tpu.memory_space<semaphore_mem>>) src(%dma_wait3A_108 : memref<10000x128xf32, #tpu.memory_space<hbm>>) dst(%arg7 : memref<128x128xf32, #tpu.memory_space<vmem>>)
      %add3A_109 = arith.constant 40 : i32
      %add3A_110 = arith.addi %add3A_109, %mul3A_81 : i32
      %add3A_111 = arith.constant 1 : i32
      %add3A_112 = arith.addi %add3A_110, %add3A_111 : i32
      "tpu.region"() ({
        %run_scoped3A = tpu.sem_alloc : memref<!tpu.dma_semaphore, #tpu.memory_space<semaphore_mem>>
        %dma_start3A_113 = arith.constant 0 : i32
        %dma_start3A_114 = tpu.memref_slice %arg5[%add3A_112, %dma_start3A_113] : memref<80x128xi32, #tpu.memory_space<vmem>> -> memref<1x128xi32, #tpu.memory_space<vmem>>
        %dma_start3A_115 = tpu.memref_squeeze %dma_start3A_114 : memref<1x128xi32, #tpu.memory_space<vmem>> -> memref<128xi32, #tpu.memory_space<vmem>>
        %dma_start3A_116 = arith.constant 0 : i32
        %dma_start3A_117 = arith.constant 0 : i32
        %dma_start3A_118 = tpu.memref_slice %arg8[%dma_start3A_116, %dma_start3A_117] : memref<10112x128xf32, #tpu.memory_space<vmem_shared>> -> memref<10112x128xf32, #tpu.memory_space<vmem_shared>>
        tpu.enqueue_indirect_dma source(%arg7 : memref<128x128xf32, #tpu.memory_space<vmem>>) target(%dma_start3A_118 : memref<10112x128xf32, #tpu.memory_space<vmem_shared>>) offsets(%dma_start3A_115 : memref<128xi32, #tpu.memory_space<vmem>>) semaphore(%run_scoped3A : memref<!tpu.dma_semaphore, #tpu.memory_space<semaphore_mem>>) {add = true}
        %dma_wait3A_119 = arith.constant 0 : i32
        %dma_wait3A_120 = tpu.memref_slice %arg5[%add3A_112, %dma_wait3A_119] : memref<80x128xi32, #tpu.memory_space<vmem>> -> memref<1x128xi32, #tpu.memory_space<vmem>>
        %dma_wait3A_121 = tpu.memref_squeeze %dma_wait3A_120 : memref<1x128xi32, #tpu.memory_space<vmem>> -> memref<128xi32, #tpu.memory_space<vmem>>
        %dma_wait3A_122 = arith.constant 0 : i32
        %dma_wait3A_123 = arith.constant 0 : i32
        %dma_wait3A_124 = tpu.memref_slice %arg8[%dma_wait3A_122, %dma_wait3A_123] : memref<10112x128xf32, #tpu.memory_space<vmem_shared>> -> memref<10112x128xf32, #tpu.memory_space<vmem_shared>>
        tpu.wait_indirect_dma semaphore(%run_scoped3A : memref<!tpu.dma_semaphore, #tpu.memory_space<semaphore_mem>>) src(%arg7 : memref<128x128xf32, #tpu.memory_space<vmem>>) dst(%dma_wait3A_124 : memref<10112x128xf32, #tpu.memory_space<vmem_shared>>)
        tpu.yield
      }) : () -> ()
    }
    %scan3A_70 = arith.constant 20 : i32
    %barrier3A_71 = arith.constant 0 : index
    tpu.barrier barrier_id(%barrier3A_71)
    %mul3A_72 = arith.constant 632 : i32
    %mul3A_73 = arith.muli %arg1, %mul3A_72 : i32
    %mul3A_74 = arith.constant 10112 : i32
    %mul3A_75 = arith.muli %arg0, %mul3A_74 : i32
    %mul3A_76 = arith.constant 632 : i32
    %mul3A_77 = arith.muli %arg1, %mul3A_76 : i32
    %add3A_78 = arith.addi %mul3A_75, %mul3A_77 : i32
    "tpu.region"() ({
      %run_scoped3A = tpu.sem_alloc : memref<!tpu.dma_semaphore, #tpu.memory_space<semaphore_mem>>
      %dma_start3A_79 = arith.constant 0 : i32
      %dma_start3A_80 = tpu.memref_slice %arg4[%add3A_78, %dma_start3A_79] : memref<20224x128xf32, #tpu.memory_space<hbm>> -> memref<632x128xf32, #tpu.memory_space<hbm>>
      %dma_start3A_81 = arith.constant 0 : i32
      %dma_start3A_82 = tpu.memref_slice %arg8[%mul3A_73, %dma_start3A_81] : memref<10112x128xf32, #tpu.memory_space<vmem_shared>> -> memref<632x128xf32, #tpu.memory_space<vmem_shared>>
      tpu.enqueue_dma source(%dma_start3A_82 : memref<632x128xf32, #tpu.memory_space<vmem_shared>>) target(%dma_start3A_80 : memref<632x128xf32, #tpu.memory_space<hbm>>) target_semaphore(%run_scoped3A : memref<!tpu.dma_semaphore, #tpu.memory_space<semaphore_mem>>)
      %dma_wait3A = arith.constant 0 : i32
      %dma_wait3A_83 = tpu.memref_slice %arg4[%add3A_78, %dma_wait3A] : memref<20224x128xf32, #tpu.memory_space<hbm>> -> memref<632x128xf32, #tpu.memory_space<hbm>>
      %dma_wait3A_84 = arith.constant 0 : i32
      %dma_wait3A_85 = tpu.memref_slice %arg8[%mul3A_73, %dma_wait3A_84] : memref<10112x128xf32, #tpu.memory_space<vmem_shared>> -> memref<632x128xf32, #tpu.memory_space<vmem_shared>>
      tpu.wait_dma2 semaphore(%run_scoped3A : memref<!tpu.dma_semaphore, #tpu.memory_space<semaphore_mem>>) src(%dma_wait3A_85 : memref<632x128xf32, #tpu.memory_space<vmem_shared>>) dst(%dma_wait3A_83 : memref<632x128xf32, #tpu.memory_space<hbm>>)
      tpu.yield
    }) : () -> ()
    return
  }
}

#map = affine_map<(d0, d1) -> (0, 0)>
#map1 = affine_map<(d0, d1) -> (0, 0, 0)>
module attributes {stable_mosaic.version = 14 : i64} {
  func.func @_seg_body(%arg0: i32, %arg1: i32, %arg2: memref<10000x128xf32, #tpu.memory_space<hbm>>, %arg3: memref<64x80x128xi32, #tpu.memory_space<hbm>>, %arg4: memref<20224x128xf32, #tpu.memory_space<hbm>>, %arg5: memref<80x128xi32, #tpu.memory_space<vmem>>, %arg6: memref<128x128xf32, #tpu.memory_space<vmem>>, %arg7: memref<128x128xf32, #tpu.memory_space<vmem>>, %arg8: memref<10112x128xf32, #tpu.memory_space<vmem_shared>>, %arg9: memref<!tpu.dma_semaphore, #tpu.memory_space<semaphore_mem>>, %arg10: memref<!tpu.dma_semaphore, #tpu.memory_space<semaphore_mem>>) attributes {dimension_semantics = [#tpu.dimension_semantics<core_parallel>, #tpu.dimension_semantics<subcore_parallel>], iteration_bounds = array<i64: 2, 16>, scalar_prefetch = 0 : i64, scratch_operands = 6 : i64, tpu.core_type = #tpu.core_type<sc_vector_subcore>, window_params = [{transform_indices = #map}, {transform_indices = #map1}, {transform_indices = #map}]} {
    %mul3A = arith.constant 16 : i32
    %mul3A_0 = arith.muli %arg0, %mul3A : i32
    %add3A = arith.addi %mul3A_0, %arg1 : i32
    %mul3A_1 = arith.constant 2 : i32
    %mul3A_2 = arith.muli %add3A, %mul3A_1 : i32
    %add3A_3 = arith.constant 0 : i32
    %add3A_4 = arith.addi %mul3A_2, %add3A_3 : i32
    "tpu.region"() ({
      %run_scoped3A = tpu.sem_alloc : memref<!tpu.dma_semaphore, #tpu.memory_space<semaphore_mem>>
      %dma_start3A_79 = arith.constant 0 : i32
      %dma_start3A_80 = arith.constant 0 : i32
      %dma_start3A_81 = tpu.memref_slice %arg3[%add3A_4, %dma_start3A_79, %dma_start3A_80] : memref<64x80x128xi32, #tpu.memory_space<hbm>> -> memref<1x80x128xi32, #tpu.memory_space<hbm>>
      %dma_start3A_82 = tpu.memref_squeeze %dma_start3A_81 : memref<1x80x128xi32, #tpu.memory_space<hbm>> -> memref<80x128xi32, #tpu.memory_space<hbm>>
      %dma_start3A_83 = arith.constant 0 : i32
      %dma_start3A_84 = arith.constant 0 : i32
      %dma_start3A_85 = tpu.memref_slice %arg3[%add3A_4, %dma_start3A_83, %dma_start3A_84] : memref<64x80x128xi32, #tpu.memory_space<hbm>> -> memref<1x80x128xi32, #tpu.memory_space<hbm>>
      %dma_start3A_86 = tpu.memref_squeeze %dma_start3A_85 : memref<1x80x128xi32, #tpu.memory_space<hbm>> -> memref<80x128xi32, #tpu.memory_space<hbm>>
      tpu.enqueue_dma source(%dma_start3A_86 : memref<80x128xi32, #tpu.memory_space<hbm>>) target(%arg5 : memref<80x128xi32, #tpu.memory_space<vmem>>) target_semaphore(%run_scoped3A : memref<!tpu.dma_semaphore, #tpu.memory_space<semaphore_mem>>)
      %dma_wait3A = arith.constant 0 : i32
      %dma_wait3A_87 = arith.constant 0 : i32
      %dma_wait3A_88 = tpu.memref_slice %arg3[%add3A_4, %dma_wait3A, %dma_wait3A_87] : memref<64x80x128xi32, #tpu.memory_space<hbm>> -> memref<1x80x128xi32, #tpu.memory_space<hbm>>
      %dma_wait3A_89 = tpu.memref_squeeze %dma_wait3A_88 : memref<1x80x128xi32, #tpu.memory_space<hbm>> -> memref<80x128xi32, #tpu.memory_space<hbm>>
      %dma_wait3A_90 = arith.constant 0 : i32
      %dma_wait3A_91 = arith.constant 0 : i32
      %dma_wait3A_92 = tpu.memref_slice %arg3[%add3A_4, %dma_wait3A_90, %dma_wait3A_91] : memref<64x80x128xi32, #tpu.memory_space<hbm>> -> memref<1x80x128xi32, #tpu.memory_space<hbm>>
      %dma_wait3A_93 = tpu.memref_squeeze %dma_wait3A_92 : memref<1x80x128xi32, #tpu.memory_space<hbm>> -> memref<80x128xi32, #tpu.memory_space<hbm>>
      tpu.wait_dma2 semaphore(%run_scoped3A : memref<!tpu.dma_semaphore, #tpu.memory_space<semaphore_mem>>) src(%dma_wait3A_93 : memref<80x128xi32, #tpu.memory_space<hbm>>) dst(%arg5 : memref<80x128xi32, #tpu.memory_space<vmem>>)
      tpu.yield
    }) : () -> ()
    %scan3A = arith.constant 0 : i32
    %scan3A_5 = arith.constant 0 : i32
    %scan3A_6 = arith.constant 40 : i32
    %scan3A_7 = arith.addi %scan3A_5, %scan3A_6 : i32
    %scan3A_8 = arith.constant 1 : i32
    scf.for %scan3A_79 = %scan3A_5 to %scan3A_7 step %scan3A_8  : i32 {
      %get3A = arith.index_cast %scan3A_79 : i32 to index
      %get3A_80 = arith.constant 0 : index
      %get3A_81 = tpu.vector_load %arg5[%get3A, %get3A_80] {strides = array<i32>} : memref<80x128xi32, #tpu.memory_space<vmem>>, vector<1x16xi32>,
      %get3A_82 = vector.shape_cast %get3A_81 : vector<1x16xi32> to vector<16xi32>
      %add3A_83 = arith.constant 40 : i32
      %add3A_84 = arith.addi %add3A_83, %scan3A_79 : i32
      %get3A_85 = arith.index_cast %add3A_84 : i32 to index
      %get3A_86 = arith.constant 0 : index
      %get3A_87 = tpu.vector_load %arg5[%get3A_85, %get3A_86] {strides = array<i32>} : memref<80x128xi32, #tpu.memory_space<vmem>>, vector<1x16xi32>,
      %get3A_88 = vector.shape_cast %get3A_87 : vector<1x16xi32> to vector<16xi32>
      %eq3A = arith.cmpi eq, %get3A_82, %get3A_88 : vector<16xi32>
      %broadcast_in_dim3A = arith.constant 10000 : i32
      %broadcast_in_dim3A_89 = vector.broadcast %broadcast_in_dim3A : i32 to vector<16xi32>
      %select_n3A = arith.select %eq3A, %broadcast_in_dim3A_89, %get3A_88 : vector<16xi1>, vector<16xi32>
      %add3A_90 = arith.constant 40 : i32
      %add3A_91 = arith.addi %add3A_90, %scan3A_79 : i32
      %swap3A = arith.index_cast %add3A_91 : i32 to index
      %swap3A_92 = arith.constant 0 : index
      %swap3A_93 = tpu.vector_load %arg5[%swap3A, %swap3A_92] {strides = array<i32>} : memref<80x128xi32, #tpu.memory_space<vmem>>, vector<1x16xi32>,
      %swap3A_94 = vector.shape_cast %swap3A_93 : vector<1x16xi32> to vector<16xi32>
      %swap3A_95 = vector.shape_cast %select_n3A : vector<16xi32> to vector<1x16xi32>
      tpu.vector_store %arg5[%swap3A, %swap3A_92], %swap3A_95 {strides = array<i32>} : memref<80x128xi32, #tpu.memory_space<vmem>>, vector<1x16xi32>,
      %get3A_96 = arith.index_cast %scan3A_79 : i32 to index
      %get3A_97 = arith.constant 16 : index
      %get3A_98 = tpu.vector_load %arg5[%get3A_96, %get3A_97] {strides = array<i32>} : memref<80x128xi32, #tpu.memory_space<vmem>>, vector<1x16xi32>,
      %get3A_99 = vector.shape_cast %get3A_98 : vector<1x16xi32> to vector<16xi32>
      %add3A_100 = arith.constant 40 : i32
      %add3A_101 = arith.addi %add3A_100, %scan3A_79 : i32
      %get3A_102 = arith.index_cast %add3A_101 : i32 to index
      %get3A_103 = arith.constant 16 : index
      %get3A_104 = tpu.vector_load %arg5[%get3A_102, %get3A_103] {strides = array<i32>} : memref<80x128xi32, #tpu.memory_space<vmem>>, vector<1x16xi32>,
      %get3A_105 = vector.shape_cast %get3A_104 : vector<1x16xi32> to vector<16xi32>
      %eq3A_106 = arith.cmpi eq, %get3A_99, %get3A_105 : vector<16xi32>
      %broadcast_in_dim3A_107 = arith.constant 10000 : i32
      %broadcast_in_dim3A_108 = vector.broadcast %broadcast_in_dim3A_107 : i32 to vector<16xi32>
      %select_n3A_109 = arith.select %eq3A_106, %broadcast_in_dim3A_108, %get3A_105 : vector<16xi1>, vector<16xi32>
      %add3A_110 = arith.constant 40 : i32
      %add3A_111 = arith.addi %add3A_110, %scan3A_79 : i32
      %swap3A_112 = arith.index_cast %add3A_111 : i32 to index
      %swap3A_113 = arith.constant 16 : index
      %swap3A_114 = tpu.vector_load %arg5[%swap3A_112, %swap3A_113] {strides = array<i32>} : memref<80x128xi32, #tpu.memory_space<vmem>>, vector<1x16xi32>,
      %swap3A_115 = vector.shape_cast %swap3A_114 : vector<1x16xi32> to vector<16xi32>
      %swap3A_116 = vector.shape_cast %select_n3A_109 : vector<16xi32> to vector<1x16xi32>
      tpu.vector_store %arg5[%swap3A_112, %swap3A_113], %swap3A_116 {strides = array<i32>} : memref<80x128xi32, #tpu.memory_space<vmem>>, vector<1x16xi32>,
      %get3A_117 = arith.index_cast %scan3A_79 : i32 to index
      %get3A_118 = arith.constant 32 : index
      %get3A_119 = tpu.vector_load %arg5[%get3A_117, %get3A_118] {strides = array<i32>} : memref<80x128xi32, #tpu.memory_space<vmem>>, vector<1x16xi32>,
      %get3A_120 = vector.shape_cast %get3A_119 : vector<1x16xi32> to vector<16xi32>
      %add3A_121 = arith.constant 40 : i32
      %add3A_122 = arith.addi %add3A_121, %scan3A_79 : i32
      %get3A_123 = arith.index_cast %add3A_122 : i32 to index
      %get3A_124 = arith.constant 32 : index
      %get3A_125 = tpu.vector_load %arg5[%get3A_123, %get3A_124] {strides = array<i32>} : memref<80x128xi32, #tpu.memory_space<vmem>>, vector<1x16xi32>,
      %get3A_126 = vector.shape_cast %get3A_125 : vector<1x16xi32> to vector<16xi32>
      %eq3A_127 = arith.cmpi eq, %get3A_120, %get3A_126 : vector<16xi32>
      %broadcast_in_dim3A_128 = arith.constant 10000 : i32
      %broadcast_in_dim3A_129 = vector.broadcast %broadcast_in_dim3A_128 : i32 to vector<16xi32>
      %select_n3A_130 = arith.select %eq3A_127, %broadcast_in_dim3A_129, %get3A_126 : vector<16xi1>, vector<16xi32>
      %add3A_131 = arith.constant 40 : i32
      %add3A_132 = arith.addi %add3A_131, %scan3A_79 : i32
      %swap3A_133 = arith.index_cast %add3A_132 : i32 to index
      %swap3A_134 = arith.constant 32 : index
      %swap3A_135 = tpu.vector_load %arg5[%swap3A_133, %swap3A_134] {strides = array<i32>} : memref<80x128xi32, #tpu.memory_space<vmem>>, vector<1x16xi32>,
      %swap3A_136 = vector.shape_cast %swap3A_135 : vector<1x16xi32> to vector<16xi32>
      %swap3A_137 = vector.shape_cast %select_n3A_130 : vector<16xi32> to vector<1x16xi32>
      tpu.vector_store %arg5[%swap3A_133, %swap3A_134], %swap3A_137 {strides = array<i32>} : memref<80x128xi32, #tpu.memory_space<vmem>>, vector<1x16xi32>,
      %get3A_138 = arith.index_cast %scan3A_79 : i32 to index
      %get3A_139 = arith.constant 48 : index
      %get3A_140 = tpu.vector_load %arg5[%get3A_138, %get3A_139] {strides = array<i32>} : memref<80x128xi32, #tpu.memory_space<vmem>>, vector<1x16xi32>,
      %get3A_141 = vector.shape_cast %get3A_140 : vector<1x16xi32> to vector<16xi32>
      %add3A_142 = arith.constant 40 : i32
      %add3A_143 = arith.addi %add3A_142, %scan3A_79 : i32
      %get3A_144 = arith.index_cast %add3A_143 : i32 to index
      %get3A_145 = arith.constant 48 : index
      %get3A_146 = tpu.vector_load %arg5[%get3A_144, %get3A_145] {strides = array<i32>} : memref<80x128xi32, #tpu.memory_space<vmem>>, vector<1x16xi32>,
      %get3A_147 = vector.shape_cast %get3A_146 : vector<1x16xi32> to vector<16xi32>
      %eq3A_148 = arith.cmpi eq, %get3A_141, %get3A_147 : vector<16xi32>
      %broadcast_in_dim3A_149 = arith.constant 10000 : i32
      %broadcast_in_dim3A_150 = vector.broadcast %broadcast_in_dim3A_149 : i32 to vector<16xi32>
      %select_n3A_151 = arith.select %eq3A_148, %broadcast_in_dim3A_150, %get3A_147 : vector<16xi1>, vector<16xi32>
      %add3A_152 = arith.constant 40 : i32
      %add3A_153 = arith.addi %add3A_152, %scan3A_79 : i32
      %swap3A_154 = arith.index_cast %add3A_153 : i32 to index
      %swap3A_155 = arith.constant 48 : index
      %swap3A_156 = tpu.vector_load %arg5[%swap3A_154, %swap3A_155] {strides = array<i32>} : memref<80x128xi32, #tpu.memory_space<vmem>>, vector<1x16xi32>,
      %swap3A_157 = vector.shape_cast %swap3A_156 : vector<1x16xi32> to vector<16xi32>
      %swap3A_158 = vector.shape_cast %select_n3A_151 : vector<16xi32> to vector<1x16xi32>
      tpu.vector_store %arg5[%swap3A_154, %swap3A_155], %swap3A_158 {strides = array<i32>} : memref<80x128xi32, #tpu.memory_space<vmem>>, vector<1x16xi32>,
      %get3A_159 = arith.index_cast %scan3A_79 : i32 to index
      %get3A_160 = arith.constant 64 : index
      %get3A_161 = tpu.vector_load %arg5[%get3A_159, %get3A_160] {strides = array<i32>} : memref<80x128xi32, #tpu.memory_space<vmem>>, vector<1x16xi32>,
      %get3A_162 = vector.shape_cast %get3A_161 : vector<1x16xi32> to vector<16xi32>
      %add3A_163 = arith.constant 40 : i32
      %add3A_164 = arith.addi %add3A_163, %scan3A_79 : i32
      %get3A_165 = arith.index_cast %add3A_164 : i32 to index
      %get3A_166 = arith.constant 64 : index
      %get3A_167 = tpu.vector_load %arg5[%get3A_165, %get3A_166] {strides = array<i32>} : memref<80x128xi32, #tpu.memory_space<vmem>>, vector<1x16xi32>,
      %get3A_168 = vector.shape_cast %get3A_167 : vector<1x16xi32> to vector<16xi32>
      %eq3A_169 = arith.cmpi eq, %get3A_162, %get3A_168 : vector<16xi32>
      %broadcast_in_dim3A_170 = arith.constant 10000 : i32
      %broadcast_in_dim3A_171 = vector.broadcast %broadcast_in_dim3A_170 : i32 to vector<16xi32>
      %select_n3A_172 = arith.select %eq3A_169, %broadcast_in_dim3A_171, %get3A_168 : vector<16xi1>, vector<16xi32>
      %add3A_173 = arith.constant 40 : i32
      %add3A_174 = arith.addi %add3A_173, %scan3A_79 : i32
      %swap3A_175 = arith.index_cast %add3A_174 : i32 to index
      %swap3A_176 = arith.constant 64 : index
      %swap3A_177 = tpu.vector_load %arg5[%swap3A_175, %swap3A_176] {strides = array<i32>} : memref<80x128xi32, #tpu.memory_space<vmem>>, vector<1x16xi32>,
      %swap3A_178 = vector.shape_cast %swap3A_177 : vector<1x16xi32> to vector<16xi32>
      %swap3A_179 = vector.shape_cast %select_n3A_172 : vector<16xi32> to vector<1x16xi32>
      tpu.vector_store %arg5[%swap3A_175, %swap3A_176], %swap3A_179 {strides = array<i32>} : memref<80x128xi32, #tpu.memory_space<vmem>>, vector<1x16xi32>,
      %get3A_180 = arith.index_cast %scan3A_79 : i32 to index
      %get3A_181 = arith.constant 80 : index
      %get3A_182 = tpu.vector_load %arg5[%get3A_180, %get3A_181] {strides = array<i32>} : memref<80x128xi32, #tpu.memory_space<vmem>>, vector<1x16xi32>,
      %get3A_183 = vector.shape_cast %get3A_182 : vector<1x16xi32> to vector<16xi32>
      %add3A_184 = arith.constant 40 : i32
      %add3A_185 = arith.addi %add3A_184, %scan3A_79 : i32
      %get3A_186 = arith.index_cast %add3A_185 : i32 to index
      %get3A_187 = arith.constant 80 : index
      %get3A_188 = tpu.vector_load %arg5[%get3A_186, %get3A_187] {strides = array<i32>} : memref<80x128xi32, #tpu.memory_space<vmem>>, vector<1x16xi32>,
      %get3A_189 = vector.shape_cast %get3A_188 : vector<1x16xi32> to vector<16xi32>
      %eq3A_190 = arith.cmpi eq, %get3A_183, %get3A_189 : vector<16xi32>
      %broadcast_in_dim3A_191 = arith.constant 10000 : i32
      %broadcast_in_dim3A_192 = vector.broadcast %broadcast_in_dim3A_191 : i32 to vector<16xi32>
      %select_n3A_193 = arith.select %eq3A_190, %broadcast_in_dim3A_192, %get3A_189 : vector<16xi1>, vector<16xi32>
      %add3A_194 = arith.constant 40 : i32
      %add3A_195 = arith.addi %add3A_194, %scan3A_79 : i32
      %swap3A_196 = arith.index_cast %add3A_195 : i32 to index
      %swap3A_197 = arith.constant 80 : index
      %swap3A_198 = tpu.vector_load %arg5[%swap3A_196, %swap3A_197] {strides = array<i32>} : memref<80x128xi32, #tpu.memory_space<vmem>>, vector<1x16xi32>,
      %swap3A_199 = vector.shape_cast %swap3A_198 : vector<1x16xi32> to vector<16xi32>
      %swap3A_200 = vector.shape_cast %select_n3A_193 : vector<16xi32> to vector<1x16xi32>
      tpu.vector_store %arg5[%swap3A_196, %swap3A_197], %swap3A_200 {strides = array<i32>} : memref<80x128xi32, #tpu.memory_space<vmem>>, vector<1x16xi32>,
      %get3A_201 = arith.index_cast %scan3A_79 : i32 to index
      %get3A_202 = arith.constant 96 : index
      %get3A_203 = tpu.vector_load %arg5[%get3A_201, %get3A_202] {strides = array<i32>} : memref<80x128xi32, #tpu.memory_space<vmem>>, vector<1x16xi32>,
      %get3A_204 = vector.shape_cast %get3A_203 : vector<1x16xi32> to vector<16xi32>
      %add3A_205 = arith.constant 40 : i32
      %add3A_206 = arith.addi %add3A_205, %scan3A_79 : i32
      %get3A_207 = arith.index_cast %add3A_206 : i32 to index
      %get3A_208 = arith.constant 96 : index
      %get3A_209 = tpu.vector_load %arg5[%get3A_207, %get3A_208] {strides = array<i32>} : memref<80x128xi32, #tpu.memory_space<vmem>>, vector<1x16xi32>,
      %get3A_210 = vector.shape_cast %get3A_209 : vector<1x16xi32> to vector<16xi32>
      %eq3A_211 = arith.cmpi eq, %get3A_204, %get3A_210 : vector<16xi32>
      %broadcast_in_dim3A_212 = arith.constant 10000 : i32
      %broadcast_in_dim3A_213 = vector.broadcast %broadcast_in_dim3A_212 : i32 to vector<16xi32>
      %select_n3A_214 = arith.select %eq3A_211, %broadcast_in_dim3A_213, %get3A_210 : vector<16xi1>, vector<16xi32>
      %add3A_215 = arith.constant 40 : i32
      %add3A_216 = arith.addi %add3A_215, %scan3A_79 : i32
      %swap3A_217 = arith.index_cast %add3A_216 : i32 to index
      %swap3A_218 = arith.constant 96 : index
      %swap3A_219 = tpu.vector_load %arg5[%swap3A_217, %swap3A_218] {strides = array<i32>} : memref<80x128xi32, #tpu.memory_space<vmem>>, vector<1x16xi32>,
      %swap3A_220 = vector.shape_cast %swap3A_219 : vector<1x16xi32> to vector<16xi32>
      %swap3A_221 = vector.shape_cast %select_n3A_214 : vector<16xi32> to vector<1x16xi32>
      tpu.vector_store %arg5[%swap3A_217, %swap3A_218], %swap3A_221 {strides = array<i32>} : memref<80x128xi32, #tpu.memory_space<vmem>>, vector<1x16xi32>,
      %get3A_222 = arith.index_cast %scan3A_79 : i32 to index
      %get3A_223 = arith.constant 112 : index
      %get3A_224 = tpu.vector_load %arg5[%get3A_222, %get3A_223] {strides = array<i32>} : memref<80x128xi32, #tpu.memory_space<vmem>>, vector<1x16xi32>,
      %get3A_225 = vector.shape_cast %get3A_224 : vector<1x16xi32> to vector<16xi32>
      %add3A_226 = arith.constant 40 : i32
      %add3A_227 = arith.addi %add3A_226, %scan3A_79 : i32
      %get3A_228 = arith.index_cast %add3A_227 : i32 to index
      %get3A_229 = arith.constant 112 : index
      %get3A_230 = tpu.vector_load %arg5[%get3A_228, %get3A_229] {strides = array<i32>} : memref<80x128xi32, #tpu.memory_space<vmem>>, vector<1x16xi32>,
      %get3A_231 = vector.shape_cast %get3A_230 : vector<1x16xi32> to vector<16xi32>
      %eq3A_232 = arith.cmpi eq, %get3A_225, %get3A_231 : vector<16xi32>
      %broadcast_in_dim3A_233 = arith.constant 10000 : i32
      %broadcast_in_dim3A_234 = vector.broadcast %broadcast_in_dim3A_233 : i32 to vector<16xi32>
      %select_n3A_235 = arith.select %eq3A_232, %broadcast_in_dim3A_234, %get3A_231 : vector<16xi1>, vector<16xi32>
      %add3A_236 = arith.constant 40 : i32
      %add3A_237 = arith.addi %add3A_236, %scan3A_79 : i32
      %swap3A_238 = arith.index_cast %add3A_237 : i32 to index
      %swap3A_239 = arith.constant 112 : index
      %swap3A_240 = tpu.vector_load %arg5[%swap3A_238, %swap3A_239] {strides = array<i32>} : memref<80x128xi32, #tpu.memory_space<vmem>>, vector<1x16xi32>,
      %swap3A_241 = vector.shape_cast %swap3A_240 : vector<1x16xi32> to vector<16xi32>
      %swap3A_242 = vector.shape_cast %select_n3A_235 : vector<16xi32> to vector<1x16xi32>
      tpu.vector_store %arg5[%swap3A_238, %swap3A_239], %swap3A_242 {strides = array<i32>} : memref<80x128xi32, #tpu.memory_space<vmem>>, vector<1x16xi32>,
    }
    %scan3A_9 = arith.constant 40 : i32
    %dma_start3A = arith.constant 0 : i32
    %dma_start3A_10 = arith.constant 0 : i32
    %dma_start3A_11 = tpu.memref_slice %arg5[%dma_start3A, %dma_start3A_10] : memref<80x128xi32, #tpu.memory_space<vmem>> -> memref<1x128xi32, #tpu.memory_space<vmem>>
    %dma_start3A_12 = tpu.memref_squeeze %dma_start3A_11 : memref<1x128xi32, #tpu.memory_space<vmem>> -> memref<128xi32, #tpu.memory_space<vmem>>
    %dma_start3A_13 = arith.constant 0 : i32
    %dma_start3A_14 = arith.constant 0 : i32
    %dma_start3A_15 = tpu.memref_slice %arg2[%dma_start3A_13, %dma_start3A_14] : memref<10000x128xf32, #tpu.memory_space<hbm>> -> memref<10000x128xf32, #tpu.memory_space<hbm>>
    tpu.enqueue_indirect_dma source(%dma_start3A_15 : memref<10000x128xf32, #tpu.memory_space<hbm>>) target(%arg6 : memref<128x128xf32, #tpu.memory_space<vmem>>) offsets(%dma_start3A_12 : memref<128xi32, #tpu.memory_space<vmem>>) semaphore(%arg9 : memref<!tpu.dma_semaphore, #tpu.memory_space<semaphore_mem>>)
    %scan3A_16 = arith.constant 0 : i32
    %scan3A_17 = arith.constant 0 : i32
    %scan3A_18 = arith.constant 128 : i32
    %scan3A_19 = arith.addi %scan3A_17, %scan3A_18 : i32
    %scan3A_20 = arith.constant 1 : i32
    scf.for %scan3A_79 = %scan3A_17 to %scan3A_19 step %scan3A_20  : i32 {
      %broadcast_in_dim3A = arith.constant 0.000000e+00 : f32
      %broadcast_in_dim3A_80 = vector.broadcast %broadcast_in_dim3A : f32 to vector<16xf32>
      %swap3A = arith.index_cast %scan3A_79 : i32 to index
      %swap3A_81 = arith.constant 0 : index
      %swap3A_82 = tpu.vector_load %arg7[%swap3A, %swap3A_81] {strides = array<i32>} : memref<128x128xf32, #tpu.memory_space<vmem>>, vector<1x16xf32>,
      %swap3A_83 = vector.shape_cast %swap3A_82 : vector<1x16xf32> to vector<16xf32>
      %swap3A_84 = vector.shape_cast %broadcast_in_dim3A_80 : vector<16xf32> to vector<1x16xf32>
      tpu.vector_store %arg7[%swap3A, %swap3A_81], %swap3A_84 {strides = array<i32>} : memref<128x128xf32, #tpu.memory_space<vmem>>, vector<1x16xf32>,
      %broadcast_in_dim3A_85 = arith.constant 0.000000e+00 : f32
      %broadcast_in_dim3A_86 = vector.broadcast %broadcast_in_dim3A_85 : f32 to vector<16xf32>
      %swap3A_87 = arith.index_cast %scan3A_79 : i32 to index
      %swap3A_88 = arith.constant 16 : index
      %swap3A_89 = tpu.vector_load %arg7[%swap3A_87, %swap3A_88] {strides = array<i32>} : memref<128x128xf32, #tpu.memory_space<vmem>>, vector<1x16xf32>,
      %swap3A_90 = vector.shape_cast %swap3A_89 : vector<1x16xf32> to vector<16xf32>
      %swap3A_91 = vector.shape_cast %broadcast_in_dim3A_86 : vector<16xf32> to vector<1x16xf32>
      tpu.vector_store %arg7[%swap3A_87, %swap3A_88], %swap3A_91 {strides = array<i32>} : memref<128x128xf32, #tpu.memory_space<vmem>>, vector<1x16xf32>,
      %broadcast_in_dim3A_92 = arith.constant 0.000000e+00 : f32
      %broadcast_in_dim3A_93 = vector.broadcast %broadcast_in_dim3A_92 : f32 to vector<16xf32>
      %swap3A_94 = arith.index_cast %scan3A_79 : i32 to index
      %swap3A_95 = arith.constant 32 : index
      %swap3A_96 = tpu.vector_load %arg7[%swap3A_94, %swap3A_95] {strides = array<i32>} : memref<128x128xf32, #tpu.memory_space<vmem>>, vector<1x16xf32>,
      %swap3A_97 = vector.shape_cast %swap3A_96 : vector<1x16xf32> to vector<16xf32>
      %swap3A_98 = vector.shape_cast %broadcast_in_dim3A_93 : vector<16xf32> to vector<1x16xf32>
      tpu.vector_store %arg7[%swap3A_94, %swap3A_95], %swap3A_98 {strides = array<i32>} : memref<128x128xf32, #tpu.memory_space<vmem>>, vector<1x16xf32>,
      %broadcast_in_dim3A_99 = arith.constant 0.000000e+00 : f32
      %broadcast_in_dim3A_100 = vector.broadcast %broadcast_in_dim3A_99 : f32 to vector<16xf32>
      %swap3A_101 = arith.index_cast %scan3A_79 : i32 to index
      %swap3A_102 = arith.constant 48 : index
      %swap3A_103 = tpu.vector_load %arg7[%swap3A_101, %swap3A_102] {strides = array<i32>} : memref<128x128xf32, #tpu.memory_space<vmem>>, vector<1x16xf32>,
      %swap3A_104 = vector.shape_cast %swap3A_103 : vector<1x16xf32> to vector<16xf32>
      %swap3A_105 = vector.shape_cast %broadcast_in_dim3A_100 : vector<16xf32> to vector<1x16xf32>
      tpu.vector_store %arg7[%swap3A_101, %swap3A_102], %swap3A_105 {strides = array<i32>} : memref<128x128xf32, #tpu.memory_space<vmem>>, vector<1x16xf32>,
      %broadcast_in_dim3A_106 = arith.constant 0.000000e+00 : f32
      %broadcast_in_dim3A_107 = vector.broadcast %broadcast_in_dim3A_106 : f32 to vector<16xf32>
      %swap3A_108 = arith.index_cast %scan3A_79 : i32 to index
      %swap3A_109 = arith.constant 64 : index
      %swap3A_110 = tpu.vector_load %arg7[%swap3A_108, %swap3A_109] {strides = array<i32>} : memref<128x128xf32, #tpu.memory_space<vmem>>, vector<1x16xf32>,
      %swap3A_111 = vector.shape_cast %swap3A_110 : vector<1x16xf32> to vector<16xf32>
      %swap3A_112 = vector.shape_cast %broadcast_in_dim3A_107 : vector<16xf32> to vector<1x16xf32>
      tpu.vector_store %arg7[%swap3A_108, %swap3A_109], %swap3A_112 {strides = array<i32>} : memref<128x128xf32, #tpu.memory_space<vmem>>, vector<1x16xf32>,
      %broadcast_in_dim3A_113 = arith.constant 0.000000e+00 : f32
      %broadcast_in_dim3A_114 = vector.broadcast %broadcast_in_dim3A_113 : f32 to vector<16xf32>
      %swap3A_115 = arith.index_cast %scan3A_79 : i32 to index
      %swap3A_116 = arith.constant 80 : index
      %swap3A_117 = tpu.vector_load %arg7[%swap3A_115, %swap3A_116] {strides = array<i32>} : memref<128x128xf32, #tpu.memory_space<vmem>>, vector<1x16xf32>,
      %swap3A_118 = vector.shape_cast %swap3A_117 : vector<1x16xf32> to vector<16xf32>
      %swap3A_119 = vector.shape_cast %broadcast_in_dim3A_114 : vector<16xf32> to vector<1x16xf32>
      tpu.vector_store %arg7[%swap3A_115, %swap3A_116], %swap3A_119 {strides = array<i32>} : memref<128x128xf32, #tpu.memory_space<vmem>>, vector<1x16xf32>,
      %broadcast_in_dim3A_120 = arith.constant 0.000000e+00 : f32
      %broadcast_in_dim3A_121 = vector.broadcast %broadcast_in_dim3A_120 : f32 to vector<16xf32>
      %swap3A_122 = arith.index_cast %scan3A_79 : i32 to index
      %swap3A_123 = arith.constant 96 : index
      %swap3A_124 = tpu.vector_load %arg7[%swap3A_122, %swap3A_123] {strides = array<i32>} : memref<128x128xf32, #tpu.memory_space<vmem>>, vector<1x16xf32>,
      %swap3A_125 = vector.shape_cast %swap3A_124 : vector<1x16xf32> to vector<16xf32>
      %swap3A_126 = vector.shape_cast %broadcast_in_dim3A_121 : vector<16xf32> to vector<1x16xf32>
      tpu.vector_store %arg7[%swap3A_122, %swap3A_123], %swap3A_126 {strides = array<i32>} : memref<128x128xf32, #tpu.memory_space<vmem>>, vector<1x16xf32>,
      %broadcast_in_dim3A_127 = arith.constant 0.000000e+00 : f32
      %broadcast_in_dim3A_128 = vector.broadcast %broadcast_in_dim3A_127 : f32 to vector<16xf32>
      %swap3A_129 = arith.index_cast %scan3A_79 : i32 to index
      %swap3A_130 = arith.constant 112 : index
      %swap3A_131 = tpu.vector_load %arg7[%swap3A_129, %swap3A_130] {strides = array<i32>} : memref<128x128xf32, #tpu.memory_space<vmem>>, vector<1x16xf32>,
      %swap3A_132 = vector.shape_cast %swap3A_131 : vector<1x16xf32> to vector<16xf32>
      %swap3A_133 = vector.shape_cast %broadcast_in_dim3A_128 : vector<16xf32> to vector<1x16xf32>
      tpu.vector_store %arg7[%swap3A_129, %swap3A_130], %swap3A_133 {strides = array<i32>} : memref<128x128xf32, #tpu.memory_space<vmem>>, vector<1x16xf32>,
    }
    %scan3A_21 = arith.constant 128 : i32
    %mul3A_22 = arith.constant 632 : i32
    %mul3A_23 = arith.muli %arg1, %mul3A_22 : i32
    %add3A_24 = arith.constant 0 : i32
    %add3A_25 = arith.addi %mul3A_23, %add3A_24 : i32
    "tpu.region"() ({
      %run_scoped3A = tpu.sem_alloc : memref<!tpu.dma_semaphore, #tpu.memory_space<semaphore_mem>>
      %dma_start3A_79 = arith.constant 0 : i32
      %dma_start3A_80 = tpu.memref_slice %arg8[%add3A_25, %dma_start3A_79] : memref<10112x128xf32, #tpu.memory_space<vmem_shared>> -> memref<128x128xf32, #tpu.memory_space<vmem_shared>>
      %dma_start3A_81 = arith.constant 0 : i32
      %dma_start3A_82 = tpu.memref_slice %arg8[%add3A_25, %dma_start3A_81] : memref<10112x128xf32, #tpu.memory_space<vmem_shared>> -> memref<128x128xf32, #tpu.memory_space<vmem_shared>>
      tpu.enqueue_dma source(%arg7 : memref<128x128xf32, #tpu.memory_space<vmem>>) target(%dma_start3A_82 : memref<128x128xf32, #tpu.memory_space<vmem_shared>>) target_semaphore(%run_scoped3A : memref<!tpu.dma_semaphore, #tpu.memory_space<semaphore_mem>>)
      %dma_wait3A = arith.constant 0 : i32
      %dma_wait3A_83 = tpu.memref_slice %arg8[%add3A_25, %dma_wait3A] : memref<10112x128xf32, #tpu.memory_space<vmem_shared>> -> memref<128x128xf32, #tpu.memory_space<vmem_shared>>
      %dma_wait3A_84 = arith.constant 0 : i32
      %dma_wait3A_85 = tpu.memref_slice %arg8[%add3A_25, %dma_wait3A_84] : memref<10112x128xf32, #tpu.memory_space<vmem_shared>> -> memref<128x128xf32, #tpu.memory_space<vmem_shared>>
      tpu.wait_dma2 semaphore(%run_scoped3A : memref<!tpu.dma_semaphore, #tpu.memory_space<semaphore_mem>>) src(%arg7 : memref<128x128xf32, #tpu.memory_space<vmem>>) dst(%dma_wait3A_85 : memref<128x128xf32, #tpu.memory_space<vmem_shared>>)
      tpu.yield
    }) : () -> ()
    %mul3A_26 = arith.constant 632 : i32
    %mul3A_27 = arith.muli %arg1, %mul3A_26 : i32
    %add3A_28 = arith.constant 128 : i32
    %add3A_29 = arith.addi %mul3A_27, %add3A_28 : i32
    "tpu.region"() ({
      %run_scoped3A = tpu.sem_alloc : memref<!tpu.dma_semaphore, #tpu.memory_space<semaphore_mem>>
      %dma_start3A_79 = arith.constant 0 : i32
      %dma_start3A_80 = tpu.memref_slice %arg8[%add3A_29, %dma_start3A_79] : memref<10112x128xf32, #tpu.memory_space<vmem_shared>> -> memref<128x128xf32, #tpu.memory_space<vmem_shared>>
      %dma_start3A_81 = arith.constant 0 : i32
      %dma_start3A_82 = tpu.memref_slice %arg8[%add3A_29, %dma_start3A_81] : memref<10112x128xf32, #tpu.memory_space<vmem_shared>> -> memref<128x128xf32, #tpu.memory_space<vmem_shared>>
      tpu.enqueue_dma source(%arg7 : memref<128x128xf32, #tpu.memory_space<vmem>>) target(%dma_start3A_82 : memref<128x128xf32, #tpu.memory_space<vmem_shared>>) target_semaphore(%run_scoped3A : memref<!tpu.dma_semaphore, #tpu.memory_space<semaphore_mem>>)
      %dma_wait3A = arith.constant 0 : i32
      %dma_wait3A_83 = tpu.memref_slice %arg8[%add3A_29, %dma_wait3A] : memref<10112x128xf32, #tpu.memory_space<vmem_shared>> -> memref<128x128xf32, #tpu.memory_space<vmem_shared>>
      %dma_wait3A_84 = arith.constant 0 : i32
      %dma_wait3A_85 = tpu.memref_slice %arg8[%add3A_29, %dma_wait3A_84] : memref<10112x128xf32, #tpu.memory_space<vmem_shared>> -> memref<128x128xf32, #tpu.memory_space<vmem_shared>>
      tpu.wait_dma2 semaphore(%run_scoped3A : memref<!tpu.dma_semaphore, #tpu.memory_space<semaphore_mem>>) src(%arg7 : memref<128x128xf32, #tpu.memory_space<vmem>>) dst(%dma_wait3A_85 : memref<128x128xf32, #tpu.memory_space<vmem_shared>>)
      tpu.yield
    }) : () -> ()
    %mul3A_30 = arith.constant 632 : i32
    %mul3A_31 = arith.muli %arg1, %mul3A_30 : i32
    %add3A_32 = arith.constant 256 : i32
    %add3A_33 = arith.addi %mul3A_31, %add3A_32 : i32
    "tpu.region"() ({
      %run_scoped3A = tpu.sem_alloc : memref<!tpu.dma_semaphore, #tpu.memory_space<semaphore_mem>>
      %dma_start3A_79 = arith.constant 0 : i32
      %dma_start3A_80 = tpu.memref_slice %arg8[%add3A_33, %dma_start3A_79] : memref<10112x128xf32, #tpu.memory_space<vmem_shared>> -> memref<128x128xf32, #tpu.memory_space<vmem_shared>>
      %dma_start3A_81 = arith.constant 0 : i32
      %dma_start3A_82 = tpu.memref_slice %arg8[%add3A_33, %dma_start3A_81] : memref<10112x128xf32, #tpu.memory_space<vmem_shared>> -> memref<128x128xf32, #tpu.memory_space<vmem_shared>>
      tpu.enqueue_dma source(%arg7 : memref<128x128xf32, #tpu.memory_space<vmem>>) target(%dma_start3A_82 : memref<128x128xf32, #tpu.memory_space<vmem_shared>>) target_semaphore(%run_scoped3A : memref<!tpu.dma_semaphore, #tpu.memory_space<semaphore_mem>>)
      %dma_wait3A = arith.constant 0 : i32
      %dma_wait3A_83 = tpu.memref_slice %arg8[%add3A_33, %dma_wait3A] : memref<10112x128xf32, #tpu.memory_space<vmem_shared>> -> memref<128x128xf32, #tpu.memory_space<vmem_shared>>
      %dma_wait3A_84 = arith.constant 0 : i32
      %dma_wait3A_85 = tpu.memref_slice %arg8[%add3A_33, %dma_wait3A_84] : memref<10112x128xf32, #tpu.memory_space<vmem_shared>> -> memref<128x128xf32, #tpu.memory_space<vmem_shared>>
      tpu.wait_dma2 semaphore(%run_scoped3A : memref<!tpu.dma_semaphore, #tpu.memory_space<semaphore_mem>>) src(%arg7 : memref<128x128xf32, #tpu.memory_space<vmem>>) dst(%dma_wait3A_85 : memref<128x128xf32, #tpu.memory_space<vmem_shared>>)
      tpu.yield
    }) : () -> ()
    %mul3A_34 = arith.constant 632 : i32
    %mul3A_35 = arith.muli %arg1, %mul3A_34 : i32
    %add3A_36 = arith.constant 384 : i32
    %add3A_37 = arith.addi %mul3A_35, %add3A_36 : i32
    "tpu.region"() ({
      %run_scoped3A = tpu.sem_alloc : memref<!tpu.dma_semaphore, #tpu.memory_space<semaphore_mem>>
      %dma_start3A_79 = arith.constant 0 : i32
      %dma_start3A_80 = tpu.memref_slice %arg8[%add3A_37, %dma_start3A_79] : memref<10112x128xf32, #tpu.memory_space<vmem_shared>> -> memref<128x128xf32, #tpu.memory_space<vmem_shared>>
      %dma_start3A_81 = arith.constant 0 : i32
      %dma_start3A_82 = tpu.memref_slice %arg8[%add3A_37, %dma_start3A_81] : memref<10112x128xf32, #tpu.memory_space<vmem_shared>> -> memref<128x128xf32, #tpu.memory_space<vmem_shared>>
      tpu.enqueue_dma source(%arg7 : memref<128x128xf32, #tpu.memory_space<vmem>>) target(%dma_start3A_82 : memref<128x128xf32, #tpu.memory_space<vmem_shared>>) target_semaphore(%run_scoped3A : memref<!tpu.dma_semaphore, #tpu.memory_space<semaphore_mem>>)
      %dma_wait3A = arith.constant 0 : i32
      %dma_wait3A_83 = tpu.memref_slice %arg8[%add3A_37, %dma_wait3A] : memref<10112x128xf32, #tpu.memory_space<vmem_shared>> -> memref<128x128xf32, #tpu.memory_space<vmem_shared>>
      %dma_wait3A_84 = arith.constant 0 : i32
      %dma_wait3A_85 = tpu.memref_slice %arg8[%add3A_37, %dma_wait3A_84] : memref<10112x128xf32, #tpu.memory_space<vmem_shared>> -> memref<128x128xf32, #tpu.memory_space<vmem_shared>>
      tpu.wait_dma2 semaphore(%run_scoped3A : memref<!tpu.dma_semaphore, #tpu.memory_space<semaphore_mem>>) src(%arg7 : memref<128x128xf32, #tpu.memory_space<vmem>>) dst(%dma_wait3A_85 : memref<128x128xf32, #tpu.memory_space<vmem_shared>>)
      tpu.yield
    }) : () -> ()
    %mul3A_38 = arith.constant 632 : i32
    %mul3A_39 = arith.muli %arg1, %mul3A_38 : i32
    %add3A_40 = arith.constant 512 : i32
    %add3A_41 = arith.addi %mul3A_39, %add3A_40 : i32
    "tpu.region"() ({
      %run_scoped3A = tpu.sem_alloc : memref<!tpu.dma_semaphore, #tpu.memory_space<semaphore_mem>>
      %dma_start3A_79 = arith.constant 0 : i32
      %dma_start3A_80 = arith.constant 0 : i32
      %dma_start3A_81 = tpu.memref_slice %arg7[%dma_start3A_79, %dma_start3A_80] : memref<128x128xf32, #tpu.memory_space<vmem>> -> memref<120x128xf32, #tpu.memory_space<vmem>>
      %dma_start3A_82 = arith.constant 0 : i32
      %dma_start3A_83 = tpu.memref_slice %arg8[%add3A_41, %dma_start3A_82] : memref<10112x128xf32, #tpu.memory_space<vmem_shared>> -> memref<120x128xf32, #tpu.memory_space<vmem_shared>>
      %dma_start3A_84 = arith.constant 0 : i32
      %dma_start3A_85 = tpu.memref_slice %arg8[%add3A_41, %dma_start3A_84] : memref<10112x128xf32, #tpu.memory_space<vmem_shared>> -> memref<120x128xf32, #tpu.memory_space<vmem_shared>>
      %dma_start3A_86 = arith.constant 0 : i32
      %dma_start3A_87 = arith.constant 0 : i32
      %dma_start3A_88 = tpu.memref_slice %arg7[%dma_start3A_86, %dma_start3A_87] : memref<128x128xf32, #tpu.memory_space<vmem>> -> memref<120x128xf32, #tpu.memory_space<vmem>>
      tpu.enqueue_dma source(%dma_start3A_88 : memref<120x128xf32, #tpu.memory_space<vmem>>) target(%dma_start3A_85 : memref<120x128xf32, #tpu.memory_space<vmem_shared>>) target_semaphore(%run_scoped3A : memref<!tpu.dma_semaphore, #tpu.memory_space<semaphore_mem>>)
      %dma_wait3A = arith.constant 0 : i32
      %dma_wait3A_89 = arith.constant 0 : i32
      %dma_wait3A_90 = tpu.memref_slice %arg7[%dma_wait3A, %dma_wait3A_89] : memref<128x128xf32, #tpu.memory_space<vmem>> -> memref<120x128xf32, #tpu.memory_space<vmem>>
      %dma_wait3A_91 = arith.constant 0 : i32
      %dma_wait3A_92 = tpu.memref_slice %arg8[%add3A_41, %dma_wait3A_91] : memref<10112x128xf32, #tpu.memory_space<vmem_shared>> -> memref<120x128xf32, #tpu.memory_space<vmem_shared>>
      %dma_wait3A_93 = arith.constant 0 : i32
      %dma_wait3A_94 = tpu.memref_slice %arg8[%add3A_41, %dma_wait3A_93] : memref<10112x128xf32, #tpu.memory_space<vmem_shared>> -> memref<120x128xf32, #tpu.memory_space<vmem_shared>>
      %dma_wait3A_95 = arith.constant 0 : i32
      %dma_wait3A_96 = arith.constant 0 : i32
      %dma_wait3A_97 = tpu.memref_slice %arg7[%dma_wait3A_95, %dma_wait3A_96] : memref<128x128xf32, #tpu.memory_space<vmem>> -> memref<120x128xf32, #tpu.memory_space<vmem>>
      tpu.wait_dma2 semaphore(%run_scoped3A : memref<!tpu.dma_semaphore, #tpu.memory_space<semaphore_mem>>) src(%dma_wait3A_97 : memref<120x128xf32, #tpu.memory_space<vmem>>) dst(%dma_wait3A_94 : memref<120x128xf32, #tpu.memory_space<vmem_shared>>)
      tpu.yield
    }) : () -> ()
    %barrier3A = arith.constant 0 : index
    tpu.barrier barrier_id(%barrier3A)
    %scan3A_42 = arith.constant 0 : i32
    %scan3A_43 = arith.constant 0 : i32
    %scan3A_44 = arith.constant 20 : i32
    %scan3A_45 = arith.addi %scan3A_43, %scan3A_44 : i32
    %scan3A_46 = arith.constant 1 : i32
    scf.for %scan3A_79 = %scan3A_43 to %scan3A_45 step %scan3A_46  : i32 {
      %mul3A_80 = arith.constant 2 : i32
      %mul3A_81 = arith.muli %mul3A_80, %scan3A_79 : i32
      %add3A_82 = arith.constant 1 : i32
      %add3A_83 = arith.addi %mul3A_81, %add3A_82 : i32
      %dma_start3A_84 = arith.constant 0 : i32
      %dma_start3A_85 = tpu.memref_slice %arg5[%add3A_83, %dma_start3A_84] : memref<80x128xi32, #tpu.memory_space<vmem>> -> memref<1x128xi32, #tpu.memory_space<vmem>>
      %dma_start3A_86 = tpu.memref_squeeze %dma_start3A_85 : memref<1x128xi32, #tpu.memory_space<vmem>> -> memref<128xi32, #tpu.memory_space<vmem>>
      %dma_start3A_87 = arith.constant 0 : i32
      %dma_start3A_88 = arith.constant 0 : i32
      %dma_start3A_89 = tpu.memref_slice %arg2[%dma_start3A_87, %dma_start3A_88] : memref<10000x128xf32, #tpu.memory_space<hbm>> -> memref<10000x128xf32, #tpu.memory_space<hbm>>
      tpu.enqueue_indirect_dma source(%dma_start3A_89 : memref<10000x128xf32, #tpu.memory_space<hbm>>) target(%arg7 : memref<128x128xf32, #tpu.memory_space<vmem>>) offsets(%dma_start3A_86 : memref<128xi32, #tpu.memory_space<vmem>>) semaphore(%arg10 : memref<!tpu.dma_semaphore, #tpu.memory_space<semaphore_mem>>)
      %dma_wait3A = arith.constant 0 : i32
      %dma_wait3A_90 = tpu.memref_slice %arg5[%mul3A_81, %dma_wait3A] : memref<80x128xi32, #tpu.memory_space<vmem>> -> memref<1x128xi32, #tpu.memory_space<vmem>>
      %dma_wait3A_91 = tpu.memref_squeeze %dma_wait3A_90 : memref<1x128xi32, #tpu.memory_space<vmem>> -> memref<128xi32, #tpu.memory_space<vmem>>
      %dma_wait3A_92 = arith.constant 0 : i32
      %dma_wait3A_93 = arith.constant 0 : i32
      %dma_wait3A_94 = tpu.memref_slice %arg2[%dma_wait3A_92, %dma_wait3A_93] : memref<10000x128xf32, #tpu.memory_space<hbm>> -> memref<10000x128xf32, #tpu.memory_space<hbm>>
      tpu.wait_indirect_dma semaphore(%arg9 : memref<!tpu.dma_semaphore, #tpu.memory_space<semaphore_mem>>) src(%dma_wait3A_94 : memref<10000x128xf32, #tpu.memory_space<hbm>>) dst(%arg6 : memref<128x128xf32, #tpu.memory_space<vmem>>)
      %add3A_95 = arith.constant 40 : i32
      %add3A_96 = arith.addi %add3A_95, %mul3A_81 : i32
      "tpu.region"() ({
        %run_scoped3A = tpu.sem_alloc : memref<!tpu.dma_semaphore, #tpu.memory_space<semaphore_mem>>
        %dma_start3A_113 = arith.constant 0 : i32
        %dma_start3A_114 = tpu.memref_slice %arg5[%add3A_96, %dma_start3A_113] : memref<80x128xi32, #tpu.memory_space<vmem>> -> memref<1x128xi32, #tpu.memory_space<vmem>>
        %dma_start3A_115 = tpu.memref_squeeze %dma_start3A_114 : memref<1x128xi32, #tpu.memory_space<vmem>> -> memref<128xi32, #tpu.memory_space<vmem>>
        %dma_start3A_116 = arith.constant 0 : i32
        %dma_start3A_117 = arith.constant 0 : i32
        %dma_start3A_118 = tpu.memref_slice %arg8[%dma_start3A_116, %dma_start3A_117] : memref<10112x128xf32, #tpu.memory_space<vmem_shared>> -> memref<10112x128xf32, #tpu.memory_space<vmem_shared>>
        tpu.enqueue_indirect_dma source(%arg6 : memref<128x128xf32, #tpu.memory_space<vmem>>) target(%dma_start3A_118 : memref<10112x128xf32, #tpu.memory_space<vmem_shared>>) offsets(%dma_start3A_115 : memref<128xi32, #tpu.memory_space<vmem>>) semaphore(%run_scoped3A : memref<!tpu.dma_semaphore, #tpu.memory_space<semaphore_mem>>) {add = true}
        %dma_wait3A_119 = arith.constant 0 : i32
        %dma_wait3A_120 = tpu.memref_slice %arg5[%add3A_96, %dma_wait3A_119] : memref<80x128xi32, #tpu.memory_space<vmem>> -> memref<1x128xi32, #tpu.memory_space<vmem>>
        %dma_wait3A_121 = tpu.memref_squeeze %dma_wait3A_120 : memref<1x128xi32, #tpu.memory_space<vmem>> -> memref<128xi32, #tpu.memory_space<vmem>>
        %dma_wait3A_122 = arith.constant 0 : i32
        %dma_wait3A_123 = arith.constant 0 : i32
        %dma_wait3A_124 = tpu.memref_slice %arg8[%dma_wait3A_122, %dma_wait3A_123] : memref<10112x128xf32, #tpu.memory_space<vmem_shared>> -> memref<10112x128xf32, #tpu.memory_space<vmem_shared>>
        tpu.wait_indirect_dma semaphore(%run_scoped3A : memref<!tpu.dma_semaphore, #tpu.memory_space<semaphore_mem>>) src(%arg6 : memref<128x128xf32, #tpu.memory_space<vmem>>) dst(%dma_wait3A_124 : memref<10112x128xf32, #tpu.memory_space<vmem_shared>>)
        tpu.yield
      }) : () -> ()
      %add3A_97 = arith.constant 1 : i32
      %add3A_98 = arith.addi %scan3A_79, %add3A_97 : i32
      %lt3A = arith.constant 20 : i32
      %lt3A_99 = arith.cmpi slt, %add3A_98, %lt3A : i32
      %convert_element_type3A = arith.extui %lt3A_99 : i1 to i32
      %cond3A = arith.constant 0 : i32
      %cond3A_100 = arith.cmpi ne, %convert_element_type3A, %cond3A : i32
      scf.if %cond3A_100 {
        %add3A_113 = arith.constant 2 : i32
        %add3A_114 = arith.addi %mul3A_81, %add3A_113 : i32
        %dma_start3A_115 = arith.constant 0 : i32
        %dma_start3A_116 = tpu.memref_slice %arg5[%add3A_114, %dma_start3A_115] : memref<80x128xi32, #tpu.memory_space<vmem>> -> memref<1x128xi32, #tpu.memory_space<vmem>>
        %dma_start3A_117 = tpu.memref_squeeze %dma_start3A_116 : memref<1x128xi32, #tpu.memory_space<vmem>> -> memref<128xi32, #tpu.memory_space<vmem>>
        %dma_start3A_118 = arith.constant 0 : i32
        %dma_start3A_119 = arith.constant 0 : i32
        %dma_start3A_120 = tpu.memref_slice %arg2[%dma_start3A_118, %dma_start3A_119] : memref<10000x128xf32, #tpu.memory_space<hbm>> -> memref<10000x128xf32, #tpu.memory_space<hbm>>
        tpu.enqueue_indirect_dma source(%dma_start3A_120 : memref<10000x128xf32, #tpu.memory_space<hbm>>) target(%arg6 : memref<128x128xf32, #tpu.memory_space<vmem>>) offsets(%dma_start3A_117 : memref<128xi32, #tpu.memory_space<vmem>>) semaphore(%arg9 : memref<!tpu.dma_semaphore, #tpu.memory_space<semaphore_mem>>)
      } else {
      }
      %add3A_101 = arith.constant 1 : i32
      %add3A_102 = arith.addi %mul3A_81, %add3A_101 : i32
      %dma_wait3A_103 = arith.constant 0 : i32
      %dma_wait3A_104 = tpu.memref_slice %arg5[%add3A_102, %dma_wait3A_103] : memref<80x128xi32, #tpu.memory_space<vmem>> -> memref<1x128xi32, #tpu.memory_space<vmem>>
      %dma_wait3A_105 = tpu.memref_squeeze %dma_wait3A_104 : memref<1x128xi32, #tpu.memory_space<vmem>> -> memref<128xi32, #tpu.memory_space<vmem>>
      %dma_wait3A_106 = arith.constant 0 : i32
      %dma_wait3A_107 = arith.constant 0 : i32
      %dma_wait3A_108 = tpu.memref_slice %arg2[%dma_wait3A_106, %dma_wait3A_107] : memref<10000x128xf32, #tpu.memory_space<hbm>> -> memref<10000x128xf32, #tpu.memory_space<hbm>>
      tpu.wait_indirect_dma semaphore(%arg10 : memref<!tpu.dma_semaphore, #tpu.memory_space<semaphore_mem>>) src(%dma_wait3A_108 : memref<10000x128xf32, #tpu.memory_space<hbm>>) dst(%arg7 : memref<128x128xf32, #tpu.memory_space<vmem>>)
      %add3A_109 = arith.constant 40 : i32
      %add3A_110 = arith.addi %add3A_109, %mul3A_81 : i32
      %add3A_111 = arith.constant 1 : i32
      %add3A_112 = arith.addi %add3A_110, %add3A_111 : i32
      "tpu.region"() ({
        %run_scoped3A = tpu.sem_alloc : memref<!tpu.dma_semaphore, #tpu.memory_space<semaphore_mem>>
        %dma_start3A_113 = arith.constant 0 : i32
        %dma_start3A_114 = tpu.memref_slice %arg5[%add3A_112, %dma_start3A_113] : memref<80x128xi32, #tpu.memory_space<vmem>> -> memref<1x128xi32, #tpu.memory_space<vmem>>
        %dma_start3A_115 = tpu.memref_squeeze %dma_start3A_114 : memref<1x128xi32, #tpu.memory_space<vmem>> -> memref<128xi32, #tpu.memory_space<vmem>>
        %dma_start3A_116 = arith.constant 0 : i32
        %dma_start3A_117 = arith.constant 0 : i32
        %dma_start3A_118 = tpu.memref_slice %arg8[%dma_start3A_116, %dma_start3A_117] : memref<10112x128xf32, #tpu.memory_space<vmem_shared>> -> memref<10112x128xf32, #tpu.memory_space<vmem_shared>>
        tpu.enqueue_indirect_dma source(%arg7 : memref<128x128xf32, #tpu.memory_space<vmem>>) target(%dma_start3A_118 : memref<10112x128xf32, #tpu.memory_space<vmem_shared>>) offsets(%dma_start3A_115 : memref<128xi32, #tpu.memory_space<vmem>>) semaphore(%run_scoped3A : memref<!tpu.dma_semaphore, #tpu.memory_space<semaphore_mem>>) {add = true}
        %dma_wait3A_119 = arith.constant 0 : i32
        %dma_wait3A_120 = tpu.memref_slice %arg5[%add3A_112, %dma_wait3A_119] : memref<80x128xi32, #tpu.memory_space<vmem>> -> memref<1x128xi32, #tpu.memory_space<vmem>>
        %dma_wait3A_121 = tpu.memref_squeeze %dma_wait3A_120 : memref<1x128xi32, #tpu.memory_space<vmem>> -> memref<128xi32, #tpu.memory_space<vmem>>
        %dma_wait3A_122 = arith.constant 0 : i32
        %dma_wait3A_123 = arith.constant 0 : i32
        %dma_wait3A_124 = tpu.memref_slice %arg8[%dma_wait3A_122, %dma_wait3A_123] : memref<10112x128xf32, #tpu.memory_space<vmem_shared>> -> memref<10112x128xf32, #tpu.memory_space<vmem_shared>>
        tpu.wait_indirect_dma semaphore(%run_scoped3A : memref<!tpu.dma_semaphore, #tpu.memory_space<semaphore_mem>>) src(%arg7 : memref<128x128xf32, #tpu.memory_space<vmem>>) dst(%dma_wait3A_124 : memref<10112x128xf32, #tpu.memory_space<vmem_shared>>)
        tpu.yield
      }) : () -> ()
    }
    %scan3A_47 = arith.constant 20 : i32
    %mul3A_48 = arith.constant 2 : i32
    %mul3A_49 = arith.muli %add3A, %mul3A_48 : i32
    %add3A_50 = arith.constant 1 : i32
    %add3A_51 = arith.addi %mul3A_49, %add3A_50 : i32
    "tpu.region"() ({
      %run_scoped3A = tpu.sem_alloc : memref<!tpu.dma_semaphore, #tpu.memory_space<semaphore_mem>>
      %dma_start3A_79 = arith.constant 0 : i32
      %dma_start3A_80 = arith.constant 0 : i32
      %dma_start3A_81 = tpu.memref_slice %arg3[%add3A_51, %dma_start3A_79, %dma_start3A_80] : memref<64x80x128xi32, #tpu.memory_space<hbm>> -> memref<1x80x128xi32, #tpu.memory_space<hbm>>
      %dma_start3A_82 = tpu.memref_squeeze %dma_start3A_81 : memref<1x80x128xi32, #tpu.memory_space<hbm>> -> memref<80x128xi32, #tpu.memory_space<hbm>>
      %dma_start3A_83 = arith.constant 0 : i32
      %dma_start3A_84 = arith.constant 0 : i32
      %dma_start3A_85 = tpu.memref_slice %arg3[%add3A_51, %dma_start3A_83, %dma_start3A_84] : memref<64x80x128xi32, #tpu.memory_space<hbm>> -> memref<1x80x128xi32, #tpu.memory_space<hbm>>
      %dma_start3A_86 = tpu.memref_squeeze %dma_start3A_85 : memref<1x80x128xi32, #tpu.memory_space<hbm>> -> memref<80x128xi32, #tpu.memory_space<hbm>>
      tpu.enqueue_dma source(%dma_start3A_86 : memref<80x128xi32, #tpu.memory_space<hbm>>) target(%arg5 : memref<80x128xi32, #tpu.memory_space<vmem>>) target_semaphore(%run_scoped3A : memref<!tpu.dma_semaphore, #tpu.memory_space<semaphore_mem>>)
      %dma_wait3A = arith.constant 0 : i32
      %dma_wait3A_87 = arith.constant 0 : i32
      %dma_wait3A_88 = tpu.memref_slice %arg3[%add3A_51, %dma_wait3A, %dma_wait3A_87] : memref<64x80x128xi32, #tpu.memory_space<hbm>> -> memref<1x80x128xi32, #tpu.memory_space<hbm>>
      %dma_wait3A_89 = tpu.memref_squeeze %dma_wait3A_88 : memref<1x80x128xi32, #tpu.memory_space<hbm>> -> memref<80x128xi32, #tpu.memory_space<hbm>>
      %dma_wait3A_90 = arith.constant 0 : i32
      %dma_wait3A_91 = arith.constant 0 : i32
      %dma_wait3A_92 = tpu.memref_slice %arg3[%add3A_51, %dma_wait3A_90, %dma_wait3A_91] : memref<64x80x128xi32, #tpu.memory_space<hbm>> -> memref<1x80x128xi32, #tpu.memory_space<hbm>>
      %dma_wait3A_93 = tpu.memref_squeeze %dma_wait3A_92 : memref<1x80x128xi32, #tpu.memory_space<hbm>> -> memref<80x128xi32, #tpu.memory_space<hbm>>
      tpu.wait_dma2 semaphore(%run_scoped3A : memref<!tpu.dma_semaphore, #tpu.memory_space<semaphore_mem>>) src(%dma_wait3A_93 : memref<80x128xi32, #tpu.memory_space<hbm>>) dst(%arg5 : memref<80x128xi32, #tpu.memory_space<vmem>>)
      tpu.yield
    }) : () -> ()
    %scan3A_52 = arith.constant 0 : i32
    %scan3A_53 = arith.constant 0 : i32
    %scan3A_54 = arith.constant 40 : i32
    %scan3A_55 = arith.addi %scan3A_53, %scan3A_54 : i32
    %scan3A_56 = arith.constant 1 : i32
    scf.for %scan3A_79 = %scan3A_53 to %scan3A_55 step %scan3A_56  : i32 {
      %get3A = arith.index_cast %scan3A_79 : i32 to index
      %get3A_80 = arith.constant 0 : index
      %get3A_81 = tpu.vector_load %arg5[%get3A, %get3A_80] {strides = array<i32>} : memref<80x128xi32, #tpu.memory_space<vmem>>, vector<1x16xi32>,
      %get3A_82 = vector.shape_cast %get3A_81 : vector<1x16xi32> to vector<16xi32>
      %add3A_83 = arith.constant 40 : i32
      %add3A_84 = arith.addi %add3A_83, %scan3A_79 : i32
      %get3A_85 = arith.index_cast %add3A_84 : i32 to index
      %get3A_86 = arith.constant 0 : index
      %get3A_87 = tpu.vector_load %arg5[%get3A_85, %get3A_86] {strides = array<i32>} : memref<80x128xi32, #tpu.memory_space<vmem>>, vector<1x16xi32>,
      %get3A_88 = vector.shape_cast %get3A_87 : vector<1x16xi32> to vector<16xi32>
      %eq3A = arith.cmpi eq, %get3A_82, %get3A_88 : vector<16xi32>
      %broadcast_in_dim3A = arith.constant 10000 : i32
      %broadcast_in_dim3A_89 = vector.broadcast %broadcast_in_dim3A : i32 to vector<16xi32>
      %select_n3A = arith.select %eq3A, %broadcast_in_dim3A_89, %get3A_88 : vector<16xi1>, vector<16xi32>
      %add3A_90 = arith.constant 40 : i32
      %add3A_91 = arith.addi %add3A_90, %scan3A_79 : i32
      %swap3A = arith.index_cast %add3A_91 : i32 to index
      %swap3A_92 = arith.constant 0 : index
      %swap3A_93 = tpu.vector_load %arg5[%swap3A, %swap3A_92] {strides = array<i32>} : memref<80x128xi32, #tpu.memory_space<vmem>>, vector<1x16xi32>,
      %swap3A_94 = vector.shape_cast %swap3A_93 : vector<1x16xi32> to vector<16xi32>
      %swap3A_95 = vector.shape_cast %select_n3A : vector<16xi32> to vector<1x16xi32>
      tpu.vector_store %arg5[%swap3A, %swap3A_92], %swap3A_95 {strides = array<i32>} : memref<80x128xi32, #tpu.memory_space<vmem>>, vector<1x16xi32>,
      %get3A_96 = arith.index_cast %scan3A_79 : i32 to index
      %get3A_97 = arith.constant 16 : index
      %get3A_98 = tpu.vector_load %arg5[%get3A_96, %get3A_97] {strides = array<i32>} : memref<80x128xi32, #tpu.memory_space<vmem>>, vector<1x16xi32>,
      %get3A_99 = vector.shape_cast %get3A_98 : vector<1x16xi32> to vector<16xi32>
      %add3A_100 = arith.constant 40 : i32
      %add3A_101 = arith.addi %add3A_100, %scan3A_79 : i32
      %get3A_102 = arith.index_cast %add3A_101 : i32 to index
      %get3A_103 = arith.constant 16 : index
      %get3A_104 = tpu.vector_load %arg5[%get3A_102, %get3A_103] {strides = array<i32>} : memref<80x128xi32, #tpu.memory_space<vmem>>, vector<1x16xi32>,
      %get3A_105 = vector.shape_cast %get3A_104 : vector<1x16xi32> to vector<16xi32>
      %eq3A_106 = arith.cmpi eq, %get3A_99, %get3A_105 : vector<16xi32>
      %broadcast_in_dim3A_107 = arith.constant 10000 : i32
      %broadcast_in_dim3A_108 = vector.broadcast %broadcast_in_dim3A_107 : i32 to vector<16xi32>
      %select_n3A_109 = arith.select %eq3A_106, %broadcast_in_dim3A_108, %get3A_105 : vector<16xi1>, vector<16xi32>
      %add3A_110 = arith.constant 40 : i32
      %add3A_111 = arith.addi %add3A_110, %scan3A_79 : i32
      %swap3A_112 = arith.index_cast %add3A_111 : i32 to index
      %swap3A_113 = arith.constant 16 : index
      %swap3A_114 = tpu.vector_load %arg5[%swap3A_112, %swap3A_113] {strides = array<i32>} : memref<80x128xi32, #tpu.memory_space<vmem>>, vector<1x16xi32>,
      %swap3A_115 = vector.shape_cast %swap3A_114 : vector<1x16xi32> to vector<16xi32>
      %swap3A_116 = vector.shape_cast %select_n3A_109 : vector<16xi32> to vector<1x16xi32>
      tpu.vector_store %arg5[%swap3A_112, %swap3A_113], %swap3A_116 {strides = array<i32>} : memref<80x128xi32, #tpu.memory_space<vmem>>, vector<1x16xi32>,
      %get3A_117 = arith.index_cast %scan3A_79 : i32 to index
      %get3A_118 = arith.constant 32 : index
      %get3A_119 = tpu.vector_load %arg5[%get3A_117, %get3A_118] {strides = array<i32>} : memref<80x128xi32, #tpu.memory_space<vmem>>, vector<1x16xi32>,
      %get3A_120 = vector.shape_cast %get3A_119 : vector<1x16xi32> to vector<16xi32>
      %add3A_121 = arith.constant 40 : i32
      %add3A_122 = arith.addi %add3A_121, %scan3A_79 : i32
      %get3A_123 = arith.index_cast %add3A_122 : i32 to index
      %get3A_124 = arith.constant 32 : index
      %get3A_125 = tpu.vector_load %arg5[%get3A_123, %get3A_124] {strides = array<i32>} : memref<80x128xi32, #tpu.memory_space<vmem>>, vector<1x16xi32>,
      %get3A_126 = vector.shape_cast %get3A_125 : vector<1x16xi32> to vector<16xi32>
      %eq3A_127 = arith.cmpi eq, %get3A_120, %get3A_126 : vector<16xi32>
      %broadcast_in_dim3A_128 = arith.constant 10000 : i32
      %broadcast_in_dim3A_129 = vector.broadcast %broadcast_in_dim3A_128 : i32 to vector<16xi32>
      %select_n3A_130 = arith.select %eq3A_127, %broadcast_in_dim3A_129, %get3A_126 : vector<16xi1>, vector<16xi32>
      %add3A_131 = arith.constant 40 : i32
      %add3A_132 = arith.addi %add3A_131, %scan3A_79 : i32
      %swap3A_133 = arith.index_cast %add3A_132 : i32 to index
      %swap3A_134 = arith.constant 32 : index
      %swap3A_135 = tpu.vector_load %arg5[%swap3A_133, %swap3A_134] {strides = array<i32>} : memref<80x128xi32, #tpu.memory_space<vmem>>, vector<1x16xi32>,
      %swap3A_136 = vector.shape_cast %swap3A_135 : vector<1x16xi32> to vector<16xi32>
      %swap3A_137 = vector.shape_cast %select_n3A_130 : vector<16xi32> to vector<1x16xi32>
      tpu.vector_store %arg5[%swap3A_133, %swap3A_134], %swap3A_137 {strides = array<i32>} : memref<80x128xi32, #tpu.memory_space<vmem>>, vector<1x16xi32>,
      %get3A_138 = arith.index_cast %scan3A_79 : i32 to index
      %get3A_139 = arith.constant 48 : index
      %get3A_140 = tpu.vector_load %arg5[%get3A_138, %get3A_139] {strides = array<i32>} : memref<80x128xi32, #tpu.memory_space<vmem>>, vector<1x16xi32>,
      %get3A_141 = vector.shape_cast %get3A_140 : vector<1x16xi32> to vector<16xi32>
      %add3A_142 = arith.constant 40 : i32
      %add3A_143 = arith.addi %add3A_142, %scan3A_79 : i32
      %get3A_144 = arith.index_cast %add3A_143 : i32 to index
      %get3A_145 = arith.constant 48 : index
      %get3A_146 = tpu.vector_load %arg5[%get3A_144, %get3A_145] {strides = array<i32>} : memref<80x128xi32, #tpu.memory_space<vmem>>, vector<1x16xi32>,
      %get3A_147 = vector.shape_cast %get3A_146 : vector<1x16xi32> to vector<16xi32>
      %eq3A_148 = arith.cmpi eq, %get3A_141, %get3A_147 : vector<16xi32>
      %broadcast_in_dim3A_149 = arith.constant 10000 : i32
      %broadcast_in_dim3A_150 = vector.broadcast %broadcast_in_dim3A_149 : i32 to vector<16xi32>
      %select_n3A_151 = arith.select %eq3A_148, %broadcast_in_dim3A_150, %get3A_147 : vector<16xi1>, vector<16xi32>
      %add3A_152 = arith.constant 40 : i32
      %add3A_153 = arith.addi %add3A_152, %scan3A_79 : i32
      %swap3A_154 = arith.index_cast %add3A_153 : i32 to index
      %swap3A_155 = arith.constant 48 : index
      %swap3A_156 = tpu.vector_load %arg5[%swap3A_154, %swap3A_155] {strides = array<i32>} : memref<80x128xi32, #tpu.memory_space<vmem>>, vector<1x16xi32>,
      %swap3A_157 = vector.shape_cast %swap3A_156 : vector<1x16xi32> to vector<16xi32>
      %swap3A_158 = vector.shape_cast %select_n3A_151 : vector<16xi32> to vector<1x16xi32>
      tpu.vector_store %arg5[%swap3A_154, %swap3A_155], %swap3A_158 {strides = array<i32>} : memref<80x128xi32, #tpu.memory_space<vmem>>, vector<1x16xi32>,
      %get3A_159 = arith.index_cast %scan3A_79 : i32 to index
      %get3A_160 = arith.constant 64 : index
      %get3A_161 = tpu.vector_load %arg5[%get3A_159, %get3A_160] {strides = array<i32>} : memref<80x128xi32, #tpu.memory_space<vmem>>, vector<1x16xi32>,
      %get3A_162 = vector.shape_cast %get3A_161 : vector<1x16xi32> to vector<16xi32>
      %add3A_163 = arith.constant 40 : i32
      %add3A_164 = arith.addi %add3A_163, %scan3A_79 : i32
      %get3A_165 = arith.index_cast %add3A_164 : i32 to index
      %get3A_166 = arith.constant 64 : index
      %get3A_167 = tpu.vector_load %arg5[%get3A_165, %get3A_166] {strides = array<i32>} : memref<80x128xi32, #tpu.memory_space<vmem>>, vector<1x16xi32>,
      %get3A_168 = vector.shape_cast %get3A_167 : vector<1x16xi32> to vector<16xi32>
      %eq3A_169 = arith.cmpi eq, %get3A_162, %get3A_168 : vector<16xi32>
      %broadcast_in_dim3A_170 = arith.constant 10000 : i32
      %broadcast_in_dim3A_171 = vector.broadcast %broadcast_in_dim3A_170 : i32 to vector<16xi32>
      %select_n3A_172 = arith.select %eq3A_169, %broadcast_in_dim3A_171, %get3A_168 : vector<16xi1>, vector<16xi32>
      %add3A_173 = arith.constant 40 : i32
      %add3A_174 = arith.addi %add3A_173, %scan3A_79 : i32
      %swap3A_175 = arith.index_cast %add3A_174 : i32 to index
      %swap3A_176 = arith.constant 64 : index
      %swap3A_177 = tpu.vector_load %arg5[%swap3A_175, %swap3A_176] {strides = array<i32>} : memref<80x128xi32, #tpu.memory_space<vmem>>, vector<1x16xi32>,
      %swap3A_178 = vector.shape_cast %swap3A_177 : vector<1x16xi32> to vector<16xi32>
      %swap3A_179 = vector.shape_cast %select_n3A_172 : vector<16xi32> to vector<1x16xi32>
      tpu.vector_store %arg5[%swap3A_175, %swap3A_176], %swap3A_179 {strides = array<i32>} : memref<80x128xi32, #tpu.memory_space<vmem>>, vector<1x16xi32>,
      %get3A_180 = arith.index_cast %scan3A_79 : i32 to index
      %get3A_181 = arith.constant 80 : index
      %get3A_182 = tpu.vector_load %arg5[%get3A_180, %get3A_181] {strides = array<i32>} : memref<80x128xi32, #tpu.memory_space<vmem>>, vector<1x16xi32>,
      %get3A_183 = vector.shape_cast %get3A_182 : vector<1x16xi32> to vector<16xi32>
      %add3A_184 = arith.constant 40 : i32
      %add3A_185 = arith.addi %add3A_184, %scan3A_79 : i32
      %get3A_186 = arith.index_cast %add3A_185 : i32 to index
      %get3A_187 = arith.constant 80 : index
      %get3A_188 = tpu.vector_load %arg5[%get3A_186, %get3A_187] {strides = array<i32>} : memref<80x128xi32, #tpu.memory_space<vmem>>, vector<1x16xi32>,
      %get3A_189 = vector.shape_cast %get3A_188 : vector<1x16xi32> to vector<16xi32>
      %eq3A_190 = arith.cmpi eq, %get3A_183, %get3A_189 : vector<16xi32>
      %broadcast_in_dim3A_191 = arith.constant 10000 : i32
      %broadcast_in_dim3A_192 = vector.broadcast %broadcast_in_dim3A_191 : i32 to vector<16xi32>
      %select_n3A_193 = arith.select %eq3A_190, %broadcast_in_dim3A_192, %get3A_189 : vector<16xi1>, vector<16xi32>
      %add3A_194 = arith.constant 40 : i32
      %add3A_195 = arith.addi %add3A_194, %scan3A_79 : i32
      %swap3A_196 = arith.index_cast %add3A_195 : i32 to index
      %swap3A_197 = arith.constant 80 : index
      %swap3A_198 = tpu.vector_load %arg5[%swap3A_196, %swap3A_197] {strides = array<i32>} : memref<80x128xi32, #tpu.memory_space<vmem>>, vector<1x16xi32>,
      %swap3A_199 = vector.shape_cast %swap3A_198 : vector<1x16xi32> to vector<16xi32>
      %swap3A_200 = vector.shape_cast %select_n3A_193 : vector<16xi32> to vector<1x16xi32>
      tpu.vector_store %arg5[%swap3A_196, %swap3A_197], %swap3A_200 {strides = array<i32>} : memref<80x128xi32, #tpu.memory_space<vmem>>, vector<1x16xi32>,
      %get3A_201 = arith.index_cast %scan3A_79 : i32 to index
      %get3A_202 = arith.constant 96 : index
      %get3A_203 = tpu.vector_load %arg5[%get3A_201, %get3A_202] {strides = array<i32>} : memref<80x128xi32, #tpu.memory_space<vmem>>, vector<1x16xi32>,
      %get3A_204 = vector.shape_cast %get3A_203 : vector<1x16xi32> to vector<16xi32>
      %add3A_205 = arith.constant 40 : i32
      %add3A_206 = arith.addi %add3A_205, %scan3A_79 : i32
      %get3A_207 = arith.index_cast %add3A_206 : i32 to index
      %get3A_208 = arith.constant 96 : index
      %get3A_209 = tpu.vector_load %arg5[%get3A_207, %get3A_208] {strides = array<i32>} : memref<80x128xi32, #tpu.memory_space<vmem>>, vector<1x16xi32>,
      %get3A_210 = vector.shape_cast %get3A_209 : vector<1x16xi32> to vector<16xi32>
      %eq3A_211 = arith.cmpi eq, %get3A_204, %get3A_210 : vector<16xi32>
      %broadcast_in_dim3A_212 = arith.constant 10000 : i32
      %broadcast_in_dim3A_213 = vector.broadcast %broadcast_in_dim3A_212 : i32 to vector<16xi32>
      %select_n3A_214 = arith.select %eq3A_211, %broadcast_in_dim3A_213, %get3A_210 : vector<16xi1>, vector<16xi32>
      %add3A_215 = arith.constant 40 : i32
      %add3A_216 = arith.addi %add3A_215, %scan3A_79 : i32
      %swap3A_217 = arith.index_cast %add3A_216 : i32 to index
      %swap3A_218 = arith.constant 96 : index
      %swap3A_219 = tpu.vector_load %arg5[%swap3A_217, %swap3A_218] {strides = array<i32>} : memref<80x128xi32, #tpu.memory_space<vmem>>, vector<1x16xi32>,
      %swap3A_220 = vector.shape_cast %swap3A_219 : vector<1x16xi32> to vector<16xi32>
      %swap3A_221 = vector.shape_cast %select_n3A_214 : vector<16xi32> to vector<1x16xi32>
      tpu.vector_store %arg5[%swap3A_217, %swap3A_218], %swap3A_221 {strides = array<i32>} : memref<80x128xi32, #tpu.memory_space<vmem>>, vector<1x16xi32>,
      %get3A_222 = arith.index_cast %scan3A_79 : i32 to index
      %get3A_223 = arith.constant 112 : index
      %get3A_224 = tpu.vector_load %arg5[%get3A_222, %get3A_223] {strides = array<i32>} : memref<80x128xi32, #tpu.memory_space<vmem>>, vector<1x16xi32>,
      %get3A_225 = vector.shape_cast %get3A_224 : vector<1x16xi32> to vector<16xi32>
      %add3A_226 = arith.constant 40 : i32
      %add3A_227 = arith.addi %add3A_226, %scan3A_79 : i32
      %get3A_228 = arith.index_cast %add3A_227 : i32 to index
      %get3A_229 = arith.constant 112 : index
      %get3A_230 = tpu.vector_load %arg5[%get3A_228, %get3A_229] {strides = array<i32>} : memref<80x128xi32, #tpu.memory_space<vmem>>, vector<1x16xi32>,
      %get3A_231 = vector.shape_cast %get3A_230 : vector<1x16xi32> to vector<16xi32>
      %eq3A_232 = arith.cmpi eq, %get3A_225, %get3A_231 : vector<16xi32>
      %broadcast_in_dim3A_233 = arith.constant 10000 : i32
      %broadcast_in_dim3A_234 = vector.broadcast %broadcast_in_dim3A_233 : i32 to vector<16xi32>
      %select_n3A_235 = arith.select %eq3A_232, %broadcast_in_dim3A_234, %get3A_231 : vector<16xi1>, vector<16xi32>
      %add3A_236 = arith.constant 40 : i32
      %add3A_237 = arith.addi %add3A_236, %scan3A_79 : i32
      %swap3A_238 = arith.index_cast %add3A_237 : i32 to index
      %swap3A_239 = arith.constant 112 : index
      %swap3A_240 = tpu.vector_load %arg5[%swap3A_238, %swap3A_239] {strides = array<i32>} : memref<80x128xi32, #tpu.memory_space<vmem>>, vector<1x16xi32>,
      %swap3A_241 = vector.shape_cast %swap3A_240 : vector<1x16xi32> to vector<16xi32>
      %swap3A_242 = vector.shape_cast %select_n3A_235 : vector<16xi32> to vector<1x16xi32>
      tpu.vector_store %arg5[%swap3A_238, %swap3A_239], %swap3A_242 {strides = array<i32>} : memref<80x128xi32, #tpu.memory_space<vmem>>, vector<1x16xi32>,
    }
    %scan3A_57 = arith.constant 40 : i32
    %dma_start3A_58 = arith.constant 0 : i32
    %dma_start3A_59 = arith.constant 0 : i32
    %dma_start3A_60 = tpu.memref_slice %arg5[%dma_start3A_58, %dma_start3A_59] : memref<80x128xi32, #tpu.memory_space<vmem>> -> memref<1x128xi32, #tpu.memory_space<vmem>>
    %dma_start3A_61 = tpu.memref_squeeze %dma_start3A_60 : memref<1x128xi32, #tpu.memory_space<vmem>> -> memref<128xi32, #tpu.memory_space<vmem>>
    %dma_start3A_62 = arith.constant 0 : i32
    %dma_start3A_63 = arith.constant 0 : i32
    %dma_start3A_64 = tpu.memref_slice %arg2[%dma_start3A_62, %dma_start3A_63] : memref<10000x128xf32, #tpu.memory_space<hbm>> -> memref<10000x128xf32, #tpu.memory_space<hbm>>
    tpu.enqueue_indirect_dma source(%dma_start3A_64 : memref<10000x128xf32, #tpu.memory_space<hbm>>) target(%arg6 : memref<128x128xf32, #tpu.memory_space<vmem>>) offsets(%dma_start3A_61 : memref<128xi32, #tpu.memory_space<vmem>>) semaphore(%arg9 : memref<!tpu.dma_semaphore, #tpu.memory_space<semaphore_mem>>)
    %scan3A_65 = arith.constant 0 : i32
    %scan3A_66 = arith.constant 0 : i32
    %scan3A_67 = arith.constant 20 : i32
    %scan3A_68 = arith.addi %scan3A_66, %scan3A_67 : i32
    %scan3A_69 = arith.constant 1 : i32
    scf.for %scan3A_79 = %scan3A_66 to %scan3A_68 step %scan3A_69  : i32 {
      %mul3A_80 = arith.constant 2 : i32
      %mul3A_81 = arith.muli %mul3A_80, %scan3A_79 : i32
      %add3A_82 = arith.constant 1 : i32
      %add3A_83 = arith.addi %mul3A_81, %add3A_82 : i32
      %dma_start3A_84 = arith.constant 0 : i32
      %dma_start3A_85 = tpu.memref_slice %arg5[%add3A_83, %dma_start3A_84] : memref<80x128xi32, #tpu.memory_space<vmem>> -> memref<1x128xi32, #tpu.memory_space<vmem>>
      %dma_start3A_86 = tpu.memref_squeeze %dma_start3A_85 : memref<1x128xi32, #tpu.memory_space<vmem>> -> memref<128xi32, #tpu.memory_space<vmem>>
      %dma_start3A_87 = arith.constant 0 : i32
      %dma_start3A_88 = arith.constant 0 : i32
      %dma_start3A_89 = tpu.memref_slice %arg2[%dma_start3A_87, %dma_start3A_88] : memref<10000x128xf32, #tpu.memory_space<hbm>> -> memref<10000x128xf32, #tpu.memory_space<hbm>>
      tpu.enqueue_indirect_dma source(%dma_start3A_89 : memref<10000x128xf32, #tpu.memory_space<hbm>>) target(%arg7 : memref<128x128xf32, #tpu.memory_space<vmem>>) offsets(%dma_start3A_86 : memref<128xi32, #tpu.memory_space<vmem>>) semaphore(%arg10 : memref<!tpu.dma_semaphore, #tpu.memory_space<semaphore_mem>>)
      %dma_wait3A = arith.constant 0 : i32
      %dma_wait3A_90 = tpu.memref_slice %arg5[%mul3A_81, %dma_wait3A] : memref<80x128xi32, #tpu.memory_space<vmem>> -> memref<1x128xi32, #tpu.memory_space<vmem>>
      %dma_wait3A_91 = tpu.memref_squeeze %dma_wait3A_90 : memref<1x128xi32, #tpu.memory_space<vmem>> -> memref<128xi32, #tpu.memory_space<vmem>>
      %dma_wait3A_92 = arith.constant 0 : i32
      %dma_wait3A_93 = arith.constant 0 : i32
      %dma_wait3A_94 = tpu.memref_slice %arg2[%dma_wait3A_92, %dma_wait3A_93] : memref<10000x128xf32, #tpu.memory_space<hbm>> -> memref<10000x128xf32, #tpu.memory_space<hbm>>
      tpu.wait_indirect_dma semaphore(%arg9 : memref<!tpu.dma_semaphore, #tpu.memory_space<semaphore_mem>>) src(%dma_wait3A_94 : memref<10000x128xf32, #tpu.memory_space<hbm>>) dst(%arg6 : memref<128x128xf32, #tpu.memory_space<vmem>>)
      %add3A_95 = arith.constant 40 : i32
      %add3A_96 = arith.addi %add3A_95, %mul3A_81 : i32
      "tpu.region"() ({
        %run_scoped3A = tpu.sem_alloc : memref<!tpu.dma_semaphore, #tpu.memory_space<semaphore_mem>>
        %dma_start3A_113 = arith.constant 0 : i32
        %dma_start3A_114 = tpu.memref_slice %arg5[%add3A_96, %dma_start3A_113] : memref<80x128xi32, #tpu.memory_space<vmem>> -> memref<1x128xi32, #tpu.memory_space<vmem>>
        %dma_start3A_115 = tpu.memref_squeeze %dma_start3A_114 : memref<1x128xi32, #tpu.memory_space<vmem>> -> memref<128xi32, #tpu.memory_space<vmem>>
        %dma_start3A_116 = arith.constant 0 : i32
        %dma_start3A_117 = arith.constant 0 : i32
        %dma_start3A_118 = tpu.memref_slice %arg8[%dma_start3A_116, %dma_start3A_117] : memref<10112x128xf32, #tpu.memory_space<vmem_shared>> -> memref<10112x128xf32, #tpu.memory_space<vmem_shared>>
        tpu.enqueue_indirect_dma source(%arg6 : memref<128x128xf32, #tpu.memory_space<vmem>>) target(%dma_start3A_118 : memref<10112x128xf32, #tpu.memory_space<vmem_shared>>) offsets(%dma_start3A_115 : memref<128xi32, #tpu.memory_space<vmem>>) semaphore(%run_scoped3A : memref<!tpu.dma_semaphore, #tpu.memory_space<semaphore_mem>>) {add = true}
        %dma_wait3A_119 = arith.constant 0 : i32
        %dma_wait3A_120 = tpu.memref_slice %arg5[%add3A_96, %dma_wait3A_119] : memref<80x128xi32, #tpu.memory_space<vmem>> -> memref<1x128xi32, #tpu.memory_space<vmem>>
        %dma_wait3A_121 = tpu.memref_squeeze %dma_wait3A_120 : memref<1x128xi32, #tpu.memory_space<vmem>> -> memref<128xi32, #tpu.memory_space<vmem>>
        %dma_wait3A_122 = arith.constant 0 : i32
        %dma_wait3A_123 = arith.constant 0 : i32
        %dma_wait3A_124 = tpu.memref_slice %arg8[%dma_wait3A_122, %dma_wait3A_123] : memref<10112x128xf32, #tpu.memory_space<vmem_shared>> -> memref<10112x128xf32, #tpu.memory_space<vmem_shared>>
        tpu.wait_indirect_dma semaphore(%run_scoped3A : memref<!tpu.dma_semaphore, #tpu.memory_space<semaphore_mem>>) src(%arg6 : memref<128x128xf32, #tpu.memory_space<vmem>>) dst(%dma_wait3A_124 : memref<10112x128xf32, #tpu.memory_space<vmem_shared>>)
        tpu.yield
      }) : () -> ()
      %add3A_97 = arith.constant 1 : i32
      %add3A_98 = arith.addi %scan3A_79, %add3A_97 : i32
      %lt3A = arith.constant 20 : i32
      %lt3A_99 = arith.cmpi slt, %add3A_98, %lt3A : i32
      %convert_element_type3A = arith.extui %lt3A_99 : i1 to i32
      %cond3A = arith.constant 0 : i32
      %cond3A_100 = arith.cmpi ne, %convert_element_type3A, %cond3A : i32
      scf.if %cond3A_100 {
        %add3A_113 = arith.constant 2 : i32
        %add3A_114 = arith.addi %mul3A_81, %add3A_113 : i32
        %dma_start3A_115 = arith.constant 0 : i32
        %dma_start3A_116 = tpu.memref_slice %arg5[%add3A_114, %dma_start3A_115] : memref<80x128xi32, #tpu.memory_space<vmem>> -> memref<1x128xi32, #tpu.memory_space<vmem>>
        %dma_start3A_117 = tpu.memref_squeeze %dma_start3A_116 : memref<1x128xi32, #tpu.memory_space<vmem>> -> memref<128xi32, #tpu.memory_space<vmem>>
        %dma_start3A_118 = arith.constant 0 : i32
        %dma_start3A_119 = arith.constant 0 : i32
        %dma_start3A_120 = tpu.memref_slice %arg2[%dma_start3A_118, %dma_start3A_119] : memref<10000x128xf32, #tpu.memory_space<hbm>> -> memref<10000x128xf32, #tpu.memory_space<hbm>>
        tpu.enqueue_indirect_dma source(%dma_start3A_120 : memref<10000x128xf32, #tpu.memory_space<hbm>>) target(%arg6 : memref<128x128xf32, #tpu.memory_space<vmem>>) offsets(%dma_start3A_117 : memref<128xi32, #tpu.memory_space<vmem>>) semaphore(%arg9 : memref<!tpu.dma_semaphore, #tpu.memory_space<semaphore_mem>>)
      } else {
      }
      %add3A_101 = arith.constant 1 : i32
      %add3A_102 = arith.addi %mul3A_81, %add3A_101 : i32
      %dma_wait3A_103 = arith.constant 0 : i32
      %dma_wait3A_104 = tpu.memref_slice %arg5[%add3A_102, %dma_wait3A_103] : memref<80x128xi32, #tpu.memory_space<vmem>> -> memref<1x128xi32, #tpu.memory_space<vmem>>
      %dma_wait3A_105 = tpu.memref_squeeze %dma_wait3A_104 : memref<1x128xi32, #tpu.memory_space<vmem>> -> memref<128xi32, #tpu.memory_space<vmem>>
      %dma_wait3A_106 = arith.constant 0 : i32
      %dma_wait3A_107 = arith.constant 0 : i32
      %dma_wait3A_108 = tpu.memref_slice %arg2[%dma_wait3A_106, %dma_wait3A_107] : memref<10000x128xf32, #tpu.memory_space<hbm>> -> memref<10000x128xf32, #tpu.memory_space<hbm>>
      tpu.wait_indirect_dma semaphore(%arg10 : memref<!tpu.dma_semaphore, #tpu.memory_space<semaphore_mem>>) src(%dma_wait3A_108 : memref<10000x128xf32, #tpu.memory_space<hbm>>) dst(%arg7 : memref<128x128xf32, #tpu.memory_space<vmem>>)
      %add3A_109 = arith.constant 40 : i32
      %add3A_110 = arith.addi %add3A_109, %mul3A_81 : i32
      %add3A_111 = arith.constant 1 : i32
      %add3A_112 = arith.addi %add3A_110, %add3A_111 : i32
      "tpu.region"() ({
        %run_scoped3A = tpu.sem_alloc : memref<!tpu.dma_semaphore, #tpu.memory_space<semaphore_mem>>
        %dma_start3A_113 = arith.constant 0 : i32
        %dma_start3A_114 = tpu.memref_slice %arg5[%add3A_112, %dma_start3A_113] : memref<80x128xi32, #tpu.memory_space<vmem>> -> memref<1x128xi32, #tpu.memory_space<vmem>>
        %dma_start3A_115 = tpu.memref_squeeze %dma_start3A_114 : memref<1x128xi32, #tpu.memory_space<vmem>> -> memref<128xi32, #tpu.memory_space<vmem>>
        %dma_start3A_116 = arith.constant 0 : i32
        %dma_start3A_117 = arith.constant 0 : i32
        %dma_start3A_118 = tpu.memref_slice %arg8[%dma_start3A_116, %dma_start3A_117] : memref<10112x128xf32, #tpu.memory_space<vmem_shared>> -> memref<10112x128xf32, #tpu.memory_space<vmem_shared>>
        tpu.enqueue_indirect_dma source(%arg7 : memref<128x128xf32, #tpu.memory_space<vmem>>) target(%dma_start3A_118 : memref<10112x128xf32, #tpu.memory_space<vmem_shared>>) offsets(%dma_start3A_115 : memref<128xi32, #tpu.memory_space<vmem>>) semaphore(%run_scoped3A : memref<!tpu.dma_semaphore, #tpu.memory_space<semaphore_mem>>) {add = true}
        %dma_wait3A_119 = arith.constant 0 : i32
        %dma_wait3A_120 = tpu.memref_slice %arg5[%add3A_112, %dma_wait3A_119] : memref<80x128xi32, #tpu.memory_space<vmem>> -> memref<1x128xi32, #tpu.memory_space<vmem>>
        %dma_wait3A_121 = tpu.memref_squeeze %dma_wait3A_120 : memref<1x128xi32, #tpu.memory_space<vmem>> -> memref<128xi32, #tpu.memory_space<vmem>>
        %dma_wait3A_122 = arith.constant 0 : i32
        %dma_wait3A_123 = arith.constant 0 : i32
        %dma_wait3A_124 = tpu.memref_slice %arg8[%dma_wait3A_122, %dma_wait3A_123] : memref<10112x128xf32, #tpu.memory_space<vmem_shared>> -> memref<10112x128xf32, #tpu.memory_space<vmem_shared>>
        tpu.wait_indirect_dma semaphore(%run_scoped3A : memref<!tpu.dma_semaphore, #tpu.memory_space<semaphore_mem>>) src(%arg7 : memref<128x128xf32, #tpu.memory_space<vmem>>) dst(%dma_wait3A_124 : memref<10112x128xf32, #tpu.memory_space<vmem_shared>>)
        tpu.yield
      }) : () -> ()
    }
    %scan3A_70 = arith.constant 20 : i32
    %barrier3A_71 = arith.constant 0 : index
    tpu.barrier barrier_id(%barrier3A_71)
    %mul3A_72 = arith.constant 632 : i32
    %mul3A_73 = arith.muli %arg1, %mul3A_72 : i32
    %mul3A_74 = arith.constant 10112 : i32
    %mul3A_75 = arith.muli %arg0, %mul3A_74 : i32
    %mul3A_76 = arith.constant 632 : i32
    %mul3A_77 = arith.muli %arg1, %mul3A_76 : i32
    %add3A_78 = arith.addi %mul3A_75, %mul3A_77 : i32
    "tpu.region"() ({
      %run_scoped3A = tpu.sem_alloc : memref<!tpu.dma_semaphore, #tpu.memory_space<semaphore_mem>>
      %dma_start3A_79 = arith.constant 0 : i32
      %dma_start3A_80 = tpu.memref_slice %arg4[%add3A_78, %dma_start3A_79] : memref<20224x128xf32, #tpu.memory_space<hbm>> -> memref<632x128xf32, #tpu.memory_space<hbm>>
      %dma_start3A_81 = arith.constant 0 : i32
      %dma_start3A_82 = tpu.memref_slice %arg8[%mul3A_73, %dma_start3A_81] : memref<10112x128xf32, #tpu.memory_space<vmem_shared>> -> memref<632x128xf32, #tpu.memory_space<vmem_shared>>
      tpu.enqueue_dma source(%dma_start3A_82 : memref<632x128xf32, #tpu.memory_space<vmem_shared>>) target(%dma_start3A_80 : memref<632x128xf32, #tpu.memory_space<hbm>>) target_semaphore(%run_scoped3A : memref<!tpu.dma_semaphore, #tpu.memory_space<semaphore_mem>>)
      %dma_wait3A = arith.constant 0 : i32
      %dma_wait3A_83 = tpu.memref_slice %arg4[%add3A_78, %dma_wait3A] : memref<20224x128xf32, #tpu.memory_space<hbm>> -> memref<632x128xf32, #tpu.memory_space<hbm>>
      %dma_wait3A_84 = arith.constant 0 : i32
      %dma_wait3A_85 = tpu.memref_slice %arg8[%mul3A_73, %dma_wait3A_84] : memref<10112x128xf32, #tpu.memory_space<vmem_shared>> -> memref<632x128xf32, #tpu.memory_space<vmem_shared>>
      tpu.wait_dma2 semaphore(%run_scoped3A : memref<!tpu.dma_semaphore, #tpu.memory_space<semaphore_mem>>) src(%dma_wait3A_85 : memref<632x128xf32, #tpu.memory_space<vmem_shared>>) dst(%dma_wait3A_83 : memref<632x128xf32, #tpu.memory_space<hbm>>)
      tpu.yield
    }) : () -> ()
    return
  }
}

module attributes {stable_mosaic.version = 14 : i64} {
  func.func @_pre_body(%arg0: i32, %arg1: memref<1000x128xf32, #tpu.memory_space<vmem>>, %arg2: memref<128x128xf32, #tpu.memory_space<vmem>>, %arg3: memref<128xf32, #tpu.memory_space<vmem>>, %arg4: memref<1000x128xf32, #tpu.memory_space<vmem>>, %arg5: memref<1000x128xf32, #tpu.memory_space<vmem>>) attributes {dimension_semantics = [#tpu.dimension_semantics<arbitrary>], iteration_bounds = array<i64: 10>, scalar_prefetch = 0 : i64, scratch_operands = 0 : i64, tpu.core_type = #tpu.core_type<tc>, window_params = [{transform_indices = @transform_0, window_bounds = array<i64: 1000, 128>}, {pipeline_mode = #tpu.pipeline_mode<synchronous>, transform_indices = @transform_1, window_bounds = array<i64: 128, 128>}, {pipeline_mode = #tpu.pipeline_mode<synchronous>, transform_indices = @transform_2, window_bounds = array<i64: 128>}, {transform_indices = @transform_3, window_bounds = array<i64: 1000, 128>}, {transform_indices = @transform_4, window_bounds = array<i64: 1000, 128>}]} {
    %get3A = arith.constant 0 : index
    %get3A_0 = arith.constant 0 : index
    %get3A_1 = vector.load %arg1[%get3A, %get3A_0] : memref<1000x128xf32, #tpu.memory_space<vmem>>, vector<1000x128xf32>
    %get3A_2 = arith.constant 0 : index
    %get3A_3 = arith.constant 0 : index
    %get3A_4 = vector.load %arg2[%get3A_2, %get3A_3] : memref<128x128xf32, #tpu.memory_space<vmem>>, vector<128x128xf32>
    %get3A_5 = arith.constant 0 : index
    %get3A_6 = vector.load %arg3[%get3A_5] : memref<128xf32, #tpu.memory_space<vmem>>, vector<128xf32>
    %reshape3A = vector.shape_cast %get3A_6 : vector<128xf32> to vector<1x128xf32>
    %dot_general3A = arith.constant dense<0.000000e+00> : vector<1000x128xf32>
    %dot_general3A_7 = tpu.matmul %get3A_1, %get3A_4, %dot_general3A {dimension_numbers = #tpu.dot_dimension_numbers<[1], [1], [0], [0], [0, 0, 1, 0], [], []>, transpose_lhs_hint = false} : vector<1000x128xf32>, vector<128x128xf32>, vector<1000x128xf32> -> vector<1000x128xf32>
    %add3A = vector.broadcast %reshape3A : vector<1x128xf32> to vector<1000x128xf32>
    %add3A_8 = arith.addf %dot_general3A_7, %add3A : vector<1000x128xf32>
    %swap3A = arith.constant 0 : index
    %swap3A_9 = arith.constant 0 : index
    %swap3A_10 = vector.load %arg4[%swap3A, %swap3A_9] : memref<1000x128xf32, #tpu.memory_space<vmem>>, vector<1000x128xf32>
    tpu.vector_store %arg4[%swap3A, %swap3A_9], %add3A_8 {strides = array<i32>} : memref<1000x128xf32, #tpu.memory_space<vmem>>, vector<1000x128xf32>,
    %dot_general3A_11 = arith.constant dense<0.000000e+00> : vector<1000x128xf32>
    %dot_general3A_12 = tpu.matmul %add3A_8, %get3A_4, %dot_general3A_11 {dimension_numbers = #tpu.dot_dimension_numbers<[1], [1], [0], [0], [0, 0, 1, 0], [], []>, transpose_lhs_hint = false} : vector<1000x128xf32>, vector<128x128xf32>, vector<1000x128xf32> -> vector<1000x128xf32>
    %add3A_13 = vector.broadcast %reshape3A : vector<1x128xf32> to vector<1000x128xf32>
    %add3A_14 = arith.addf %dot_general3A_12, %add3A_13 : vector<1000x128xf32>
    %max3A = arith.constant 0.000000e+00 : f32
    %max3A_15 = vector.broadcast %max3A : f32 to vector<1000x128xf32>
    %max3A_16 = arith.maximumf %add3A_14, %max3A_15 : vector<1000x128xf32>
    %swap3A_17 = arith.constant 0 : index
    %swap3A_18 = arith.constant 0 : index
    %swap3A_19 = vector.load %arg5[%swap3A_17, %swap3A_18] : memref<1000x128xf32, #tpu.memory_space<vmem>>, vector<1000x128xf32>
    tpu.vector_store %arg5[%swap3A_17, %swap3A_18], %max3A_16 {strides = array<i32>} : memref<1000x128xf32, #tpu.memory_space<vmem>>, vector<1000x128xf32>,
    return
  }
  func.func @transform_0(%arg0: i32) -> (i32, i32) {
    %c0_i32 = arith.constant 0 : i32
    %c0_i32_0 = arith.constant 0 : i32
    return %arg0, %c0_i32 : i32, i32
  }
  func.func @transform_1(%arg0: i32) -> (i32, i32) {
    %c0_i32 = arith.constant 0 : i32
    %c0_i32_0 = arith.constant 0 : i32
    %c0_i32_1 = arith.constant 0 : i32
    return %c0_i32, %c0_i32_0 : i32, i32
  }
  func.func @transform_2(%arg0: i32) -> i32 {
    %c0_i32 = arith.constant 0 : i32
    %c0_i32_0 = arith.constant 0 : i32
    return %c0_i32 : i32
  }
  func.func @transform_3(%arg0: i32) -> (i32, i32) {
    %c0_i32 = arith.constant 0 : i32
    %c0_i32_0 = arith.constant 0 : i32
    return %arg0, %c0_i32 : i32, i32
  }
  func.func @transform_4(%arg0: i32) -> (i32, i32) {
    %c0_i32 = arith.constant 0 : i32
    %c0_i32_0 = arith.constant 0 : i32
    return %arg0, %c0_i32 : i32, i32
  }
}

module attributes {stable_mosaic.version = 14 : i64} {
  func.func @_mid_body(%arg0: memref<20224x128xf32, #tpu.memory_space<vmem>>, %arg1: memref<10000x1xf32, #tpu.memory_space<vmem>>, %arg2: memref<10000x128xf32, #tpu.memory_space<vmem>>, %arg3: memref<10000x128xf32, #tpu.memory_space<vmem>>, %arg4: memref<128x256xf32, #tpu.memory_space<vmem>>, %arg5: memref<128xf32, #tpu.memory_space<vmem>>, %arg6: memref<128xf32, #tpu.memory_space<vmem>>, %arg7: memref<128x128xf32, #tpu.memory_space<vmem>>, %arg8: memref<128xf32, #tpu.memory_space<vmem>>, %arg9: memref<10000x128xf32, #tpu.memory_space<vmem>>, %arg10: memref<10000x128xf32, #tpu.memory_space<vmem>>) attributes {dimension_semantics = [], scalar_prefetch = 0 : i64, scratch_operands = 0 : i64, tpu.core_type = #tpu.core_type<tc>} {
    %get3A = arith.constant 0 : index
    %get3A_0 = arith.constant 0 : index
    %get3A_1 = vector.load %arg0[%get3A, %get3A_0] : memref<20224x128xf32, #tpu.memory_space<vmem>>, vector<10000x128xf32>
    %get3A_2 = arith.constant 10112 : index
    %get3A_3 = arith.constant 0 : index
    %get3A_4 = vector.load %arg0[%get3A_2, %get3A_3] : memref<20224x128xf32, #tpu.memory_space<vmem>>, vector<10000x128xf32>
    %add3A = arith.addf %get3A_1, %get3A_4 : vector<10000x128xf32>
    %get3A_5 = arith.constant 0 : index
    %get3A_6 = arith.constant 0 : index
    %get3A_7 = vector.load %arg2[%get3A_5, %get3A_6] : memref<10000x128xf32, #tpu.memory_space<vmem>>, vector<10000x128xf32>
    %add3A_8 = arith.addf %add3A, %get3A_7 : vector<10000x128xf32>
    %get3A_9 = arith.constant 0 : index
    %get3A_10 = arith.constant 0 : index
    %get3A_11 = vector.load %arg1[%get3A_9, %get3A_10] : memref<10000x1xf32, #tpu.memory_space<vmem>>, vector<10000x1xf32>
    %div3A = vector.broadcast %get3A_11 : vector<10000x1xf32> to vector<10000x128xf32>
    %div3A_12 = arith.divf %add3A_8, %div3A : vector<10000x128xf32>
    %get3A_13 = arith.constant 0 : index
    %get3A_14 = arith.constant 0 : index
    %get3A_15 = vector.load %arg4[%get3A_13, %get3A_14] : memref<128x256xf32, #tpu.memory_space<vmem>>, vector<128x256xf32>
    %slice3A = vector.extract_strided_slice %get3A_15 {offsets = [0, 0], sizes = [128, 128], strides = [1, 1]} : vector<128x256xf32> to vector<128x128xf32>
    %dot_general3A = arith.constant dense<0.000000e+00> : vector<10000x128xf32>
    %dot_general3A_16 = tpu.matmul %div3A_12, %slice3A, %dot_general3A {dimension_numbers = #tpu.dot_dimension_numbers<[1], [1], [0], [0], [0, 0, 1, 0], [], []>, transpose_lhs_hint = false} : vector<10000x128xf32>, vector<128x128xf32>, vector<10000x128xf32> -> vector<10000x128xf32>
    %get3A_17 = arith.constant 0 : index
    %get3A_18 = arith.constant 0 : index
    %get3A_19 = vector.load %arg3[%get3A_17, %get3A_18] : memref<10000x128xf32, #tpu.memory_space<vmem>>, vector<10000x128xf32>
    %slice3A_20 = vector.extract_strided_slice %get3A_15 {offsets = [0, 128], sizes = [128, 128], strides = [1, 1]} : vector<128x256xf32> to vector<128x128xf32>
    %dot_general3A_21 = arith.constant dense<0.000000e+00> : vector<10000x128xf32>
    %dot_general3A_22 = tpu.matmul %get3A_19, %slice3A_20, %dot_general3A_21 {dimension_numbers = #tpu.dot_dimension_numbers<[1], [1], [0], [0], [0, 0, 1, 0], [], []>, transpose_lhs_hint = false} : vector<10000x128xf32>, vector<128x128xf32>, vector<10000x128xf32> -> vector<10000x128xf32>
    %add3A_23 = arith.addf %dot_general3A_16, %dot_general3A_22 : vector<10000x128xf32>
    %max3A = arith.constant 0.000000e+00 : f32
    %max3A_24 = vector.broadcast %max3A : f32 to vector<10000x128xf32>
    %max3A_25 = arith.maximumf %add3A_23, %max3A_24 : vector<10000x128xf32>
    %reduce_sum3A = arith.constant dense<0.000000e+00> : vector<128xf32>
    %reduce_sum3A_26 = vector.multi_reduction <add>, %max3A_25, %reduce_sum3A [0] : vector<10000x128xf32> to vector<128xf32>
    %broadcast_in_dim3A = vector.shape_cast %reduce_sum3A_26 : vector<128xf32> to vector<1x128xf32>
    %div3A_27 = arith.constant 1.000000e+04 : f32
    %div3A_28 = vector.broadcast %div3A_27 : f32 to vector<1x128xf32>
    %div3A_29 = arith.divf %broadcast_in_dim3A, %div3A_28 : vector<1x128xf32>
    %sub3A = vector.broadcast %div3A_29 : vector<1x128xf32> to vector<10000x128xf32>
    %sub3A_30 = arith.subf %max3A_25, %sub3A : vector<10000x128xf32>
    %integer_pow3A = arith.mulf %sub3A_30, %sub3A_30 : vector<10000x128xf32>
    %reduce_sum3A_31 = arith.constant dense<0.000000e+00> : vector<128xf32>
    %reduce_sum3A_32 = vector.multi_reduction <add>, %integer_pow3A, %reduce_sum3A_31 [0] : vector<10000x128xf32> to vector<128xf32>
    %broadcast_in_dim3A_33 = vector.shape_cast %reduce_sum3A_32 : vector<128xf32> to vector<1x128xf32>
    %div3A_34 = arith.constant 1.000000e+04 : f32
    %div3A_35 = vector.broadcast %div3A_34 : f32 to vector<1x128xf32>
    %div3A_36 = arith.divf %broadcast_in_dim3A_33, %div3A_35 : vector<1x128xf32>
    %get3A_37 = arith.constant 0 : index
    %get3A_38 = vector.load %arg5[%get3A_37] : memref<128xf32, #tpu.memory_space<vmem>>, vector<128xf32>
    %reshape3A = vector.shape_cast %get3A_38 : vector<128xf32> to vector<1x128xf32>
    %sub3A_39 = vector.broadcast %div3A_29 : vector<1x128xf32> to vector<10000x128xf32>
    %sub3A_40 = arith.subf %max3A_25, %sub3A_39 : vector<10000x128xf32>
    %mul3A = vector.broadcast %reshape3A : vector<1x128xf32> to vector<10000x128xf32>
    %mul3A_41 = arith.mulf %mul3A, %sub3A_40 : vector<10000x128xf32>
    %add3A_42 = arith.constant 9.99999974E-6 : f32
    %add3A_43 = vector.broadcast %add3A_42 : f32 to vector<1x128xf32>
    %add3A_44 = arith.addf %div3A_36, %add3A_43 : vector<1x128xf32>
    %sqrt3A = math.sqrt %add3A_44 : vector<1x128xf32>
    %div3A_45 = vector.broadcast %sqrt3A : vector<1x128xf32> to vector<10000x128xf32>
    %div3A_46 = arith.divf %mul3A_41, %div3A_45 : vector<10000x128xf32>
    %get3A_47 = arith.constant 0 : index
    %get3A_48 = vector.load %arg6[%get3A_47] : memref<128xf32, #tpu.memory_space<vmem>>, vector<128xf32>
    %reshape3A_49 = vector.shape_cast %get3A_48 : vector<128xf32> to vector<1x128xf32>
    %add3A_50 = vector.broadcast %reshape3A_49 : vector<1x128xf32> to vector<10000x128xf32>
    %add3A_51 = arith.addf %div3A_46, %add3A_50 : vector<10000x128xf32>
    %max3A_52 = arith.constant 0.000000e+00 : f32
    %max3A_53 = vector.broadcast %max3A_52 : f32 to vector<10000x128xf32>
    %max3A_54 = arith.maximumf %add3A_51, %max3A_53 : vector<10000x128xf32>
    %get3A_55 = arith.constant 0 : index
    %get3A_56 = vector.load %arg8[%get3A_55] : memref<128xf32, #tpu.memory_space<vmem>>, vector<128xf32>
    %reshape3A_57 = vector.shape_cast %get3A_56 : vector<128xf32> to vector<1x128xf32>
    %get3A_58 = arith.constant 0 : index
    %get3A_59 = arith.constant 0 : index
    %get3A_60 = vector.load %arg7[%get3A_58, %get3A_59] : memref<128x128xf32, #tpu.memory_space<vmem>>, vector<128x128xf32>
    %dot_general3A_61 = arith.constant dense<0.000000e+00> : vector<10000x128xf32>
    %dot_general3A_62 = tpu.matmul %max3A_54, %get3A_60, %dot_general3A_61 {dimension_numbers = #tpu.dot_dimension_numbers<[1], [1], [0], [0], [0, 0, 1, 0], [], []>, transpose_lhs_hint = false} : vector<10000x128xf32>, vector<128x128xf32>, vector<10000x128xf32> -> vector<10000x128xf32>
    %add3A_63 = vector.broadcast %reshape3A_57 : vector<1x128xf32> to vector<10000x128xf32>
    %add3A_64 = arith.addf %dot_general3A_62, %add3A_63 : vector<10000x128xf32>
    %swap3A = arith.constant 0 : index
    %swap3A_65 = arith.constant 0 : index
    %swap3A_66 = vector.load %arg9[%swap3A, %swap3A_65] : memref<10000x128xf32, #tpu.memory_space<vmem>>, vector<10000x128xf32>
    tpu.vector_store %arg9[%swap3A, %swap3A_65], %add3A_64 {strides = array<i32>} : memref<10000x128xf32, #tpu.memory_space<vmem>>, vector<10000x128xf32>,
    %dot_general3A_67 = arith.constant dense<0.000000e+00> : vector<10000x128xf32>
    %dot_general3A_68 = tpu.matmul %add3A_64, %get3A_60, %dot_general3A_67 {dimension_numbers = #tpu.dot_dimension_numbers<[1], [1], [0], [0], [0, 0, 1, 0], [], []>, transpose_lhs_hint = false} : vector<10000x128xf32>, vector<128x128xf32>, vector<10000x128xf32> -> vector<10000x128xf32>
    %add3A_69 = vector.broadcast %reshape3A_57 : vector<1x128xf32> to vector<10000x128xf32>
    %add3A_70 = arith.addf %dot_general3A_68, %add3A_69 : vector<10000x128xf32>
    %max3A_71 = arith.constant 0.000000e+00 : f32
    %max3A_72 = vector.broadcast %max3A_71 : f32 to vector<10000x128xf32>
    %max3A_73 = arith.maximumf %add3A_70, %max3A_72 : vector<10000x128xf32>
    %swap3A_74 = arith.constant 0 : index
    %swap3A_75 = arith.constant 0 : index
    %swap3A_76 = vector.load %arg10[%swap3A_74, %swap3A_75] : memref<10000x128xf32, #tpu.memory_space<vmem>>, vector<10000x128xf32>
    tpu.vector_store %arg10[%swap3A_74, %swap3A_75], %max3A_73 {strides = array<i32>} : memref<10000x128xf32, #tpu.memory_space<vmem>>, vector<10000x128xf32>,
    return
  }
}

module attributes {stable_mosaic.version = 14 : i64} {
  func.func @_fin_body(%arg0: memref<20224x128xf32, #tpu.memory_space<vmem>>, %arg1: memref<10000x1xf32, #tpu.memory_space<vmem>>, %arg2: memref<10000x128xf32, #tpu.memory_space<vmem>>, %arg3: memref<10000x128xf32, #tpu.memory_space<vmem>>, %arg4: memref<128x256xf32, #tpu.memory_space<vmem>>, %arg5: memref<64x128xf32, #tpu.memory_space<vmem>>, %arg6: memref<64xf32, #tpu.memory_space<vmem>>, %arg7: memref<10000x64xf32, #tpu.memory_space<vmem>>) attributes {dimension_semantics = [], scalar_prefetch = 0 : i64, scratch_operands = 0 : i64, tpu.core_type = #tpu.core_type<tc>} {
    %get3A = arith.constant 0 : index
    %get3A_0 = arith.constant 0 : index
    %get3A_1 = vector.load %arg0[%get3A, %get3A_0] : memref<20224x128xf32, #tpu.memory_space<vmem>>, vector<10000x128xf32>
    %get3A_2 = arith.constant 10112 : index
    %get3A_3 = arith.constant 0 : index
    %get3A_4 = vector.load %arg0[%get3A_2, %get3A_3] : memref<20224x128xf32, #tpu.memory_space<vmem>>, vector<10000x128xf32>
    %add3A = arith.addf %get3A_1, %get3A_4 : vector<10000x128xf32>
    %get3A_5 = arith.constant 0 : index
    %get3A_6 = arith.constant 0 : index
    %get3A_7 = vector.load %arg2[%get3A_5, %get3A_6] : memref<10000x128xf32, #tpu.memory_space<vmem>>, vector<10000x128xf32>
    %add3A_8 = arith.addf %add3A, %get3A_7 : vector<10000x128xf32>
    %get3A_9 = arith.constant 0 : index
    %get3A_10 = arith.constant 0 : index
    %get3A_11 = vector.load %arg1[%get3A_9, %get3A_10] : memref<10000x1xf32, #tpu.memory_space<vmem>>, vector<10000x1xf32>
    %div3A = vector.broadcast %get3A_11 : vector<10000x1xf32> to vector<10000x128xf32>
    %div3A_12 = arith.divf %add3A_8, %div3A : vector<10000x128xf32>
    %get3A_13 = arith.constant 0 : index
    %get3A_14 = arith.constant 0 : index
    %get3A_15 = vector.load %arg4[%get3A_13, %get3A_14] : memref<128x256xf32, #tpu.memory_space<vmem>>, vector<128x256xf32>
    %slice3A = vector.extract_strided_slice %get3A_15 {offsets = [0, 0], sizes = [128, 128], strides = [1, 1]} : vector<128x256xf32> to vector<128x128xf32>
    %dot_general3A = arith.constant dense<0.000000e+00> : vector<10000x128xf32>
    %dot_general3A_16 = tpu.matmul %div3A_12, %slice3A, %dot_general3A {dimension_numbers = #tpu.dot_dimension_numbers<[1], [1], [0], [0], [0, 0, 1, 0], [], []>, transpose_lhs_hint = false} : vector<10000x128xf32>, vector<128x128xf32>, vector<10000x128xf32> -> vector<10000x128xf32>
    %get3A_17 = arith.constant 0 : index
    %get3A_18 = arith.constant 0 : index
    %get3A_19 = vector.load %arg3[%get3A_17, %get3A_18] : memref<10000x128xf32, #tpu.memory_space<vmem>>, vector<10000x128xf32>
    %slice3A_20 = vector.extract_strided_slice %get3A_15 {offsets = [0, 128], sizes = [128, 128], strides = [1, 1]} : vector<128x256xf32> to vector<128x128xf32>
    %dot_general3A_21 = arith.constant dense<0.000000e+00> : vector<10000x128xf32>
    %dot_general3A_22 = tpu.matmul %get3A_19, %slice3A_20, %dot_general3A_21 {dimension_numbers = #tpu.dot_dimension_numbers<[1], [1], [0], [0], [0, 0, 1, 0], [], []>, transpose_lhs_hint = false} : vector<10000x128xf32>, vector<128x128xf32>, vector<10000x128xf32> -> vector<10000x128xf32>
    %add3A_23 = arith.addf %dot_general3A_16, %dot_general3A_22 : vector<10000x128xf32>
    %max3A = arith.constant 0.000000e+00 : f32
    %max3A_24 = vector.broadcast %max3A : f32 to vector<10000x128xf32>
    %max3A_25 = arith.maximumf %add3A_23, %max3A_24 : vector<10000x128xf32>
    %get3A_26 = arith.constant 0 : index
    %get3A_27 = arith.constant 0 : index
    %get3A_28 = vector.load %arg5[%get3A_26, %get3A_27] : memref<64x128xf32, #tpu.memory_space<vmem>>, vector<64x128xf32>
    %dot_general3A_29 = arith.constant dense<0.000000e+00> : vector<10000x64xf32>
    %dot_general3A_30 = tpu.matmul %max3A_25, %get3A_28, %dot_general3A_29 {dimension_numbers = #tpu.dot_dimension_numbers<[1], [1], [0], [0], [0, 0, 1, 0], [], []>, transpose_lhs_hint = false} : vector<10000x128xf32>, vector<64x128xf32>, vector<10000x64xf32> -> vector<10000x64xf32>
    %get3A_31 = arith.constant 0 : index
    %get3A_32 = vector.load %arg6[%get3A_31] : memref<64xf32, #tpu.memory_space<vmem>>, vector<64xf32>
    %reshape3A = vector.shape_cast %get3A_32 : vector<64xf32> to vector<1x64xf32>
    %add3A_33 = vector.broadcast %reshape3A : vector<1x64xf32> to vector<10000x64xf32>
    %add3A_34 = arith.addf %dot_general3A_30, %add3A_33 : vector<10000x64xf32>
    %swap3A = arith.constant 0 : index
    %swap3A_35 = arith.constant 0 : index
    %swap3A_36 = vector.load %arg7[%swap3A, %swap3A_35] : memref<10000x64xf32, #tpu.memory_space<vmem>>, vector<10000x64xf32>
    tpu.vector_store %arg7[%swap3A, %swap3A_35], %add3A_34 {strides = array<i32>} : memref<10000x64xf32, #tpu.memory_space<vmem>>, vector<10000x64xf32>,
    return
  }
}

</mosaic_0001>

<sc_bundles>
// kernel: kernel.10.cloned.1.call-start
scs
__scs_entry_jumppad:
0x0: {  	(pc) =	sbr.rel $0x88, $3  }
0x1: {  	(tag) =	ssettag $0x0;
	lr =	simm.s32 $0x1  }
0x2: {  	[smem:$0x3F92] =	sst lr;
	_ =	strace $0xD0000000  }
0x3: {  	_ = 	snop  }
0x4: {  	_ = 	snop  }
0x5: {  	_ = 	snop  }
0x6: {  	_ = 	snop  }
0x7: {  	_ = 	snop  }
__scs_overlays_trampoline_lowered:
0x8: {  	[smem:$0x3FA1] =	sst s0  }
0x9: {  	[smem:$0x3FA2] =	sst s1  }
0xa: {  	[smem:$0x3FA3] =	sst s2  }
0xb: {  	[smem:$0x3FA4] =	sst s3  }
0xc: {  	[smem:$0x3FA5] =	sst s4  }
0xd: {  	[smem:$0x3FA6] =	sst s5  }
0xe: {  	[smem:$0x3FA7] =	sst s6  }
0xf: {  	[smem:$0x3FA8] =	sst s7  }
0x10: {  	[smem:$0x3FA9] =	sst s8  }
0x11: {  	[smem:$0x3FAA] =	sst s9;
	s0 =	simm.s32 @!p0 $0x0  }
0x12: {  	s1 =	sld [smem:$0x3F90];
	s0 =	simm.s32 @p0 $0x1  }
0x13: {  	[smem:$0x3FAB] =	sst s0;
	s0 =	simm.s32 @!p1 $0x0  }
0x14: {  	s2 =	sld [smem:$0x3F8F];
	s0 =	simm.s32 @p1 $0x1  }
0x15: {  	[smem:$0x3FAC] =	sst s0;
	s0 =	simm.s32 @!p2 $0x0  }
0x16: {  	s3 =	sld [smem:$0x3FDB];
	s0 =	simm.s32 @p2 $0x1  }
0x17: {  	s4 =	simm.s32 $0x1BF5;
	[smem:$0x3FAE] =	sst s0  }
0x18: {  	s0 =	sld [smem:$0x3F91];
	_ =	swait.ge [sflag:s4], $0x0  }
0x19: {  	s7 =	sld [smem:$0x3F92]  }
0x1a: {  	s8 =	sadd.s32 $0xFFFFE003, lr  }
0x1b: {  	s9 =	sadd.s32 $0xFFFFFEF7, lr;
	s5 =	simm.s32 $0xFFFFFFFF;
	p2 =	slt.u32 s8, $0xFFFFF086  }
0x1c: {  	p1 =	slt.u32 s9, $0xF7A;
	s5 =	simm.s32 @!p2 $0x0  }
0x1d: {  	s5 =	simm.s32 @p1 $0x1;
	p0 =	seq.s32 s7, s2  }
0x1e: {  	s7 =	smul.u32 @!p0 $0xF7A, s2;
	p2 =	seq.s32 @!p0 s5, $0x0  }
0x1f: {  	s9 =	smul.u32 $0xF7A, s1;
	s8 =	simm.s32 @!p0 $0x1BF5;
	p2 =	por !p2, p0  }
0x20: {  	[sflag:s8] =	ssyncset.s32 @!p0 $0xFFFFF086;
	s6 =	sadd.s32 @!p0 s3, s7;
	s7 =	simm.s32 @!p0 $0x108  }
0x21: {  	s3 =	sadd.s32 s3, s9;
	s6 =	sadd.s32 @!p0 $0x88, s6;
	s7 =	simm.s32 @p2 $0x1082  }
0x22: {  	[simem:s7], [sflag:s8] =	dma.local @!p0 [hbm:s6], $0xF7A  }
0x23: {  	s9 =	sor.u32 $0xD0000000, s2;
	s6 =	simm.s32 $0x108;
	_ =	swait.ge @!p0 [sflag:s8], $0x0  }
0x24: {  	s3 =	sadd.s32 $0x88, s3;
	s6 =	simm.s32 @!p1 $0x1082;
	[sflag:s4] =	ssyncset.s32 $0xFFFFF086  }
0x25: {  	[simem:s6], [sflag:s4] =	dma.local [hbm:s3], $0xF7A  }
0x26: {  	[smem:$0x3F92] =	sst s1;
	(tag) =	ssettag s2;
	_ =	strace s9  }
0x27: {  	s1 =	sld [smem:$0x3FA2]  }
0x28: {  	s2 =	sld [smem:$0x3FA3]  }
0x29: {  	s4 =	sld [smem:$0x3FA5]  }
0x2a: {  	p0 =	seq.s32 s5, $0x0;
	s5 =	sld [smem:$0x3FA6]  }
0x2b: {  	s6 =	sld [smem:$0x3FA7]  }
0x2c: {  	s7 =	sld [smem:$0x3FA8]  }
0x2d: {  	s3 =	simm.s32 $0x108;
	s8 =	sld [smem:$0x3FA9]  }
0x2e: {  	s3 =	simm.s32 @!p0 $0x1082;
	s9 =	sld [smem:$0x3FAA]  }
0x2f: {  	lr =	sadd.s32 s0, s3;
	s0 =	sld [smem:$0x3FA1]  }
0x30: {  	s3 =	sld [smem:$0x3FA4]  }
0x31: {  	[smem:$0x3FAD] =	sst s10  }
0x32: {  	s10 =	sld [smem:$0x3FAB];
	_ =	sdelay $0x3  }
0x33: {  	p0 =	seq.s32 s10, $0x1;
	s10 =	sld [smem:$0x3FAD];
	_ =	sdelay $0x3  }
0x34: {  	[smem:$0x3FAD] =	sst s10  }
0x35: {  	s10 =	sld [smem:$0x3FAC];
	_ =	sdelay $0x3  }
0x36: {  	p1 =	seq.s32 s10, $0x1;
	s10 =	sld [smem:$0x3FAD];
	_ =	sdelay $0x3  }
0x37: {  	[smem:$0x3FAD] =	sst s10  }
0x38: {  	s10 =	sld [smem:$0x3FAE]  }
0x39: {  	_ = 	snop;
	(pc) =	sbr.ind lr, $3  }
0x3a: {  	_ = 	snop  }
0x3b: {  	_ = 	snop  }
0x3c: {  	p2 =	seq.s32 s10, $0x1;
	s10 =	sld [smem:$0x3FAD]  }
0x3d: {  	_ =	shalt  }
0x3e: {  	_ =	shalt  }
0x3f: {  	_ =	shalt  }
0x40: {  	_ =	shalt  }
0x41: {  	_ =	shalt  }
0x42: {  	_ =	shalt  }
0x43: {  	_ =	shalt  }
0x44: {  	_ =	shalt  }
0x45: {  	_ =	shalt  }
0x46: {  	_ =	shalt  }
0x47: {  	_ =	shalt  }
0x48: {  	_ =	shalt  }
0x49: {  	_ =	shalt  }
0x4a: {  	_ =	shalt  }
0x4b: {  	_ =	shalt  }
0x4c: {  	_ =	shalt  }
0x4d: {  	_ =	shalt  }
0x4e: {  	_ =	shalt  }
0x4f: {  	_ =	shalt  }
0x50: {  	_ =	shalt  }
0x51: {  	_ =	shalt  }
0x52: {  	_ =	shalt  }
0x53: {  	_ =	shalt  }
0x54: {  	_ =	shalt  }
0x55: {  	_ =	shalt  }
0x56: {  	_ =	shalt  }
0x57: {  	_ =	shalt  }
0x58: {  	_ =	shalt  }
0x59: {  	_ =	shalt  }
0x5a: {  	_ =	shalt  }
0x5b: {  	_ =	shalt  }
0x5c: {  	_ =	shalt  }
0x5d: {  	_ =	shalt  }
0x5e: {  	_ =	shalt  }
0x5f: {  	_ =	shalt  }
0x60: {  	_ =	shalt  }
0x61: {  	_ =	shalt  }
0x62: {  	_ =	shalt  }
0x63: {  	_ =	shalt  }
0x64: {  	_ =	shalt  }
0x65: {  	_ =	shalt  }
0x66: {  	_ =	shalt  }
0x67: {  	_ =	shalt  }
0x68: {  	_ =	shalt  }
0x69: {  	_ =	shalt  }
0x6a: {  	_ =	shalt  }
0x6b: {  	_ =	shalt  }
0x6c: {  	_ =	shalt  }
0x6d: {  	_ =	shalt  }
0x6e: {  	_ =	shalt  }
0x6f: {  	_ =	shalt  }
0x70: {  	_ =	shalt  }
0x71: {  	_ =	shalt  }
0x72: {  	_ =	shalt  }
0x73: {  	_ =	shalt  }
0x74: {  	_ =	shalt  }
0x75: {  	_ =	shalt  }
0x76: {  	_ =	shalt  }
0x77: {  	_ =	shalt  }
0x78: {  	_ =	shalt  }
0x79: {  	_ =	shalt  }
0x7a: {  	_ =	shalt  }
0x7b: {  	_ =	shalt  }
0x7c: {  	_ =	shalt  }
0x7d: {  	_ =	shalt  }
0x7e: {  	_ =	shalt  }
0x7f: {  	_ =	shalt  }
0x80: {  	_ =	shalt  }
0x81: {  	_ =	shalt  }
0x82: {  	_ =	shalt  }
0x83: {  	_ =	shalt  }
0x84: {  	_ =	shalt  }
0x85: {  	_ =	shalt  }
0x86: {  	_ =	shalt  }
0x87: {  	_ =	shalt  }
.Lfunc_end0:
.L_simem_size_0:
called_computation_lowered:
.L_overlay_start_0:
0x88: {  	s2 =	sld [smem:$0x3FD9]  }
0x89: {  	s3 =	sld [smem:$0x3FFE];
	_ =	sdelay $0x1  }
0x8a: {  	s1 =	srdreg.scid  }
0x8b: {  	s0 =	sand.u32 $0x1, s1  }
0x8c: {  	s17 =	sshll.u32 s0, $0xA;
	s2 =	sadd.s32 s3, s2  }
0x8d: {  	s2 =	sadd.s32 s2, s17  }
0x8e: {  	[smem:$0x3FB9] =	sst s2  }
0x8f: {  	_ = 	snop  }
0x90: {  	s2 =	sld [smem:$0x3FD0];
	(tm) =	ssettm $0x1  }
0x91: {  	s18 =	sld [smem:$0x3FFB];
	_ =	sdelay $0x3  }
0x92: {  	_ =	strace s18  }
0x93: {  	s3 =	sld [smem:$0x3FFC];
	_ =	sdelay $0x3  }
0x94: {  	_ =	strace s3  }
0x95: {  	s3 =	sld [smem:$0x3FFD];
	_ =	sdelay $0x3  }
0x96: {  	_ =	strace s3  }
0x97: {  	_ =	strace $0x8FFFFFFF  }
0x98: {  	s19 =	sld [smem:$0x3FDB];
	_ =	sdelay $0x1  }
0x99: {  	s4 =	simm.s32 $_scs_section_size  }
0x9a: {  	s5 =	simm.s32 $_size__tile_overlayer_lowered;
	s6 =	simm.s32 $_tile_overlayer_lowered  }
0x9b: {  	s22 =	simm.s32 $0x1BFF;
	s21 =	sshll.u32 s6, $0x1;
	s3 =	sadd.s32 s4, s19  }
0x9c: {  	s7 =	simm.s32 $0x0;
	s20 =	sshll.u32 s5, $0x1;
	s5 =	sadd.s32 s21, s3  }
0x9d: {  	[timem:s7], [sflag:s22] =	dma.local [hbm:s5], s20  }
0x9e: {  	_ =	swait.ge [sflag:s22], s20  }
0x9f: {  	s4 =	ssub.s32 $0x0, s20;
	[sflag:s22] =	ssyncset.done $0x0  }
0xa0: {  	[sflag:s22] =	ssyncadd.s32 s4;
	_ =	sdelay $0x1  }
0xa1: {  	s23 =	simm.s32 $0x1B8B  }
0xa2: {  	_ =	swait.ge [sflag:s23], $0x1  }
0xa3: {  	[sflag:s23] =	ssyncset.done $0x0  }
0xa4: {  	s25 =	simm.s32 $0x1B8E;
	s24 =	sld [smem:$0x3FFE];
	[sflag:s23] =	ssyncadd.s32 $0xFFFFFFFF  }
0xa5: {  	s26 =	simm.s32 $execute0_lowered;
	[smem:$0x3FD2] =	sst s25  }
0xa6: {  	s5 =	sshll.u32 s26, $0x1;
	_ =	strace $0x80000046;
	[dreg:$0x1] =	wrdreg $0xFFFFFFFF  }
0xa7: {  	s28 =	simm.s32 $_size_execute0_lowered;
	s3 =	sadd.s32 s3, s5;
	[dreg:$0x0] =	wrdreg $0x0  }
0xa8: {  	s5 =	sshll.u32 s28, $0x1;
	[dreg:$0x2] =	wrdreg s3  }
0xa9: {  	[dreg:$0x3] =	wrdreg s5  }
0xaa: {  	[dreg:$0x4] =	wrdreg $0xC0  }
0xab: {  	_ =	task [dreg:s7], $0x5FFFF  }
0xac: {  	[dreg:$0x1] =	wrdreg $0xFFFFFFFF  }
0xad: {  	[dreg:$0x0] =	wrdreg $0x60  }
0xae: {  	[dreg:$0x2] =	wrdreg s2  }
0xaf: {  	[dreg:$0x3] =	wrdreg s24  }
0xb0: {  	[dreg:$0x4] =	wrdreg $0x53000  }
0xb1: {  	[dreg:$0x5] =	wrdreg $0x9  }
0xb2: {  	_ =	task.clear_ibuf [dreg:s7], $0x6FFFF;
	_ =	strace $0x90000046  }
0xb3: {  	s29 =	simm.s32 $0x9;
	_ =	strace $0x80000048  }
0xb4: {  	_ =	swait.ge [sflag:s29], $0x1  }
0xb5: {  	[sflag:s29] =	ssyncadd.s32 $0xFFFFFFFF  }
0xb6: {  	_ =	strace $0x90000048  }
0xb7: {  	_ =	sfence  }
0xb8: {  	s30 =	sld [smem:$0x0];
	_ =	sdelay $0x2  }
0xb9: {  	s31 =	sshll.u32 s1, $0xD;
	s1 =	sshrl.u32 s1, $0x2  }
0xba: {  	s3 =	sand.u32 $0x4000, s31;
	s1 =	sadd.s32 s1, s30  }
0xbb: {  	s0 =	sor.u32 s3, s0;
	s1 =	sshll.u32 s1, $0x11  }
0xbc: {  	s0 =	sor.u32 s1, s0  }
0xbd: {  	s0 =	sadd.s32 $0x8F2B, s0  }
0xbe: {  	[sflag:s0] =	ssyncadd.remote.s32 $0x1  }
0xbf: {  	_ =	sfence.sel $0xFFFF  }
0xc0: {  	[dreg:$0x0] =	wrdreg $0xFFFFFFFF;
	(pc) =	sbr.abs _section_cstart, $3  }
0xc1: {  	[dreg:$0x1] =	wrdreg $0xFFFFFFFF  }
0xc2: {  	_ =	task.clear_ibuf [dreg:s7], $0x2FFFF;
	_ =	strace $0x9FFFFFFF  }
0xc3: {  	(tm) =	ssettm $0x7FFFFFFF  }
tec
execute0_lowered:
.L_overlay_start_1:
0x0: {  	(tag) =	ssettag $0x1  }
0x1: {  	s4 =	rddreg [dreg:$0x0]  }
0x2: {  	s0 =	srdreg.scid;
	s5 =	rddreg [dreg:$0x1]  }
0x3: {  	s2 =	rddreg [dreg:$0x2];
	s1 =	stileid.u32  }
0x4: {  	s3 =	simm.s32 $0x0;
	s14 =	simm.s32 $0x5280;
	s18 =	simm.s32 $0x0  }
0x5: {  	s6 =	sand.u32 $0x1, s0;
	s0 =	rddreg [dreg:$0x3];
	s8 =	smul.u32 $0xA00, s1  }
0x6: {  	[smem:$0x7FF] =	sst s3;
	s12 =	sadd.s32 $0xEE00, s5;
	s13 =	smul.u32 $0x280, s1  }
0x7: {  	p0 =	seq.s32 s1, $0xF;
	s7 =	sshll.u32 s6, $0x4;
	_ =	strace $0x80000047  }
0x8: {  	s10 =	ssub.s32 $0x2, s6;
	s11 =	smul.u32 $0x2780, s6;
	s16 =	sshll.u32 @!p0 s1, $0x6  }
0x9: {  	s7 =	sor.u32 s1, s7;
	s28 =	sshrl.u32 s10, $0x1;
	s29 =	sshrl.u32 s8, $0x2  }
0xa: {  	s17 =	sadd.s32 s13, s2;
	s16 =	sor.u32 @!p0 $0x1C01, s16;
	s7 =	smul.u32 $0x500, s7  }
0xb: {  	s10 =	ssub.s32 s10, s28;
	s6 =	sadd.s32 s29, s2;
	s30 =	sadd.s32 s13, s11  }
0xc: {  	s31 =	sshrl.u32 s11, $0x3;
	s11 =	simm.s32 $0x1;
	s13 =	simm.s32 $0x80  }
0xd: {  	s17 =	sshrl.u32 @!p0 s17, $0x3;
	s8 =	sshrl.u32 s30, $0x3;
	s10 =	smax.u32 s10, $0x1  }
0xe: {  	s9 =	sadd.s32 s7, s5;
	s4 =	sadd.s32 s4, s7;
	s7 =	sadd.s32 $0x2580, s2  }
0xf: {  	s8 =	sadd.s32 s12, s8;
	s5 =	sadd.s32 $0x4E00, s9;
	s9 =	sadd.s32 s12, s31  }
0x10: {  	v0 =	vimm.f32 $0.0e+00;
	v1 =	vimm.f32 $1.000000000e+00;
	s12 =	simm.s32 $0x2800;
	s15 =	sshrl.u32 @p0 s7, $0x3;
	s9 =	sadd.s32 $0x4B0, s9  }
.LBB2_1:
0x11: {  	[tilespmem:s3], [sflag:$0x1] =	stream.linear.gather [hbm4b:s4+s3], $0x2800, $0x38;
	[tilespmem:$0x5578] =	vst v63  }
0x12: {  	_ =	swait.ge [sflag:s11], $0x2800  }
0x13: {  	[sflag:s11] =	ssyncset.done $0x0  }
0x14: {  	[sflag:s11] =	ssyncadd.s32 $0xFFFFD800  }
0x15: {  	[tilespmem:s12], [sflag:$0x1] =	stream.linear.gather [hbm4b:s5+s3], $0x2800, $0x38;
	[tilespmem:$0x5578] =	vst v63  }
0x16: {  	_ =	swait.ge [sflag:s11], $0x2800  }
0x17: {  	[sflag:s11] =	ssyncset.done $0x0  }
0x18: {  	[sflag:s11] =	ssyncadd.s32 $0xFFFFD800  }
0x19: {  	[tilespmem:$0x5000] =	vst v0  }
0x1a: {  	[tilespmem:$0x5010] =	vst v0  }
0x1b: {  	[tilespmem:$0x5020] =	vst v0  }
0x1c: {  	[tilespmem:$0x5030] =	vst v0  }
0x1d: {  	[tilespmem:$0x5040] =	vst v0  }
0x1e: {  	[tilespmem:$0x5050] =	vst v0  }
0x1f: {  	[tilespmem:$0x5060] =	vst v0  }
0x20: {  	[tilespmem:$0x5070] =	vst v0  }
0x21: {  	[tilespmem:$0x5080] =	vst v0  }
0x22: {  	[tilespmem:$0x5090] =	vst v0  }
0x23: {  	[tilespmem:$0x50A0] =	vst v0  }
0x24: {  	[tilespmem:$0x50B0] =	vst v0  }
0x25: {  	[tilespmem:$0x50C0] =	vst v0  }
0x26: {  	[tilespmem:$0x50D0] =	vst v0  }
0x27: {  	[tilespmem:$0x50E0] =	vst v0  }
0x28: {  	[tilespmem:$0x50F0] =	vst v0  }
0x29: {  	[tilespmem:$0x5100] =	vst v0  }
0x2a: {  	[tilespmem:$0x5110] =	vst v0  }
0x2b: {  	[tilespmem:$0x5120] =	vst v0  }
0x2c: {  	[tilespmem:$0x5130] =	vst v0  }
0x2d: {  	[tilespmem:$0x5140] =	vst v0  }
0x2e: {  	[tilespmem:$0x5150] =	vst v0  }
0x2f: {  	[tilespmem:$0x5160] =	vst v0  }
0x30: {  	[tilespmem:$0x5170] =	vst v0  }
0x31: {  	[tilespmem:$0x5180] =	vst v0  }
0x32: {  	[tilespmem:$0x5190] =	vst v0  }
0x33: {  	[tilespmem:$0x51A0] =	vst v0  }
0x34: {  	[tilespmem:$0x51B0] =	vst v0  }
0x35: {  	[tilespmem:$0x51C0] =	vst v0  }
0x36: {  	[tilespmem:$0x51D0] =	vst v0  }
0x37: {  	[tilespmem:$0x51E0] =	vst v0  }
0x38: {  	[tilespmem:$0x51F0] =	vst v0  }
0x39: {  	[tilespmem:$0x5200] =	vst v0  }
0x3a: {  	[tilespmem:$0x5210] =	vst v0  }
0x3b: {  	[tilespmem:$0x5220] =	vst v0  }
0x3c: {  	[tilespmem:$0x5230] =	vst v0  }
0x3d: {  	[tilespmem:$0x5240] =	vst v0  }
0x3e: {  	[tilespmem:$0x5250] =	vst v0  }
0x3f: {  	[tilespmem:$0x5260] =	vst v0  }
0x40: {  	s19 =	simm.s32 @p0 $0x5000;
	[tilespmem:$0x5270] =	vst v0  }
0x41: {  	[spmem:s7] =	stream.linear.scatter @p0 [tilespmem:s19], [sflag:$0x1], $0x200, $0x38;
	[tilespmem:$0x5578] =	vst v63  }
0x42: {  	s19 =	simm.s32 @p0 $0x1  }
0x43: {  	_ =	swait.ge @p0 [sflag:s19], $0x200  }
0x44: {  	[sflag:s19] =	ssyncset.done @p0 $0x0  }
0x45: {  	[sflag:s19] =	ssyncadd.s32 @p0 $0xFFFFFE00;
	s19 =	simm.s32 @!p0 $0x5000  }
0x46: {  	[spmem:s6] =	stream.linear.scatter @!p0 [tilespmem:s19], [sflag:$0x1], $0x280, $0x38;
	[tilespmem:$0x5578] =	vst v63  }
0x47: {  	s19 =	simm.s32 @!p0 $0x1  }
0x48: {  	_ =	swait.ge @!p0 [sflag:s19], $0x280  }
0x49: {  	[sflag:s19] =	ssyncset.done @!p0 $0x0  }
0x4a: {  	[sflag:s19] =	ssyncadd.s32 @!p0 $0xFFFFFD80  }
0x4b: {  	[tilespmem:$0x5280] =	vst v1  }
0x4c: {  	[tilespmem:$0x5290] =	vst v1  }
0x4d: {  	[tilespmem:$0x52A0] =	vst v1  }
0x4e: {  	[tilespmem:$0x52B0] =	vst v1  }
0x4f: {  	[tilespmem:$0x52C0] =	vst v1  }
0x50: {  	[tilespmem:$0x52D0] =	vst v1  }
0x51: {  	[tilespmem:$0x52E0] =	vst v1  }
0x52: {  	s19 =	simm.s32 $0x0;
	[tilespmem:$0x52F0] =	vst v1  }
0x53: {  	v8 =	vld [tilespmem:s19+$0x0]  }
0x54: {  	v15 =	vld [tilespmem:s19+$0x10]  }
0x55: {  	v7 =	vld [tilespmem:s19+$0x20]  }
0x56: {  	v6 =	vld [tilespmem:s19+$0x30]  }
0x57: {  	v5 =	vld [tilespmem:s19+$0x40]  }
0x58: {  	v4 =	vld [tilespmem:s19+$0x50]  }
0x59: {  	v3 =	vld [tilespmem:s19+$0x60]  }
0x5a: {  	v2 =	vld [tilespmem:s19+$0x70]  }
0x5b: {  	v14 =	vld [tilespmem:s19+$0x2800]  }
0x5c: {  	v13 =	vld [tilespmem:s19+$0x2810]  }
0x5d: {  	v12 =	vld [tilespmem:s19+$0x2820]  }
0x5e: {  	v11 =	vld [tilespmem:s19+$0x2830]  }
0x5f: {  	v10 =	vld [tilespmem:s19+$0x2840]  }
0x60: {  	v9 =	vld [tilespmem:s19+$0x2850];
	vm0 =	veq.s32 v8, v14  }
0x61: {  	s20 =	simm.s32 $0x200;
	v8 =	vld [tilespmem:s19+$0x2860];
	v14 =	vsel vm0, $0x2710, v14;
	vm0 =	veq.s32 v15, v13  }
.LBB2_2:
0x62: {  	s21 =	sshra.s32 s20, $0x2;
	p1 =	sne.s32 s20, $0x9E00;
	[tilespmem:s19+$0x2800] =	vst v14;
	v13 =	vsel vm0, $0x2710, v13;
	vm0 =	veq.s32 v7, v12;
	v14 =	vld [tilespmem:s19+$0x2870]  }
0x63: {  	v15 =	vld [tilespmem:s21+$0x0];
	[tilespmem:s19+$0x2810] =	vst v13;
	v7 =	vsel vm0, $0x2710, v12;
	vm0 =	veq.s32 v6, v11  }
0x64: {  	v16 =	vld [tilespmem:s21+$0x10];
	[tilespmem:s19+$0x2820] =	vst v7;
	v6 =	vsel vm0, $0x2710, v11;
	vm0 =	veq.s32 v5, v10  }
0x65: {  	v7 =	vld [tilespmem:s21+$0x20];
	[tilespmem:s19+$0x2830] =	vst v6;
	v5 =	vsel vm0, $0x2710, v10;
	vm0 =	veq.s32 v4, v9  }
0x66: {  	v6 =	vld [tilespmem:s21+$0x30];
	[tilespmem:s19+$0x2840] =	vst v5;
	v4 =	vsel vm0, $0x2710, v9;
	vm0 =	veq.s32 v3, v8  }
0x67: {  	v5 =	vld [tilespmem:s21+$0x40];
	[tilespmem:s19+$0x2850] =	vst v4;
	v3 =	vsel vm0, $0x2710, v8;
	vm0 =	veq.s32 v2, v14  }
0x68: {  	v4 =	vld [tilespmem:s21+$0x50];
	[tilespmem:s19+$0x2860] =	vst v3;
	v2 =	vsel vm0, $0x2710, v14  }
0x69: {  	v3 =	vld [tilespmem:s21+$0x60];
	[tilespmem:s19+$0x2870] =	vst v2;
	s19 =	smov.u32 s21  }
0x6a: {  	v2 =	vld [tilespmem:s19+$0x70]  }
0x6b: {  	v8 =	vld [tilespmem:s19+$0x2800]  }
0x6c: {  	v13 =	vld [tilespmem:s19+$0x2810]  }
.Ltmp0:
0x6d: {  	v12 =	vld [tilespmem:s19+$0x2820];
	(pc) =	sbr.rel @p1 .LBB2_2-.Ltmp0, $4  }
0x6e: {  	v11 =	vld [tilespmem:s19+$0x2830]  }
0x6f: {  	v10 =	vld [tilespmem:s19+$0x2840]  }
0x70: {  	vm0 =	veq.s32 v15, v8;
	v9 =	vld [tilespmem:s19+$0x2850]  }
0x71: {  	s20 =	sadd.s32 $0x200, s20;
	v14 =	vsel vm0, $0x2710, v8;
	vm0 =	veq.s32 v16, v13;
	v8 =	vld [tilespmem:s19+$0x2860]  }
0x72: {  	[tilespmem:s19+$0x2800] =	vst v14;
	v13 =	vsel vm0, $0x2710, v13;
	vm10 =	veq.s32 v7, v12;
	v63 =	vld [tilespmem:s19+$0x2870]  }
0x73: {  	[tilespmem:s19+$0x2810] =	vst v13;
	v12 =	vsel vm10, $0x2710, v12;
	vm11 =	veq.s32 v6, v11  }
0x74: {  	[tilespmem:s19+$0x2820] =	vst v12;
	v6 =	vsel vm11, $0x2710, v11;
	vm12 =	veq.s32 v5, v10  }
0x75: {  	[tilespmem:s19+$0x2830] =	vst v6;
	v5 =	vsel vm12, $0x2710, v10;
	vm13 =	veq.s32 v4, v9  }
0x76: {  	[tilespmem:s19+$0x2840] =	vst v5;
	v4 =	vsel vm13, $0x2710, v9;
	vm14 =	veq.s32 v3, v8  }
0x77: {  	[tilespmem:s19+$0x2850] =	vst v4;
	v3 =	vsel vm14, $0x2710, v8;
	vm15 =	veq.s32 v2, v63  }
0x78: {  	[tilespmem:s19+$0x2860] =	vst v3;
	v2 =	vsel vm15, $0x2710, v63  }
0x79: {  	[tilespmem:s19+$0x2870] =	vst v2  }
0x7a: {  	s31 =	simm.s32 $0x2800;
	[bflag:$0x0] =	sbarrier.arrive $0xFFFF  }
0x7b: {  	[spmem:s2] =	stream.indirect.scatter.add.f32 [tilespmem:s14], [sflag:$0x1], $0x1, s31, s13, $0xb8;
	[tilespmem:$0x5578] =	vst v63  }
0x7c: {  	s19 =	simm.s32 $0x200;
	_ =	swait.ge [sflag:s11], $0x80  }
.LBB2_4:
0x7d: {  	s20 =	sshra.s32 s19, $0x2;
	[sflag:s11] =	ssyncset.done $0x0;
	p1 =	sne.s32 s19, $0x9E00  }
.Ltmp1:
0x7e: {  	s20 =	sadd.s32 $0x2800, s20;
	[sflag:s11] =	ssyncadd.s32 $0xFFFFFF80;
	(pc) =	sbr.rel @p1 .LBB2_4-.Ltmp1, $3  }
0x7f: {  	[spmem:s2] =	stream.indirect.scatter.add.f32 [tilespmem:s14], [sflag:$0x1], $0x1, s20, s13, $0xb8;
	[tilespmem:$0x5578] =	vst v63  }
0x80: {  	s19 =	sadd.s32 $0x200, s19;
	_ =	sdelay $0x1  }
0x81: {  	_ =	swait.ge [sflag:s11], $0x80  }
0x82: {  	[sflag:s11] =	ssyncset.done $0x0  }
0x83: {  	[sflag:s11] =	ssyncadd.s32 $0xFFFFFF80  }
0x84: {  	s19 =	simm.s32 @p0 $0x1FC1;
	[bflag:$0x0] =	sbarrier.arrive $0xFFFF  }
0x85: {  	[hbm:s9], [sflag:s19] =	dma.local @p0 [spmem:s15], $0x40  }
0x86: {  	s19 =	simm.s32 @p0 $0x1  }
0x87: {  	s18 =	sadd.s32 $0x1, s18;
	_ =	swait.ge @p0 [sflag:s19], $0x40  }
0x88: {  	p1 =	sne.s32 s18, s10;
	[sflag:s19] =	ssyncset.done @p0 $0x0  }
.Ltmp2:
0x89: {  	[sflag:s19] =	ssyncadd.s32 @p0 $0xFFFFFFC0;
	s19 =	simm.s32 @!p0 $0x1;
	(pc) =	sbr.rel @p1 .LBB2_1-.Ltmp2, $4  }
0x8a: {  	[hbm:s8], [sflag:s16] =	dma.local @!p0 [spmem:s17], $0x50  }
0x8b: {  	_ =	swait.ge @!p0 [sflag:s19], $0x50  }
0x8c: {  	[sflag:s19] =	ssyncset.done @!p0 $0x0  }
0x8d: {  	[sflag:s19] =	ssyncadd.s32 @!p0 $0xFFFFFFB0  }
0x8e: {  	_ =	sfence.sel $0x180000  }
0x8f: {  	[bflag:$0x0] =	sbarrier.arrive $0xFFFF  }
0x90: {  	p0 =	sne.s32 s1, $0x0;
	_ =	strace $0x90000047  }
0x91: {  	s0 =	sadd.s32 @!p0 $0x100000, s0;
	[bflag:$0x2] =	sbarrier.arrive $0xFFFF  }
0x92: {  	[sflag:s0] =	ssyncadd.tile.s32 @!p0 $0x1;
	_ =	shalt  }
.Lfunc_end2:
_tile_overlayer_lowered:
.L_overlay_start_2:
0x93: {  	(tag) =	ssettag $0x2  }
0x94: {  	s0 =	rddreg [dreg:$0x0];
	s2 =	stileid.u32  }
0x95: {  	s1 =	rddreg [dreg:$0x1];
	p0 =	sne.s32 s2, $0x0  }
0x96: {  	s3 =	rddreg [dreg:$0x2];
	[bflag:$0x3] =	sbarrier.arrive $0xFFFF;
	s2 =	simm.s32 @!p0 $0x1C01  }
0x97: {  	[timem:s3], [sflag:s2] =	dma.local @!p0 [hbm:s0], s1  }
0x98: {  	s0 =	simm.s32 @!p0 $0x1  }
0x99: {  	_ =	swait.ge @!p0 [sflag:s0], s1  }
0x9a: {  	s1 =	ssub.s32 @!p0 $0x0, s1;
	[sflag:s0] =	ssyncset.done @!p0 $0x0  }
0x9b: {  	[sflag:s0] =	ssyncadd.s32 @!p0 s1  }
0x9c: {  	[bflag:$0x3] =	sbarrier.arrive $0xFFFF  }
0x9d: {  	_ =	shalt  }

// kernel: kernel.13.cloned.1.call-start
scs
__scs_entry_jumppad:
0x0: {  	(pc) =	sbr.rel $0x88, $3  }
0x1: {  	(tag) =	ssettag $0x0;
	lr =	simm.s32 $0x1  }
0x2: {  	[smem:$0x3F92] =	sst lr;
	_ =	strace $0xD0000000  }
0x3: {  	_ = 	snop  }
0x4: {  	_ = 	snop  }
0x5: {  	_ = 	snop  }
0x6: {  	_ = 	snop  }
0x7: {  	_ = 	snop  }
__scs_overlays_trampoline_lowered:
0x8: {  	[smem:$0x3FA1] =	sst s0  }
0x9: {  	[smem:$0x3FA2] =	sst s1  }
0xa: {  	[smem:$0x3FA3] =	sst s2  }
0xb: {  	[smem:$0x3FA4] =	sst s3  }
0xc: {  	[smem:$0x3FA5] =	sst s4  }
0xd: {  	[smem:$0x3FA6] =	sst s5  }
0xe: {  	[smem:$0x3FA7] =	sst s6  }
0xf: {  	[smem:$0x3FA8] =	sst s7  }
0x10: {  	[smem:$0x3FA9] =	sst s8  }
0x11: {  	[smem:$0x3FAA] =	sst s9;
	s0 =	simm.s32 @!p0 $0x0  }
0x12: {  	s1 =	sld [smem:$0x3F90];
	s0 =	simm.s32 @p0 $0x1  }
0x13: {  	[smem:$0x3FAB] =	sst s0;
	s0 =	simm.s32 @!p1 $0x0  }
0x14: {  	s2 =	sld [smem:$0x3F8F];
	s0 =	simm.s32 @p1 $0x1  }
0x15: {  	[smem:$0x3FAC] =	sst s0;
	s0 =	simm.s32 @!p2 $0x0  }
0x16: {  	s3 =	sld [smem:$0x3FDB];
	s0 =	simm.s32 @p2 $0x1  }
0x17: {  	s4 =	simm.s32 $0x1BF5;
	[smem:$0x3FAE] =	sst s0  }
0x18: {  	s0 =	sld [smem:$0x3F91];
	_ =	swait.ge [sflag:s4], $0x0  }
0x19: {  	s7 =	sld [smem:$0x3F92]  }
0x1a: {  	s8 =	sadd.s32 $0xFFFFE003, lr  }
0x1b: {  	s9 =	sadd.s32 $0xFFFFFEF7, lr;
	s5 =	simm.s32 $0xFFFFFFFF;
	p2 =	slt.u32 s8, $0xFFFFF086  }
0x1c: {  	p1 =	slt.u32 s9, $0xF7A;
	s5 =	simm.s32 @!p2 $0x0  }
0x1d: {  	s5 =	simm.s32 @p1 $0x1;
	p0 =	seq.s32 s7, s2  }
0x1e: {  	s7 =	smul.u32 @!p0 $0xF7A, s2;
	p2 =	seq.s32 @!p0 s5, $0x0  }
0x1f: {  	s9 =	smul.u32 $0xF7A, s1;
	s8 =	simm.s32 @!p0 $0x1BF5;
	p2 =	por !p2, p0  }
0x20: {  	[sflag:s8] =	ssyncset.s32 @!p0 $0xFFFFF086;
	s6 =	sadd.s32 @!p0 s3, s7;
	s7 =	simm.s32 @!p0 $0x108  }
0x21: {  	s3 =	sadd.s32 s3, s9;
	s6 =	sadd.s32 @!p0 $0x88, s6;
	s7 =	simm.s32 @p2 $0x1082  }
0x22: {  	[simem:s7], [sflag:s8] =	dma.local @!p0 [hbm:s6], $0xF7A  }
0x23: {  	s9 =	sor.u32 $0xD0000000, s2;
	s6 =	simm.s32 $0x108;
	_ =	swait.ge @!p0 [sflag:s8], $0x0  }
0x24: {  	s3 =	sadd.s32 $0x88, s3;
	s6 =	simm.s32 @!p1 $0x1082;
	[sflag:s4] =	ssyncset.s32 $0xFFFFF086  }
0x25: {  	[simem:s6], [sflag:s4] =	dma.local [hbm:s3], $0xF7A  }
0x26: {  	[smem:$0x3F92] =	sst s1;
	(tag) =	ssettag s2;
	_ =	strace s9  }
0x27: {  	s1 =	sld [smem:$0x3FA2]  }
0x28: {  	s2 =	sld [smem:$0x3FA3]  }
0x29: {  	s4 =	sld [smem:$0x3FA5]  }
0x2a: {  	p0 =	seq.s32 s5, $0x0;
	s5 =	sld [smem:$0x3FA6]  }
0x2b: {  	s6 =	sld [smem:$0x3FA7]  }
0x2c: {  	s7 =	sld [smem:$0x3FA8]  }
0x2d: {  	s3 =	simm.s32 $0x108;
	s8 =	sld [smem:$0x3FA9]  }
0x2e: {  	s3 =	simm.s32 @!p0 $0x1082;
	s9 =	sld [smem:$0x3FAA]  }
0x2f: {  	lr =	sadd.s32 s0, s3;
	s0 =	sld [smem:$0x3FA1]  }
0x30: {  	s3 =	sld [smem:$0x3FA4]  }
0x31: {  	[smem:$0x3FAD] =	sst s10  }
0x32: {  	s10 =	sld [smem:$0x3FAB];
	_ =	sdelay $0x3  }
0x33: {  	p0 =	seq.s32 s10, $0x1;
	s10 =	sld [smem:$0x3FAD];
	_ =	sdelay $0x3  }
0x34: {  	[smem:$0x3FAD] =	sst s10  }
0x35: {  	s10 =	sld [smem:$0x3FAC];
	_ =	sdelay $0x3  }
0x36: {  	p1 =	seq.s32 s10, $0x1;
	s10 =	sld [smem:$0x3FAD];
	_ =	sdelay $0x3  }
0x37: {  	[smem:$0x3FAD] =	sst s10  }
0x38: {  	s10 =	sld [smem:$0x3FAE]  }
0x39: {  	_ = 	snop;
	(pc) =	sbr.ind lr, $3  }
0x3a: {  	_ = 	snop  }
0x3b: {  	_ = 	snop  }
0x3c: {  	p2 =	seq.s32 s10, $0x1;
	s10 =	sld [smem:$0x3FAD]  }
0x3d: {  	_ =	shalt  }
0x3e: {  	_ =	shalt  }
0x3f: {  	_ =	shalt  }
0x40: {  	_ =	shalt  }
0x41: {  	_ =	shalt  }
0x42: {  	_ =	shalt  }
0x43: {  	_ =	shalt  }
0x44: {  	_ =	shalt  }
0x45: {  	_ =	shalt  }
0x46: {  	_ =	shalt  }
0x47: {  	_ =	shalt  }
0x48: {  	_ =	shalt  }
0x49: {  	_ =	shalt  }
0x4a: {  	_ =	shalt  }
0x4b: {  	_ =	shalt  }
0x4c: {  	_ =	shalt  }
0x4d: {  	_ =	shalt  }
0x4e: {  	_ =	shalt  }
0x4f: {  	_ =	shalt  }
0x50: {  	_ =	shalt  }
0x51: {  	_ =	shalt  }
0x52: {  	_ =	shalt  }
0x53: {  	_ =	shalt  }
0x54: {  	_ =	shalt  }
0x55: {  	_ =	shalt  }
0x56: {  	_ =	shalt  }
0x57: {  	_ =	shalt  }
0x58: {  	_ =	shalt  }
0x59: {  	_ =	shalt  }
0x5a: {  	_ =	shalt  }
0x5b: {  	_ =	shalt  }
0x5c: {  	_ =	shalt  }
0x5d: {  	_ =	shalt  }
0x5e: {  	_ =	shalt  }
0x5f: {  	_ =	shalt  }
0x60: {  	_ =	shalt  }
0x61: {  	_ =	shalt  }
0x62: {  	_ =	shalt  }
0x63: {  	_ =	shalt  }
0x64: {  	_ =	shalt  }
0x65: {  	_ =	shalt  }
0x66: {  	_ =	shalt  }
0x67: {  	_ =	shalt  }
0x68: {  	_ =	shalt  }
0x69: {  	_ =	shalt  }
0x6a: {  	_ =	shalt  }
0x6b: {  	_ =	shalt  }
0x6c: {  	_ =	shalt  }
0x6d: {  	_ =	shalt  }
0x6e: {  	_ =	shalt  }
0x6f: {  	_ =	shalt  }
0x70: {  	_ =	shalt  }
0x71: {  	_ =	shalt  }
0x72: {  	_ =	shalt  }
0x73: {  	_ =	shalt  }
0x74: {  	_ =	shalt  }
0x75: {  	_ =	shalt  }
0x76: {  	_ =	shalt  }
0x77: {  	_ =	shalt  }
0x78: {  	_ =	shalt  }
0x79: {  	_ =	shalt  }
0x7a: {  	_ =	shalt  }
0x7b: {  	_ =	shalt  }
0x7c: {  	_ =	shalt  }
0x7d: {  	_ =	shalt  }
0x7e: {  	_ =	shalt  }
0x7f: {  	_ =	shalt  }
0x80: {  	_ =	shalt  }
0x81: {  	_ =	shalt  }
0x82: {  	_ =	shalt  }
0x83: {  	_ =	shalt  }
0x84: {  	_ =	shalt  }
0x85: {  	_ =	shalt  }
0x86: {  	_ =	shalt  }
0x87: {  	_ =	shalt  }
.Lfunc_end0:
.L_simem_size_0:
called_computation.1_lowered:
.L_overlay_start_0:
0x88: {  	s2 =	sld [smem:$0x3FD9]  }
0x89: {  	s3 =	sld [smem:$0x3FFE];
	_ =	sdelay $0x1  }
0x8a: {  	s1 =	srdreg.scid  }
0x8b: {  	s0 =	sand.u32 $0x1, s1  }
0x8c: {  	s17 =	sshll.u32 s0, $0xA;
	s2 =	sadd.s32 s3, s2  }
0x8d: {  	s2 =	sadd.s32 s2, s17  }
0x8e: {  	[smem:$0x3FB9] =	sst s2  }
0x8f: {  	_ = 	snop  }
0x90: {  	(tm) =	ssettm $0x1  }
0x91: {  	s18 =	sld [smem:$0x3FFB];
	_ =	sdelay $0x3  }
0x92: {  	_ =	strace s18  }
0x93: {  	s2 =	sld [smem:$0x3FFC];
	_ =	sdelay $0x3  }
0x94: {  	_ =	strace s2  }
0x95: {  	s2 =	sld [smem:$0x3FFD];
	_ =	sdelay $0x3  }
0x96: {  	_ =	strace s2  }
0x97: {  	_ =	strace $0x8FFFFFFF  }
0x98: {  	s19 =	sld [smem:$0x3FDB];
	_ =	sdelay $0x1  }
0x99: {  	s20 =	simm.s32 $_scs_section_size  }
0x9a: {  	s4 =	simm.s32 $_size__tile_overlayer_lowered;
	s5 =	simm.s32 $_tile_overlayer_lowered  }
0x9b: {  	s6 =	simm.s32 $0x1BFF;
	s21 =	sshll.u32 s5, $0x1;
	s3 =	sadd.s32 s20, s19  }
0x9c: {  	s22 =	simm.s32 $0x0;
	s4 =	sshll.u32 s4, $0x1;
	s5 =	sadd.s32 s21, s3  }
0x9d: {  	[timem:s22], [sflag:s6] =	dma.local [hbm:s5], s4  }
0x9e: {  	_ =	swait.ge [sflag:s6], s4  }
0x9f: {  	s4 =	ssub.s32 $0x0, s4;
	[sflag:s6] =	ssyncset.done $0x0  }
0xa0: {  	[sflag:s6] =	ssyncadd.s32 s4;
	_ =	sdelay $0x1  }
0xa1: {  	s23 =	simm.s32 $0x1B8B  }
0xa2: {  	_ =	swait.ge [sflag:s23], $0x1  }
0xa3: {  	[sflag:s23] =	ssyncset.done $0x0  }
0xa4: {  	[sflag:s23] =	ssyncadd.s32 $0xFFFFFFFF  }
0xa5: {  	s4 =	sld [smem:$0x0]  }
0xa6: {  	s5 =	sand.u32 $0xFFFFFFFE, s1  }
0xa7: {  	p0 =	sne.s32 s1, s5  }
0xa8: {  	s5 =	sshll.u32 @p0 s5, $0xE  }
0xa9: {  	s5 =	sadd.s32 @p0 $0x11B8D, s5;
	s6 =	sshll.u32 @p0 s4, $0x11  }
0xaa: {  	s5 =	sor.u32 @p0 s6, s5  }
0xab: {  	[sflag:s5] =	ssyncadd.remote.s32 @p0 $0x1;
	_ =	sdelay $0x1  }
0xac: {  	s5 =	simm.s32 @p0 $0x1B8D  }
0xad: {  	_ =	swait.eq @p0 [sflag:s5], $0x1  }
0xae: {  	[sflag:s5] =	ssyncadd.s32 @p0 $0xFFFFFFFF  }
0xaf: {  	s6 =	sshll.u32 @!p0 s1, $0xE  }
0xb0: {  	s6 =	sor.u32 @!p0 $0x4000, s6;
	s5 =	simm.s32 @!p0 $0x1B8D  }
0xb1: {  	s4 =	sshll.u32 @!p0 s4, $0x11;
	s6 =	sadd.s32 @!p0 $0x11B8D, s6;
	_ =	swait.eq @!p0 [sflag:s5], $0x1  }
0xb2: {  	s4 =	sor.u32 @!p0 s4, s6;
	[sflag:s5] =	ssyncadd.s32 @!p0 $0xFFFFFFFF  }
0xb3: {  	s25 =	simm.s32 $0x1B8E;
	s24 =	sld [smem:$0x3FFE];
	[sflag:s4] =	ssyncadd.remote.s32 @!p0 $0x1  }
0xb4: {  	s26 =	simm.s32 $execute0_lowered;
	[smem:$0x3FD2] =	sst s25  }
0xb5: {  	s5 =	sshll.u32 s26, $0x1;
	_ =	strace $0x80000049;
	[dreg:$0x1] =	wrdreg $0xFFFFFFFF  }
0xb6: {  	s28 =	simm.s32 $_size_execute0_lowered;
	s3 =	sadd.s32 s3, s5;
	[dreg:$0x0] =	wrdreg $0x0  }
0xb7: {  	s5 =	sshll.u32 s28, $0x1;
	[dreg:$0x2] =	wrdreg s3  }
0xb8: {  	[dreg:$0x3] =	wrdreg s5  }
0xb9: {  	[dreg:$0x4] =	wrdreg $0xC0  }
0xba: {  	_ =	task [dreg:s22], $0x5FFFF  }
0xbb: {  	[dreg:$0x1] =	wrdreg $0xFFFFFFFF  }
0xbc: {  	[dreg:$0x0] =	wrdreg $0x60  }
0xbd: {  	[dreg:$0x2] =	wrdreg s24  }
0xbe: {  	[dreg:$0x3] =	wrdreg $0xA8000  }
0xbf: {  	[dreg:$0x4] =	wrdreg $0xA  }
0xc0: {  	_ =	task.clear_ibuf [dreg:s22], $0x5FFFF;
	_ =	strace $0x90000049  }
0xc1: {  	s29 =	simm.s32 $0xA;
	_ =	strace $0x8000004B  }
0xc2: {  	_ =	swait.ge [sflag:s29], $0x1  }
0xc3: {  	[sflag:s29] =	ssyncadd.s32 $0xFFFFFFFF  }
0xc4: {  	_ =	strace $0x9000004B  }
0xc5: {  	_ =	sfence  }
0xc6: {  	s30 =	sld [smem:$0x0];
	_ =	sdelay $0x2  }
0xc7: {  	s31 =	sshll.u32 s1, $0xD;
	s1 =	sshrl.u32 s1, $0x2  }
0xc8: {  	s4 =	sand.u32 $0x4000, s31;
	s1 =	sadd.s32 s1, s30  }
0xc9: {  	s0 =	sor.u32 s4, s0;
	s1 =	sshll.u32 s1, $0x11  }
0xca: {  	s0 =	sor.u32 s1, s0  }
0xcb: {  	s0 =	sadd.s32 $0x8F2B, s0  }
0xcc: {  	[sflag:s0] =	ssyncadd.remote.s32 $0x1  }
0xcd: {  	_ =	sfence.sel $0xFFFF  }
0xce: {  	[dreg:$0x0] =	wrdreg $0xFFFFFFFF;
	(pc) =	sbr.abs _section_cstart, $3  }
0xcf: {  	[dreg:$0x1] =	wrdreg $0xFFFFFFFF  }
0xd0: {  	_ =	task.clear_ibuf [dreg:s22], $0x2FFFF;
	_ =	strace $0x9FFFFFFF  }
0xd1: {  	(tm) =	ssettm $0x7FFFFFFF  }
tec
execute0_lowered:
.L_overlay_start_1:
0x0: {  	(tag) =	ssettag $0x1  }
0x1: {  	s5 =	rddreg [dreg:$0x0]  }
0x2: {  	s2 =	rddreg [dreg:$0x1]  }
0x3: {  	s0 =	rddreg [dreg:$0x2];
	s4 =	srdreg.scid  }
0x4: {  	s3 =	simm.s32 $0x0;
	s1 =	stileid.u32;
	s15 =	simm.s32 $0x80  }
0x5: {  	s16 =	simm.s32 $0x2800;
	s17 =	simm.s32 $0x6800;
	s18 =	simm.s32 $0x1  }
0x6: {  	s19 =	simm.s32 $0x2;
	s20 =	simm.s32 $0x1380;
	s21 =	simm.s32 $0x2700  }
0x7: {  	s22 =	simm.s32 $0x2780;
	s23 =	simm.s32 $0x0;
	s6 =	sand.u32 $0x1, s4  }
0x8: {  	s7 =	smul.u32 $0x2780, s1;
	s8 =	sshll.u32 s1, $0x1;
	[smem:$0x7FF] =	sst s3  }
0x9: {  	s11 =	sadd.s32 $0x36A00, s5;
	s12 =	smul.u32 $0x4F000, s1;
	s4 =	sshll.u32 s6, $0x5  }
0xa: {  	s9 =	smul.u32 $0x27800, s6;
	_ =	strace $0x8000004A;
	s6 =	ssub.s32 $0x2, s6  }
0xb: {  	s8 =	sor.u32 s8, s4;
	s4 =	sadd.s32 $0xF800, s5;
	s29 =	sshrl.u32 s6, $0x1  }
0xc: {  	s30 =	sshrl.u32 s12, $0x2;
	s10 =	smul.u32 $0x500, s8;
	s7 =	sadd.s32 s7, s9  }
0xd: {  	s8 =	smul.u32 $0x2800, s8;
	s14 =	ssub.s32 s6, s29;
	s6 =	sadd.s32 s30, s2  }
0xe: {  	s13 =	sadd.s32 s7, s5;
	s7 =	sadd.s32 $0x4000, s6;
	s9 =	sadd.s32 $0xC000, s6  }
0xf: {  	s5 =	sadd.s32 s11, s10;
	s31 =	sshrl.u32 s8, $0x3;
	s8 =	sadd.s32 $0x8000, s6  }
0x10: {  	s10 =	sadd.s32 $0x10000, s6;
	s12 =	sadd.s32 $0x4AA00, s13;
	s11 =	sadd.s32 s11, s31  }
0x11: {  	v0 =	vimm.f32 $0.0e+00;
	s13 =	smax.u32 s14, $0x1;
	s14 =	simm.s32 $0x3;
	s11 =	sadd.s32 $0x500, s11  }
.LBB2_1:
0x12: {  	[tilespmem:s3], [sflag:$0x3] =	stream.linear.gather [hbm4b:s5+s3], $0x2800, $0x38;
	[tilespmem:$0x1E400] =	vst v63  }
0x13: {  	_ =	swait.ge [sflag:s14], $0x2800  }
0x14: {  	[sflag:s14] =	ssyncset.done $0x0  }
0x15: {  	s24 =	simm.s32 $0x40;
	[sflag:s14] =	ssyncadd.s32 $0xFFFFD800  }
0x16: {  	v7 =	vld [tilespmem:s24+$0xFFFFFFC0]  }
0x17: {  	v14 =	vld [tilespmem:s24+$0xFFFFFFD0]  }
0x18: {  	v6 =	vld [tilespmem:s24+$0xFFFFFFE0]  }
0x19: {  	v5 =	vld [tilespmem:s24+$0xFFFFFFF0]  }
0x1a: {  	v4 =	vld [tilespmem:s24+$0x0]  }
0x1b: {  	v3 =	vld [tilespmem:s24+$0x10]  }
0x1c: {  	v2 =	vld [tilespmem:s24+$0x20]  }
0x1d: {  	v1 =	vld [tilespmem:s24+$0x30]  }
0x1e: {  	v13 =	vld [tilespmem:s24+$0x13C0]  }
0x1f: {  	v12 =	vld [tilespmem:s24+$0x13D0]  }
0x20: {  	v11 =	vld [tilespmem:s24+$0x13E0]  }
0x21: {  	v10 =	vld [tilespmem:s24+$0x13F0]  }
0x22: {  	v9 =	vld [tilespmem:s24+$0x1400]  }
0x23: {  	v8 =	vld [tilespmem:s24+$0x1410];
	vm0 =	veq.s32 v7, v13  }
0x24: {  	s25 =	simm.s32 $0x300;
	v7 =	vld [tilespmem:s24+$0x1420];
	v13 =	vsel vm0, $0x2710, v13;
	vm0 =	veq.s32 v14, v12  }
.LBB2_2:
0x25: {  	s26 =	sshra.s32 s25, $0x2;
	p0 =	sne.s32 s25, $0x4F00;
	[tilespmem:s24+$0x13C0] =	vst v13;
	v12 =	vsel vm0, $0x2710, v12;
	vm0 =	veq.s32 v6, v11;
	v13 =	vld [tilespmem:s24+$0x1430]  }
0x26: {  	v14 =	vld [tilespmem:s26+$0xFFFFFFC0];
	[tilespmem:s24+$0x13D0] =	vst v12;
	v6 =	vsel vm0, $0x2710, v11;
	vm0 =	veq.s32 v5, v10  }
0x27: {  	v15 =	vld [tilespmem:s26+$0xFFFFFFD0];
	[tilespmem:s24+$0x13E0] =	vst v6;
	v5 =	vsel vm0, $0x2710, v10;
	vm0 =	veq.s32 v4, v9  }
0x28: {  	v6 =	vld [tilespmem:s26+$0xFFFFFFE0];
	[tilespmem:s24+$0x13F0] =	vst v5;
	v4 =	vsel vm0, $0x2710, v9;
	vm0 =	veq.s32 v3, v8  }
0x29: {  	v5 =	vld [tilespmem:s26+$0xFFFFFFF0];
	[tilespmem:s24+$0x1400] =	vst v4;
	v3 =	vsel vm0, $0x2710, v8;
	vm0 =	veq.s32 v2, v7  }
0x2a: {  	v4 =	vld [tilespmem:s26+$0x0];
	[tilespmem:s24+$0x1410] =	vst v3;
	v2 =	vsel vm0, $0x2710, v7;
	vm0 =	veq.s32 v1, v13  }
0x2b: {  	v3 =	vld [tilespmem:s26+$0x10];
	[tilespmem:s24+$0x1420] =	vst v2;
	v1 =	vsel vm0, $0x2710, v13  }
0x2c: {  	v2 =	vld [tilespmem:s26+$0x20];
	[tilespmem:s24+$0x1430] =	vst v1;
	s24 =	smov.u32 s26  }
0x2d: {  	v1 =	vld [tilespmem:s24+$0x30]  }
0x2e: {  	v7 =	vld [tilespmem:s24+$0x13C0]  }
0x2f: {  	v12 =	vld [tilespmem:s24+$0x13D0]  }
.Ltmp0:
0x30: {  	v11 =	vld [tilespmem:s24+$0x13E0];
	(pc) =	sbr.rel @p0 .LBB2_2-.Ltmp0, $4  }
0x31: {  	v10 =	vld [tilespmem:s24+$0x13F0]  }
0x32: {  	v9 =	vld [tilespmem:s24+$0x1400]  }
0x33: {  	vm0 =	veq.s32 v14, v7;
	v8 =	vld [tilespmem:s24+$0x1410]  }
0x34: {  	s25 =	sadd.s32 $0x200, s25;
	v13 =	vsel vm0, $0x2710, v7;
	vm0 =	veq.s32 v15, v12;
	v7 =	vld [tilespmem:s24+$0x1420]  }
0x35: {  	[tilespmem:s24+$0x13C0] =	vst v13;
	v12 =	vsel vm0, $0x2710, v12;
	vm10 =	veq.s32 v6, v11;
	v63 =	vld [tilespmem:s24+$0x1430]  }
0x36: {  	[tilespmem:s24+$0x13D0] =	vst v12;
	v11 =	vsel vm10, $0x2710, v11;
	vm11 =	veq.s32 v5, v10  }
0x37: {  	[tilespmem:s24+$0x13E0] =	vst v11;
	v5 =	vsel vm11, $0x2710, v10;
	vm12 =	veq.s32 v4, v9  }
0x38: {  	[tilespmem:s24+$0x13F0] =	vst v5;
	v4 =	vsel vm12, $0x2710, v9;
	vm13 =	veq.s32 v3, v8  }
0x39: {  	[tilespmem:s24+$0x1400] =	vst v4;
	v3 =	vsel vm13, $0x2710, v8;
	vm14 =	veq.s32 v2, v7  }
0x3a: {  	[tilespmem:s24+$0x1410] =	vst v3;
	v2 =	vsel vm14, $0x2710, v7;
	vm15 =	veq.s32 v1, v63  }
0x3b: {  	[tilespmem:s24+$0x1420] =	vst v2;
	v1 =	vsel vm15, $0x2710, v63  }
0x3c: {  	s31 =	simm.s32 $0x0;
	s25 =	simm.s32 $0x200;
	[tilespmem:s24+$0x1430] =	vst v1;
	s24 =	simm.s32 $0x0  }
0x3d: {  	[tilespmem:s16], [sflag:$0x1] =	stream.indirect.gather [hbm4b:s4+s15], $0x80, s31, s15, $0xb8;
	[tilespmem:$0x1E400] =	vst v63  }
.LBB2_4:
0x3e: {  	p0 =	sne.s32 s25, $0xFE00;
	[tilespmem:s24+$0x6870] =	vst v0  }
0x3f: {  	[tilespmem:s24+$0x6800] =	vst v0  }
0x40: {  	[tilespmem:s24+$0x6810] =	vst v0  }
.Ltmp1:
0x41: {  	[tilespmem:s24+$0x6820] =	vst v0;
	(pc) =	sbr.rel @p0 .LBB2_4-.Ltmp1, $4  }
0x42: {  	[tilespmem:s24+$0x6830] =	vst v0  }
0x43: {  	[tilespmem:s24+$0x6840] =	vst v0  }
0x44: {  	[tilespmem:s24+$0x6850] =	vst v0  }
0x45: {  	[tilespmem:s24+$0x6860] =	vst v0;
	s24 =	sshra.s32 s25, $0x2;
	s25 =	sadd.s32 $0x200, s25  }
0x46: {  	[tilespmem:s24+$0x6870] =	vst v0  }
0x47: {  	[tilespmem:s24+$0x6800] =	vst v0  }
0x48: {  	[tilespmem:s24+$0x6810] =	vst v0  }
0x49: {  	[tilespmem:s24+$0x6820] =	vst v0  }
0x4a: {  	[tilespmem:s24+$0x6830] =	vst v0  }
0x4b: {  	[tilespmem:s24+$0x6840] =	vst v0  }
0x4c: {  	[tilespmem:s24+$0x6850] =	vst v0  }
0x4d: {  	[tilespmem:s24+$0x6860] =	vst v0  }
0x4e: {  	[spmem:s6] =	stream.linear.scatter [tilespmem:s17], [sflag:$0x3], $0x4000, $0x38;
	[tilespmem:$0x1E400] =	vst v63  }
0x4f: {  	_ =	swait.ge [sflag:s14], $0x4000  }
0x50: {  	[sflag:s14] =	ssyncset.done $0x0  }
0x51: {  	[sflag:s14] =	ssyncadd.s32 $0xFFFFC000  }
0x52: {  	[spmem:s7] =	stream.linear.scatter [tilespmem:s17], [sflag:$0x3], $0x4000, $0x38;
	[tilespmem:$0x1E400] =	vst v63  }
0x53: {  	_ =	swait.ge [sflag:s14], $0x4000  }
0x54: {  	[sflag:s14] =	ssyncset.done $0x0  }
0x55: {  	[sflag:s14] =	ssyncadd.s32 $0xFFFFC000  }
0x56: {  	[spmem:s8] =	stream.linear.scatter [tilespmem:s17], [sflag:$0x3], $0x4000, $0x38;
	[tilespmem:$0x1E400] =	vst v63  }
0x57: {  	_ =	swait.ge [sflag:s14], $0x4000  }
0x58: {  	[sflag:s14] =	ssyncset.done $0x0  }
0x59: {  	[sflag:s14] =	ssyncadd.s32 $0xFFFFC000  }
0x5a: {  	[spmem:s9] =	stream.linear.scatter [tilespmem:s17], [sflag:$0x3], $0x4000, $0x38;
	[tilespmem:$0x1E400] =	vst v63  }
0x5b: {  	_ =	swait.ge [sflag:s14], $0x4000  }
0x5c: {  	[sflag:s14] =	ssyncset.done $0x0  }
0x5d: {  	[sflag:s14] =	ssyncadd.s32 $0xFFFFC000  }
0x5e: {  	[spmem:s10] =	stream.linear.scatter [tilespmem:s17], [sflag:$0x3], $0x3C00, $0x38;
	[tilespmem:$0x1E400] =	vst v63  }
0x5f: {  	_ =	swait.ge [sflag:s14], $0x3C00  }
0x60: {  	[sflag:s14] =	ssyncset.done $0x0  }
0x61: {  	[sflag:s14] =	ssyncadd.s32 $0xFFFFC400  }
0x62: {  	s28 =	simm.s32 $0x80;
	[bflag:$0x0] =	sbarrier.arrive $0xFFFF  }
0x63: {  	[tilespmem:s17], [sflag:$0x2] =	stream.indirect.gather [hbm4b:s4+s15], $0x80, s28, s15, $0xb8;
	[tilespmem:$0x1E400] =	vst v63  }
0x64: {  	_ =	swait.ge [sflag:s18], $0x4000  }
0x65: {  	[sflag:s18] =	ssyncset.done $0x0  }
0x66: {  	s29 =	simm.s32 $0x1400;
	[sflag:s18] =	ssyncadd.s32 $0xFFFFC000  }
0x67: {  	[spmem:s2] =	stream.indirect.scatter.add.f32 [tilespmem:s16], [sflag:$0x3], $0x80, s29, s15, $0xb8;
	[tilespmem:$0x1E400] =	vst v63  }
0x68: {  	_ =	swait.ge [sflag:s14], $0x4000  }
0x69: {  	[sflag:s14] =	ssyncset.done $0x0  }
0x6a: {  	s30 =	simm.s32 $0x100;
	[sflag:s14] =	ssyncadd.s32 $0xFFFFC000  }
0x6b: {  	[tilespmem:s16], [sflag:$0x1] =	stream.indirect.gather [hbm4b:s4+s15], $0x80, s30, s15, $0xb8;
	[tilespmem:$0x1E400] =	vst v63  }
0x6c: {  	_ =	swait.ge [sflag:s19], $0x4000  }
0x6d: {  	[sflag:s19] =	ssyncset.done $0x0  }
0x6e: {  	s31 =	simm.s32 $0x1480;
	[sflag:s19] =	ssyncadd.s32 $0xFFFFC000  }
0x6f: {  	[spmem:s2] =	stream.indirect.scatter.add.f32 [tilespmem:s17], [sflag:$0x3], $0x80, s31, s15, $0xb8;
	[tilespmem:$0x1E400] =	vst v63  }
0x70: {  	_ =	swait.ge [sflag:s14], $0x4000  }
0x71: {  	s25 =	simm.s32 $0xC00;
	s24 =	simm.s32 $0x200;
	[sflag:s14] =	ssyncset.done $0x0  }
.LBB2_6:
0x72: {  	s26 =	sadd.s32 $0xFFFFFF80, s24  }
0x73: {  	[sflag:s14] =	ssyncadd.s32 $0xFFFFC000;
	s28 =	smov.u32 s25;
	s29 =	sadd.s32 $0x400, s25  }
0x74: {  	[tilespmem:s17], [sflag:$0x2] =	stream.indirect.gather [hbm4b:s4+s15], $0x80, s26, s15, $0xb8;
	[tilespmem:$0x1E400] =	vst v63  }
0x75: {  	p0 =	sne.s32 s25, $0x4C00;
	_ =	swait.ge [sflag:s18], $0x4000  }
0x76: {  	[sflag:s18] =	ssyncset.done $0x0  }
0x77: {  	s25 =	sadd.s32 $0x1300, s24;
	[sflag:s18] =	ssyncadd.s32 $0xFFFFC000  }
0x78: {  	[spmem:s2] =	stream.indirect.scatter.add.f32 [tilespmem:s16], [sflag:$0x3], $0x80, s25, s15, $0xb8;
	[tilespmem:$0x1E400] =	vst v63  }
0x79: {  	_ =	swait.ge [sflag:s14], $0x4000  }
0x7a: {  	[sflag:s14] =	ssyncset.done $0x0  }
0x7b: {  	[sflag:s14] =	ssyncadd.s32 $0xFFFFC000  }
0x7c: {  	[tilespmem:s16], [sflag:$0x1] =	stream.indirect.gather [hbm4b:s4+s15], $0x80, s24, s15, $0xb8;
	[tilespmem:$0x1E400] =	vst v63  }
0x7d: {  	_ =	swait.ge [sflag:s19], $0x4000  }
.Ltmp2:
0x7e: {  	[sflag:s19] =	ssyncset.done $0x0;
	(pc) =	sbr.rel @p0 .LBB2_6-.Ltmp2, $4  }
0x7f: {  	s24 =	sadd.s32 $0x1380, s24;
	[sflag:s19] =	ssyncadd.s32 $0xFFFFC000  }
0x80: {  	[spmem:s2] =	stream.indirect.scatter.add.f32 [tilespmem:s17], [sflag:$0x3], $0x80, s24, s15, $0xb8;
	[tilespmem:$0x1E400] =	vst v63  }
0x81: {  	_ =	swait.ge [sflag:s14], $0x4000  }
0x82: {  	s25 =	smov.u32 s29;
	s24 =	sshra.s32 s28, $0x2;
	[sflag:s14] =	ssyncset.done $0x0  }
0x83: {  	s25 =	sadd.s32 $0xFFFFFF80, s24;
	[sflag:s14] =	ssyncadd.s32 $0xFFFFC000  }
0x84: {  	[tilespmem:s17], [sflag:$0x2] =	stream.indirect.gather [hbm4b:s4+s15], $0x80, s25, s15, $0xb8;
	[tilespmem:$0x1E400] =	vst v63  }
0x85: {  	_ =	swait.ge [sflag:s18], $0x4000  }
0x86: {  	[sflag:s18] =	ssyncset.done $0x0  }
0x87: {  	s30 =	sadd.s32 $0x1300, s24;
	[sflag:s18] =	ssyncadd.s32 $0xFFFFC000  }
0x88: {  	[spmem:s2] =	stream.indirect.scatter.add.f32 [tilespmem:s16], [sflag:$0x3], $0x80, s30, s15, $0xb8;
	[tilespmem:$0x1E400] =	vst v63  }
0x89: {  	_ =	swait.ge [sflag:s14], $0x4000  }
0x8a: {  	[sflag:s14] =	ssyncset.done $0x0  }
0x8b: {  	[sflag:s14] =	ssyncadd.s32 $0xFFFFC000  }
0x8c: {  	[tilespmem:s16], [sflag:$0x1] =	stream.indirect.gather [hbm4b:s4+s15], $0x80, s24, s15, $0xb8;
	[tilespmem:$0x1E400] =	vst v63  }
0x8d: {  	_ =	swait.ge [sflag:s19], $0x4000  }
0x8e: {  	[sflag:s19] =	ssyncset.done $0x0  }
0x8f: {  	s31 =	sadd.s32 $0x1380, s24;
	[sflag:s19] =	ssyncadd.s32 $0xFFFFC000  }
0x90: {  	[spmem:s2] =	stream.indirect.scatter.add.f32 [tilespmem:s17], [sflag:$0x3], $0x80, s31, s15, $0xb8;
	[tilespmem:$0x1E400] =	vst v63  }
0x91: {  	_ =	swait.ge [sflag:s14], $0x4000  }
0x92: {  	[sflag:s14] =	ssyncset.done $0x0  }
0x93: {  	[sflag:s14] =	ssyncadd.s32 $0xFFFFC000  }
0x94: {  	[tilespmem:s17], [sflag:$0x2] =	stream.indirect.gather [hbm4b:s4+s15], $0x80, s20, s15, $0xb8;
	[tilespmem:$0x1E400] =	vst v63  }
0x95: {  	_ =	swait.ge [sflag:s18], $0x4000  }
0x96: {  	[sflag:s18] =	ssyncset.done $0x0  }
0x97: {  	[sflag:s18] =	ssyncadd.s32 $0xFFFFC000  }
0x98: {  	[spmem:s2] =	stream.indirect.scatter.add.f32 [tilespmem:s16], [sflag:$0x3], $0x80, s21, s15, $0xb8;
	[tilespmem:$0x1E400] =	vst v63  }
0x99: {  	_ =	swait.ge [sflag:s14], $0x4000  }
0x9a: {  	[sflag:s14] =	ssyncset.done $0x0  }
0x9b: {  	[sflag:s14] =	ssyncadd.s32 $0xFFFFC000  }
0x9c: {  	_ =	swait.ge [sflag:s19], $0x4000  }
0x9d: {  	[sflag:s19] =	ssyncset.done $0x0  }
0x9e: {  	[sflag:s19] =	ssyncadd.s32 $0xFFFFC000  }
0x9f: {  	[spmem:s2] =	stream.indirect.scatter.add.f32 [tilespmem:s17], [sflag:$0x3], $0x80, s22, s15, $0xb8;
	[tilespmem:$0x1E400] =	vst v63  }
0xa0: {  	_ =	swait.ge [sflag:s14], $0x4000  }
0xa1: {  	[sflag:s14] =	ssyncset.done $0x0  }
0xa2: {  	[sflag:s14] =	ssyncadd.s32 $0xFFFFC000  }
0xa3: {  	[tilespmem:s3], [sflag:$0x3] =	stream.linear.gather [hbm4b:s11+s3], $0x2800, $0x38;
	[tilespmem:$0x1E400] =	vst v63  }
0xa4: {  	_ =	swait.ge [sflag:s14], $0x2800  }
0xa5: {  	[sflag:s14] =	ssyncset.done $0x0  }
0xa6: {  	s24 =	simm.s32 $0x40;
	[sflag:s14] =	ssyncadd.s32 $0xFFFFD800  }
0xa7: {  	v7 =	vld [tilespmem:s24+$0xFFFFFFC0]  }
0xa8: {  	v14 =	vld [tilespmem:s24+$0xFFFFFFD0]  }
0xa9: {  	v6 =	vld [tilespmem:s24+$0xFFFFFFE0]  }
0xaa: {  	v5 =	vld [tilespmem:s24+$0xFFFFFFF0]  }
0xab: {  	v4 =	vld [tilespmem:s24+$0x0]  }
0xac: {  	v3 =	vld [tilespmem:s24+$0x10]  }
0xad: {  	v2 =	vld [tilespmem:s24+$0x20]  }
0xae: {  	v1 =	vld [tilespmem:s24+$0x30]  }
0xaf: {  	v13 =	vld [tilespmem:s24+$0x13C0]  }
0xb0: {  	v12 =	vld [tilespmem:s24+$0x13D0]  }
0xb1: {  	v11 =	vld [tilespmem:s24+$0x13E0]  }
0xb2: {  	v10 =	vld [tilespmem:s24+$0x13F0]  }
0xb3: {  	v9 =	vld [tilespmem:s24+$0x1400]  }
0xb4: {  	v8 =	vld [tilespmem:s24+$0x1410];
	vm0 =	veq.s32 v7, v13  }
0xb5: {  	s25 =	simm.s32 $0x300;
	v7 =	vld [tilespmem:s24+$0x1420];
	v13 =	vsel vm0, $0x2710, v13;
	vm0 =	veq.s32 v14, v12  }
.LBB2_8:
0xb6: {  	s26 =	sshra.s32 s25, $0x2;
	p0 =	sne.s32 s25, $0x4F00;
	[tilespmem:s24+$0x13C0] =	vst v13;
	v12 =	vsel vm0, $0x2710, v12;
	vm0 =	veq.s32 v6, v11;
	v13 =	vld [tilespmem:s24+$0x1430]  }
0xb7: {  	v14 =	vld [tilespmem:s26+$0xFFFFFFC0];
	[tilespmem:s24+$0x13D0] =	vst v12;
	v6 =	vsel vm0, $0x2710, v11;
	vm0 =	veq.s32 v5, v10  }
0xb8: {  	v15 =	vld [tilespmem:s26+$0xFFFFFFD0];
	[tilespmem:s24+$0x13E0] =	vst v6;
	v5 =	vsel vm0, $0x2710, v10;
	vm0 =	veq.s32 v4, v9  }
0xb9: {  	v6 =	vld [tilespmem:s26+$0xFFFFFFE0];
	[tilespmem:s24+$0x13F0] =	vst v5;
	v4 =	vsel vm0, $0x2710, v9;
	vm0 =	veq.s32 v3, v8  }
0xba: {  	v5 =	vld [tilespmem:s26+$0xFFFFFFF0];
	[tilespmem:s24+$0x1400] =	vst v4;
	v3 =	vsel vm0, $0x2710, v8;
	vm0 =	veq.s32 v2, v7  }
0xbb: {  	v4 =	vld [tilespmem:s26+$0x0];
	[tilespmem:s24+$0x1410] =	vst v3;
	v2 =	vsel vm0, $0x2710, v7;
	vm0 =	veq.s32 v1, v13  }
0xbc: {  	v3 =	vld [tilespmem:s26+$0x10];
	[tilespmem:s24+$0x1420] =	vst v2;
	v1 =	vsel vm0, $0x2710, v13  }
0xbd: {  	v2 =	vld [tilespmem:s26+$0x20];
	[tilespmem:s24+$0x1430] =	vst v1;
	s24 =	smov.u32 s26  }
0xbe: {  	v1 =	vld [tilespmem:s24+$0x30]  }
0xbf: {  	v7 =	vld [tilespmem:s24+$0x13C0]  }
0xc0: {  	v12 =	vld [tilespmem:s24+$0x13D0]  }
.Ltmp3:
0xc1: {  	v11 =	vld [tilespmem:s24+$0x13E0];
	(pc) =	sbr.rel @p0 .LBB2_8-.Ltmp3, $4  }
0xc2: {  	v10 =	vld [tilespmem:s24+$0x13F0]  }
0xc3: {  	v9 =	vld [tilespmem:s24+$0x1400]  }
0xc4: {  	vm0 =	veq.s32 v14, v7;
	v8 =	vld [tilespmem:s24+$0x1410]  }
0xc5: {  	s25 =	sadd.s32 $0x200, s25;
	v13 =	vsel vm0, $0x2710, v7;
	vm0 =	veq.s32 v15, v12;
	v7 =	vld [tilespmem:s24+$0x1420]  }
0xc6: {  	[tilespmem:s24+$0x13C0] =	vst v13;
	v12 =	vsel vm0, $0x2710, v12;
	vm10 =	veq.s32 v6, v11;
	v63 =	vld [tilespmem:s24+$0x1430]  }
0xc7: {  	[tilespmem:s24+$0x13D0] =	vst v12;
	v11 =	vsel vm10, $0x2710, v11;
	vm11 =	veq.s32 v5, v10  }
0xc8: {  	[tilespmem:s24+$0x13E0] =	vst v11;
	v5 =	vsel vm11, $0x2710, v10;
	vm12 =	veq.s32 v4, v9  }
0xc9: {  	[tilespmem:s24+$0x13F0] =	vst v5;
	v4 =	vsel vm12, $0x2710, v9;
	vm13 =	veq.s32 v3, v8  }
0xca: {  	[tilespmem:s24+$0x1400] =	vst v4;
	v3 =	vsel vm13, $0x2710, v8;
	vm14 =	veq.s32 v2, v7  }
0xcb: {  	[tilespmem:s24+$0x1410] =	vst v3;
	v2 =	vsel vm14, $0x2710, v7;
	vm15 =	veq.s32 v1, v63  }
0xcc: {  	[tilespmem:s24+$0x1420] =	vst v2;
	v1 =	vsel vm15, $0x2710, v63  }
0xcd: {  	[tilespmem:s24+$0x1430] =	vst v1  }
0xce: {  	[tilespmem:s16], [sflag:$0x1] =	stream.indirect.gather [hbm4b:s4+s15], $0x80, s3, s15, $0xb8;
	[tilespmem:$0x1E400] =	vst v63  }
0xcf: {  	s28 =	simm.s32 $0x80  }
0xd0: {  	[tilespmem:s17], [sflag:$0x2] =	stream.indirect.gather [hbm4b:s4+s15], $0x80, s28, s15, $0xb8;
	[tilespmem:$0x1E400] =	vst v63  }
0xd1: {  	_ =	swait.ge [sflag:s18], $0x4000  }
0xd2: {  	[sflag:s18] =	ssyncset.done $0x0  }
0xd3: {  	s29 =	simm.s32 $0x1400;
	[sflag:s18] =	ssyncadd.s32 $0xFFFFC000  }
0xd4: {  	[spmem:s2] =	stream.indirect.scatter.add.f32 [tilespmem:s16], [sflag:$0x3], $0x80, s29, s15, $0xb8;
	[tilespmem:$0x1E400] =	vst v63  }
0xd5: {  	_ =	swait.ge [sflag:s14], $0x4000  }
0xd6: {  	[sflag:s14] =	ssyncset.done $0x0  }
0xd7: {  	s30 =	simm.s32 $0x100;
	[sflag:s14] =	ssyncadd.s32 $0xFFFFC000  }
0xd8: {  	[tilespmem:s16], [sflag:$0x1] =	stream.indirect.gather [hbm4b:s4+s15], $0x80, s30, s15, $0xb8;
	[tilespmem:$0x1E400] =	vst v63  }
0xd9: {  	_ =	swait.ge [sflag:s19], $0x4000  }
0xda: {  	[sflag:s19] =	ssyncset.done $0x0  }
0xdb: {  	s31 =	simm.s32 $0x1480;
	[sflag:s19] =	ssyncadd.s32 $0xFFFFC000  }
0xdc: {  	[spmem:s2] =	stream.indirect.scatter.add.f32 [tilespmem:s17], [sflag:$0x3], $0x80, s31, s15, $0xb8;
	[tilespmem:$0x1E400] =	vst v63  }
0xdd: {  	_ =	swait.ge [sflag:s14], $0x4000  }
0xde: {  	s25 =	simm.s32 $0xC00;
	s24 =	simm.s32 $0x200;
	[sflag:s14] =	ssyncset.done $0x0  }
.LBB2_10:
0xdf: {  	s26 =	sadd.s32 $0xFFFFFF80, s24  }
0xe0: {  	[sflag:s14] =	ssyncadd.s32 $0xFFFFC000;
	s28 =	smov.u32 s25;
	s29 =	sadd.s32 $0x400, s25  }
0xe1: {  	[tilespmem:s17], [sflag:$0x2] =	stream.indirect.gather [hbm4b:s4+s15], $0x80, s26, s15, $0xb8;
	[tilespmem:$0x1E400] =	vst v63  }
0xe2: {  	p0 =	sne.s32 s25, $0x4C00;
	_ =	swait.ge [sflag:s18], $0x4000  }
0xe3: {  	[sflag:s18] =	ssyncset.done $0x0  }
0xe4: {  	s25 =	sadd.s32 $0x1300, s24;
	[sflag:s18] =	ssyncadd.s32 $0xFFFFC000  }
0xe5: {  	[spmem:s2] =	stream.indirect.scatter.add.f32 [tilespmem:s16], [sflag:$0x3], $0x80, s25, s15, $0xb8;
	[tilespmem:$0x1E400] =	vst v63  }
0xe6: {  	_ =	swait.ge [sflag:s14], $0x4000  }
0xe7: {  	[sflag:s14] =	ssyncset.done $0x0  }
0xe8: {  	[sflag:s14] =	ssyncadd.s32 $0xFFFFC000  }
0xe9: {  	[tilespmem:s16], [sflag:$0x1] =	stream.indirect.gather [hbm4b:s4+s15], $0x80, s24, s15, $0xb8;
	[tilespmem:$0x1E400] =	vst v63  }
0xea: {  	_ =	swait.ge [sflag:s19], $0x4000  }
.Ltmp4:
0xeb: {  	[sflag:s19] =	ssyncset.done $0x0;
	(pc) =	sbr.rel @p0 .LBB2_10-.Ltmp4, $4  }
0xec: {  	s24 =	sadd.s32 $0x1380, s24;
	[sflag:s19] =	ssyncadd.s32 $0xFFFFC000  }
0xed: {  	[spmem:s2] =	stream.indirect.scatter.add.f32 [tilespmem:s17], [sflag:$0x3], $0x80, s24, s15, $0xb8;
	[tilespmem:$0x1E400] =	vst v63  }
0xee: {  	_ =	swait.ge [sflag:s14], $0x4000  }
0xef: {  	s25 =	smov.u32 s29;
	s24 =	sshra.s32 s28, $0x2;
	[sflag:s14] =	ssyncset.done $0x0  }
0xf0: {  	s25 =	sadd.s32 $0xFFFFFF80, s24;
	[sflag:s14] =	ssyncadd.s32 $0xFFFFC000  }
0xf1: {  	[tilespmem:s17], [sflag:$0x2] =	stream.indirect.gather [hbm4b:s4+s15], $0x80, s25, s15, $0xb8;
	[tilespmem:$0x1E400] =	vst v63  }
0xf2: {  	_ =	swait.ge [sflag:s18], $0x4000  }
0xf3: {  	[sflag:s18] =	ssyncset.done $0x0  }
0xf4: {  	s28 =	sadd.s32 $0x1300, s24;
	[sflag:s18] =	ssyncadd.s32 $0xFFFFC000  }
0xf5: {  	[spmem:s2] =	stream.indirect.scatter.add.f32 [tilespmem:s16], [sflag:$0x3], $0x80, s28, s15, $0xb8;
	[tilespmem:$0x1E400] =	vst v63  }
0xf6: {  	_ =	swait.ge [sflag:s14], $0x4000  }
0xf7: {  	[sflag:s14] =	ssyncset.done $0x0  }
0xf8: {  	[sflag:s14] =	ssyncadd.s32 $0xFFFFC000  }
0xf9: {  	[tilespmem:s16], [sflag:$0x1] =	stream.indirect.gather [hbm4b:s4+s15], $0x80, s24, s15, $0xb8;
	[tilespmem:$0x1E400] =	vst v63  }
0xfa: {  	_ =	swait.ge [sflag:s19], $0x4000  }
0xfb: {  	[sflag:s19] =	ssyncset.done $0x0  }
0xfc: {  	s29 =	sadd.s32 $0x1380, s24;
	[sflag:s19] =	ssyncadd.s32 $0xFFFFC000  }
0xfd: {  	[spmem:s2] =	stream.indirect.scatter.add.f32 [tilespmem:s17], [sflag:$0x3], $0x80, s29, s15, $0xb8;
	[tilespmem:$0x1E400] =	vst v63  }
0xfe: {  	_ =	swait.ge [sflag:s14], $0x4000  }
0xff: {  	[sflag:s14] =	ssyncset.done $0x0  }
0x100: {  	[sflag:s14] =	ssyncadd.s32 $0xFFFFC000  }
0x101: {  	[tilespmem:s17], [sflag:$0x2] =	stream.indirect.gather [hbm4b:s4+s15], $0x80, s20, s15, $0xb8;
	[tilespmem:$0x1E400] =	vst v63  }
0x102: {  	_ =	swait.ge [sflag:s18], $0x4000  }
0x103: {  	[sflag:s18] =	ssyncset.done $0x0  }
0x104: {  	[sflag:s18] =	ssyncadd.s32 $0xFFFFC000  }
0x105: {  	[spmem:s2] =	stream.indirect.scatter.add.f32 [tilespmem:s16], [sflag:$0x3], $0x80, s21, s15, $0xb8;
	[tilespmem:$0x1E400] =	vst v63  }
0x106: {  	_ =	swait.ge [sflag:s14], $0x4000  }
0x107: {  	[sflag:s14] =	ssyncset.done $0x0  }
0x108: {  	[sflag:s14] =	ssyncadd.s32 $0xFFFFC000  }
0x109: {  	_ =	swait.ge [sflag:s19], $0x4000  }
0x10a: {  	[sflag:s19] =	ssyncset.done $0x0  }
0x10b: {  	[sflag:s19] =	ssyncadd.s32 $0xFFFFC000  }
0x10c: {  	[spmem:s2] =	stream.indirect.scatter.add.f32 [tilespmem:s17], [sflag:$0x3], $0x80, s22, s15, $0xb8;
	[tilespmem:$0x1E400] =	vst v63  }
0x10d: {  	_ =	swait.ge [sflag:s14], $0x4000  }
0x10e: {  	s30 =	sshll.u32 s1, $0x6;
	s23 =	sadd.s32 $0x1, s23;
	[sflag:s14] =	ssyncset.done $0x0  }
0x10f: {  	s31 =	sshrl.u32 s6, $0x3;
	p0 =	sne.s32 s23, s13;
	[sflag:s14] =	ssyncadd.s32 $0xFFFFC000  }
.Ltmp5:
0x110: {  	s24 =	sor.u32 $0x1C03, s30;
	[bflag:$0x0] =	sbarrier.arrive $0xFFFF;
	(pc) =	sbr.rel @p0 .LBB2_1-.Ltmp5, $4  }
0x111: {  	[hbm:s12], [sflag:s24] =	dma.local [spmem:s31], $0x2780  }
0x112: {  	_ =	swait.ge [sflag:s14], $0x2780  }
0x113: {  	[sflag:s14] =	ssyncset.done $0x0  }
0x114: {  	[sflag:s14] =	ssyncadd.s32 $0xFFFFD880  }
0x115: {  	_ =	sfence.sel $0x180000  }
0x116: {  	[bflag:$0x0] =	sbarrier.arrive $0xFFFF  }
0x117: {  	p0 =	sne.s32 s1, $0x0;
	_ =	strace $0x9000004A  }
0x118: {  	s0 =	sadd.s32 @!p0 $0x100000, s0;
	[bflag:$0x2] =	sbarrier.arrive $0xFFFF  }
0x119: {  	[sflag:s0] =	ssyncadd.tile.s32 @!p0 $0x1;
	_ =	shalt  }
.Lfunc_end2:
_tile_overlayer_lowered:
.L_overlay_start_2:
0x11a: {  	(tag) =	ssettag $0x2  }
0x11b: {  	s0 =	rddreg [dreg:$0x0];
	s2 =	stileid.u32  }
0x11c: {  	s1 =	rddreg [dreg:$0x1];
	p0 =	sne.s32 s2, $0x0  }
0x11d: {  	s3 =	rddreg [dreg:$0x2];
	[bflag:$0x3] =	sbarrier.arrive $0xFFFF;
	s2 =	simm.s32 @!p0 $0x1C03  }
0x11e: {  	[timem:s3], [sflag:s2] =	dma.local @!p0 [hbm:s0], s1  }
0x11f: {  	s0 =	simm.s32 @!p0 $0x3  }
0x120: {  	_ =	swait.ge @!p0 [sflag:s0], s1  }
0x121: {  	s1 =	ssub.s32 @!p0 $0x0, s1;
	[sflag:s0] =	ssyncset.done @!p0 $0x0  }
0x122: {  	[sflag:s0] =	ssyncadd.s32 @!p0 s1  }
0x123: {  	[bflag:$0x3] =	sbarrier.arrive $0xFFFF  }
0x124: {  	_ =	shalt  }

// kernel: kernel.16.cloned.1.call-start
scs
__scs_entry_jumppad:
0x0: {  	(pc) =	sbr.rel $0x88, $3  }
0x1: {  	(tag) =	ssettag $0x0;
	lr =	simm.s32 $0x1  }
0x2: {  	[smem:$0x3F92] =	sst lr;
	_ =	strace $0xD0000000  }
0x3: {  	_ = 	snop  }
0x4: {  	_ = 	snop  }
0x5: {  	_ = 	snop  }
0x6: {  	_ = 	snop  }
0x7: {  	_ = 	snop  }
__scs_overlays_trampoline_lowered:
0x8: {  	[smem:$0x3FA1] =	sst s0  }
0x9: {  	[smem:$0x3FA2] =	sst s1  }
0xa: {  	[smem:$0x3FA3] =	sst s2  }
0xb: {  	[smem:$0x3FA4] =	sst s3  }
0xc: {  	[smem:$0x3FA5] =	sst s4  }
0xd: {  	[smem:$0x3FA6] =	sst s5  }
0xe: {  	[smem:$0x3FA7] =	sst s6  }
0xf: {  	[smem:$0x3FA8] =	sst s7  }
0x10: {  	[smem:$0x3FA9] =	sst s8  }
0x11: {  	[smem:$0x3FAA] =	sst s9;
	s0 =	simm.s32 @!p0 $0x0  }
0x12: {  	s1 =	sld [smem:$0x3F90];
	s0 =	simm.s32 @p0 $0x1  }
0x13: {  	[smem:$0x3FAB] =	sst s0;
	s0 =	simm.s32 @!p1 $0x0  }
0x14: {  	s2 =	sld [smem:$0x3F8F];
	s0 =	simm.s32 @p1 $0x1  }
0x15: {  	[smem:$0x3FAC] =	sst s0;
	s0 =	simm.s32 @!p2 $0x0  }
0x16: {  	s3 =	sld [smem:$0x3FDB];
	s0 =	simm.s32 @p2 $0x1  }
0x17: {  	s4 =	simm.s32 $0x1BF5;
	[smem:$0x3FAE] =	sst s0  }
0x18: {  	s0 =	sld [smem:$0x3F91];
	_ =	swait.ge [sflag:s4], $0x0  }
0x19: {  	s7 =	sld [smem:$0x3F92]  }
0x1a: {  	s8 =	sadd.s32 $0xFFFFE003, lr  }
0x1b: {  	s9 =	sadd.s32 $0xFFFFFEF7, lr;
	s5 =	simm.s32 $0xFFFFFFFF;
	p2 =	slt.u32 s8, $0xFFFFF086  }
0x1c: {  	p1 =	slt.u32 s9, $0xF7A;
	s5 =	simm.s32 @!p2 $0x0  }
0x1d: {  	s5 =	simm.s32 @p1 $0x1;
	p0 =	seq.s32 s7, s2  }
0x1e: {  	s7 =	smul.u32 @!p0 $0xF7A, s2;
	p2 =	seq.s32 @!p0 s5, $0x0  }
0x1f: {  	s9 =	smul.u32 $0xF7A, s1;
	s8 =	simm.s32 @!p0 $0x1BF5;
	p2 =	por !p2, p0  }
0x20: {  	[sflag:s8] =	ssyncset.s32 @!p0 $0xFFFFF086;
	s6 =	sadd.s32 @!p0 s3, s7;
	s7 =	simm.s32 @!p0 $0x108  }
0x21: {  	s3 =	sadd.s32 s3, s9;
	s6 =	sadd.s32 @!p0 $0x88, s6;
	s7 =	simm.s32 @p2 $0x1082  }
0x22: {  	[simem:s7], [sflag:s8] =	dma.local @!p0 [hbm:s6], $0xF7A  }
0x23: {  	s9 =	sor.u32 $0xD0000000, s2;
	s6 =	simm.s32 $0x108;
	_ =	swait.ge @!p0 [sflag:s8], $0x0  }
0x24: {  	s3 =	sadd.s32 $0x88, s3;
	s6 =	simm.s32 @!p1 $0x1082;
	[sflag:s4] =	ssyncset.s32 $0xFFFFF086  }
0x25: {  	[simem:s6], [sflag:s4] =	dma.local [hbm:s3], $0xF7A  }
0x26: {  	[smem:$0x3F92] =	sst s1;
	(tag) =	ssettag s2;
	_ =	strace s9  }
0x27: {  	s1 =	sld [smem:$0x3FA2]  }
0x28: {  	s2 =	sld [smem:$0x3FA3]  }
0x29: {  	s4 =	sld [smem:$0x3FA5]  }
0x2a: {  	p0 =	seq.s32 s5, $0x0;
	s5 =	sld [smem:$0x3FA6]  }
0x2b: {  	s6 =	sld [smem:$0x3FA7]  }
0x2c: {  	s7 =	sld [smem:$0x3FA8]  }
0x2d: {  	s3 =	simm.s32 $0x108;
	s8 =	sld [smem:$0x3FA9]  }
0x2e: {  	s3 =	simm.s32 @!p0 $0x1082;
	s9 =	sld [smem:$0x3FAA]  }
0x2f: {  	lr =	sadd.s32 s0, s3;
	s0 =	sld [smem:$0x3FA1]  }
0x30: {  	s3 =	sld [smem:$0x3FA4]  }
0x31: {  	[smem:$0x3FAD] =	sst s10  }
0x32: {  	s10 =	sld [smem:$0x3FAB];
	_ =	sdelay $0x3  }
0x33: {  	p0 =	seq.s32 s10, $0x1;
	s10 =	sld [smem:$0x3FAD];
	_ =	sdelay $0x3  }
0x34: {  	[smem:$0x3FAD] =	sst s10  }
0x35: {  	s10 =	sld [smem:$0x3FAC];
	_ =	sdelay $0x3  }
0x36: {  	p1 =	seq.s32 s10, $0x1;
	s10 =	sld [smem:$0x3FAD];
	_ =	sdelay $0x3  }
0x37: {  	[smem:$0x3FAD] =	sst s10  }
0x38: {  	s10 =	sld [smem:$0x3FAE]  }
0x39: {  	_ = 	snop;
	(pc) =	sbr.ind lr, $3  }
0x3a: {  	_ = 	snop  }
0x3b: {  	_ = 	snop  }
0x3c: {  	p2 =	seq.s32 s10, $0x1;
	s10 =	sld [smem:$0x3FAD]  }
0x3d: {  	_ =	shalt  }
0x3e: {  	_ =	shalt  }
0x3f: {  	_ =	shalt  }
0x40: {  	_ =	shalt  }
0x41: {  	_ =	shalt  }
0x42: {  	_ =	shalt  }
0x43: {  	_ =	shalt  }
0x44: {  	_ =	shalt  }
0x45: {  	_ =	shalt  }
0x46: {  	_ =	shalt  }
0x47: {  	_ =	shalt  }
0x48: {  	_ =	shalt  }
0x49: {  	_ =	shalt  }
0x4a: {  	_ =	shalt  }
0x4b: {  	_ =	shalt  }
0x4c: {  	_ =	shalt  }
0x4d: {  	_ =	shalt  }
0x4e: {  	_ =	shalt  }
0x4f: {  	_ =	shalt  }
0x50: {  	_ =	shalt  }
0x51: {  	_ =	shalt  }
0x52: {  	_ =	shalt  }
0x53: {  	_ =	shalt  }
0x54: {  	_ =	shalt  }
0x55: {  	_ =	shalt  }
0x56: {  	_ =	shalt  }
0x57: {  	_ =	shalt  }
0x58: {  	_ =	shalt  }
0x59: {  	_ =	shalt  }
0x5a: {  	_ =	shalt  }
0x5b: {  	_ =	shalt  }
0x5c: {  	_ =	shalt  }
0x5d: {  	_ =	shalt  }
0x5e: {  	_ =	shalt  }
0x5f: {  	_ =	shalt  }
0x60: {  	_ =	shalt  }
0x61: {  	_ =	shalt  }
0x62: {  	_ =	shalt  }
0x63: {  	_ =	shalt  }
0x64: {  	_ =	shalt  }
0x65: {  	_ =	shalt  }
0x66: {  	_ =	shalt  }
0x67: {  	_ =	shalt  }
0x68: {  	_ =	shalt  }
0x69: {  	_ =	shalt  }
0x6a: {  	_ =	shalt  }
0x6b: {  	_ =	shalt  }
0x6c: {  	_ =	shalt  }
0x6d: {  	_ =	shalt  }
0x6e: {  	_ =	shalt  }
0x6f: {  	_ =	shalt  }
0x70: {  	_ =	shalt  }
0x71: {  	_ =	shalt  }
0x72: {  	_ =	shalt  }
0x73: {  	_ =	shalt  }
0x74: {  	_ =	shalt  }
0x75: {  	_ =	shalt  }
0x76: {  	_ =	shalt  }
0x77: {  	_ =	shalt  }
0x78: {  	_ =	shalt  }
0x79: {  	_ =	shalt  }
0x7a: {  	_ =	shalt  }
0x7b: {  	_ =	shalt  }
0x7c: {  	_ =	shalt  }
0x7d: {  	_ =	shalt  }
0x7e: {  	_ =	shalt  }
0x7f: {  	_ =	shalt  }
0x80: {  	_ =	shalt  }
0x81: {  	_ =	shalt  }
0x82: {  	_ =	shalt  }
0x83: {  	_ =	shalt  }
0x84: {  	_ =	shalt  }
0x85: {  	_ =	shalt  }
0x86: {  	_ =	shalt  }
0x87: {  	_ =	shalt  }
.Lfunc_end0:
.L_simem_size_0:
called_computation.2_lowered:
.L_overlay_start_0:
0x88: {  	s2 =	sld [smem:$0x3FD9]  }
0x89: {  	s3 =	sld [smem:$0x3FFE];
	_ =	sdelay $0x1  }
0x8a: {  	s1 =	srdreg.scid  }
0x8b: {  	s0 =	sand.u32 $0x1, s1  }
0x8c: {  	s16 =	sshll.u32 s0, $0xA;
	s2 =	sadd.s32 s3, s2  }
0x8d: {  	s2 =	sadd.s32 s2, s16  }
0x8e: {  	[smem:$0x3FB9] =	sst s2  }
0x8f: {  	_ = 	snop  }
0x90: {  	(tm) =	ssettm $0x1  }
0x91: {  	s17 =	sld [smem:$0x3FFB];
	_ =	sdelay $0x3  }
0x92: {  	_ =	strace s17  }
0x93: {  	s2 =	sld [smem:$0x3FFC];
	_ =	sdelay $0x3  }
0x94: {  	_ =	strace s2  }
0x95: {  	s2 =	sld [smem:$0x3FFD];
	_ =	sdelay $0x3  }
0x96: {  	_ =	strace s2  }
0x97: {  	_ =	strace $0x8FFFFFFF  }
0x98: {  	s18 =	sld [smem:$0x3FDB];
	_ =	sdelay $0x1  }
0x99: {  	s19 =	simm.s32 $_scs_section_size  }
0x9a: {  	s4 =	simm.s32 $_size__tile_overlayer_lowered;
	s5 =	simm.s32 $_tile_overlayer_lowered  }
0x9b: {  	s22 =	simm.s32 $0x1BFF;
	s21 =	sshll.u32 s5, $0x1;
	s2 =	sadd.s32 s19, s18  }
0x9c: {  	s6 =	simm.s32 $0x0;
	s20 =	sshll.u32 s4, $0x1;
	s4 =	sadd.s32 s21, s2  }
0x9d: {  	[timem:s6], [sflag:s22] =	dma.local [hbm:s4], s20  }
0x9e: {  	_ =	swait.ge [sflag:s22], s20  }
0x9f: {  	s3 =	ssub.s32 $0x0, s20;
	[sflag:s22] =	ssyncset.done $0x0  }
0xa0: {  	[sflag:s22] =	ssyncadd.s32 s3;
	_ =	sdelay $0x1  }
0xa1: {  	s23 =	simm.s32 $0x1B8B  }
0xa2: {  	_ =	swait.ge [sflag:s23], $0x1  }
0xa3: {  	[sflag:s23] =	ssyncset.done $0x0  }
0xa4: {  	s25 =	simm.s32 $0x1B8E;
	s24 =	sld [smem:$0x3FFE];
	[sflag:s23] =	ssyncadd.s32 $0xFFFFFFFF  }
0xa5: {  	s26 =	simm.s32 $execute0_lowered;
	[smem:$0x3FD2] =	sst s25  }
0xa6: {  	s4 =	sshll.u32 s26, $0x1;
	_ =	strace $0x8000004C;
	[dreg:$0x1] =	wrdreg $0xFFFFFFFF  }
0xa7: {  	s28 =	simm.s32 $_size_execute0_lowered;
	s2 =	sadd.s32 s2, s4;
	[dreg:$0x0] =	wrdreg $0x0  }
0xa8: {  	s4 =	sshll.u32 s28, $0x1;
	[dreg:$0x2] =	wrdreg s2  }
0xa9: {  	[dreg:$0x3] =	wrdreg s4  }
0xaa: {  	[dreg:$0x4] =	wrdreg $0xC0  }
0xab: {  	_ =	task [dreg:s6], $0x5FFFF  }
0xac: {  	[dreg:$0x1] =	wrdreg $0xFFFFFFFF  }
0xad: {  	[dreg:$0x0] =	wrdreg $0x60  }
0xae: {  	[dreg:$0x2] =	wrdreg s24  }
0xaf: {  	[dreg:$0x3] =	wrdreg $0xA8000  }
0xb0: {  	[dreg:$0x4] =	wrdreg $0x9  }
0xb1: {  	_ =	task.clear_ibuf [dreg:s6], $0x5FFFF;
	_ =	strace $0x9000004C  }
0xb2: {  	s29 =	simm.s32 $0x9;
	_ =	strace $0x8000004E  }
0xb3: {  	_ =	swait.ge [sflag:s29], $0x1  }
0xb4: {  	[sflag:s29] =	ssyncadd.s32 $0xFFFFFFFF  }
0xb5: {  	_ =	strace $0x9000004E  }
0xb6: {  	_ =	sfence  }
0xb7: {  	s30 =	sld [smem:$0x0];
	_ =	sdelay $0x2  }
0xb8: {  	s31 =	sshll.u32 s1, $0xD;
	s1 =	sshrl.u32 s1, $0x2  }
0xb9: {  	s3 =	sand.u32 $0x4000, s31;
	s1 =	sadd.s32 s1, s30  }
0xba: {  	s0 =	sor.u32 s3, s0;
	s1 =	sshll.u32 s1, $0x11  }
0xbb: {  	s0 =	sor.u32 s1, s0  }
0xbc: {  	s0 =	sadd.s32 $0x8F2B, s0  }
0xbd: {  	[sflag:s0] =	ssyncadd.remote.s32 $0x1  }
0xbe: {  	_ =	sfence.sel $0xFFFF  }
0xbf: {  	[dreg:$0x0] =	wrdreg $0xFFFFFFFF;
	(pc) =	sbr.abs _section_cstart, $3  }
0xc0: {  	[dreg:$0x1] =	wrdreg $0xFFFFFFFF  }
0xc1: {  	_ =	task.clear_ibuf [dreg:s6], $0x2FFFF;
	_ =	strace $0x9FFFFFFF  }
0xc2: {  	(tm) =	ssettm $0x7FFFFFFF  }
0xc3: {  	_ =	shalt  }
tec
execute0_lowered:
.L_overlay_start_1:
0x0: {  	(tag) =	ssettag $0x1  }
0x1: {  	s5 =	rddreg [dreg:$0x0]  }
0x2: {  	s2 =	rddreg [dreg:$0x1]  }
0x3: {  	s0 =	rddreg [dreg:$0x2];
	s4 =	srdreg.scid  }
0x4: {  	s3 =	simm.s32 $0x0;
	s1 =	stileid.u32;
	s15 =	simm.s32 $0x80  }
0x5: {  	s16 =	simm.s32 $0x2800;
	s17 =	simm.s32 $0x6800;
	s18 =	simm.s32 $0x1  }
0x6: {  	s19 =	simm.s32 $0x2;
	s20 =	simm.s32 $0x1380;
	s21 =	simm.s32 $0x2700  }
0x7: {  	s22 =	simm.s32 $0x2780;
	s23 =	simm.s32 $0x0;
	s6 =	sand.u32 $0x1, s4  }
0x8: {  	s7 =	smul.u32 $0x2780, s1;
	s8 =	sshll.u32 s1, $0x1;
	[smem:$0x7FF] =	sst s3  }
0x9: {  	s11 =	sadd.s32 $0x36A00, s5;
	s12 =	smul.u32 $0x4F000, s1;
	s4 =	sshll.u32 s6, $0x5  }
0xa: {  	s9 =	smul.u32 $0x27800, s6;
	_ =	strace $0x8000004D;
	s6 =	ssub.s32 $0x2, s6  }
0xb: {  	s8 =	sor.u32 s8, s4;
	s4 =	sadd.s32 $0x4E00, s5;
	s29 =	sshrl.u32 s6, $0x1  }
0xc: {  	s30 =	sshrl.u32 s12, $0x2;
	s10 =	smul.u32 $0x500, s8;
	s7 =	sadd.s32 s7, s9  }
0xd: {  	s8 =	smul.u32 $0x2800, s8;
	s14 =	ssub.s32 s6, s29;
	s6 =	sadd.s32 s30, s2  }
0xe: {  	s13 =	sadd.s32 s7, s5;
	s7 =	sadd.s32 $0x4000, s6;
	s9 =	sadd.s32 $0xC000, s6  }
0xf: {  	s5 =	sadd.s32 s11, s10;
	s31 =	sshrl.u32 s8, $0x3;
	s8 =	sadd.s32 $0x8000, s6  }
0x10: {  	s10 =	sadd.s32 $0x10000, s6;
	s12 =	sadd.s32 $0x4AA00, s13;
	s11 =	sadd.s32 s11, s31  }
0x11: {  	v0 =	vimm.f32 $0.0e+00;
	s13 =	smax.u32 s14, $0x1;
	s14 =	simm.s32 $0x3;
	s11 =	sadd.s32 $0x500, s11  }
.LBB2_1:
0x12: {  	[tilespmem:s3], [sflag:$0x3] =	stream.linear.gather [hbm4b:s5+s3], $0x2800, $0x38;
	[tilespmem:$0x1E400] =	vst v63  }
0x13: {  	_ =	swait.ge [sflag:s14], $0x2800  }
0x14: {  	[sflag:s14] =	ssyncset.done $0x0  }
0x15: {  	s24 =	simm.s32 $0x40;
	[sflag:s14] =	ssyncadd.s32 $0xFFFFD800  }
0x16: {  	v7 =	vld [tilespmem:s24+$0xFFFFFFC0]  }
0x17: {  	v14 =	vld [tilespmem:s24+$0xFFFFFFD0]  }
0x18: {  	v6 =	vld [tilespmem:s24+$0xFFFFFFE0]  }
0x19: {  	v5 =	vld [tilespmem:s24+$0xFFFFFFF0]  }
0x1a: {  	v4 =	vld [tilespmem:s24+$0x0]  }
0x1b: {  	v3 =	vld [tilespmem:s24+$0x10]  }
0x1c: {  	v2 =	vld [tilespmem:s24+$0x20]  }
0x1d: {  	v1 =	vld [tilespmem:s24+$0x30]  }
0x1e: {  	v13 =	vld [tilespmem:s24+$0x13C0]  }
0x1f: {  	v12 =	vld [tilespmem:s24+$0x13D0]  }
0x20: {  	v11 =	vld [tilespmem:s24+$0x13E0]  }
0x21: {  	v10 =	vld [tilespmem:s24+$0x13F0]  }
0x22: {  	v9 =	vld [tilespmem:s24+$0x1400]  }
0x23: {  	v8 =	vld [tilespmem:s24+$0x1410];
	vm0 =	veq.s32 v7, v13  }
0x24: {  	s25 =	simm.s32 $0x300;
	v7 =	vld [tilespmem:s24+$0x1420];
	v13 =	vsel vm0, $0x2710, v13;
	vm0 =	veq.s32 v14, v12  }
.LBB2_2:
0x25: {  	s26 =	sshra.s32 s25, $0x2;
	p0 =	sne.s32 s25, $0x4F00;
	[tilespmem:s24+$0x13C0] =	vst v13;
	v12 =	vsel vm0, $0x2710, v12;
	vm0 =	veq.s32 v6, v11;
	v13 =	vld [tilespmem:s24+$0x1430]  }
0x26: {  	v14 =	vld [tilespmem:s26+$0xFFFFFFC0];
	[tilespmem:s24+$0x13D0] =	vst v12;
	v6 =	vsel vm0, $0x2710, v11;
	vm0 =	veq.s32 v5, v10  }
0x27: {  	v15 =	vld [tilespmem:s26+$0xFFFFFFD0];
	[tilespmem:s24+$0x13E0] =	vst v6;
	v5 =	vsel vm0, $0x2710, v10;
	vm0 =	veq.s32 v4, v9  }
0x28: {  	v6 =	vld [tilespmem:s26+$0xFFFFFFE0];
	[tilespmem:s24+$0x13F0] =	vst v5;
	v4 =	vsel vm0, $0x2710, v9;
	vm0 =	veq.s32 v3, v8  }
0x29: {  	v5 =	vld [tilespmem:s26+$0xFFFFFFF0];
	[tilespmem:s24+$0x1400] =	vst v4;
	v3 =	vsel vm0, $0x2710, v8;
	vm0 =	veq.s32 v2, v7  }
0x2a: {  	v4 =	vld [tilespmem:s26+$0x0];
	[tilespmem:s24+$0x1410] =	vst v3;
	v2 =	vsel vm0, $0x2710, v7;
	vm0 =	veq.s32 v1, v13  }
0x2b: {  	v3 =	vld [tilespmem:s26+$0x10];
	[tilespmem:s24+$0x1420] =	vst v2;
	v1 =	vsel vm0, $0x2710, v13  }
0x2c: {  	v2 =	vld [tilespmem:s26+$0x20];
	[tilespmem:s24+$0x1430] =	vst v1;
	s24 =	smov.u32 s26  }
0x2d: {  	v1 =	vld [tilespmem:s24+$0x30]  }
0x2e: {  	v7 =	vld [tilespmem:s24+$0x13C0]  }
0x2f: {  	v12 =	vld [tilespmem:s24+$0x13D0]  }
.Ltmp0:
0x30: {  	v11 =	vld [tilespmem:s24+$0x13E0];
	(pc) =	sbr.rel @p0 .LBB2_2-.Ltmp0, $4  }
0x31: {  	v10 =	vld [tilespmem:s24+$0x13F0]  }
0x32: {  	v9 =	vld [tilespmem:s24+$0x1400]  }
0x33: {  	vm0 =	veq.s32 v14, v7;
	v8 =	vld [tilespmem:s24+$0x1410]  }
0x34: {  	s25 =	sadd.s32 $0x200, s25;
	v13 =	vsel vm0, $0x2710, v7;
	vm0 =	veq.s32 v15, v12;
	v7 =	vld [tilespmem:s24+$0x1420]  }
0x35: {  	[tilespmem:s24+$0x13C0] =	vst v13;
	v12 =	vsel vm0, $0x2710, v12;
	vm10 =	veq.s32 v6, v11;
	v63 =	vld [tilespmem:s24+$0x1430]  }
0x36: {  	[tilespmem:s24+$0x13D0] =	vst v12;
	v11 =	vsel vm10, $0x2710, v11;
	vm11 =	veq.s32 v5, v10  }
0x37: {  	[tilespmem:s24+$0x13E0] =	vst v11;
	v5 =	vsel vm11, $0x2710, v10;
	vm12 =	veq.s32 v4, v9  }
0x38: {  	[tilespmem:s24+$0x13F0] =	vst v5;
	v4 =	vsel vm12, $0x2710, v9;
	vm13 =	veq.s32 v3, v8  }
0x39: {  	[tilespmem:s24+$0x1400] =	vst v4;
	v3 =	vsel vm13, $0x2710, v8;
	vm14 =	veq.s32 v2, v7  }
0x3a: {  	[tilespmem:s24+$0x1410] =	vst v3;
	v2 =	vsel vm14, $0x2710, v7;
	vm15 =	veq.s32 v1, v63  }
0x3b: {  	[tilespmem:s24+$0x1420] =	vst v2;
	v1 =	vsel vm15, $0x2710, v63  }
0x3c: {  	s31 =	simm.s32 $0x0;
	s25 =	simm.s32 $0x200;
	[tilespmem:s24+$0x1430] =	vst v1;
	s24 =	simm.s32 $0x0  }
0x3d: {  	[tilespmem:s16], [sflag:$0x1] =	stream.indirect.gather [hbm4b:s4+s15], $0x80, s31, s15, $0xb8;
	[tilespmem:$0x1E400] =	vst v63  }
.LBB2_4:
0x3e: {  	p0 =	sne.s32 s25, $0xFE00;
	[tilespmem:s24+$0x6870] =	vst v0  }
0x3f: {  	[tilespmem:s24+$0x6800] =	vst v0  }
0x40: {  	[tilespmem:s24+$0x6810] =	vst v0  }
.Ltmp1:
0x41: {  	[tilespmem:s24+$0x6820] =	vst v0;
	(pc) =	sbr.rel @p0 .LBB2_4-.Ltmp1, $4  }
0x42: {  	[tilespmem:s24+$0x6830] =	vst v0  }
0x43: {  	[tilespmem:s24+$0x6840] =	vst v0  }
0x44: {  	[tilespmem:s24+$0x6850] =	vst v0  }
0x45: {  	[tilespmem:s24+$0x6860] =	vst v0;
	s24 =	sshra.s32 s25, $0x2;
	s25 =	sadd.s32 $0x200, s25  }
0x46: {  	[tilespmem:s24+$0x6870] =	vst v0  }
0x47: {  	[tilespmem:s24+$0x6800] =	vst v0  }
0x48: {  	[tilespmem:s24+$0x6810] =	vst v0  }
0x49: {  	[tilespmem:s24+$0x6820] =	vst v0  }
0x4a: {  	[tilespmem:s24+$0x6830] =	vst v0  }
0x4b: {  	[tilespmem:s24+$0x6840] =	vst v0  }
0x4c: {  	[tilespmem:s24+$0x6850] =	vst v0  }
0x4d: {  	[tilespmem:s24+$0x6860] =	vst v0  }
0x4e: {  	[spmem:s6] =	stream.linear.scatter [tilespmem:s17], [sflag:$0x3], $0x4000, $0x38;
	[tilespmem:$0x1E400] =	vst v63  }
0x4f: {  	_ =	swait.ge [sflag:s14], $0x4000  }
0x50: {  	[sflag:s14] =	ssyncset.done $0x0  }
0x51: {  	[sflag:s14] =	ssyncadd.s32 $0xFFFFC000  }
0x52: {  	[spmem:s7] =	stream.linear.scatter [tilespmem:s17], [sflag:$0x3], $0x4000, $0x38;
	[tilespmem:$0x1E400] =	vst v63  }
0x53: {  	_ =	swait.ge [sflag:s14], $0x4000  }
0x54: {  	[sflag:s14] =	ssyncset.done $0x0  }
0x55: {  	[sflag:s14] =	ssyncadd.s32 $0xFFFFC000  }
0x56: {  	[spmem:s8] =	stream.linear.scatter [tilespmem:s17], [sflag:$0x3], $0x4000, $0x38;
	[tilespmem:$0x1E400] =	vst v63  }
0x57: {  	_ =	swait.ge [sflag:s14], $0x4000  }
0x58: {  	[sflag:s14] =	ssyncset.done $0x0  }
0x59: {  	[sflag:s14] =	ssyncadd.s32 $0xFFFFC000  }
0x5a: {  	[spmem:s9] =	stream.linear.scatter [tilespmem:s17], [sflag:$0x3], $0x4000, $0x38;
	[tilespmem:$0x1E400] =	vst v63  }
0x5b: {  	_ =	swait.ge [sflag:s14], $0x4000  }
0x5c: {  	[sflag:s14] =	ssyncset.done $0x0  }
0x5d: {  	[sflag:s14] =	ssyncadd.s32 $0xFFFFC000  }
0x5e: {  	[spmem:s10] =	stream.linear.scatter [tilespmem:s17], [sflag:$0x3], $0x3C00, $0x38;
	[tilespmem:$0x1E400] =	vst v63  }
0x5f: {  	_ =	swait.ge [sflag:s14], $0x3C00  }
0x60: {  	[sflag:s14] =	ssyncset.done $0x0  }
0x61: {  	[sflag:s14] =	ssyncadd.s32 $0xFFFFC400  }
0x62: {  	s28 =	simm.s32 $0x80;
	[bflag:$0x0] =	sbarrier.arrive $0xFFFF  }
0x63: {  	[tilespmem:s17], [sflag:$0x2] =	stream.indirect.gather [hbm4b:s4+s15], $0x80, s28, s15, $0xb8;
	[tilespmem:$0x1E400] =	vst v63  }
0x64: {  	_ =	swait.ge [sflag:s18], $0x4000  }
0x65: {  	[sflag:s18] =	ssyncset.done $0x0  }
0x66: {  	s29 =	simm.s32 $0x1400;
	[sflag:s18] =	ssyncadd.s32 $0xFFFFC000  }
0x67: {  	[spmem:s2] =	stream.indirect.scatter.add.f32 [tilespmem:s16], [sflag:$0x3], $0x80, s29, s15, $0xb8;
	[tilespmem:$0x1E400] =	vst v63  }
0x68: {  	_ =	swait.ge [sflag:s14], $0x4000  }
0x69: {  	[sflag:s14] =	ssyncset.done $0x0  }
0x6a: {  	s30 =	simm.s32 $0x100;
	[sflag:s14] =	ssyncadd.s32 $0xFFFFC000  }
0x6b: {  	[tilespmem:s16], [sflag:$0x1] =	stream.indirect.gather [hbm4b:s4+s15], $0x80, s30, s15, $0xb8;
	[tilespmem:$0x1E400] =	vst v63  }
0x6c: {  	_ =	swait.ge [sflag:s19], $0x4000  }
0x6d: {  	[sflag:s19] =	ssyncset.done $0x0  }
0x6e: {  	s31 =	simm.s32 $0x1480;
	[sflag:s19] =	ssyncadd.s32 $0xFFFFC000  }
0x6f: {  	[spmem:s2] =	stream.indirect.scatter.add.f32 [tilespmem:s17], [sflag:$0x3], $0x80, s31, s15, $0xb8;
	[tilespmem:$0x1E400] =	vst v63  }
0x70: {  	_ =	swait.ge [sflag:s14], $0x4000  }
0x71: {  	s25 =	simm.s32 $0xC00;
	s24 =	simm.s32 $0x200;
	[sflag:s14] =	ssyncset.done $0x0  }
.LBB2_6:
0x72: {  	s26 =	sadd.s32 $0xFFFFFF80, s24  }
0x73: {  	[sflag:s14] =	ssyncadd.s32 $0xFFFFC000;
	s28 =	smov.u32 s25;
	s29 =	sadd.s32 $0x400, s25  }
0x74: {  	[tilespmem:s17], [sflag:$0x2] =	stream.indirect.gather [hbm4b:s4+s15], $0x80, s26, s15, $0xb8;
	[tilespmem:$0x1E400] =	vst v63  }
0x75: {  	p0 =	sne.s32 s25, $0x4C00;
	_ =	swait.ge [sflag:s18], $0x4000  }
0x76: {  	[sflag:s18] =	ssyncset.done $0x0  }
0x77: {  	s25 =	sadd.s32 $0x1300, s24;
	[sflag:s18] =	ssyncadd.s32 $0xFFFFC000  }
0x78: {  	[spmem:s2] =	stream.indirect.scatter.add.f32 [tilespmem:s16], [sflag:$0x3], $0x80, s25, s15, $0xb8;
	[tilespmem:$0x1E400] =	vst v63  }
0x79: {  	_ =	swait.ge [sflag:s14], $0x4000  }
0x7a: {  	[sflag:s14] =	ssyncset.done $0x0  }
0x7b: {  	[sflag:s14] =	ssyncadd.s32 $0xFFFFC000  }
0x7c: {  	[tilespmem:s16], [sflag:$0x1] =	stream.indirect.gather [hbm4b:s4+s15], $0x80, s24, s15, $0xb8;
	[tilespmem:$0x1E400] =	vst v63  }
0x7d: {  	_ =	swait.ge [sflag:s19], $0x4000  }
.Ltmp2:
0x7e: {  	[sflag:s19] =	ssyncset.done $0x0;
	(pc) =	sbr.rel @p0 .LBB2_6-.Ltmp2, $4  }
0x7f: {  	s24 =	sadd.s32 $0x1380, s24;
	[sflag:s19] =	ssyncadd.s32 $0xFFFFC000  }
0x80: {  	[spmem:s2] =	stream.indirect.scatter.add.f32 [tilespmem:s17], [sflag:$0x3], $0x80, s24, s15, $0xb8;
	[tilespmem:$0x1E400] =	vst v63  }
0x81: {  	_ =	swait.ge [sflag:s14], $0x4000  }
0x82: {  	s25 =	smov.u32 s29;
	s24 =	sshra.s32 s28, $0x2;
	[sflag:s14] =	ssyncset.done $0x0  }
0x83: {  	s25 =	sadd.s32 $0xFFFFFF80, s24;
	[sflag:s14] =	ssyncadd.s32 $0xFFFFC000  }
0x84: {  	[tilespmem:s17], [sflag:$0x2] =	stream.indirect.gather [hbm4b:s4+s15], $0x80, s25, s15, $0xb8;
	[tilespmem:$0x1E400] =	vst v63  }
0x85: {  	_ =	swait.ge [sflag:s18], $0x4000  }
0x86: {  	[sflag:s18] =	ssyncset.done $0x0  }
0x87: {  	s30 =	sadd.s32 $0x1300, s24;
	[sflag:s18] =	ssyncadd.s32 $0xFFFFC000  }
0x88: {  	[spmem:s2] =	stream.indirect.scatter.add.f32 [tilespmem:s16], [sflag:$0x3], $0x80, s30, s15, $0xb8;
	[tilespmem:$0x1E400] =	vst v63  }
0x89: {  	_ =	swait.ge [sflag:s14], $0x4000  }
0x8a: {  	[sflag:s14] =	ssyncset.done $0x0  }
0x8b: {  	[sflag:s14] =	ssyncadd.s32 $0xFFFFC000  }
0x8c: {  	[tilespmem:s16], [sflag:$0x1] =	stream.indirect.gather [hbm4b:s4+s15], $0x80, s24, s15, $0xb8;
	[tilespmem:$0x1E400] =	vst v63  }
0x8d: {  	_ =	swait.ge [sflag:s19], $0x4000  }
0x8e: {  	[sflag:s19] =	ssyncset.done $0x0  }
0x8f: {  	s31 =	sadd.s32 $0x1380, s24;
	[sflag:s19] =	ssyncadd.s32 $0xFFFFC000  }
0x90: {  	[spmem:s2] =	stream.indirect.scatter.add.f32 [tilespmem:s17], [sflag:$0x3], $0x80, s31, s15, $0xb8;
	[tilespmem:$0x1E400] =	vst v63  }
0x91: {  	_ =	swait.ge [sflag:s14], $0x4000  }
0x92: {  	[sflag:s14] =	ssyncset.done $0x0  }
0x93: {  	[sflag:s14] =	ssyncadd.s32 $0xFFFFC000  }
0x94: {  	[tilespmem:s17], [sflag:$0x2] =	stream.indirect.gather [hbm4b:s4+s15], $0x80, s20, s15, $0xb8;
	[tilespmem:$0x1E400] =	vst v63  }
0x95: {  	_ =	swait.ge [sflag:s18], $0x4000  }
0x96: {  	[sflag:s18] =	ssyncset.done $0x0  }
0x97: {  	[sflag:s18] =	ssyncadd.s32 $0xFFFFC000  }
0x98: {  	[spmem:s2] =	stream.indirect.scatter.add.f32 [tilespmem:s16], [sflag:$0x3], $0x80, s21, s15, $0xb8;
	[tilespmem:$0x1E400] =	vst v63  }
0x99: {  	_ =	swait.ge [sflag:s14], $0x4000  }
0x9a: {  	[sflag:s14] =	ssyncset.done $0x0  }
0x9b: {  	[sflag:s14] =	ssyncadd.s32 $0xFFFFC000  }
0x9c: {  	_ =	swait.ge [sflag:s19], $0x4000  }
0x9d: {  	[sflag:s19] =	ssyncset.done $0x0  }
0x9e: {  	[sflag:s19] =	ssyncadd.s32 $0xFFFFC000  }
0x9f: {  	[spmem:s2] =	stream.indirect.scatter.add.f32 [tilespmem:s17], [sflag:$0x3], $0x80, s22, s15, $0xb8;
	[tilespmem:$0x1E400] =	vst v63  }
0xa0: {  	_ =	swait.ge [sflag:s14], $0x4000  }
0xa1: {  	[sflag:s14] =	ssyncset.done $0x0  }
0xa2: {  	[sflag:s14] =	ssyncadd.s32 $0xFFFFC000  }
0xa3: {  	[tilespmem:s3], [sflag:$0x3] =	stream.linear.gather [hbm4b:s11+s3], $0x2800, $0x38;
	[tilespmem:$0x1E400] =	vst v63  }
0xa4: {  	_ =	swait.ge [sflag:s14], $0x2800  }
0xa5: {  	[sflag:s14] =	ssyncset.done $0x0  }
0xa6: {  	s24 =	simm.s32 $0x40;
	[sflag:s14] =	ssyncadd.s32 $0xFFFFD800  }
0xa7: {  	v7 =	vld [tilespmem:s24+$0xFFFFFFC0]  }
0xa8: {  	v14 =	vld [tilespmem:s24+$0xFFFFFFD0]  }
0xa9: {  	v6 =	vld [tilespmem:s24+$0xFFFFFFE0]  }
0xaa: {  	v5 =	vld [tilespmem:s24+$0xFFFFFFF0]  }
0xab: {  	v4 =	vld [tilespmem:s24+$0x0]  }
0xac: {  	v3 =	vld [tilespmem:s24+$0x10]  }
0xad: {  	v2 =	vld [tilespmem:s24+$0x20]  }
0xae: {  	v1 =	vld [tilespmem:s24+$0x30]  }
0xaf: {  	v13 =	vld [tilespmem:s24+$0x13C0]  }
0xb0: {  	v12 =	vld [tilespmem:s24+$0x13D0]  }
0xb1: {  	v11 =	vld [tilespmem:s24+$0x13E0]  }
0xb2: {  	v10 =	vld [tilespmem:s24+$0x13F0]  }
0xb3: {  	v9 =	vld [tilespmem:s24+$0x1400]  }
0xb4: {  	v8 =	vld [tilespmem:s24+$0x1410];
	vm0 =	veq.s32 v7, v13  }
0xb5: {  	s25 =	simm.s32 $0x300;
	v7 =	vld [tilespmem:s24+$0x1420];
	v13 =	vsel vm0, $0x2710, v13;
	vm0 =	veq.s32 v14, v12  }
.LBB2_8:
0xb6: {  	s26 =	sshra.s32 s25, $0x2;
	p0 =	sne.s32 s25, $0x4F00;
	[tilespmem:s24+$0x13C0] =	vst v13;
	v12 =	vsel vm0, $0x2710, v12;
	vm0 =	veq.s32 v6, v11;
	v13 =	vld [tilespmem:s24+$0x1430]  }
0xb7: {  	v14 =	vld [tilespmem:s26+$0xFFFFFFC0];
	[tilespmem:s24+$0x13D0] =	vst v12;
	v6 =	vsel vm0, $0x2710, v11;
	vm0 =	veq.s32 v5, v10  }
0xb8: {  	v15 =	vld [tilespmem:s26+$0xFFFFFFD0];
	[tilespmem:s24+$0x13E0] =	vst v6;
	v5 =	vsel vm0, $0x2710, v10;
	vm0 =	veq.s32 v4, v9  }
0xb9: {  	v6 =	vld [tilespmem:s26+$0xFFFFFFE0];
	[tilespmem:s24+$0x13F0] =	vst v5;
	v4 =	vsel vm0, $0x2710, v9;
	vm0 =	veq.s32 v3, v8  }
0xba: {  	v5 =	vld [tilespmem:s26+$0xFFFFFFF0];
	[tilespmem:s24+$0x1400] =	vst v4;
	v3 =	vsel vm0, $0x2710, v8;
	vm0 =	veq.s32 v2, v7  }
0xbb: {  	v4 =	vld [tilespmem:s26+$0x0];
	[tilespmem:s24+$0x1410] =	vst v3;
	v2 =	vsel vm0, $0x2710, v7;
	vm0 =	veq.s32 v1, v13  }
0xbc: {  	v3 =	vld [tilespmem:s26+$0x10];
	[tilespmem:s24+$0x1420] =	vst v2;
	v1 =	vsel vm0, $0x2710, v13  }
0xbd: {  	v2 =	vld [tilespmem:s26+$0x20];
	[tilespmem:s24+$0x1430] =	vst v1;
	s24 =	smov.u32 s26  }
0xbe: {  	v1 =	vld [tilespmem:s24+$0x30]  }
0xbf: {  	v7 =	vld [tilespmem:s24+$0x13C0]  }
0xc0: {  	v12 =	vld [tilespmem:s24+$0x13D0]  }
.Ltmp3:
0xc1: {  	v11 =	vld [tilespmem:s24+$0x13E0];
	(pc) =	sbr.rel @p0 .LBB2_8-.Ltmp3, $4  }
0xc2: {  	v10 =	vld [tilespmem:s24+$0x13F0]  }
0xc3: {  	v9 =	vld [tilespmem:s24+$0x1400]  }
0xc4: {  	vm0 =	veq.s32 v14, v7;
	v8 =	vld [tilespmem:s24+$0x1410]  }
0xc5: {  	s25 =	sadd.s32 $0x200, s25;
	v13 =	vsel vm0, $0x2710, v7;
	vm0 =	veq.s32 v15, v12;
	v7 =	vld [tilespmem:s24+$0x1420]  }
0xc6: {  	[tilespmem:s24+$0x13C0] =	vst v13;
	v12 =	vsel vm0, $0x2710, v12;
	vm10 =	veq.s32 v6, v11;
	v63 =	vld [tilespmem:s24+$0x1430]  }
0xc7: {  	[tilespmem:s24+$0x13D0] =	vst v12;
	v11 =	vsel vm10, $0x2710, v11;
	vm11 =	veq.s32 v5, v10  }
0xc8: {  	[tilespmem:s24+$0x13E0] =	vst v11;
	v5 =	vsel vm11, $0x2710, v10;
	vm12 =	veq.s32 v4, v9  }
0xc9: {  	[tilespmem:s24+$0x13F0] =	vst v5;
	v4 =	vsel vm12, $0x2710, v9;
	vm13 =	veq.s32 v3, v8  }
0xca: {  	[tilespmem:s24+$0x1400] =	vst v4;
	v3 =	vsel vm13, $0x2710, v8;
	vm14 =	veq.s32 v2, v7  }
0xcb: {  	[tilespmem:s24+$0x1410] =	vst v3;
	v2 =	vsel vm14, $0x2710, v7;
	vm15 =	veq.s32 v1, v63  }
0xcc: {  	[tilespmem:s24+$0x1420] =	vst v2;
	v1 =	vsel vm15, $0x2710, v63  }
0xcd: {  	[tilespmem:s24+$0x1430] =	vst v1  }
0xce: {  	[tilespmem:s16], [sflag:$0x1] =	stream.indirect.gather [hbm4b:s4+s15], $0x80, s3, s15, $0xb8;
	[tilespmem:$0x1E400] =	vst v63  }
0xcf: {  	s28 =	simm.s32 $0x80  }
0xd0: {  	[tilespmem:s17], [sflag:$0x2] =	stream.indirect.gather [hbm4b:s4+s15], $0x80, s28, s15, $0xb8;
	[tilespmem:$0x1E400] =	vst v63  }
0xd1: {  	_ =	swait.ge [sflag:s18], $0x4000  }
0xd2: {  	[sflag:s18] =	ssyncset.done $0x0  }
0xd3: {  	s29 =	simm.s32 $0x1400;
	[sflag:s18] =	ssyncadd.s32 $0xFFFFC000  }
0xd4: {  	[spmem:s2] =	stream.indirect.scatter.add.f32 [tilespmem:s16], [sflag:$0x3], $0x80, s29, s15, $0xb8;
	[tilespmem:$0x1E400] =	vst v63  }
0xd5: {  	_ =	swait.ge [sflag:s14], $0x4000  }
0xd6: {  	[sflag:s14] =	ssyncset.done $0x0  }
0xd7: {  	s30 =	simm.s32 $0x100;
	[sflag:s14] =	ssyncadd.s32 $0xFFFFC000  }
0xd8: {  	[tilespmem:s16], [sflag:$0x1] =	stream.indirect.gather [hbm4b:s4+s15], $0x80, s30, s15, $0xb8;
	[tilespmem:$0x1E400] =	vst v63  }
0xd9: {  	_ =	swait.ge [sflag:s19], $0x4000  }
0xda: {  	[sflag:s19] =	ssyncset.done $0x0  }
0xdb: {  	s31 =	simm.s32 $0x1480;
	[sflag:s19] =	ssyncadd.s32 $0xFFFFC000  }
0xdc: {  	[spmem:s2] =	stream.indirect.scatter.add.f32 [tilespmem:s17], [sflag:$0x3], $0x80, s31, s15, $0xb8;
	[tilespmem:$0x1E400] =	vst v63  }
0xdd: {  	_ =	swait.ge [sflag:s14], $0x4000  }
0xde: {  	s25 =	simm.s32 $0xC00;
	s24 =	simm.s32 $0x200;
	[sflag:s14] =	ssyncset.done $0x0  }
.LBB2_10:
0xdf: {  	s26 =	sadd.s32 $0xFFFFFF80, s24  }
0xe0: {  	[sflag:s14] =	ssyncadd.s32 $0xFFFFC000;
	s28 =	smov.u32 s25;
	s29 =	sadd.s32 $0x400, s25  }
0xe1: {  	[tilespmem:s17], [sflag:$0x2] =	stream.indirect.gather [hbm4b:s4+s15], $0x80, s26, s15, $0xb8;
	[tilespmem:$0x1E400] =	vst v63  }
0xe2: {  	p0 =	sne.s32 s25, $0x4C00;
	_ =	swait.ge [sflag:s18], $0x4000  }
0xe3: {  	[sflag:s18] =	ssyncset.done $0x0  }
0xe4: {  	s25 =	sadd.s32 $0x1300, s24;
	[sflag:s18] =	ssyncadd.s32 $0xFFFFC000  }
0xe5: {  	[spmem:s2] =	stream.indirect.scatter.add.f32 [tilespmem:s16], [sflag:$0x3], $0x80, s25, s15, $0xb8;
	[tilespmem:$0x1E400] =	vst v63  }
0xe6: {  	_ =	swait.ge [sflag:s14], $0x4000  }
0xe7: {  	[sflag:s14] =	ssyncset.done $0x0  }
0xe8: {  	[sflag:s14] =	ssyncadd.s32 $0xFFFFC000  }
0xe9: {  	[tilespmem:s16], [sflag:$0x1] =	stream.indirect.gather [hbm4b:s4+s15], $0x80, s24, s15, $0xb8;
	[tilespmem:$0x1E400] =	vst v63  }
0xea: {  	_ =	swait.ge [sflag:s19], $0x4000  }
.Ltmp4:
0xeb: {  	[sflag:s19] =	ssyncset.done $0x0;
	(pc) =	sbr.rel @p0 .LBB2_10-.Ltmp4, $4  }
0xec: {  	s24 =	sadd.s32 $0x1380, s24;
	[sflag:s19] =	ssyncadd.s32 $0xFFFFC000  }
0xed: {  	[spmem:s2] =	stream.indirect.scatter.add.f32 [tilespmem:s17], [sflag:$0x3], $0x80, s24, s15, $0xb8;
	[tilespmem:$0x1E400] =	vst v63  }
0xee: {  	_ =	swait.ge [sflag:s14], $0x4000  }
0xef: {  	s25 =	smov.u32 s29;
	s24 =	sshra.s32 s28, $0x2;
	[sflag:s14] =	ssyncset.done $0x0  }
0xf0: {  	s25 =	sadd.s32 $0xFFFFFF80, s24;
	[sflag:s14] =	ssyncadd.s32 $0xFFFFC000  }
0xf1: {  	[tilespmem:s17], [sflag:$0x2] =	stream.indirect.gather [hbm4b:s4+s15], $0x80, s25, s15, $0xb8;
	[tilespmem:$0x1E400] =	vst v63  }
0xf2: {  	_ =	swait.ge [sflag:s18], $0x4000  }
0xf3: {  	[sflag:s18] =	ssyncset.done $0x0  }
0xf4: {  	s28 =	sadd.s32 $0x1300, s24;
	[sflag:s18] =	ssyncadd.s32 $0xFFFFC000  }
0xf5: {  	[spmem:s2] =	stream.indirect.scatter.add.f32 [tilespmem:s16], [sflag:$0x3], $0x80, s28, s15, $0xb8;
	[tilespmem:$0x1E400] =	vst v63  }
0xf6: {  	_ =	swait.ge [sflag:s14], $0x4000  }
0xf7: {  	[sflag:s14] =	ssyncset.done $0x0  }
0xf8: {  	[sflag:s14] =	ssyncadd.s32 $0xFFFFC000  }
0xf9: {  	[tilespmem:s16], [sflag:$0x1] =	stream.indirect.gather [hbm4b:s4+s15], $0x80, s24, s15, $0xb8;
	[tilespmem:$0x1E400] =	vst v63  }
0xfa: {  	_ =	swait.ge [sflag:s19], $0x4000  }
0xfb: {  	[sflag:s19] =	ssyncset.done $0x0  }
0xfc: {  	s29 =	sadd.s32 $0x1380, s24;
	[sflag:s19] =	ssyncadd.s32 $0xFFFFC000  }
0xfd: {  	[spmem:s2] =	stream.indirect.scatter.add.f32 [tilespmem:s17], [sflag:$0x3], $0x80, s29, s15, $0xb8;
	[tilespmem:$0x1E400] =	vst v63  }
0xfe: {  	_ =	swait.ge [sflag:s14], $0x4000  }
0xff: {  	[sflag:s14] =	ssyncset.done $0x0  }
0x100: {  	[sflag:s14] =	ssyncadd.s32 $0xFFFFC000  }
0x101: {  	[tilespmem:s17], [sflag:$0x2] =	stream.indirect.gather [hbm4b:s4+s15], $0x80, s20, s15, $0xb8;
	[tilespmem:$0x1E400] =	vst v63  }
0x102: {  	_ =	swait.ge [sflag:s18], $0x4000  }
0x103: {  	[sflag:s18] =	ssyncset.done $0x0  }
0x104: {  	[sflag:s18] =	ssyncadd.s32 $0xFFFFC000  }
0x105: {  	[spmem:s2] =	stream.indirect.scatter.add.f32 [tilespmem:s16], [sflag:$0x3], $0x80, s21, s15, $0xb8;
	[tilespmem:$0x1E400] =	vst v63  }
0x106: {  	_ =	swait.ge [sflag:s14], $0x4000  }
0x107: {  	[sflag:s14] =	ssyncset.done $0x0  }
0x108: {  	[sflag:s14] =	ssyncadd.s32 $0xFFFFC000  }
0x109: {  	_ =	swait.ge [sflag:s19], $0x4000  }
0x10a: {  	[sflag:s19] =	ssyncset.done $0x0  }
0x10b: {  	[sflag:s19] =	ssyncadd.s32 $0xFFFFC000  }
0x10c: {  	[spmem:s2] =	stream.indirect.scatter.add.f32 [tilespmem:s17], [sflag:$0x3], $0x80, s22, s15, $0xb8;
	[tilespmem:$0x1E400] =	vst v63  }
0x10d: {  	_ =	swait.ge [sflag:s14], $0x4000  }
0x10e: {  	s30 =	sshll.u32 s1, $0x6;
	s23 =	sadd.s32 $0x1, s23;
	[sflag:s14] =	ssyncset.done $0x0  }
0x10f: {  	s31 =	sshrl.u32 s6, $0x3;
	p0 =	sne.s32 s23, s13;
	[sflag:s14] =	ssyncadd.s32 $0xFFFFC000  }
.Ltmp5:
0x110: {  	s24 =	sor.u32 $0x1C03, s30;
	[bflag:$0x0] =	sbarrier.arrive $0xFFFF;
	(pc) =	sbr.rel @p0 .LBB2_1-.Ltmp5, $4  }
0x111: {  	[hbm:s12], [sflag:s24] =	dma.local [spmem:s31], $0x2780  }
0x112: {  	_ =	swait.ge [sflag:s14], $0x2780  }
0x113: {  	[sflag:s14] =	ssyncset.done $0x0  }
0x114: {  	[sflag:s14] =	ssyncadd.s32 $0xFFFFD880  }
0x115: {  	_ =	sfence.sel $0x180000  }
0x116: {  	[bflag:$0x0] =	sbarrier.arrive $0xFFFF  }
0x117: {  	p0 =	sne.s32 s1, $0x0;
	_ =	strace $0x9000004D  }
0x118: {  	s0 =	sadd.s32 @!p0 $0x100000, s0;
	[bflag:$0x2] =	sbarrier.arrive $0xFFFF  }
0x119: {  	[sflag:s0] =	ssyncadd.tile.s32 @!p0 $0x1;
	_ =	shalt  }
.Lfunc_end2:
_tile_overlayer_lowered:
.L_overlay_start_2:
0x11a: {  	(tag) =	ssettag $0x2  }
0x11b: {  	s0 =	rddreg [dreg:$0x0];
	s2 =	stileid.u32  }
0x11c: {  	s1 =	rddreg [dreg:$0x1];
	p0 =	sne.s32 s2, $0x0  }
0x11d: {  	s3 =	rddreg [dreg:$0x2];
	[bflag:$0x3] =	sbarrier.arrive $0xFFFF;
	s2 =	simm.s32 @!p0 $0x1C03  }
0x11e: {  	[timem:s3], [sflag:s2] =	dma.local @!p0 [hbm:s0], s1  }
0x11f: {  	s0 =	simm.s32 @!p0 $0x3  }
0x120: {  	_ =	swait.ge @!p0 [sflag:s0], s1  }
0x121: {  	s1 =	ssub.s32 @!p0 $0x0, s1;
	[sflag:s0] =	ssyncset.done @!p0 $0x0  }
0x122: {  	[sflag:s0] =	ssyncadd.s32 @!p0 s1  }
0x123: {  	[bflag:$0x3] =	sbarrier.arrive $0xFFFF  }
0x124: {  	_ =	shalt  }

// kernel: kernel.19.cloned.1.call-start
scs
__scs_entry_jumppad:
0x0: {  	(pc) =	sbr.rel $0x88, $3  }
0x1: {  	(tag) =	ssettag $0x0;
	lr =	simm.s32 $0x1  }
0x2: {  	[smem:$0x3F92] =	sst lr;
	_ =	strace $0xD0000000  }
0x3: {  	_ = 	snop  }
0x4: {  	_ = 	snop  }
0x5: {  	_ = 	snop  }
0x6: {  	_ = 	snop  }
0x7: {  	_ = 	snop  }
__scs_overlays_trampoline_lowered:
0x8: {  	[smem:$0x3FA1] =	sst s0  }
0x9: {  	[smem:$0x3FA2] =	sst s1  }
0xa: {  	[smem:$0x3FA3] =	sst s2  }
0xb: {  	[smem:$0x3FA4] =	sst s3  }
0xc: {  	[smem:$0x3FA5] =	sst s4  }
0xd: {  	[smem:$0x3FA6] =	sst s5  }
0xe: {  	[smem:$0x3FA7] =	sst s6  }
0xf: {  	[smem:$0x3FA8] =	sst s7  }
0x10: {  	[smem:$0x3FA9] =	sst s8  }
0x11: {  	[smem:$0x3FAA] =	sst s9;
	s0 =	simm.s32 @!p0 $0x0  }
0x12: {  	s1 =	sld [smem:$0x3F90];
	s0 =	simm.s32 @p0 $0x1  }
0x13: {  	[smem:$0x3FAB] =	sst s0;
	s0 =	simm.s32 @!p1 $0x0  }
0x14: {  	s2 =	sld [smem:$0x3F8F];
	s0 =	simm.s32 @p1 $0x1  }
0x15: {  	[smem:$0x3FAC] =	sst s0;
	s0 =	simm.s32 @!p2 $0x0  }
0x16: {  	s3 =	sld [smem:$0x3FDB];
	s0 =	simm.s32 @p2 $0x1  }
0x17: {  	s4 =	simm.s32 $0x1BF5;
	[smem:$0x3FAE] =	sst s0  }
0x18: {  	s0 =	sld [smem:$0x3F91];
	_ =	swait.ge [sflag:s4], $0x0  }
0x19: {  	s7 =	sld [smem:$0x3F92]  }
0x1a: {  	s8 =	sadd.s32 $0xFFFFE003, lr  }
0x1b: {  	s9 =	sadd.s32 $0xFFFFFEF7, lr;
	s5 =	simm.s32 $0xFFFFFFFF;
	p2 =	slt.u32 s8, $0xFFFFF086  }
0x1c: {  	p1 =	slt.u32 s9, $0xF7A;
	s5 =	simm.s32 @!p2 $0x0  }
0x1d: {  	s5 =	simm.s32 @p1 $0x1;
	p0 =	seq.s32 s7, s2  }
0x1e: {  	s7 =	smul.u32 @!p0 $0xF7A, s2;
	p2 =	seq.s32 @!p0 s5, $0x0  }
0x1f: {  	s9 =	smul.u32 $0xF7A, s1;
	s8 =	simm.s32 @!p0 $0x1BF5;
	p2 =	por !p2, p0  }
0x20: {  	[sflag:s8] =	ssyncset.s32 @!p0 $0xFFFFF086;
	s6 =	sadd.s32 @!p0 s3, s7;
	s7 =	simm.s32 @!p0 $0x108  }
0x21: {  	s3 =	sadd.s32 s3, s9;
	s6 =	sadd.s32 @!p0 $0x88, s6;
	s7 =	simm.s32 @p2 $0x1082  }
0x22: {  	[simem:s7], [sflag:s8] =	dma.local @!p0 [hbm:s6], $0xF7A  }
0x23: {  	s9 =	sor.u32 $0xD0000000, s2;
	s6 =	simm.s32 $0x108;
	_ =	swait.ge @!p0 [sflag:s8], $0x0  }
0x24: {  	s3 =	sadd.s32 $0x88, s3;
	s6 =	simm.s32 @!p1 $0x1082;
	[sflag:s4] =	ssyncset.s32 $0xFFFFF086  }
0x25: {  	[simem:s6], [sflag:s4] =	dma.local [hbm:s3], $0xF7A  }
0x26: {  	[smem:$0x3F92] =	sst s1;
	(tag) =	ssettag s2;
	_ =	strace s9  }
0x27: {  	s1 =	sld [smem:$0x3FA2]  }
0x28: {  	s2 =	sld [smem:$0x3FA3]  }
0x29: {  	s4 =	sld [smem:$0x3FA5]  }
0x2a: {  	p0 =	seq.s32 s5, $0x0;
	s5 =	sld [smem:$0x3FA6]  }
0x2b: {  	s6 =	sld [smem:$0x3FA7]  }
0x2c: {  	s7 =	sld [smem:$0x3FA8]  }
0x2d: {  	s3 =	simm.s32 $0x108;
	s8 =	sld [smem:$0x3FA9]  }
0x2e: {  	s3 =	simm.s32 @!p0 $0x1082;
	s9 =	sld [smem:$0x3FAA]  }
0x2f: {  	lr =	sadd.s32 s0, s3;
	s0 =	sld [smem:$0x3FA1]  }
0x30: {  	s3 =	sld [smem:$0x3FA4]  }
0x31: {  	[smem:$0x3FAD] =	sst s10  }
0x32: {  	s10 =	sld [smem:$0x3FAB];
	_ =	sdelay $0x3  }
0x33: {  	p0 =	seq.s32 s10, $0x1;
	s10 =	sld [smem:$0x3FAD];
	_ =	sdelay $0x3  }
0x34: {  	[smem:$0x3FAD] =	sst s10  }
0x35: {  	s10 =	sld [smem:$0x3FAC];
	_ =	sdelay $0x3  }
0x36: {  	p1 =	seq.s32 s10, $0x1;
	s10 =	sld [smem:$0x3FAD];
	_ =	sdelay $0x3  }
0x37: {  	[smem:$0x3FAD] =	sst s10  }
0x38: {  	s10 =	sld [smem:$0x3FAE]  }
0x39: {  	_ = 	snop;
	(pc) =	sbr.ind lr, $3  }
0x3a: {  	_ = 	snop  }
0x3b: {  	_ = 	snop  }
0x3c: {  	p2 =	seq.s32 s10, $0x1;
	s10 =	sld [smem:$0x3FAD]  }
0x3d: {  	_ =	shalt  }
0x3e: {  	_ =	shalt  }
0x3f: {  	_ =	shalt  }
0x40: {  	_ =	shalt  }
0x41: {  	_ =	shalt  }
0x42: {  	_ =	shalt  }
0x43: {  	_ =	shalt  }
0x44: {  	_ =	shalt  }
0x45: {  	_ =	shalt  }
0x46: {  	_ =	shalt  }
0x47: {  	_ =	shalt  }
0x48: {  	_ =	shalt  }
0x49: {  	_ =	shalt  }
0x4a: {  	_ =	shalt  }
0x4b: {  	_ =	shalt  }
0x4c: {  	_ =	shalt  }
0x4d: {  	_ =	shalt  }
0x4e: {  	_ =	shalt  }
0x4f: {  	_ =	shalt  }
0x50: {  	_ =	shalt  }
0x51: {  	_ =	shalt  }
0x52: {  	_ =	shalt  }
0x53: {  	_ =	shalt  }
0x54: {  	_ =	shalt  }
0x55: {  	_ =	shalt  }
0x56: {  	_ =	shalt  }
0x57: {  	_ =	shalt  }
0x58: {  	_ =	shalt  }
0x59: {  	_ =	shalt  }
0x5a: {  	_ =	shalt  }
0x5b: {  	_ =	shalt  }
0x5c: {  	_ =	shalt  }
0x5d: {  	_ =	shalt  }
0x5e: {  	_ =	shalt  }
0x5f: {  	_ =	shalt  }
0x60: {  	_ =	shalt  }
0x61: {  	_ =	shalt  }
0x62: {  	_ =	shalt  }
0x63: {  	_ =	shalt  }
0x64: {  	_ =	shalt  }
0x65: {  	_ =	shalt  }
0x66: {  	_ =	shalt  }
0x67: {  	_ =	shalt  }
0x68: {  	_ =	shalt  }
0x69: {  	_ =	shalt  }
0x6a: {  	_ =	shalt  }
0x6b: {  	_ =	shalt  }
0x6c: {  	_ =	shalt  }
0x6d: {  	_ =	shalt  }
0x6e: {  	_ =	shalt  }
0x6f: {  	_ =	shalt  }
0x70: {  	_ =	shalt  }
0x71: {  	_ =	shalt  }
0x72: {  	_ =	shalt  }
0x73: {  	_ =	shalt  }
0x74: {  	_ =	shalt  }
0x75: {  	_ =	shalt  }
0x76: {  	_ =	shalt  }
0x77: {  	_ =	shalt  }
0x78: {  	_ =	shalt  }
0x79: {  	_ =	shalt  }
0x7a: {  	_ =	shalt  }
0x7b: {  	_ =	shalt  }
0x7c: {  	_ =	shalt  }
0x7d: {  	_ =	shalt  }
0x7e: {  	_ =	shalt  }
0x7f: {  	_ =	shalt  }
0x80: {  	_ =	shalt  }
0x81: {  	_ =	shalt  }
0x82: {  	_ =	shalt  }
0x83: {  	_ =	shalt  }
0x84: {  	_ =	shalt  }
0x85: {  	_ =	shalt  }
0x86: {  	_ =	shalt  }
0x87: {  	_ =	shalt  }
.Lfunc_end0:
.L_simem_size_0:
called_computation.3_lowered:
.L_overlay_start_0:
0x88: {  	s2 =	sld [smem:$0x3FD9]  }
0x89: {  	s3 =	sld [smem:$0x3FFE];
	_ =	sdelay $0x1  }
0x8a: {  	s1 =	srdreg.scid  }
0x8b: {  	s0 =	sand.u32 $0x1, s1  }
0x8c: {  	s16 =	sshll.u32 s0, $0xA;
	s2 =	sadd.s32 s3, s2  }
0x8d: {  	s2 =	sadd.s32 s2, s16  }
0x8e: {  	[smem:$0x3FB9] =	sst s2  }
0x8f: {  	_ = 	snop  }
0x90: {  	(tm) =	ssettm $0x1  }
0x91: {  	s17 =	sld [smem:$0x3FFB];
	_ =	sdelay $0x3  }
0x92: {  	_ =	strace s17  }
0x93: {  	s2 =	sld [smem:$0x3FFC];
	_ =	sdelay $0x3  }
0x94: {  	_ =	strace s2  }
0x95: {  	s2 =	sld [smem:$0x3FFD];
	_ =	sdelay $0x3  }
0x96: {  	_ =	strace s2  }
0x97: {  	_ =	strace $0x8FFFFFFF  }
0x98: {  	s18 =	sld [smem:$0x3FDB];
	_ =	sdelay $0x1  }
0x99: {  	s19 =	simm.s32 $_scs_section_size  }
0x9a: {  	s4 =	simm.s32 $_size__tile_overlayer_lowered;
	s5 =	simm.s32 $_tile_overlayer_lowered  }
0x9b: {  	s22 =	simm.s32 $0x1BFF;
	s21 =	sshll.u32 s5, $0x1;
	s2 =	sadd.s32 s19, s18  }
0x9c: {  	s6 =	simm.s32 $0x0;
	s20 =	sshll.u32 s4, $0x1;
	s4 =	sadd.s32 s21, s2  }
0x9d: {  	[timem:s6], [sflag:s22] =	dma.local [hbm:s4], s20  }
0x9e: {  	_ =	swait.ge [sflag:s22], s20  }
0x9f: {  	s3 =	ssub.s32 $0x0, s20;
	[sflag:s22] =	ssyncset.done $0x0  }
0xa0: {  	[sflag:s22] =	ssyncadd.s32 s3;
	_ =	sdelay $0x1  }
0xa1: {  	s23 =	simm.s32 $0x1B8B  }
0xa2: {  	_ =	swait.ge [sflag:s23], $0x1  }
0xa3: {  	[sflag:s23] =	ssyncset.done $0x0  }
0xa4: {  	s25 =	simm.s32 $0x1B8E;
	s24 =	sld [smem:$0x3FFE];
	[sflag:s23] =	ssyncadd.s32 $0xFFFFFFFF  }
0xa5: {  	s26 =	simm.s32 $execute0_lowered;
	[smem:$0x3FD2] =	sst s25  }
0xa6: {  	s4 =	sshll.u32 s26, $0x1;
	_ =	strace $0x8000004F;
	[dreg:$0x1] =	wrdreg $0xFFFFFFFF  }
0xa7: {  	s28 =	simm.s32 $_size_execute0_lowered;
	s2 =	sadd.s32 s2, s4;
	[dreg:$0x0] =	wrdreg $0x0  }
0xa8: {  	s4 =	sshll.u32 s28, $0x1;
	[dreg:$0x2] =	wrdreg s2  }
0xa9: {  	[dreg:$0x3] =	wrdreg s4  }
0xaa: {  	[dreg:$0x4] =	wrdreg $0xC0  }
0xab: {  	_ =	task [dreg:s6], $0x5FFFF  }
0xac: {  	[dreg:$0x1] =	wrdreg $0xFFFFFFFF  }
0xad: {  	[dreg:$0x0] =	wrdreg $0x60  }
0xae: {  	[dreg:$0x2] =	wrdreg s24  }
0xaf: {  	[dreg:$0x3] =	wrdreg $0xA8000  }
0xb0: {  	[dreg:$0x4] =	wrdreg $0x9  }
0xb1: {  	_ =	task.clear_ibuf [dreg:s6], $0x5FFFF;
	_ =	strace $0x9000004F  }
0xb2: {  	s29 =	simm.s32 $0x9;
	_ =	strace $0x80000051  }
0xb3: {  	_ =	swait.ge [sflag:s29], $0x1  }
0xb4: {  	[sflag:s29] =	ssyncadd.s32 $0xFFFFFFFF  }
0xb5: {  	_ =	strace $0x90000051  }
0xb6: {  	_ =	sfence  }
0xb7: {  	s30 =	sld [smem:$0x0];
	_ =	sdelay $0x2  }
0xb8: {  	s31 =	sshll.u32 s1, $0xD;
	s1 =	sshrl.u32 s1, $0x2  }
0xb9: {  	s3 =	sand.u32 $0x4000, s31;
	s1 =	sadd.s32 s1, s30  }
0xba: {  	s0 =	sor.u32 s3, s0;
	s1 =	sshll.u32 s1, $0x11  }
0xbb: {  	s0 =	sor.u32 s1, s0  }
0xbc: {  	s0 =	sadd.s32 $0x8F2B, s0  }
0xbd: {  	[sflag:s0] =	ssyncadd.remote.s32 $0x1  }
0xbe: {  	_ =	sfence.sel $0xFFFF  }
0xbf: {  	[dreg:$0x0] =	wrdreg $0xFFFFFFFF;
	(pc) =	sbr.abs _section_cstart, $3  }
0xc0: {  	[dreg:$0x1] =	wrdreg $0xFFFFFFFF  }
0xc1: {  	_ =	task.clear_ibuf [dreg:s6], $0x2FFFF;
	_ =	strace $0x9FFFFFFF  }
0xc2: {  	(tm) =	ssettm $0x7FFFFFFF  }
0xc3: {  	_ =	shalt  }
tec
execute0_lowered:
.L_overlay_start_1:
0x0: {  	(tag) =	ssettag $0x1  }
0x1: {  	s5 =	rddreg [dreg:$0x0]  }
0x2: {  	s2 =	rddreg [dreg:$0x1]  }
0x3: {  	s0 =	rddreg [dreg:$0x2];
	s4 =	srdreg.scid  }
0x4: {  	s3 =	simm.s32 $0x0;
	s1 =	stileid.u32;
	s15 =	simm.s32 $0x80  }
0x5: {  	s16 =	simm.s32 $0x2800;
	s17 =	simm.s32 $0x6800;
	s18 =	simm.s32 $0x1  }
0x6: {  	s19 =	simm.s32 $0x2;
	s20 =	simm.s32 $0x1380;
	s21 =	simm.s32 $0x2700  }
0x7: {  	s22 =	simm.s32 $0x2780;
	s23 =	simm.s32 $0x0;
	s6 =	sand.u32 $0x1, s4  }
0x8: {  	s7 =	smul.u32 $0x2780, s1;
	s8 =	sshll.u32 s1, $0x1;
	[smem:$0x7FF] =	sst s3  }
0x9: {  	s11 =	sadd.s32 $0x36A00, s5;
	s12 =	smul.u32 $0x4F000, s1;
	s4 =	sshll.u32 s6, $0x5  }
0xa: {  	s9 =	smul.u32 $0x27800, s6;
	_ =	strace $0x80000050;
	s6 =	ssub.s32 $0x2, s6  }
0xb: {  	s8 =	sor.u32 s8, s4;
	s4 =	sadd.s32 $0x4E00, s5;
	s29 =	sshrl.u32 s6, $0x1  }
0xc: {  	s30 =	sshrl.u32 s12, $0x2;
	s10 =	smul.u32 $0x500, s8;
	s7 =	sadd.s32 s7, s9  }
0xd: {  	s8 =	smul.u32 $0x2800, s8;
	s14 =	ssub.s32 s6, s29;
	s6 =	sadd.s32 s30, s2  }
0xe: {  	s13 =	sadd.s32 s7, s5;
	s7 =	sadd.s32 $0x4000, s6;
	s9 =	sadd.s32 $0xC000, s6  }
0xf: {  	s5 =	sadd.s32 s11, s10;
	s31 =	sshrl.u32 s8, $0x3;
	s8 =	sadd.s32 $0x8000, s6  }
0x10: {  	s10 =	sadd.s32 $0x10000, s6;
	s12 =	sadd.s32 $0x4AA00, s13;
	s11 =	sadd.s32 s11, s31  }
0x11: {  	v0 =	vimm.f32 $0.0e+00;
	s13 =	smax.u32 s14, $0x1;
	s14 =	simm.s32 $0x3;
	s11 =	sadd.s32 $0x500, s11  }
.LBB2_1:
0x12: {  	[tilespmem:s3], [sflag:$0x3] =	stream.linear.gather [hbm4b:s5+s3], $0x2800, $0x38;
	[tilespmem:$0x1E400] =	vst v63  }
0x13: {  	_ =	swait.ge [sflag:s14], $0x2800  }
0x14: {  	[sflag:s14] =	ssyncset.done $0x0  }
0x15: {  	s24 =	simm.s32 $0x40;
	[sflag:s14] =	ssyncadd.s32 $0xFFFFD800  }
0x16: {  	v7 =	vld [tilespmem:s24+$0xFFFFFFC0]  }
0x17: {  	v14 =	vld [tilespmem:s24+$0xFFFFFFD0]  }
0x18: {  	v6 =	vld [tilespmem:s24+$0xFFFFFFE0]  }
0x19: {  	v5 =	vld [tilespmem:s24+$0xFFFFFFF0]  }
0x1a: {  	v4 =	vld [tilespmem:s24+$0x0]  }
0x1b: {  	v3 =	vld [tilespmem:s24+$0x10]  }
0x1c: {  	v2 =	vld [tilespmem:s24+$0x20]  }
0x1d: {  	v1 =	vld [tilespmem:s24+$0x30]  }
0x1e: {  	v13 =	vld [tilespmem:s24+$0x13C0]  }
0x1f: {  	v12 =	vld [tilespmem:s24+$0x13D0]  }
0x20: {  	v11 =	vld [tilespmem:s24+$0x13E0]  }
0x21: {  	v10 =	vld [tilespmem:s24+$0x13F0]  }
0x22: {  	v9 =	vld [tilespmem:s24+$0x1400]  }
0x23: {  	v8 =	vld [tilespmem:s24+$0x1410];
	vm0 =	veq.s32 v7, v13  }
0x24: {  	s25 =	simm.s32 $0x300;
	v7 =	vld [tilespmem:s24+$0x1420];
	v13 =	vsel vm0, $0x2710, v13;
	vm0 =	veq.s32 v14, v12  }
.LBB2_2:
0x25: {  	s26 =	sshra.s32 s25, $0x2;
	p0 =	sne.s32 s25, $0x4F00;
	[tilespmem:s24+$0x13C0] =	vst v13;
	v12 =	vsel vm0, $0x2710, v12;
	vm0 =	veq.s32 v6, v11;
	v13 =	vld [tilespmem:s24+$0x1430]  }
0x26: {  	v14 =	vld [tilespmem:s26+$0xFFFFFFC0];
	[tilespmem:s24+$0x13D0] =	vst v12;
	v6 =	vsel vm0, $0x2710, v11;
	vm0 =	veq.s32 v5, v10  }
0x27: {  	v15 =	vld [tilespmem:s26+$0xFFFFFFD0];
	[tilespmem:s24+$0x13E0] =	vst v6;
	v5 =	vsel vm0, $0x2710, v10;
	vm0 =	veq.s32 v4, v9  }
0x28: {  	v6 =	vld [tilespmem:s26+$0xFFFFFFE0];
	[tilespmem:s24+$0x13F0] =	vst v5;
	v4 =	vsel vm0, $0x2710, v9;
	vm0 =	veq.s32 v3, v8  }
0x29: {  	v5 =	vld [tilespmem:s26+$0xFFFFFFF0];
	[tilespmem:s24+$0x1400] =	vst v4;
	v3 =	vsel vm0, $0x2710, v8;
	vm0 =	veq.s32 v2, v7  }
0x2a: {  	v4 =	vld [tilespmem:s26+$0x0];
	[tilespmem:s24+$0x1410] =	vst v3;
	v2 =	vsel vm0, $0x2710, v7;
	vm0 =	veq.s32 v1, v13  }
0x2b: {  	v3 =	vld [tilespmem:s26+$0x10];
	[tilespmem:s24+$0x1420] =	vst v2;
	v1 =	vsel vm0, $0x2710, v13  }
0x2c: {  	v2 =	vld [tilespmem:s26+$0x20];
	[tilespmem:s24+$0x1430] =	vst v1;
	s24 =	smov.u32 s26  }
0x2d: {  	v1 =	vld [tilespmem:s24+$0x30]  }
0x2e: {  	v7 =	vld [tilespmem:s24+$0x13C0]  }
0x2f: {  	v12 =	vld [tilespmem:s24+$0x13D0]  }
.Ltmp0:
0x30: {  	v11 =	vld [tilespmem:s24+$0x13E0];
	(pc) =	sbr.rel @p0 .LBB2_2-.Ltmp0, $4  }
0x31: {  	v10 =	vld [tilespmem:s24+$0x13F0]  }
0x32: {  	v9 =	vld [tilespmem:s24+$0x1400]  }
0x33: {  	vm0 =	veq.s32 v14, v7;
	v8 =	vld [tilespmem:s24+$0x1410]  }
0x34: {  	s25 =	sadd.s32 $0x200, s25;
	v13 =	vsel vm0, $0x2710, v7;
	vm0 =	veq.s32 v15, v12;
	v7 =	vld [tilespmem:s24+$0x1420]  }
0x35: {  	[tilespmem:s24+$0x13C0] =	vst v13;
	v12 =	vsel vm0, $0x2710, v12;
	vm10 =	veq.s32 v6, v11;
	v63 =	vld [tilespmem:s24+$0x1430]  }
0x36: {  	[tilespmem:s24+$0x13D0] =	vst v12;
	v11 =	vsel vm10, $0x2710, v11;
	vm11 =	veq.s32 v5, v10  }
0x37: {  	[tilespmem:s24+$0x13E0] =	vst v11;
	v5 =	vsel vm11, $0x2710, v10;
	vm12 =	veq.s32 v4, v9  }
0x38: {  	[tilespmem:s24+$0x13F0] =	vst v5;
	v4 =	vsel vm12, $0x2710, v9;
	vm13 =	veq.s32 v3, v8  }
0x39: {  	[tilespmem:s24+$0x1400] =	vst v4;
	v3 =	vsel vm13, $0x2710, v8;
	vm14 =	veq.s32 v2, v7  }
0x3a: {  	[tilespmem:s24+$0x1410] =	vst v3;
	v2 =	vsel vm14, $0x2710, v7;
	vm15 =	veq.s32 v1, v63  }
0x3b: {  	[tilespmem:s24+$0x1420] =	vst v2;
	v1 =	vsel vm15, $0x2710, v63  }
0x3c: {  	s31 =	simm.s32 $0x0;
	s25 =	simm.s32 $0x200;
	[tilespmem:s24+$0x1430] =	vst v1;
	s24 =	simm.s32 $0x0  }
0x3d: {  	[tilespmem:s16], [sflag:$0x1] =	stream.indirect.gather [hbm4b:s4+s15], $0x80, s31, s15, $0xb8;
	[tilespmem:$0x1E400] =	vst v63  }
.LBB2_4:
0x3e: {  	p0 =	sne.s32 s25, $0xFE00;
	[tilespmem:s24+$0x6870] =	vst v0  }
0x3f: {  	[tilespmem:s24+$0x6800] =	vst v0  }
0x40: {  	[tilespmem:s24+$0x6810] =	vst v0  }
.Ltmp1:
0x41: {  	[tilespmem:s24+$0x6820] =	vst v0;
	(pc) =	sbr.rel @p0 .LBB2_4-.Ltmp1, $4  }
0x42: {  	[tilespmem:s24+$0x6830] =	vst v0  }
0x43: {  	[tilespmem:s24+$0x6840] =	vst v0  }
0x44: {  	[tilespmem:s24+$0x6850] =	vst v0  }
0x45: {  	[tilespmem:s24+$0x6860] =	vst v0;
	s24 =	sshra.s32 s25, $0x2;
	s25 =	sadd.s32 $0x200, s25  }
0x46: {  	[tilespmem:s24+$0x6870] =	vst v0  }
0x47: {  	[tilespmem:s24+$0x6800] =	vst v0  }
0x48: {  	[tilespmem:s24+$0x6810] =	vst v0  }
0x49: {  	[tilespmem:s24+$0x6820] =	vst v0  }
0x4a: {  	[tilespmem:s24+$0x6830] =	vst v0  }
0x4b: {  	[tilespmem:s24+$0x6840] =	vst v0  }
0x4c: {  	[tilespmem:s24+$0x6850] =	vst v0  }
0x4d: {  	[tilespmem:s24+$0x6860] =	vst v0  }
0x4e: {  	[spmem:s6] =	stream.linear.scatter [tilespmem:s17], [sflag:$0x3], $0x4000, $0x38;
	[tilespmem:$0x1E400] =	vst v63  }
0x4f: {  	_ =	swait.ge [sflag:s14], $0x4000  }
0x50: {  	[sflag:s14] =	ssyncset.done $0x0  }
0x51: {  	[sflag:s14] =	ssyncadd.s32 $0xFFFFC000  }
0x52: {  	[spmem:s7] =	stream.linear.scatter [tilespmem:s17], [sflag:$0x3], $0x4000, $0x38;
	[tilespmem:$0x1E400] =	vst v63  }
0x53: {  	_ =	swait.ge [sflag:s14], $0x4000  }
0x54: {  	[sflag:s14] =	ssyncset.done $0x0  }
0x55: {  	[sflag:s14] =	ssyncadd.s32 $0xFFFFC000  }
0x56: {  	[spmem:s8] =	stream.linear.scatter [tilespmem:s17], [sflag:$0x3], $0x4000, $0x38;
	[tilespmem:$0x1E400] =	vst v63  }
0x57: {  	_ =	swait.ge [sflag:s14], $0x4000  }
0x58: {  	[sflag:s14] =	ssyncset.done $0x0  }
0x59: {  	[sflag:s14] =	ssyncadd.s32 $0xFFFFC000  }
0x5a: {  	[spmem:s9] =	stream.linear.scatter [tilespmem:s17], [sflag:$0x3], $0x4000, $0x38;
	[tilespmem:$0x1E400] =	vst v63  }
0x5b: {  	_ =	swait.ge [sflag:s14], $0x4000  }
0x5c: {  	[sflag:s14] =	ssyncset.done $0x0  }
0x5d: {  	[sflag:s14] =	ssyncadd.s32 $0xFFFFC000  }
0x5e: {  	[spmem:s10] =	stream.linear.scatter [tilespmem:s17], [sflag:$0x3], $0x3C00, $0x38;
	[tilespmem:$0x1E400] =	vst v63  }
0x5f: {  	_ =	swait.ge [sflag:s14], $0x3C00  }
0x60: {  	[sflag:s14] =	ssyncset.done $0x0  }
0x61: {  	[sflag:s14] =	ssyncadd.s32 $0xFFFFC400  }
0x62: {  	s28 =	simm.s32 $0x80;
	[bflag:$0x0] =	sbarrier.arrive $0xFFFF  }
0x63: {  	[tilespmem:s17], [sflag:$0x2] =	stream.indirect.gather [hbm4b:s4+s15], $0x80, s28, s15, $0xb8;
	[tilespmem:$0x1E400] =	vst v63  }
0x64: {  	_ =	swait.ge [sflag:s18], $0x4000  }
0x65: {  	[sflag:s18] =	ssyncset.done $0x0  }
0x66: {  	s29 =	simm.s32 $0x1400;
	[sflag:s18] =	ssyncadd.s32 $0xFFFFC000  }
0x67: {  	[spmem:s2] =	stream.indirect.scatter.add.f32 [tilespmem:s16], [sflag:$0x3], $0x80, s29, s15, $0xb8;
	[tilespmem:$0x1E400] =	vst v63  }
0x68: {  	_ =	swait.ge [sflag:s14], $0x4000  }
0x69: {  	[sflag:s14] =	ssyncset.done $0x0  }
0x6a: {  	s30 =	simm.s32 $0x100;
	[sflag:s14] =	ssyncadd.s32 $0xFFFFC000  }
0x6b: {  	[tilespmem:s16], [sflag:$0x1] =	stream.indirect.gather [hbm4b:s4+s15], $0x80, s30, s15, $0xb8;
	[tilespmem:$0x1E400] =	vst v63  }
0x6c: {  	_ =	swait.ge [sflag:s19], $0x4000  }
0x6d: {  	[sflag:s19] =	ssyncset.done $0x0  }
0x6e: {  	s31 =	simm.s32 $0x1480;
	[sflag:s19] =	ssyncadd.s32 $0xFFFFC000  }
0x6f: {  	[spmem:s2] =	stream.indirect.scatter.add.f32 [tilespmem:s17], [sflag:$0x3], $0x80, s31, s15, $0xb8;
	[tilespmem:$0x1E400] =	vst v63  }
0x70: {  	_ =	swait.ge [sflag:s14], $0x4000  }
0x71: {  	s25 =	simm.s32 $0xC00;
	s24 =	simm.s32 $0x200;
	[sflag:s14] =	ssyncset.done $0x0  }
.LBB2_6:
0x72: {  	s26 =	sadd.s32 $0xFFFFFF80, s24  }
0x73: {  	[sflag:s14] =	ssyncadd.s32 $0xFFFFC000;
	s28 =	smov.u32 s25;
	s29 =	sadd.s32 $0x400, s25  }
0x74: {  	[tilespmem:s17], [sflag:$0x2] =	stream.indirect.gather [hbm4b:s4+s15], $0x80, s26, s15, $0xb8;
	[tilespmem:$0x1E400] =	vst v63  }
0x75: {  	p0 =	sne.s32 s25, $0x4C00;
	_ =	swait.ge [sflag:s18], $0x4000  }
0x76: {  	[sflag:s18] =	ssyncset.done $0x0  }
0x77: {  	s25 =	sadd.s32 $0x1300, s24;
	[sflag:s18] =	ssyncadd.s32 $0xFFFFC000  }
0x78: {  	[spmem:s2] =	stream.indirect.scatter.add.f32 [tilespmem:s16], [sflag:$0x3], $0x80, s25, s15, $0xb8;
	[tilespmem:$0x1E400] =	vst v63  }
0x79: {  	_ =	swait.ge [sflag:s14], $0x4000  }
0x7a: {  	[sflag:s14] =	ssyncset.done $0x0  }
0x7b: {  	[sflag:s14] =	ssyncadd.s32 $0xFFFFC000  }
0x7c: {  	[tilespmem:s16], [sflag:$0x1] =	stream.indirect.gather [hbm4b:s4+s15], $0x80, s24, s15, $0xb8;
	[tilespmem:$0x1E400] =	vst v63  }
0x7d: {  	_ =	swait.ge [sflag:s19], $0x4000  }
.Ltmp2:
0x7e: {  	[sflag:s19] =	ssyncset.done $0x0;
	(pc) =	sbr.rel @p0 .LBB2_6-.Ltmp2, $4  }
0x7f: {  	s24 =	sadd.s32 $0x1380, s24;
	[sflag:s19] =	ssyncadd.s32 $0xFFFFC000  }
0x80: {  	[spmem:s2] =	stream.indirect.scatter.add.f32 [tilespmem:s17], [sflag:$0x3], $0x80, s24, s15, $0xb8;
	[tilespmem:$0x1E400] =	vst v63  }
0x81: {  	_ =	swait.ge [sflag:s14], $0x4000  }
0x82: {  	s25 =	smov.u32 s29;
	s24 =	sshra.s32 s28, $0x2;
	[sflag:s14] =	ssyncset.done $0x0  }
0x83: {  	s25 =	sadd.s32 $0xFFFFFF80, s24;
	[sflag:s14] =	ssyncadd.s32 $0xFFFFC000  }
0x84: {  	[tilespmem:s17], [sflag:$0x2] =	stream.indirect.gather [hbm4b:s4+s15], $0x80, s25, s15, $0xb8;
	[tilespmem:$0x1E400] =	vst v63  }
0x85: {  	_ =	swait.ge [sflag:s18], $0x4000  }
0x86: {  	[sflag:s18] =	ssyncset.done $0x0  }
0x87: {  	s30 =	sadd.s32 $0x1300, s24;
	[sflag:s18] =	ssyncadd.s32 $0xFFFFC000  }
0x88: {  	[spmem:s2] =	stream.indirect.scatter.add.f32 [tilespmem:s16], [sflag:$0x3], $0x80, s30, s15, $0xb8;
	[tilespmem:$0x1E400] =	vst v63  }
0x89: {  	_ =	swait.ge [sflag:s14], $0x4000  }
0x8a: {  	[sflag:s14] =	ssyncset.done $0x0  }
0x8b: {  	[sflag:s14] =	ssyncadd.s32 $0xFFFFC000  }
0x8c: {  	[tilespmem:s16], [sflag:$0x1] =	stream.indirect.gather [hbm4b:s4+s15], $0x80, s24, s15, $0xb8;
	[tilespmem:$0x1E400] =	vst v63  }
0x8d: {  	_ =	swait.ge [sflag:s19], $0x4000  }
0x8e: {  	[sflag:s19] =	ssyncset.done $0x0  }
0x8f: {  	s31 =	sadd.s32 $0x1380, s24;
	[sflag:s19] =	ssyncadd.s32 $0xFFFFC000  }
0x90: {  	[spmem:s2] =	stream.indirect.scatter.add.f32 [tilespmem:s17], [sflag:$0x3], $0x80, s31, s15, $0xb8;
	[tilespmem:$0x1E400] =	vst v63  }
0x91: {  	_ =	swait.ge [sflag:s14], $0x4000  }
0x92: {  	[sflag:s14] =	ssyncset.done $0x0  }
0x93: {  	[sflag:s14] =	ssyncadd.s32 $0xFFFFC000  }
0x94: {  	[tilespmem:s17], [sflag:$0x2] =	stream.indirect.gather [hbm4b:s4+s15], $0x80, s20, s15, $0xb8;
	[tilespmem:$0x1E400] =	vst v63  }
0x95: {  	_ =	swait.ge [sflag:s18], $0x4000  }
0x96: {  	[sflag:s18] =	ssyncset.done $0x0  }
0x97: {  	[sflag:s18] =	ssyncadd.s32 $0xFFFFC000  }
0x98: {  	[spmem:s2] =	stream.indirect.scatter.add.f32 [tilespmem:s16], [sflag:$0x3], $0x80, s21, s15, $0xb8;
	[tilespmem:$0x1E400] =	vst v63  }
0x99: {  	_ =	swait.ge [sflag:s14], $0x4000  }
0x9a: {  	[sflag:s14] =	ssyncset.done $0x0  }
0x9b: {  	[sflag:s14] =	ssyncadd.s32 $0xFFFFC000  }
0x9c: {  	_ =	swait.ge [sflag:s19], $0x4000  }
0x9d: {  	[sflag:s19] =	ssyncset.done $0x0  }
0x9e: {  	[sflag:s19] =	ssyncadd.s32 $0xFFFFC000  }
0x9f: {  	[spmem:s2] =	stream.indirect.scatter.add.f32 [tilespmem:s17], [sflag:$0x3], $0x80, s22, s15, $0xb8;
	[tilespmem:$0x1E400] =	vst v63  }
0xa0: {  	_ =	swait.ge [sflag:s14], $0x4000  }
0xa1: {  	[sflag:s14] =	ssyncset.done $0x0  }
0xa2: {  	[sflag:s14] =	ssyncadd.s32 $0xFFFFC000  }
0xa3: {  	[tilespmem:s3], [sflag:$0x3] =	stream.linear.gather [hbm4b:s11+s3], $0x2800, $0x38;
	[tilespmem:$0x1E400] =	vst v63  }
0xa4: {  	_ =	swait.ge [sflag:s14], $0x2800  }
0xa5: {  	[sflag:s14] =	ssyncset.done $0x0  }
0xa6: {  	s24 =	simm.s32 $0x40;
	[sflag:s14] =	ssyncadd.s32 $0xFFFFD800  }
0xa7: {  	v7 =	vld [tilespmem:s24+$0xFFFFFFC0]  }
0xa8: {  	v14 =	vld [tilespmem:s24+$0xFFFFFFD0]  }
0xa9: {  	v6 =	vld [tilespmem:s24+$0xFFFFFFE0]  }
0xaa: {  	v5 =	vld [tilespmem:s24+$0xFFFFFFF0]  }
0xab: {  	v4 =	vld [tilespmem:s24+$0x0]  }
0xac: {  	v3 =	vld [tilespmem:s24+$0x10]  }
0xad: {  	v2 =	vld [tilespmem:s24+$0x20]  }
0xae: {  	v1 =	vld [tilespmem:s24+$0x30]  }
0xaf: {  	v13 =	vld [tilespmem:s24+$0x13C0]  }
0xb0: {  	v12 =	vld [tilespmem:s24+$0x13D0]  }
0xb1: {  	v11 =	vld [tilespmem:s24+$0x13E0]  }
0xb2: {  	v10 =	vld [tilespmem:s24+$0x13F0]  }
0xb3: {  	v9 =	vld [tilespmem:s24+$0x1400]  }
0xb4: {  	v8 =	vld [tilespmem:s24+$0x1410];
	vm0 =	veq.s32 v7, v13  }
0xb5: {  	s25 =	simm.s32 $0x300;
	v7 =	vld [tilespmem:s24+$0x1420];
	v13 =	vsel vm0, $0x2710, v13;
	vm0 =	veq.s32 v14, v12  }
.LBB2_8:
0xb6: {  	s26 =	sshra.s32 s25, $0x2;
	p0 =	sne.s32 s25, $0x4F00;
	[tilespmem:s24+$0x13C0] =	vst v13;
	v12 =	vsel vm0, $0x2710, v12;
	vm0 =	veq.s32 v6, v11;
	v13 =	vld [tilespmem:s24+$0x1430]  }
0xb7: {  	v14 =	vld [tilespmem:s26+$0xFFFFFFC0];
	[tilespmem:s24+$0x13D0] =	vst v12;
	v6 =	vsel vm0, $0x2710, v11;
	vm0 =	veq.s32 v5, v10  }
0xb8: {  	v15 =	vld [tilespmem:s26+$0xFFFFFFD0];
	[tilespmem:s24+$0x13E0] =	vst v6;
	v5 =	vsel vm0, $0x2710, v10;
	vm0 =	veq.s32 v4, v9  }
0xb9: {  	v6 =	vld [tilespmem:s26+$0xFFFFFFE0];
	[tilespmem:s24+$0x13F0] =	vst v5;
	v4 =	vsel vm0, $0x2710, v9;
	vm0 =	veq.s32 v3, v8  }
0xba: {  	v5 =	vld [tilespmem:s26+$0xFFFFFFF0];
	[tilespmem:s24+$0x1400] =	vst v4;
	v3 =	vsel vm0, $0x2710, v8;
	vm0 =	veq.s32 v2, v7  }
0xbb: {  	v4 =	vld [tilespmem:s26+$0x0];
	[tilespmem:s24+$0x1410] =	vst v3;
	v2 =	vsel vm0, $0x2710, v7;
	vm0 =	veq.s32 v1, v13  }
0xbc: {  	v3 =	vld [tilespmem:s26+$0x10];
	[tilespmem:s24+$0x1420] =	vst v2;
	v1 =	vsel vm0, $0x2710, v13  }
0xbd: {  	v2 =	vld [tilespmem:s26+$0x20];
	[tilespmem:s24+$0x1430] =	vst v1;
	s24 =	smov.u32 s26  }
0xbe: {  	v1 =	vld [tilespmem:s24+$0x30]  }
0xbf: {  	v7 =	vld [tilespmem:s24+$0x13C0]  }
0xc0: {  	v12 =	vld [tilespmem:s24+$0x13D0]  }
.Ltmp3:
0xc1: {  	v11 =	vld [tilespmem:s24+$0x13E0];
	(pc) =	sbr.rel @p0 .LBB2_8-.Ltmp3, $4  }
0xc2: {  	v10 =	vld [tilespmem:s24+$0x13F0]  }
0xc3: {  	v9 =	vld [tilespmem:s24+$0x1400]  }
0xc4: {  	vm0 =	veq.s32 v14, v7;
	v8 =	vld [tilespmem:s24+$0x1410]  }
0xc5: {  	s25 =	sadd.s32 $0x200, s25;
	v13 =	vsel vm0, $0x2710, v7;
	vm0 =	veq.s32 v15, v12;
	v7 =	vld [tilespmem:s24+$0x1420]  }
0xc6: {  	[tilespmem:s24+$0x13C0] =	vst v13;
	v12 =	vsel vm0, $0x2710, v12;
	vm10 =	veq.s32 v6, v11;
	v63 =	vld [tilespmem:s24+$0x1430]  }
0xc7: {  	[tilespmem:s24+$0x13D0] =	vst v12;
	v11 =	vsel vm10, $0x2710, v11;
	vm11 =	veq.s32 v5, v10  }
0xc8: {  	[tilespmem:s24+$0x13E0] =	vst v11;
	v5 =	vsel vm11, $0x2710, v10;
	vm12 =	veq.s32 v4, v9  }
0xc9: {  	[tilespmem:s24+$0x13F0] =	vst v5;
	v4 =	vsel vm12, $0x2710, v9;
	vm13 =	veq.s32 v3, v8  }
0xca: {  	[tilespmem:s24+$0x1400] =	vst v4;
	v3 =	vsel vm13, $0x2710, v8;
	vm14 =	veq.s32 v2, v7  }
0xcb: {  	[tilespmem:s24+$0x1410] =	vst v3;
	v2 =	vsel vm14, $0x2710, v7;
	vm15 =	veq.s32 v1, v63  }
0xcc: {  	[tilespmem:s24+$0x1420] =	vst v2;
	v1 =	vsel vm15, $0x2710, v63  }
0xcd: {  	[tilespmem:s24+$0x1430] =	vst v1  }
0xce: {  	[tilespmem:s16], [sflag:$0x1] =	stream.indirect.gather [hbm4b:s4+s15], $0x80, s3, s15, $0xb8;
	[tilespmem:$0x1E400] =	vst v63  }
0xcf: {  	s28 =	simm.s32 $0x80  }
0xd0: {  	[tilespmem:s17], [sflag:$0x2] =	stream.indirect.gather [hbm4b:s4+s15], $0x80, s28, s15, $0xb8;
	[tilespmem:$0x1E400] =	vst v63  }
0xd1: {  	_ =	swait.ge [sflag:s18], $0x4000  }
0xd2: {  	[sflag:s18] =	ssyncset.done $0x0  }
0xd3: {  	s29 =	simm.s32 $0x1400;
	[sflag:s18] =	ssyncadd.s32 $0xFFFFC000  }
0xd4: {  	[spmem:s2] =	stream.indirect.scatter.add.f32 [tilespmem:s16], [sflag:$0x3], $0x80, s29, s15, $0xb8;
	[tilespmem:$0x1E400] =	vst v63  }
0xd5: {  	_ =	swait.ge [sflag:s14], $0x4000  }
0xd6: {  	[sflag:s14] =	ssyncset.done $0x0  }
0xd7: {  	s30 =	simm.s32 $0x100;
	[sflag:s14] =	ssyncadd.s32 $0xFFFFC000  }
0xd8: {  	[tilespmem:s16], [sflag:$0x1] =	stream.indirect.gather [hbm4b:s4+s15], $0x80, s30, s15, $0xb8;
	[tilespmem:$0x1E400] =	vst v63  }
0xd9: {  	_ =	swait.ge [sflag:s19], $0x4000  }
0xda: {  	[sflag:s19] =	ssyncset.done $0x0  }
0xdb: {  	s31 =	simm.s32 $0x1480;
	[sflag:s19] =	ssyncadd.s32 $0xFFFFC000  }
0xdc: {  	[spmem:s2] =	stream.indirect.scatter.add.f32 [tilespmem:s17], [sflag:$0x3], $0x80, s31, s15, $0xb8;
	[tilespmem:$0x1E400] =	vst v63  }
0xdd: {  	_ =	swait.ge [sflag:s14], $0x4000  }
0xde: {  	s25 =	simm.s32 $0xC00;
	s24 =	simm.s32 $0x200;
	[sflag:s14] =	ssyncset.done $0x0  }
.LBB2_10:
0xdf: {  	s26 =	sadd.s32 $0xFFFFFF80, s24  }
0xe0: {  	[sflag:s14] =	ssyncadd.s32 $0xFFFFC000;
	s28 =	smov.u32 s25;
	s29 =	sadd.s32 $0x400, s25  }
0xe1: {  	[tilespmem:s17], [sflag:$0x2] =	stream.indirect.gather [hbm4b:s4+s15], $0x80, s26, s15, $0xb8;
	[tilespmem:$0x1E400] =	vst v63  }
0xe2: {  	p0 =	sne.s32 s25, $0x4C00;
	_ =	swait.ge [sflag:s18], $0x4000  }
0xe3: {  	[sflag:s18] =	ssyncset.done $0x0  }
0xe4: {  	s25 =	sadd.s32 $0x1300, s24;
	[sflag:s18] =	ssyncadd.s32 $0xFFFFC000  }
0xe5: {  	[spmem:s2] =	stream.indirect.scatter.add.f32 [tilespmem:s16], [sflag:$0x3], $0x80, s25, s15, $0xb8;
	[tilespmem:$0x1E400] =	vst v63  }
0xe6: {  	_ =	swait.ge [sflag:s14], $0x4000  }
0xe7: {  	[sflag:s14] =	ssyncset.done $0x0  }
0xe8: {  	[sflag:s14] =	ssyncadd.s32 $0xFFFFC000  }
0xe9: {  	[tilespmem:s16], [sflag:$0x1] =	stream.indirect.gather [hbm4b:s4+s15], $0x80, s24, s15, $0xb8;
	[tilespmem:$0x1E400] =	vst v63  }
0xea: {  	_ =	swait.ge [sflag:s19], $0x4000  }
.Ltmp4:
0xeb: {  	[sflag:s19] =	ssyncset.done $0x0;
	(pc) =	sbr.rel @p0 .LBB2_10-.Ltmp4, $4  }
0xec: {  	s24 =	sadd.s32 $0x1380, s24;
	[sflag:s19] =	ssyncadd.s32 $0xFFFFC000  }
0xed: {  	[spmem:s2] =	stream.indirect.scatter.add.f32 [tilespmem:s17], [sflag:$0x3], $0x80, s24, s15, $0xb8;
	[tilespmem:$0x1E400] =	vst v63  }
0xee: {  	_ =	swait.ge [sflag:s14], $0x4000  }
0xef: {  	s25 =	smov.u32 s29;
	s24 =	sshra.s32 s28, $0x2;
	[sflag:s14] =	ssyncset.done $0x0  }
0xf0: {  	s25 =	sadd.s32 $0xFFFFFF80, s24;
	[sflag:s14] =	ssyncadd.s32 $0xFFFFC000  }
0xf1: {  	[tilespmem:s17], [sflag:$0x2] =	stream.indirect.gather [hbm4b:s4+s15], $0x80, s25, s15, $0xb8;
	[tilespmem:$0x1E400] =	vst v63  }
0xf2: {  	_ =	swait.ge [sflag:s18], $0x4000  }
0xf3: {  	[sflag:s18] =	ssyncset.done $0x0  }
0xf4: {  	s28 =	sadd.s32 $0x1300, s24;
	[sflag:s18] =	ssyncadd.s32 $0xFFFFC000  }
0xf5: {  	[spmem:s2] =	stream.indirect.scatter.add.f32 [tilespmem:s16], [sflag:$0x3], $0x80, s28, s15, $0xb8;
	[tilespmem:$0x1E400] =	vst v63  }
0xf6: {  	_ =	swait.ge [sflag:s14], $0x4000  }
0xf7: {  	[sflag:s14] =	ssyncset.done $0x0  }
0xf8: {  	[sflag:s14] =	ssyncadd.s32 $0xFFFFC000  }
0xf9: {  	[tilespmem:s16], [sflag:$0x1] =	stream.indirect.gather [hbm4b:s4+s15], $0x80, s24, s15, $0xb8;
	[tilespmem:$0x1E400] =	vst v63  }
0xfa: {  	_ =	swait.ge [sflag:s19], $0x4000  }
0xfb: {  	[sflag:s19] =	ssyncset.done $0x0  }
0xfc: {  	s29 =	sadd.s32 $0x1380, s24;
	[sflag:s19] =	ssyncadd.s32 $0xFFFFC000  }
0xfd: {  	[spmem:s2] =	stream.indirect.scatter.add.f32 [tilespmem:s17], [sflag:$0x3], $0x80, s29, s15, $0xb8;
	[tilespmem:$0x1E400] =	vst v63  }
0xfe: {  	_ =	swait.ge [sflag:s14], $0x4000  }
0xff: {  	[sflag:s14] =	ssyncset.done $0x0  }
0x100: {  	[sflag:s14] =	ssyncadd.s32 $0xFFFFC000  }
0x101: {  	[tilespmem:s17], [sflag:$0x2] =	stream.indirect.gather [hbm4b:s4+s15], $0x80, s20, s15, $0xb8;
	[tilespmem:$0x1E400] =	vst v63  }
0x102: {  	_ =	swait.ge [sflag:s18], $0x4000  }
0x103: {  	[sflag:s18] =	ssyncset.done $0x0  }
0x104: {  	[sflag:s18] =	ssyncadd.s32 $0xFFFFC000  }
0x105: {  	[spmem:s2] =	stream.indirect.scatter.add.f32 [tilespmem:s16], [sflag:$0x3], $0x80, s21, s15, $0xb8;
	[tilespmem:$0x1E400] =	vst v63  }
0x106: {  	_ =	swait.ge [sflag:s14], $0x4000  }
0x107: {  	[sflag:s14] =	ssyncset.done $0x0  }
0x108: {  	[sflag:s14] =	ssyncadd.s32 $0xFFFFC000  }
0x109: {  	_ =	swait.ge [sflag:s19], $0x4000  }
0x10a: {  	[sflag:s19] =	ssyncset.done $0x0  }
0x10b: {  	[sflag:s19] =	ssyncadd.s32 $0xFFFFC000  }
0x10c: {  	[spmem:s2] =	stream.indirect.scatter.add.f32 [tilespmem:s17], [sflag:$0x3], $0x80, s22, s15, $0xb8;
	[tilespmem:$0x1E400] =	vst v63  }
0x10d: {  	_ =	swait.ge [sflag:s14], $0x4000  }
0x10e: {  	s30 =	sshll.u32 s1, $0x6;
	s23 =	sadd.s32 $0x1, s23;
	[sflag:s14] =	ssyncset.done $0x0  }
0x10f: {  	s31 =	sshrl.u32 s6, $0x3;
	p0 =	sne.s32 s23, s13;
	[sflag:s14] =	ssyncadd.s32 $0xFFFFC000  }
.Ltmp5:
0x110: {  	s24 =	sor.u32 $0x1C03, s30;
	[bflag:$0x0] =	sbarrier.arrive $0xFFFF;
	(pc) =	sbr.rel @p0 .LBB2_1-.Ltmp5, $4  }
0x111: {  	[hbm:s12], [sflag:s24] =	dma.local [spmem:s31], $0x2780  }
0x112: {  	_ =	swait.ge [sflag:s14], $0x2780  }
0x113: {  	[sflag:s14] =	ssyncset.done $0x0  }
0x114: {  	[sflag:s14] =	ssyncadd.s32 $0xFFFFD880  }
0x115: {  	_ =	sfence.sel $0x180000  }
0x116: {  	[bflag:$0x0] =	sbarrier.arrive $0xFFFF  }
0x117: {  	p0 =	sne.s32 s1, $0x0;
	_ =	strace $0x90000050  }
0x118: {  	s0 =	sadd.s32 @!p0 $0x100000, s0;
	[bflag:$0x2] =	sbarrier.arrive $0xFFFF  }
0x119: {  	[sflag:s0] =	ssyncadd.tile.s32 @!p0 $0x1;
	_ =	shalt  }
.Lfunc_end2:
_tile_overlayer_lowered:
.L_overlay_start_2:
0x11a: {  	(tag) =	ssettag $0x2  }
0x11b: {  	s0 =	rddreg [dreg:$0x0];
	s2 =	stileid.u32  }
0x11c: {  	s1 =	rddreg [dreg:$0x1];
	p0 =	sne.s32 s2, $0x0  }
0x11d: {  	s3 =	rddreg [dreg:$0x2];
	[bflag:$0x3] =	sbarrier.arrive $0xFFFF;
	s2 =	simm.s32 @!p0 $0x1C03  }
0x11e: {  	[timem:s3], [sflag:s2] =	dma.local @!p0 [hbm:s0], s1  }
0x11f: {  	s0 =	simm.s32 @!p0 $0x3  }
0x120: {  	_ =	swait.ge @!p0 [sflag:s0], s1  }
0x121: {  	s1 =	ssub.s32 @!p0 $0x0, s1;
	[sflag:s0] =	ssyncset.done @!p0 $0x0  }
0x122: {  	[sflag:s0] =	ssyncadd.s32 @!p0 s1  }
0x123: {  	[bflag:$0x3] =	sbarrier.arrive $0xFFFF  }
0x124: {  	_ =	shalt  }

</sc_bundles>
